<compile_context>
chip_gen: v7x
topology: tpu7x:2x2x1
jax: 0.10.2.dev20260603
libtpu: 0.0.44.dev20260713+nightly
codegen_flags: <defaults>
</compile_context>

<pallas_src>
import functools

import jax
import jax.numpy as jnp
from jax import lax
from jax.experimental import pallas as pl
from jax.experimental.pallas import tpu as pltpu
from jax.experimental.pallas import tpu_sc as plsc

N = 10000
E = 160000
D = 256
H = 256
B = 64
HALF = 128
NT = 16
EC = 125
NP_PAD = 10240
RPT = NP_PAD // NT
CB = 128
RB = RPT // CB
MSG_CHUNKS = E // NT // EC
SLAB = 40
DEG_CHUNKS = E // (2 * NT) // EC
SEG = NP_PAD // NT
BM = 5000
G = N // BM
EPS = 1e-5

_mesh = plsc.VectorSubcoreMesh(core_axis_name="c", subcore_axis_name="s")



def _deg_body(dst3, hist_out, idx_vm, buf, hist):
    c = lax.axis_index("c")
    s = lax.axis_index("s")
    w = c * NT + s
    pltpu.sync_copy(dst3.at[w], idx_vm)

    def _zero(j, carry):
        buf[pl.ds(j * 16, 16)] = jnp.zeros((16,), jnp.float32)
        return carry
    lax.fori_loop(0, SEG // 16, _zero, None)
    seg = s * SEG
    pltpu.sync_copy(buf, hist.at[pl.ds(seg, SEG)])
    plsc.subcore_barrier()

    def _ones(j, carry):
        buf[pl.ds(j * 16, 16)] = jnp.ones((16,), jnp.float32)
        return carry
    lax.fori_loop(0, 8, _ones, None)

    def _chunk(j, carry):
        pltpu.sync_copy(buf.at[pl.ds(0, EC)], hist.at[idx_vm.at[j]], add=True)
        return carry
    lax.fori_loop(0, DEG_CHUNKS, _chunk, None)
    plsc.subcore_barrier()
    pltpu.sync_copy(hist.at[pl.ds(seg, SEG)], buf)
    pltpu.sync_copy(buf, hist_out.at[c, pl.ds(seg, SEG)])


_deg_call = pl.kernel(
    _deg_body,
    out_type=jax.ShapeDtypeStruct((2, NP_PAD), jnp.float32),
    mesh=_mesh,
    scratch_types=[
        pltpu.VMEM((DEG_CHUNKS, EC), jnp.int32),
        pltpu.VMEM((SEG,), jnp.float32),
        pltpu.VMEM_SHARED((NP_PAD,), jnp.float32),
    ],
)


def _msg_body(y_lo, y_hi, src3, dst3, s_lo, s_hi, src_vm, dst_vm, rows0, rows1,
              acc, sem0, sem1):
    c = lax.axis_index("c")
    s = lax.axis_index("s")

    def _zrow(j, carry):
        for k in range(HALF // 16):
            rows0[j, pl.ds(k * 16, 16)] = jnp.zeros((16,), jnp.float32)
        return carry
    lax.fori_loop(0, CB, _zrow, None)
    base = s * RPT
    for k in range(RB):
        pltpu.async_copy(rows0, acc.at[pl.ds(base + k * CB, CB)], sem1)
    pltpu.sync_copy(src3.at[s, pl.ds(0, SLAB)], src_vm)
    pltpu.sync_copy(dst3.at[s, pl.ds(0, SLAB)], dst_vm)
    for k in range(RB):
        pltpu.make_async_copy(rows0, acc.at[pl.ds(base + k * CB, CB)], sem1).wait()
    plsc.subcore_barrier()

    bufs = (rows0.at[pl.ds(0, EC)], rows1.at[pl.ds(0, EC)])
    sems = (sem0, sem1)

    def _pass(tbl, out):
        def _gather(ch, b):
            pltpu.async_copy(tbl.at[src_vm.at[ch]], bufs[b], sems[b])

        def _step(ch, b, issue_next):
            pltpu.make_async_copy(tbl.at[src_vm.at[ch]], bufs[b], sems[b]).wait()
            pltpu.sync_copy(bufs[b], acc.at[dst_vm.at[ch]], add=True)
            if issue_next:
                _gather(ch + 2, b)

        for h in range(MSG_CHUNKS // SLAB):
            if h > 0:
                pltpu.sync_copy(src3.at[s, pl.ds(h * SLAB, SLAB)], src_vm)
                pltpu.sync_copy(dst3.at[s, pl.ds(h * SLAB, SLAB)], dst_vm)
            _gather(0, 0)
            _gather(1, 1)

            def _loop(j, carry):
                _step(2 * j, 0, True)
                _step(2 * j + 1, 1, True)
                return carry
            lax.fori_loop(0, SLAB // 2 - 1, _loop, None)
            _step(SLAB - 2, 0, False)
            _step(SLAB - 1, 1, False)

        plsc.subcore_barrier()
        pltpu.sync_copy(acc.at[pl.ds(base, RPT)], out.at[pl.ds(base, RPT)])

    pl.when(c == 0)(lambda: _pass(y_lo, s_lo))
    pl.when(c == 1)(lambda: _pass(y_hi, s_hi))


_msg_call = pl.kernel(
    _msg_body,
    out_type=[jax.ShapeDtypeStruct((NP_PAD, HALF), jnp.float32)] * 2,
    mesh=_mesh,
    scratch_types=[
        pltpu.VMEM((SLAB, EC), jnp.int32),
        pltpu.VMEM((SLAB, EC), jnp.int32),
        pltpu.VMEM((CB, HALF), jnp.float32),
        pltpu.VMEM((EC, HALF), jnp.float32),
        pltpu.VMEM_SHARED((NP_PAD, HALF), jnp.float32),
        pltpu.SemaphoreType.DMA,
        pltpu.SemaphoreType.DMA,
    ],
)



def _dinv_body(h_ref, o_ref):
    deg = h_ref[0:1, :] + h_ref[1:2, :] + 1.0
    o_ref[...] = lax.rsqrt(deg)


_dinv_call = pl.pallas_call(
    _dinv_body,
    out_shape=jax.ShapeDtypeStruct((1, NP_PAD), jnp.float32),
)


def _mm1_body(x_ref, w_ref, dinv_ref, ylo_ref, yhi_ref):
    t = jnp.dot(x_ref[...], w_ref[...], preferred_element_type=jnp.float32)
    y = t * dinv_ref[...]
    ylo_ref[...] = y[:, :HALF]
    yhi_ref[...] = y[:, HALF:]


_mm1_call = pl.pallas_call(
    _mm1_body,
    grid=(G,),
    in_specs=[
        pl.BlockSpec((BM, D), lambda i: (i, 0)),
        pl.BlockSpec((D, H), lambda i: (0, 0)),
        pl.BlockSpec((BM, 1), lambda i: (i, 0)),
    ],
    out_specs=[pl.BlockSpec((BM, HALF), lambda i: (i, 0))] * 2,
    out_shape=[jax.ShapeDtypeStruct((N, HALF), jnp.float32)] * 2,
)


def _mm_norm_body(z_ref, st_ref, g_ref, bt_ref, w_ref, dinv_ref, ylo_ref, yhi_ref):
    mean = st_ref[0:1, :] * (1.0 / N)
    var = st_ref[1:2, :] * (1.0 / N) - mean * mean
    a = g_ref[...] * lax.rsqrt(var + EPS)
    cc = bt_ref[...] - mean * a
    h = jnp.maximum(z_ref[...] * a + cc, 0.0)
    t = jnp.dot(h, w_ref[...], preferred_element_type=jnp.float32)
    y = t * dinv_ref[...]
    ylo_ref[...] = y[:, :HALF]
    yhi_ref[...] = y[:, HALF:]


_mm_norm_call = pl.pallas_call(
    _mm_norm_body,
    grid=(G,),
    in_specs=[
        pl.BlockSpec((BM, H), lambda i: (i, 0)),
        pl.BlockSpec((2, H), lambda i: (0, 0)),
        pl.BlockSpec((1, H), lambda i: (0, 0)),
        pl.BlockSpec((1, H), lambda i: (0, 0)),
        pl.BlockSpec((H, H), lambda i: (0, 0)),
        pl.BlockSpec((BM, 1), lambda i: (i, 0)),
    ],
    out_specs=[pl.BlockSpec((BM, HALF), lambda i: (i, 0))] * 2,
    out_shape=[jax.ShapeDtypeStruct((N, HALF), jnp.float32)] * 2,
)


def _combine_body(ylo_ref, yhi_ref, slo_ref, shi_ref, dinv_ref, b_ref, z_ref, st_ref):
    i = pl.program_id(0)
    d = dinv_ref[...]
    zlo = d * (slo_ref[...] + ylo_ref[...]) + b_ref[:, :HALF]
    zhi = d * (shi_ref[...] + yhi_ref[...]) + b_ref[:, HALF:]
    z = jnp.concatenate([zlo, zhi], axis=1)
    z_ref[...] = z

    @pl.when(i == 0)
    def _():
        st_ref[...] = jnp.zeros((2, H), jnp.float32)

    st_ref[...] += jnp.concatenate(
        [jnp.sum(z, 0, keepdims=True), jnp.sum(z * z, 0, keepdims=True)], axis=0)


_combine_call = pl.pallas_call(
    _combine_body,
    grid=(G,),
    in_specs=[
        pl.BlockSpec((BM, HALF), lambda i: (i, 0)),
        pl.BlockSpec((BM, HALF), lambda i: (i, 0)),
        pl.BlockSpec((BM, HALF), lambda i: (i, 0)),
        pl.BlockSpec((BM, HALF), lambda i: (i, 0)),
        pl.BlockSpec((BM, 1), lambda i: (i, 0)),
        pl.BlockSpec((1, H), lambda i: (0, 0)),
    ],
    out_specs=[
        pl.BlockSpec((BM, H), lambda i: (i, 0)),
        pl.BlockSpec((2, H), lambda i: (0, 0)),
    ],
    out_shape=[
        jax.ShapeDtypeStruct((N, H), jnp.float32),
        jax.ShapeDtypeStruct((2, H), jnp.float32),
    ],
)


def _pool_body(z_ref, st_ref, g_ref, bt_ref, batch_ref, fc1w_ref, fc1b_ref,
               fc2w_ref, fc2b_ref, o_ref, pooled, cnt):
    i = pl.program_id(0)
    mean = st_ref[0:1, :] * (1.0 / N)
    var = st_ref[1:2, :] * (1.0 / N) - mean * mean
    a = g_ref[...] * lax.rsqrt(var + EPS)
    cc = bt_ref[...] - mean * a
    h = jnp.maximum(z_ref[...] * a + cc, 0.0)
    onehot = (batch_ref[...] == lax.broadcasted_iota(jnp.int32, (BM, B), 1)
              ).astype(jnp.float32)

    @pl.when(i == 0)
    def _():
        pooled[...] = jnp.zeros((B, H), jnp.float32)
        cnt[...] = jnp.zeros((B, 1), jnp.float32)

    pooled[...] += lax.dot_general(
        onehot, h, (((0,), (0,)), ((), ())), precision=lax.Precision.HIGHEST,
        preferred_element_type=jnp.float32)
    cnt[...] += lax.dot_general(
        onehot, jnp.ones((BM, 1), jnp.float32), (((0,), (0,)), ((), ())),
        precision=lax.Precision.HIGHEST, preferred_element_type=jnp.float32)

    pm = pooled[...] / jnp.maximum(cnt[...], 1.0)
    h1 = jnp.maximum(
        jnp.dot(pm, fc1w_ref[...], preferred_element_type=jnp.float32)
        + fc1b_ref[...], 0.0)
    o_ref[...] = jnp.dot(h1, fc2w_ref[...],
                         preferred_element_type=jnp.float32) + fc2b_ref[...]


_pool_call = pl.pallas_call(
    _pool_body,
    grid=(G,),
    in_specs=[
        pl.BlockSpec((BM, H), lambda i: (i, 0)),
        pl.BlockSpec((2, H), lambda i: (0, 0)),
        pl.BlockSpec((1, H), lambda i: (0, 0)),
        pl.BlockSpec((1, H), lambda i: (0, 0)),
        pl.BlockSpec((BM, 1), lambda i: (i, 0)),
        pl.BlockSpec((H, H // 2), lambda i: (0, 0)),
        pl.BlockSpec((1, H // 2), lambda i: (0, 0)),
        pl.BlockSpec((H // 2, 1), lambda i: (0, 0)),
        pl.BlockSpec((1, 1), lambda i: (0, 0)),
    ],
    out_specs=pl.BlockSpec((B, 1), lambda i: (0, 0)),
    out_shape=jax.ShapeDtypeStruct((B, 1), jnp.float32),
    scratch_shapes=[
        pltpu.VMEM((B, H), jnp.float32),
        pltpu.VMEM((B, 1), jnp.float32),
    ],
)



def kernel(x, edge_index, batch, W0, b0, gamma0, beta0, W1, b1, gamma1, beta1,
           W2, b2, gamma2, beta2, fc1_W, fc1_b, fc2_W, fc2_b):
    src = edge_index[0].astype(jnp.int32)
    dst = edge_index[1].astype(jnp.int32)
    src3 = src.reshape(NT, MSG_CHUNKS, EC)
    dst3 = dst.reshape(NT, MSG_CHUNKS, EC)
    dstd = dst.reshape(2 * NT, DEG_CHUNKS, EC)

    hist = _deg_call(dstd)
    dinv = _dinv_call(hist).reshape(NP_PAD, 1)[:N]

    Ws = [W0, W1, W2]
    bs = [b0, b1, b2]
    gs = [gamma0, gamma1, gamma2]
    bts = [beta0, beta1, beta2]

    z = None
    st = None
    for i in range(3):
        if i == 0:
            ylo, yhi = _mm1_call(x, Ws[0], dinv)
        else:
            ylo, yhi = _mm_norm_call(z, st, gs[i - 1].reshape(1, H),
                                     bts[i - 1].reshape(1, H), Ws[i], dinv)
        slo, shi = _msg_call(ylo, yhi, src3, dst3)
        z, st = _combine_call(ylo, yhi, slo, shi, dinv, bs[i].reshape(1, H))

    out = _pool_call(z, st, gs[2].reshape(1, H), bts[2].reshape(1, H),
                     batch.astype(jnp.int32).reshape(N, 1), fc1_W,
                     fc1_b.reshape(1, H // 2), fc2_W, fc2_b.reshape(1, 1))
    return out.reshape(B)

# --- scband reference (transcript-rebuilt; emitter-appended) ---
"""Pipeline reference for scband-gcnregression-72215580115595 (READ-ONLY COPY).

The authoritative reference and input builder live on the scoring server;
editing this copy changes nothing except your own understanding.
"""

import jax, jax.numpy as jnp
import numpy as np

N = 10000
E = 160000
D = 256
H = 256
B = 64

def setup_inputs(seed: int = 0):
    key = jax.random.key(seed)
    ks = jax.random.split(key, 20)
    inp = {}
    inp['x'] = jax.random.normal(ks[0], (N, D), dtype=jnp.float32)
    inp['edge_index'] = jax.random.randint(ks[1], (2, E), 0, N)
    inp['batch'] = jnp.sort(jax.random.randint(ks[2], (N,), 0, B))
    def lin(k, fan_in, shape):
        return jax.random.uniform(k, shape, jnp.float32, -1.0, 1.0) / np.sqrt(fan_in)
    dims = [D, H, H]
    for i in range(3):
        inp['W%d' % i] = lin(ks[3 + 2 * i], dims[i], (dims[i], H))
        inp['b%d' % i] = lin(ks[4 + 2 * i], dims[i], (H,))
        inp['gamma%d' % i] = jnp.ones((H,), jnp.float32)
        inp['beta%d' % i] = jnp.zeros((H,), jnp.float32)
    inp['fc1_W'] = lin(ks[10], H, (H, H // 2))
    inp['fc1_b'] = lin(ks[11], H, (H // 2,))
    inp['fc2_W'] = lin(ks[12], H // 2, (H // 2, 1))
    inp['fc2_b'] = lin(ks[13], H // 2, (1,))
    return inp

def gcn_conv(x, edge_index, W, b):
    n = x.shape[0]
    loop = jnp.arange(n)
    src = jnp.concatenate([edge_index[0], loop])
    dst = jnp.concatenate([edge_index[1], loop])
    xw = x @ W
    deg = jax.ops.segment_sum(jnp.ones((src.shape[0],), xw.dtype), dst, num_segments=n)
    dinv = jnp.where(deg > 0, jax.lax.rsqrt(jnp.maximum(deg, 1e-12)), 0.0)
    norm = dinv[src] * dinv[dst]
    msg = xw[src] * norm[:, None]
    out = jax.ops.segment_sum(msg, dst, num_segments=n)
    return out + b

def batch_norm(x, gamma, beta, eps=1e-5):
    mean = jnp.mean(x, axis=0)
    var = jnp.mean((x - mean) ** 2, axis=0)
    return gamma * (x - mean) * jax.lax.rsqrt(var + eps) + beta

def reference(x, edge_index, batch, W0, b0, gamma0, beta0, W1, b1, gamma1, beta1, W2, b2, gamma2, beta2, fc1_W, fc1_b, fc2_W, fc2_b):
    Ws = [W0, W1, W2]
    bs = [b0, b1, b2]
    gs = [gamma0, gamma1, gamma2]
    bts = [beta0, beta1, beta2]
    h = x
    for i in range(3):
        h = gcn_conv(h, edge_index, Ws[i], bs[i])
        h = batch_norm(h, gs[i], bts[i])
        h = jax.nn.relu(h)
        # dropout is identity in deterministic/eval reference
    counts = jax.ops.segment_sum(jnp.ones((h.shape[0],), h.dtype), batch, num_segments=B)
    pooled = jax.ops.segment_sum(h, batch, num_segments=B) / jnp.maximum(counts, 1.0)[:, None]
    h = jax.nn.relu(pooled @ fc1_W + fc1_b)
    out = h @ fc2_W + fc2_b
    return out.squeeze(-1)

if __name__ == "__main__":
    import jax
    _d = setup_inputs()
    print(jax.jit(kernel)(*tuple(_d.values())))

</pallas_src>

<mosaic_0001>
#map = affine_map<(d0, d1) -> (0, 0)>
#map1 = affine_map<(d0, d1) -> (0, 0, 0)>
module attributes {stable_mosaic.version = 14 : i64} {
  func.func @_msg_body(%arg0: i32, %arg1: i32, %arg2: memref<10000x128xf32, #tpu.memory_space<hbm>>, %arg3: memref<10000x128xf32, #tpu.memory_space<hbm>>, %arg4: memref<16x80x125xi32, #tpu.memory_space<hbm>>, %arg5: memref<16x80x125xi32, #tpu.memory_space<hbm>>, %arg6: memref<10240x128xf32, #tpu.memory_space<hbm>>, %arg7: memref<10240x128xf32, #tpu.memory_space<hbm>>, %arg8: memref<40x125xi32, #tpu.memory_space<vmem>>, %arg9: memref<40x125xi32, #tpu.memory_space<vmem>>, %arg10: memref<128x128xf32, #tpu.memory_space<vmem>>, %arg11: memref<125x128xf32, #tpu.memory_space<vmem>>, %arg12: memref<10240x128xf32, #tpu.memory_space<vmem_shared>>, %arg13: memref<!tpu.dma_semaphore, #tpu.memory_space<semaphore_mem>>, %arg14: memref<!tpu.dma_semaphore, #tpu.memory_space<semaphore_mem>>) attributes {dimension_semantics = [#tpu.dimension_semantics<core_parallel>, #tpu.dimension_semantics<subcore_parallel>], iteration_bounds = array<i64: 2, 16>, scalar_prefetch = 0 : i64, scratch_operands = 7 : i64, tpu.core_type = #tpu.core_type<sc_vector_subcore>, window_params = [{transform_indices = #map}, {transform_indices = #map}, {transform_indices = #map1}, {transform_indices = #map1}, {transform_indices = #map}, {transform_indices = #map}]} {
    %scan3A = arith.constant 0 : i32
    %scan3A_0 = arith.constant 128 : i32
    %scan3A_1 = arith.addi %scan3A, %scan3A_0 : i32
    %scan3A_2 = arith.constant 1 : i32
    scf.for %scan3A_69 = %scan3A to %scan3A_1 step %scan3A_2  : i32 {
      %broadcast_in_dim3A = arith.constant 0.000000e+00 : f32
      %broadcast_in_dim3A_70 = vector.broadcast %broadcast_in_dim3A : f32 to vector<16xf32>
      %swap3A = arith.index_cast %scan3A_69 : i32 to index
      %swap3A_71 = arith.constant 0 : index
      %swap3A_72 = tpu.vector_load %arg10[%swap3A, %swap3A_71] {strides = array<i32>} : memref<128x128xf32, #tpu.memory_space<vmem>>, vector<1x16xf32>,
      %swap3A_73 = vector.shape_cast %swap3A_72 : vector<1x16xf32> to vector<16xf32>
      %swap3A_74 = vector.shape_cast %broadcast_in_dim3A_70 : vector<16xf32> to vector<1x16xf32>
      tpu.vector_store %arg10[%swap3A, %swap3A_71], %swap3A_74 {strides = array<i32>} : memref<128x128xf32, #tpu.memory_space<vmem>>, vector<1x16xf32>,
      %broadcast_in_dim3A_75 = arith.constant 0.000000e+00 : f32
      %broadcast_in_dim3A_76 = vector.broadcast %broadcast_in_dim3A_75 : f32 to vector<16xf32>
      %swap3A_77 = arith.index_cast %scan3A_69 : i32 to index
      %swap3A_78 = arith.constant 16 : index
      %swap3A_79 = tpu.vector_load %arg10[%swap3A_77, %swap3A_78] {strides = array<i32>} : memref<128x128xf32, #tpu.memory_space<vmem>>, vector<1x16xf32>,
      %swap3A_80 = vector.shape_cast %swap3A_79 : vector<1x16xf32> to vector<16xf32>
      %swap3A_81 = vector.shape_cast %broadcast_in_dim3A_76 : vector<16xf32> to vector<1x16xf32>
      tpu.vector_store %arg10[%swap3A_77, %swap3A_78], %swap3A_81 {strides = array<i32>} : memref<128x128xf32, #tpu.memory_space<vmem>>, vector<1x16xf32>,
      %broadcast_in_dim3A_82 = arith.constant 0.000000e+00 : f32
      %broadcast_in_dim3A_83 = vector.broadcast %broadcast_in_dim3A_82 : f32 to vector<16xf32>
      %swap3A_84 = arith.index_cast %scan3A_69 : i32 to index
      %swap3A_85 = arith.constant 32 : index
      %swap3A_86 = tpu.vector_load %arg10[%swap3A_84, %swap3A_85] {strides = array<i32>} : memref<128x128xf32, #tpu.memory_space<vmem>>, vector<1x16xf32>,
      %swap3A_87 = vector.shape_cast %swap3A_86 : vector<1x16xf32> to vector<16xf32>
      %swap3A_88 = vector.shape_cast %broadcast_in_dim3A_83 : vector<16xf32> to vector<1x16xf32>
      tpu.vector_store %arg10[%swap3A_84, %swap3A_85], %swap3A_88 {strides = array<i32>} : memref<128x128xf32, #tpu.memory_space<vmem>>, vector<1x16xf32>,
      %broadcast_in_dim3A_89 = arith.constant 0.000000e+00 : f32
      %broadcast_in_dim3A_90 = vector.broadcast %broadcast_in_dim3A_89 : f32 to vector<16xf32>
      %swap3A_91 = arith.index_cast %scan3A_69 : i32 to index
      %swap3A_92 = arith.constant 48 : index
      %swap3A_93 = tpu.vector_load %arg10[%swap3A_91, %swap3A_92] {strides = array<i32>} : memref<128x128xf32, #tpu.memory_space<vmem>>, vector<1x16xf32>,
      %swap3A_94 = vector.shape_cast %swap3A_93 : vector<1x16xf32> to vector<16xf32>
      %swap3A_95 = vector.shape_cast %broadcast_in_dim3A_90 : vector<16xf32> to vector<1x16xf32>
      tpu.vector_store %arg10[%swap3A_91, %swap3A_92], %swap3A_95 {strides = array<i32>} : memref<128x128xf32, #tpu.memory_space<vmem>>, vector<1x16xf32>,
      %broadcast_in_dim3A_96 = arith.constant 0.000000e+00 : f32
      %broadcast_in_dim3A_97 = vector.broadcast %broadcast_in_dim3A_96 : f32 to vector<16xf32>
      %swap3A_98 = arith.index_cast %scan3A_69 : i32 to index
      %swap3A_99 = arith.constant 64 : index
      %swap3A_100 = tpu.vector_load %arg10[%swap3A_98, %swap3A_99] {strides = array<i32>} : memref<128x128xf32, #tpu.memory_space<vmem>>, vector<1x16xf32>,
      %swap3A_101 = vector.shape_cast %swap3A_100 : vector<1x16xf32> to vector<16xf32>
      %swap3A_102 = vector.shape_cast %broadcast_in_dim3A_97 : vector<16xf32> to vector<1x16xf32>
      tpu.vector_store %arg10[%swap3A_98, %swap3A_99], %swap3A_102 {strides = array<i32>} : memref<128x128xf32, #tpu.memory_space<vmem>>, vector<1x16xf32>,
      %broadcast_in_dim3A_103 = arith.constant 0.000000e+00 : f32
      %broadcast_in_dim3A_104 = vector.broadcast %broadcast_in_dim3A_103 : f32 to vector<16xf32>
      %swap3A_105 = arith.index_cast %scan3A_69 : i32 to index
      %swap3A_106 = arith.constant 80 : index
      %swap3A_107 = tpu.vector_load %arg10[%swap3A_105, %swap3A_106] {strides = array<i32>} : memref<128x128xf32, #tpu.memory_space<vmem>>, vector<1x16xf32>,
      %swap3A_108 = vector.shape_cast %swap3A_107 : vector<1x16xf32> to vector<16xf32>
      %swap3A_109 = vector.shape_cast %broadcast_in_dim3A_104 : vector<16xf32> to vector<1x16xf32>
      tpu.vector_store %arg10[%swap3A_105, %swap3A_106], %swap3A_109 {strides = array<i32>} : memref<128x128xf32, #tpu.memory_space<vmem>>, vector<1x16xf32>,
      %broadcast_in_dim3A_110 = arith.constant 0.000000e+00 : f32
      %broadcast_in_dim3A_111 = vector.broadcast %broadcast_in_dim3A_110 : f32 to vector<16xf32>
      %swap3A_112 = arith.index_cast %scan3A_69 : i32 to index
      %swap3A_113 = arith.constant 96 : index
      %swap3A_114 = tpu.vector_load %arg10[%swap3A_112, %swap3A_113] {strides = array<i32>} : memref<128x128xf32, #tpu.memory_space<vmem>>, vector<1x16xf32>,
      %swap3A_115 = vector.shape_cast %swap3A_114 : vector<1x16xf32> to vector<16xf32>
      %swap3A_116 = vector.shape_cast %broadcast_in_dim3A_111 : vector<16xf32> to vector<1x16xf32>
      tpu.vector_store %arg10[%swap3A_112, %swap3A_113], %swap3A_116 {strides = array<i32>} : memref<128x128xf32, #tpu.memory_space<vmem>>, vector<1x16xf32>,
      %broadcast_in_dim3A_117 = arith.constant 0.000000e+00 : f32
      %broadcast_in_dim3A_118 = vector.broadcast %broadcast_in_dim3A_117 : f32 to vector<16xf32>
      %swap3A_119 = arith.index_cast %scan3A_69 : i32 to index
      %swap3A_120 = arith.constant 112 : index
      %swap3A_121 = tpu.vector_load %arg10[%swap3A_119, %swap3A_120] {strides = array<i32>} : memref<128x128xf32, #tpu.memory_space<vmem>>, vector<1x16xf32>,
      %swap3A_122 = vector.shape_cast %swap3A_121 : vector<1x16xf32> to vector<16xf32>
      %swap3A_123 = vector.shape_cast %broadcast_in_dim3A_118 : vector<16xf32> to vector<1x16xf32>
      tpu.vector_store %arg10[%swap3A_119, %swap3A_120], %swap3A_123 {strides = array<i32>} : memref<128x128xf32, #tpu.memory_space<vmem>>, vector<1x16xf32>,
    }
    %scan3A_3 = arith.constant 128 : i32
    %mul3A = arith.constant 640 : i32
    %mul3A_4 = arith.muli %arg1, %mul3A : i32
    %add3A = arith.constant 0 : i32
    %add3A_5 = arith.addi %mul3A_4, %add3A : i32
    %dma_start3A = arith.constant 0 : i32
    %dma_start3A_6 = tpu.memref_slice %arg12[%add3A_5, %dma_start3A] : memref<10240x128xf32, #tpu.memory_space<vmem_shared>> -> memref<128x128xf32, #tpu.memory_space<vmem_shared>>
    %dma_start3A_7 = arith.constant 0 : i32
    %dma_start3A_8 = tpu.memref_slice %arg12[%add3A_5, %dma_start3A_7] : memref<10240x128xf32, #tpu.memory_space<vmem_shared>> -> memref<128x128xf32, #tpu.memory_space<vmem_shared>>
    tpu.enqueue_dma source(%arg10 : memref<128x128xf32, #tpu.memory_space<vmem>>) target(%dma_start3A_8 : memref<128x128xf32, #tpu.memory_space<vmem_shared>>) target_semaphore(%arg14 : memref<!tpu.dma_semaphore, #tpu.memory_space<semaphore_mem>>)
    %add3A_9 = arith.constant 128 : i32
    %add3A_10 = arith.addi %mul3A_4, %add3A_9 : i32
    %dma_start3A_11 = arith.constant 0 : i32
    %dma_start3A_12 = tpu.memref_slice %arg12[%add3A_10, %dma_start3A_11] : memref<10240x128xf32, #tpu.memory_space<vmem_shared>> -> memref<128x128xf32, #tpu.memory_space<vmem_shared>>
    %dma_start3A_13 = arith.constant 0 : i32
    %dma_start3A_14 = tpu.memref_slice %arg12[%add3A_10, %dma_start3A_13] : memref<10240x128xf32, #tpu.memory_space<vmem_shared>> -> memref<128x128xf32, #tpu.memory_space<vmem_shared>>
    tpu.enqueue_dma source(%arg10 : memref<128x128xf32, #tpu.memory_space<vmem>>) target(%dma_start3A_14 : memref<128x128xf32, #tpu.memory_space<vmem_shared>>) target_semaphore(%arg14 : memref<!tpu.dma_semaphore, #tpu.memory_space<semaphore_mem>>)
    %add3A_15 = arith.constant 256 : i32
    %add3A_16 = arith.addi %mul3A_4, %add3A_15 : i32
    %dma_start3A_17 = arith.constant 0 : i32
    %dma_start3A_18 = tpu.memref_slice %arg12[%add3A_16, %dma_start3A_17] : memref<10240x128xf32, #tpu.memory_space<vmem_shared>> -> memref<128x128xf32, #tpu.memory_space<vmem_shared>>
    %dma_start3A_19 = arith.constant 0 : i32
    %dma_start3A_20 = tpu.memref_slice %arg12[%add3A_16, %dma_start3A_19] : memref<10240x128xf32, #tpu.memory_space<vmem_shared>> -> memref<128x128xf32, #tpu.memory_space<vmem_shared>>
    tpu.enqueue_dma source(%arg10 : memref<128x128xf32, #tpu.memory_space<vmem>>) target(%dma_start3A_20 : memref<128x128xf32, #tpu.memory_space<vmem_shared>>) target_semaphore(%arg14 : memref<!tpu.dma_semaphore, #tpu.memory_space<semaphore_mem>>)
    %add3A_21 = arith.constant 384 : i32
    %add3A_22 = arith.addi %mul3A_4, %add3A_21 : i32
    %dma_start3A_23 = arith.constant 0 : i32
    %dma_start3A_24 = tpu.memref_slice %arg12[%add3A_22, %dma_start3A_23] : memref<10240x128xf32, #tpu.memory_space<vmem_shared>> -> memref<128x128xf32, #tpu.memory_space<vmem_shared>>
    %dma_start3A_25 = arith.constant 0 : i32
    %dma_start3A_26 = tpu.memref_slice %arg12[%add3A_22, %dma_start3A_25] : memref<10240x128xf32, #tpu.memory_space<vmem_shared>> -> memref<128x128xf32, #tpu.memory_space<vmem_shared>>
    tpu.enqueue_dma source(%arg10 : memref<128x128xf32, #tpu.memory_space<vmem>>) target(%dma_start3A_26 : memref<128x128xf32, #tpu.memory_space<vmem_shared>>) target_semaphore(%arg14 : memref<!tpu.dma_semaphore, #tpu.memory_space<semaphore_mem>>)
    %add3A_27 = arith.constant 512 : i32
    %add3A_28 = arith.addi %mul3A_4, %add3A_27 : i32
    %dma_start3A_29 = arith.constant 0 : i32
    %dma_start3A_30 = tpu.memref_slice %arg12[%add3A_28, %dma_start3A_29] : memref<10240x128xf32, #tpu.memory_space<vmem_shared>> -> memref<128x128xf32, #tpu.memory_space<vmem_shared>>
    %dma_start3A_31 = arith.constant 0 : i32
    %dma_start3A_32 = tpu.memref_slice %arg12[%add3A_28, %dma_start3A_31] : memref<10240x128xf32, #tpu.memory_space<vmem_shared>> -> memref<128x128xf32, #tpu.memory_space<vmem_shared>>
    tpu.enqueue_dma source(%arg10 : memref<128x128xf32, #tpu.memory_space<vmem>>) target(%dma_start3A_32 : memref<128x128xf32, #tpu.memory_space<vmem_shared>>) target_semaphore(%arg14 : memref<!tpu.dma_semaphore, #tpu.memory_space<semaphore_mem>>)
    "tpu.region"() ({
      %run_scoped3A = tpu.sem_alloc : memref<!tpu.dma_semaphore, #tpu.memory_space<semaphore_mem>>
      %dma_start3A_69 = arith.constant 0 : i32
      %dma_start3A_70 = arith.constant 0 : i32
      %dma_start3A_71 = tpu.memref_slice %arg4[%arg1, %dma_start3A_69, %dma_start3A_70] : memref<16x80x125xi32, #tpu.memory_space<hbm>> -> memref<1x40x125xi32, #tpu.memory_space<hbm>>
      %dma_start3A_72 = tpu.memref_squeeze %dma_start3A_71 : memref<1x40x125xi32, #tpu.memory_space<hbm>> -> memref<40x125xi32, #tpu.memory_space<hbm>>
      %dma_start3A_73 = arith.constant 0 : i32
      %dma_start3A_74 = arith.constant 0 : i32
      %dma_start3A_75 = tpu.memref_slice %arg4[%arg1, %dma_start3A_73, %dma_start3A_74] : memref<16x80x125xi32, #tpu.memory_space<hbm>> -> memref<1x40x125xi32, #tpu.memory_space<hbm>>
      %dma_start3A_76 = tpu.memref_squeeze %dma_start3A_75 : memref<1x40x125xi32, #tpu.memory_space<hbm>> -> memref<40x125xi32, #tpu.memory_space<hbm>>
      tpu.enqueue_dma source(%dma_start3A_76 : memref<40x125xi32, #tpu.memory_space<hbm>>) target(%arg8 : memref<40x125xi32, #tpu.memory_space<vmem>>) target_semaphore(%run_scoped3A : memref<!tpu.dma_semaphore, #tpu.memory_space<semaphore_mem>>)
      %dma_wait3A_77 = arith.constant 0 : i32
      %dma_wait3A_78 = arith.constant 0 : i32
      %dma_wait3A_79 = tpu.memref_slice %arg4[%arg1, %dma_wait3A_77, %dma_wait3A_78] : memref<16x80x125xi32, #tpu.memory_space<hbm>> -> memref<1x40x125xi32, #tpu.memory_space<hbm>>
      %dma_wait3A_80 = tpu.memref_squeeze %dma_wait3A_79 : memref<1x40x125xi32, #tpu.memory_space<hbm>> -> memref<40x125xi32, #tpu.memory_space<hbm>>
      %dma_wait3A_81 = arith.constant 0 : i32
      %dma_wait3A_82 = arith.constant 0 : i32
      %dma_wait3A_83 = tpu.memref_slice %arg4[%arg1, %dma_wait3A_81, %dma_wait3A_82] : memref<16x80x125xi32, #tpu.memory_space<hbm>> -> memref<1x40x125xi32, #tpu.memory_space<hbm>>
      %dma_wait3A_84 = tpu.memref_squeeze %dma_wait3A_83 : memref<1x40x125xi32, #tpu.memory_space<hbm>> -> memref<40x125xi32, #tpu.memory_space<hbm>>
      tpu.wait_dma2 semaphore(%run_scoped3A : memref<!tpu.dma_semaphore, #tpu.memory_space<semaphore_mem>>) src(%dma_wait3A_84 : memref<40x125xi32, #tpu.memory_space<hbm>>) dst(%arg8 : memref<40x125xi32, #tpu.memory_space<vmem>>)
      tpu.yield
    }) : () -> ()
    "tpu.region"() ({
      %run_scoped3A = tpu.sem_alloc : memref<!tpu.dma_semaphore, #tpu.memory_space<semaphore_mem>>
      %dma_start3A_69 = arith.constant 0 : i32
      %dma_start3A_70 = arith.constant 0 : i32
      %dma_start3A_71 = tpu.memref_slice %arg5[%arg1, %dma_start3A_69, %dma_start3A_70] : memref<16x80x125xi32, #tpu.memory_space<hbm>> -> memref<1x40x125xi32, #tpu.memory_space<hbm>>
      %dma_start3A_72 = tpu.memref_squeeze %dma_start3A_71 : memref<1x40x125xi32, #tpu.memory_space<hbm>> -> memref<40x125xi32, #tpu.memory_space<hbm>>
      %dma_start3A_73 = arith.constant 0 : i32
      %dma_start3A_74 = arith.constant 0 : i32
      %dma_start3A_75 = tpu.memref_slice %arg5[%arg1, %dma_start3A_73, %dma_start3A_74] : memref<16x80x125xi32, #tpu.memory_space<hbm>> -> memref<1x40x125xi32, #tpu.memory_space<hbm>>
      %dma_start3A_76 = tpu.memref_squeeze %dma_start3A_75 : memref<1x40x125xi32, #tpu.memory_space<hbm>> -> memref<40x125xi32, #tpu.memory_space<hbm>>
      tpu.enqueue_dma source(%dma_start3A_76 : memref<40x125xi32, #tpu.memory_space<hbm>>) target(%arg9 : memref<40x125xi32, #tpu.memory_space<vmem>>) target_semaphore(%run_scoped3A : memref<!tpu.dma_semaphore, #tpu.memory_space<semaphore_mem>>)
      %dma_wait3A_77 = arith.constant 0 : i32
      %dma_wait3A_78 = arith.constant 0 : i32
      %dma_wait3A_79 = tpu.memref_slice %arg5[%arg1, %dma_wait3A_77, %dma_wait3A_78] : memref<16x80x125xi32, #tpu.memory_space<hbm>> -> memref<1x40x125xi32, #tpu.memory_space<hbm>>
      %dma_wait3A_80 = tpu.memref_squeeze %dma_wait3A_79 : memref<1x40x125xi32, #tpu.memory_space<hbm>> -> memref<40x125xi32, #tpu.memory_space<hbm>>
      %dma_wait3A_81 = arith.constant 0 : i32
      %dma_wait3A_82 = arith.constant 0 : i32
      %dma_wait3A_83 = tpu.memref_slice %arg5[%arg1, %dma_wait3A_81, %dma_wait3A_82] : memref<16x80x125xi32, #tpu.memory_space<hbm>> -> memref<1x40x125xi32, #tpu.memory_space<hbm>>
      %dma_wait3A_84 = tpu.memref_squeeze %dma_wait3A_83 : memref<1x40x125xi32, #tpu.memory_space<hbm>> -> memref<40x125xi32, #tpu.memory_space<hbm>>
      tpu.wait_dma2 semaphore(%run_scoped3A : memref<!tpu.dma_semaphore, #tpu.memory_space<semaphore_mem>>) src(%dma_wait3A_84 : memref<40x125xi32, #tpu.memory_space<hbm>>) dst(%arg9 : memref<40x125xi32, #tpu.memory_space<vmem>>)
      tpu.yield
    }) : () -> ()
    %add3A_33 = arith.constant 0 : i32
    %add3A_34 = arith.addi %mul3A_4, %add3A_33 : i32
    %dma_wait3A = arith.constant 0 : i32
    %dma_wait3A_35 = tpu.memref_slice %arg12[%add3A_34, %dma_wait3A] : memref<10240x128xf32, #tpu.memory_space<vmem_shared>> -> memref<128x128xf32, #tpu.memory_space<vmem_shared>>
    %dma_wait3A_36 = arith.constant 0 : i32
    %dma_wait3A_37 = tpu.memref_slice %arg12[%add3A_34, %dma_wait3A_36] : memref<10240x128xf32, #tpu.memory_space<vmem_shared>> -> memref<128x128xf32, #tpu.memory_space<vmem_shared>>
    tpu.wait_dma2 semaphore(%arg14 : memref<!tpu.dma_semaphore, #tpu.memory_space<semaphore_mem>>) src(%arg10 : memref<128x128xf32, #tpu.memory_space<vmem>>) dst(%dma_wait3A_37 : memref<128x128xf32, #tpu.memory_space<vmem_shared>>)
    %add3A_38 = arith.constant 128 : i32
    %add3A_39 = arith.addi %mul3A_4, %add3A_38 : i32
    %dma_wait3A_40 = arith.constant 0 : i32
    %dma_wait3A_41 = tpu.memref_slice %arg12[%add3A_39, %dma_wait3A_40] : memref<10240x128xf32, #tpu.memory_space<vmem_shared>> -> memref<128x128xf32, #tpu.memory_space<vmem_shared>>
    %dma_wait3A_42 = arith.constant 0 : i32
    %dma_wait3A_43 = tpu.memref_slice %arg12[%add3A_39, %dma_wait3A_42] : memref<10240x128xf32, #tpu.memory_space<vmem_shared>> -> memref<128x128xf32, #tpu.memory_space<vmem_shared>>
    tpu.wait_dma2 semaphore(%arg14 : memref<!tpu.dma_semaphore, #tpu.memory_space<semaphore_mem>>) src(%arg10 : memref<128x128xf32, #tpu.memory_space<vmem>>) dst(%dma_wait3A_43 : memref<128x128xf32, #tpu.memory_space<vmem_shared>>)
    %add3A_44 = arith.constant 256 : i32
    %add3A_45 = arith.addi %mul3A_4, %add3A_44 : i32
    %dma_wait3A_46 = arith.constant 0 : i32
    %dma_wait3A_47 = tpu.memref_slice %arg12[%add3A_45, %dma_wait3A_46] : memref<10240x128xf32, #tpu.memory_space<vmem_shared>> -> memref<128x128xf32, #tpu.memory_space<vmem_shared>>
    %dma_wait3A_48 = arith.constant 0 : i32
    %dma_wait3A_49 = tpu.memref_slice %arg12[%add3A_45, %dma_wait3A_48] : memref<10240x128xf32, #tpu.memory_space<vmem_shared>> -> memref<128x128xf32, #tpu.memory_space<vmem_shared>>
    tpu.wait_dma2 semaphore(%arg14 : memref<!tpu.dma_semaphore, #tpu.memory_space<semaphore_mem>>) src(%arg10 : memref<128x128xf32, #tpu.memory_space<vmem>>) dst(%dma_wait3A_49 : memref<128x128xf32, #tpu.memory_space<vmem_shared>>)
    %add3A_50 = arith.constant 384 : i32
    %add3A_51 = arith.addi %mul3A_4, %add3A_50 : i32
    %dma_wait3A_52 = arith.constant 0 : i32
    %dma_wait3A_53 = tpu.memref_slice %arg12[%add3A_51, %dma_wait3A_52] : memref<10240x128xf32, #tpu.memory_space<vmem_shared>> -> memref<128x128xf32, #tpu.memory_space<vmem_shared>>
    %dma_wait3A_54 = arith.constant 0 : i32
    %dma_wait3A_55 = tpu.memref_slice %arg12[%add3A_51, %dma_wait3A_54] : memref<10240x128xf32, #tpu.memory_space<vmem_shared>> -> memref<128x128xf32, #tpu.memory_space<vmem_shared>>
    tpu.wait_dma2 semaphore(%arg14 : memref<!tpu.dma_semaphore, #tpu.memory_space<semaphore_mem>>) src(%arg10 : memref<128x128xf32, #tpu.memory_space<vmem>>) dst(%dma_wait3A_55 : memref<128x128xf32, #tpu.memory_space<vmem_shared>>)
    %add3A_56 = arith.constant 512 : i32
    %add3A_57 = arith.addi %mul3A_4, %add3A_56 : i32
    %dma_wait3A_58 = arith.constant 0 : i32
    %dma_wait3A_59 = tpu.memref_slice %arg12[%add3A_57, %dma_wait3A_58] : memref<10240x128xf32, #tpu.memory_space<vmem_shared>> -> memref<128x128xf32, #tpu.memory_space<vmem_shared>>
    %dma_wait3A_60 = arith.constant 0 : i32
    %dma_wait3A_61 = tpu.memref_slice %arg12[%add3A_57, %dma_wait3A_60] : memref<10240x128xf32, #tpu.memory_space<vmem_shared>> -> memref<128x128xf32, #tpu.memory_space<vmem_shared>>
    tpu.wait_dma2 semaphore(%arg14 : memref<!tpu.dma_semaphore, #tpu.memory_space<semaphore_mem>>) src(%arg10 : memref<128x128xf32, #tpu.memory_space<vmem>>) dst(%dma_wait3A_61 : memref<128x128xf32, #tpu.memory_space<vmem_shared>>)
    %barrier3A = arith.constant 0 : index
    tpu.barrier barrier_id(%barrier3A)
    %eq3A = arith.constant 0 : i32
    %eq3A_62 = arith.cmpi eq, %arg0, %eq3A : i32
    %convert_element_type3A = arith.extui %eq3A_62 : i1 to i32
    %cond3A = arith.constant 0 : i32
    %cond3A_63 = arith.cmpi ne, %convert_element_type3A, %cond3A : i32
    scf.if %cond3A_63 {
      %dma_start3A_69 = arith.constant 0 : i32
      %dma_start3A_70 = arith.constant 0 : i32
      %dma_start3A_71 = arith.constant 0 : i32
      %dma_start3A_72 = tpu.memref_slice %arg10[%dma_start3A_70, %dma_start3A_71] : memref<128x128xf32, #tpu.memory_space<vmem>> -> memref<125x128xf32, #tpu.memory_space<vmem>>
      %dma_start3A_73 = arith.constant 0 : i32
      %dma_start3A_74 = tpu.memref_slice %arg8[%dma_start3A_69, %dma_start3A_73] : memref<40x125xi32, #tpu.memory_space<vmem>> -> memref<1x125xi32, #tpu.memory_space<vmem>>
      %dma_start3A_75 = tpu.memref_squeeze %dma_start3A_74 : memref<1x125xi32, #tpu.memory_space<vmem>> -> memref<125xi32, #tpu.memory_space<vmem>>
      %dma_start3A_76 = arith.constant 0 : i32
      %dma_start3A_77 = arith.constant 0 : i32
      %dma_start3A_78 = tpu.memref_slice %arg2[%dma_start3A_76, %dma_start3A_77] : memref<10000x128xf32, #tpu.memory_space<hbm>> -> memref<10000x128xf32, #tpu.memory_space<hbm>>
      tpu.enqueue_indirect_dma source(%dma_start3A_78 : memref<10000x128xf32, #tpu.memory_space<hbm>>) target(%dma_start3A_72 : memref<125x128xf32, #tpu.memory_space<vmem>>) offsets(%dma_start3A_75 : memref<125xi32, #tpu.memory_space<vmem>>) semaphore(%arg13 : memref<!tpu.dma_semaphore, #tpu.memory_space<semaphore_mem>>)
      %dma_start3A_79 = arith.constant 1 : i32
      %dma_start3A_80 = arith.constant 0 : i32
      %dma_start3A_81 = arith.constant 0 : i32
      %dma_start3A_82 = tpu.memref_slice %arg11[%dma_start3A_80, %dma_start3A_81] : memref<125x128xf32, #tpu.memory_space<vmem>> -> memref<125x128xf32, #tpu.memory_space<vmem>>
      %dma_start3A_83 = arith.constant 0 : i32
      %dma_start3A_84 = tpu.memref_slice %arg8[%dma_start3A_79, %dma_start3A_83] : memref<40x125xi32, #tpu.memory_space<vmem>> -> memref<1x125xi32, #tpu.memory_space<vmem>>
      %dma_start3A_85 = tpu.memref_squeeze %dma_start3A_84 : memref<1x125xi32, #tpu.memory_space<vmem>> -> memref<125xi32, #tpu.memory_space<vmem>>
      %dma_start3A_86 = arith.constant 0 : i32
      %dma_start3A_87 = arith.constant 0 : i32
      %dma_start3A_88 = tpu.memref_slice %arg2[%dma_start3A_86, %dma_start3A_87] : memref<10000x128xf32, #tpu.memory_space<hbm>> -> memref<10000x128xf32, #tpu.memory_space<hbm>>
      tpu.enqueue_indirect_dma source(%dma_start3A_88 : memref<10000x128xf32, #tpu.memory_space<hbm>>) target(%dma_start3A_82 : memref<125x128xf32, #tpu.memory_space<vmem>>) offsets(%dma_start3A_85 : memref<125xi32, #tpu.memory_space<vmem>>) semaphore(%arg14 : memref<!tpu.dma_semaphore, #tpu.memory_space<semaphore_mem>>)
      %scan3A_89 = arith.constant 0 : i32
      %scan3A_90 = arith.constant 19 : i32
      %scan3A_91 = arith.addi %scan3A_89, %scan3A_90 : i32
      %scan3A_92 = arith.constant 1 : i32
      scf.for %scan3A_163 = %scan3A_89 to %scan3A_91 step %scan3A_92  : i32 {
        %mul3A_164 = arith.constant 2 : i32
        %mul3A_165 = arith.muli %mul3A_164, %scan3A_163 : i32
        %dma_wait3A_166 = arith.constant 0 : i32
        %dma_wait3A_167 = arith.constant 0 : i32
        %dma_wait3A_168 = tpu.memref_slice %arg10[%dma_wait3A_166, %dma_wait3A_167] : memref<128x128xf32, #tpu.memory_space<vmem>> -> memref<125x128xf32, #tpu.memory_space<vmem>>
        %dma_wait3A_169 = arith.constant 0 : i32
        %dma_wait3A_170 = tpu.memref_slice %arg8[%mul3A_165, %dma_wait3A_169] : memref<40x125xi32, #tpu.memory_space<vmem>> -> memref<1x125xi32, #tpu.memory_space<vmem>>
        %dma_wait3A_171 = tpu.memref_squeeze %dma_wait3A_170 : memref<1x125xi32, #tpu.memory_space<vmem>> -> memref<125xi32, #tpu.memory_space<vmem>>
        %dma_wait3A_172 = arith.constant 0 : i32
        %dma_wait3A_173 = arith.constant 0 : i32
        %dma_wait3A_174 = tpu.memref_slice %arg2[%dma_wait3A_172, %dma_wait3A_173] : memref<10000x128xf32, #tpu.memory_space<hbm>> -> memref<10000x128xf32, #tpu.memory_space<hbm>>
        tpu.wait_indirect_dma semaphore(%arg13 : memref<!tpu.dma_semaphore, #tpu.memory_space<semaphore_mem>>) src(%dma_wait3A_174 : memref<10000x128xf32, #tpu.memory_space<hbm>>) dst(%dma_wait3A_168 : memref<125x128xf32, #tpu.memory_space<vmem>>)
        "tpu.region"() ({
          %run_scoped3A_210 = tpu.sem_alloc : memref<!tpu.dma_semaphore, #tpu.memory_space<semaphore_mem>>
          %dma_start3A_211 = arith.constant 0 : i32
          %dma_start3A_212 = arith.constant 0 : i32
          %dma_start3A_213 = tpu.memref_slice %arg10[%dma_start3A_211, %dma_start3A_212] : memref<128x128xf32, #tpu.memory_space<vmem>> -> memref<125x128xf32, #tpu.memory_space<vmem>>
          %dma_start3A_214 = arith.constant 0 : i32
          %dma_start3A_215 = tpu.memref_slice %arg9[%mul3A_165, %dma_start3A_214] : memref<40x125xi32, #tpu.memory_space<vmem>> -> memref<1x125xi32, #tpu.memory_space<vmem>>
          %dma_start3A_216 = tpu.memref_squeeze %dma_start3A_215 : memref<1x125xi32, #tpu.memory_space<vmem>> -> memref<125xi32, #tpu.memory_space<vmem>>
          %dma_start3A_217 = arith.constant 0 : i32
          %dma_start3A_218 = arith.constant 0 : i32
          %dma_start3A_219 = tpu.memref_slice %arg12[%dma_start3A_217, %dma_start3A_218] : memref<10240x128xf32, #tpu.memory_space<vmem_shared>> -> memref<10240x128xf32, #tpu.memory_space<vmem_shared>>
          tpu.enqueue_indirect_dma source(%dma_start3A_213 : memref<125x128xf32, #tpu.memory_space<vmem>>) target(%dma_start3A_219 : memref<10240x128xf32, #tpu.memory_space<vmem_shared>>) offsets(%dma_start3A_216 : memref<125xi32, #tpu.memory_space<vmem>>) semaphore(%run_scoped3A_210 : memref<!tpu.dma_semaphore, #tpu.memory_space<semaphore_mem>>) {add = true}
          %dma_wait3A_220 = arith.constant 0 : i32
          %dma_wait3A_221 = arith.constant 0 : i32
          %dma_wait3A_222 = tpu.memref_slice %arg10[%dma_wait3A_220, %dma_wait3A_221] : memref<128x128xf32, #tpu.memory_space<vmem>> -> memref<125x128xf32, #tpu.memory_space<vmem>>
          %dma_wait3A_223 = arith.constant 0 : i32
          %dma_wait3A_224 = tpu.memref_slice %arg9[%mul3A_165, %dma_wait3A_223] : memref<40x125xi32, #tpu.memory_space<vmem>> -> memref<1x125xi32, #tpu.memory_space<vmem>>
          %dma_wait3A_225 = tpu.memref_squeeze %dma_wait3A_224 : memref<1x125xi32, #tpu.memory_space<vmem>> -> memref<125xi32, #tpu.memory_space<vmem>>
          %dma_wait3A_226 = arith.constant 0 : i32
          %dma_wait3A_227 = arith.constant 0 : i32
          %dma_wait3A_228 = tpu.memref_slice %arg12[%dma_wait3A_226, %dma_wait3A_227] : memref<10240x128xf32, #tpu.memory_space<vmem_shared>> -> memref<10240x128xf32, #tpu.memory_space<vmem_shared>>
          tpu.wait_indirect_dma semaphore(%run_scoped3A_210 : memref<!tpu.dma_semaphore, #tpu.memory_space<semaphore_mem>>) src(%dma_wait3A_222 : memref<125x128xf32, #tpu.memory_space<vmem>>) dst(%dma_wait3A_228 : memref<10240x128xf32, #tpu.memory_space<vmem_shared>>)
          tpu.yield
        }) : () -> ()
        %add3A_175 = arith.constant 2 : i32
        %add3A_176 = arith.addi %mul3A_165, %add3A_175 : i32
        %dma_start3A_177 = arith.constant 0 : i32
        %dma_start3A_178 = arith.constant 0 : i32
        %dma_start3A_179 = tpu.memref_slice %arg10[%dma_start3A_177, %dma_start3A_178] : memref<128x128xf32, #tpu.memory_space<vmem>> -> memref<125x128xf32, #tpu.memory_space<vmem>>
        %dma_start3A_180 = arith.constant 0 : i32
        %dma_start3A_181 = tpu.memref_slice %arg8[%add3A_176, %dma_start3A_180] : memref<40x125xi32, #tpu.memory_space<vmem>> -> memref<1x125xi32, #tpu.memory_space<vmem>>
        %dma_start3A_182 = tpu.memref_squeeze %dma_start3A_181 : memref<1x125xi32, #tpu.memory_space<vmem>> -> memref<125xi32, #tpu.memory_space<vmem>>
        %dma_start3A_183 = arith.constant 0 : i32
        %dma_start3A_184 = arith.constant 0 : i32
        %dma_start3A_185 = tpu.memref_slice %arg2[%dma_start3A_183, %dma_start3A_184] : memref<10000x128xf32, #tpu.memory_space<hbm>> -> memref<10000x128xf32, #tpu.memory_space<hbm>>
        tpu.enqueue_indirect_dma source(%dma_start3A_185 : memref<10000x128xf32, #tpu.memory_space<hbm>>) target(%dma_start3A_179 : memref<125x128xf32, #tpu.memory_space<vmem>>) offsets(%dma_start3A_182 : memref<125xi32, #tpu.memory_space<vmem>>) semaphore(%arg13 : memref<!tpu.dma_semaphore, #tpu.memory_space<semaphore_mem>>)
        %mul3A_186 = arith.constant 2 : i32
        %mul3A_187 = arith.muli %mul3A_186, %scan3A_163 : i32
        %add3A_188 = arith.constant 1 : i32
        %add3A_189 = arith.addi %mul3A_187, %add3A_188 : i32
        %dma_wait3A_190 = arith.constant 0 : i32
        %dma_wait3A_191 = arith.constant 0 : i32
        %dma_wait3A_192 = tpu.memref_slice %arg11[%dma_wait3A_190, %dma_wait3A_191] : memref<125x128xf32, #tpu.memory_space<vmem>> -> memref<125x128xf32, #tpu.memory_space<vmem>>
        %dma_wait3A_193 = arith.constant 0 : i32
        %dma_wait3A_194 = tpu.memref_slice %arg8[%add3A_189, %dma_wait3A_193] : memref<40x125xi32, #tpu.memory_space<vmem>> -> memref<1x125xi32, #tpu.memory_space<vmem>>
        %dma_wait3A_195 = tpu.memref_squeeze %dma_wait3A_194 : memref<1x125xi32, #tpu.memory_space<vmem>> -> memref<125xi32, #tpu.memory_space<vmem>>
        %dma_wait3A_196 = arith.constant 0 : i32
        %dma_wait3A_197 = arith.constant 0 : i32
        %dma_wait3A_198 = tpu.memref_slice %arg2[%dma_wait3A_196, %dma_wait3A_197] : memref<10000x128xf32, #tpu.memory_space<hbm>> -> memref<10000x128xf32, #tpu.memory_space<hbm>>
        tpu.wait_indirect_dma semaphore(%arg14 : memref<!tpu.dma_semaphore, #tpu.memory_space<semaphore_mem>>) src(%dma_wait3A_198 : memref<10000x128xf32, #tpu.memory_space<hbm>>) dst(%dma_wait3A_192 : memref<125x128xf32, #tpu.memory_space<vmem>>)
        "tpu.region"() ({
          %run_scoped3A_210 = tpu.sem_alloc : memref<!tpu.dma_semaphore, #tpu.memory_space<semaphore_mem>>
          %dma_start3A_211 = arith.constant 0 : i32
          %dma_start3A_212 = arith.constant 0 : i32
          %dma_start3A_213 = tpu.memref_slice %arg11[%dma_start3A_211, %dma_start3A_212] : memref<125x128xf32, #tpu.memory_space<vmem>> -> memref<125x128xf32, #tpu.memory_space<vmem>>
          %dma_start3A_214 = arith.constant 0 : i32
          %dma_start3A_215 = tpu.memref_slice %arg9[%add3A_189, %dma_start3A_214] : memref<40x125xi32, #tpu.memory_space<vmem>> -> memref<1x125xi32, #tpu.memory_space<vmem>>
          %dma_start3A_216 = tpu.memref_squeeze %dma_start3A_215 : memref<1x125xi32, #tpu.memory_space<vmem>> -> memref<125xi32, #tpu.memory_space<vmem>>
          %dma_start3A_217 = arith.constant 0 : i32
          %dma_start3A_218 = arith.constant 0 : i32
          %dma_start3A_219 = tpu.memref_slice %arg12[%dma_start3A_217, %dma_start3A_218] : memref<10240x128xf32, #tpu.memory_space<vmem_shared>> -> memref<10240x128xf32, #tpu.memory_space<vmem_shared>>
          tpu.enqueue_indirect_dma source(%dma_start3A_213 : memref<125x128xf32, #tpu.memory_space<vmem>>) target(%dma_start3A_219 : memref<10240x128xf32, #tpu.memory_space<vmem_shared>>) offsets(%dma_start3A_216 : memref<125xi32, #tpu.memory_space<vmem>>) semaphore(%run_scoped3A_210 : memref<!tpu.dma_semaphore, #tpu.memory_space<semaphore_mem>>) {add = true}
          %dma_wait3A_220 = arith.constant 0 : i32
          %dma_wait3A_221 = arith.constant 0 : i32
          %dma_wait3A_222 = tpu.memref_slice %arg11[%dma_wait3A_220, %dma_wait3A_221] : memref<125x128xf32, #tpu.memory_space<vmem>> -> memref<125x128xf32, #tpu.memory_space<vmem>>
          %dma_wait3A_223 = arith.constant 0 : i32
          %dma_wait3A_224 = tpu.memref_slice %arg9[%add3A_189, %dma_wait3A_223] : memref<40x125xi32, #tpu.memory_space<vmem>> -> memref<1x125xi32, #tpu.memory_space<vmem>>
          %dma_wait3A_225 = tpu.memref_squeeze %dma_wait3A_224 : memref<1x125xi32, #tpu.memory_space<vmem>> -> memref<125xi32, #tpu.memory_space<vmem>>
          %dma_wait3A_226 = arith.constant 0 : i32
          %dma_wait3A_227 = arith.constant 0 : i32
          %dma_wait3A_228 = tpu.memref_slice %arg12[%dma_wait3A_226, %dma_wait3A_227] : memref<10240x128xf32, #tpu.memory_space<vmem_shared>> -> memref<10240x128xf32, #tpu.memory_space<vmem_shared>>
          tpu.wait_indirect_dma semaphore(%run_scoped3A_210 : memref<!tpu.dma_semaphore, #tpu.memory_space<semaphore_mem>>) src(%dma_wait3A_222 : memref<125x128xf32, #tpu.memory_space<vmem>>) dst(%dma_wait3A_228 : memref<10240x128xf32, #tpu.memory_space<vmem_shared>>)
          tpu.yield
        }) : () -> ()
        %add3A_199 = arith.constant 2 : i32
        %add3A_200 = arith.addi %add3A_189, %add3A_199 : i32
        %dma_start3A_201 = arith.constant 0 : i32
        %dma_start3A_202 = arith.constant 0 : i32
        %dma_start3A_203 = tpu.memref_slice %arg11[%dma_start3A_201, %dma_start3A_202] : memref<125x128xf32, #tpu.memory_space<vmem>> -> memref<125x128xf32, #tpu.memory_space<vmem>>
        %dma_start3A_204 = arith.constant 0 : i32
        %dma_start3A_205 = tpu.memref_slice %arg8[%add3A_200, %dma_start3A_204] : memref<40x125xi32, #tpu.memory_space<vmem>> -> memref<1x125xi32, #tpu.memory_space<vmem>>
        %dma_start3A_206 = tpu.memref_squeeze %dma_start3A_205 : memref<1x125xi32, #tpu.memory_space<vmem>> -> memref<125xi32, #tpu.memory_space<vmem>>
        %dma_start3A_207 = arith.constant 0 : i32
        %dma_start3A_208 = arith.constant 0 : i32
        %dma_start3A_209 = tpu.memref_slice %arg2[%dma_start3A_207, %dma_start3A_208] : memref<10000x128xf32, #tpu.memory_space<hbm>> -> memref<10000x128xf32, #tpu.memory_space<hbm>>
        tpu.enqueue_indirect_dma source(%dma_start3A_209 : memref<10000x128xf32, #tpu.memory_space<hbm>>) target(%dma_start3A_203 : memref<125x128xf32, #tpu.memory_space<vmem>>) offsets(%dma_start3A_206 : memref<125xi32, #tpu.memory_space<vmem>>) semaphore(%arg14 : memref<!tpu.dma_semaphore, #tpu.memory_space<semaphore_mem>>)
      }
      %scan3A_93 = arith.constant 19 : i32
      %dma_wait3A_94 = arith.constant 38 : i32
      %dma_wait3A_95 = arith.constant 0 : i32
      %dma_wait3A_96 = arith.constant 0 : i32
      %dma_wait3A_97 = tpu.memref_slice %arg10[%dma_wait3A_95, %dma_wait3A_96] : memref<128x128xf32, #tpu.memory_space<vmem>> -> memref<125x128xf32, #tpu.memory_space<vmem>>
      %dma_wait3A_98 = arith.constant 0 : i32
      %dma_wait3A_99 = tpu.memref_slice %arg8[%dma_wait3A_94, %dma_wait3A_98] : memref<40x125xi32, #tpu.memory_space<vmem>> -> memref<1x125xi32, #tpu.memory_space<vmem>>
      %dma_wait3A_100 = tpu.memref_squeeze %dma_wait3A_99 : memref<1x125xi32, #tpu.memory_space<vmem>> -> memref<125xi32, #tpu.memory_space<vmem>>
      %dma_wait3A_101 = arith.constant 0 : i32
      %dma_wait3A_102 = arith.constant 0 : i32
      %dma_wait3A_103 = tpu.memref_slice %arg2[%dma_wait3A_101, %dma_wait3A_102] : memref<10000x128xf32, #tpu.memory_space<hbm>> -> memref<10000x128xf32, #tpu.memory_space<hbm>>
      tpu.wait_indirect_dma semaphore(%arg13 : memref<!tpu.dma_semaphore, #tpu.memory_space<semaphore_mem>>) src(%dma_wait3A_103 : memref<10000x128xf32, #tpu.memory_space<hbm>>) dst(%dma_wait3A_97 : memref<125x128xf32, #tpu.memory_space<vmem>>)
      %run_scoped3A = arith.constant 38 : i32
      "tpu.region"() ({
        %run_scoped3A_163 = tpu.sem_alloc : memref<!tpu.dma_semaphore, #tpu.memory_space<semaphore_mem>>
        %dma_start3A_164 = arith.constant 0 : i32
        %dma_start3A_165 = arith.constant 0 : i32
        %dma_start3A_166 = tpu.memref_slice %arg10[%dma_start3A_164, %dma_start3A_165] : memref<128x128xf32, #tpu.memory_space<vmem>> -> memref<125x128xf32, #tpu.memory_space<vmem>>
        %dma_start3A_167 = arith.constant 0 : i32
        %dma_start3A_168 = tpu.memref_slice %arg9[%run_scoped3A, %dma_start3A_167] : memref<40x125xi32, #tpu.memory_space<vmem>> -> memref<1x125xi32, #tpu.memory_space<vmem>>
        %dma_start3A_169 = tpu.memref_squeeze %dma_start3A_168 : memref<1x125xi32, #tpu.memory_space<vmem>> -> memref<125xi32, #tpu.memory_space<vmem>>
        %dma_start3A_170 = arith.constant 0 : i32
        %dma_start3A_171 = arith.constant 0 : i32
        %dma_start3A_172 = tpu.memref_slice %arg12[%dma_start3A_170, %dma_start3A_171] : memref<10240x128xf32, #tpu.memory_space<vmem_shared>> -> memref<10240x128xf32, #tpu.memory_space<vmem_shared>>
        tpu.enqueue_indirect_dma source(%dma_start3A_166 : memref<125x128xf32, #tpu.memory_space<vmem>>) target(%dma_start3A_172 : memref<10240x128xf32, #tpu.memory_space<vmem_shared>>) offsets(%dma_start3A_169 : memref<125xi32, #tpu.memory_space<vmem>>) semaphore(%run_scoped3A_163 : memref<!tpu.dma_semaphore, #tpu.memory_space<semaphore_mem>>) {add = true}
        %dma_wait3A_173 = arith.constant 0 : i32
        %dma_wait3A_174 = arith.constant 0 : i32
        %dma_wait3A_175 = tpu.memref_slice %arg10[%dma_wait3A_173, %dma_wait3A_174] : memref<128x128xf32, #tpu.memory_space<vmem>> -> memref<125x128xf32, #tpu.memory_space<vmem>>
        %dma_wait3A_176 = arith.constant 0 : i32
        %dma_wait3A_177 = tpu.memref_slice %arg9[%run_scoped3A, %dma_wait3A_176] : memref<40x125xi32, #tpu.memory_space<vmem>> -> memref<1x125xi32, #tpu.memory_space<vmem>>
        %dma_wait3A_178 = tpu.memref_squeeze %dma_wait3A_177 : memref<1x125xi32, #tpu.memory_space<vmem>> -> memref<125xi32, #tpu.memory_space<vmem>>
        %dma_wait3A_179 = arith.constant 0 : i32
        %dma_wait3A_180 = arith.constant 0 : i32
        %dma_wait3A_181 = tpu.memref_slice %arg12[%dma_wait3A_179, %dma_wait3A_180] : memref<10240x128xf32, #tpu.memory_space<vmem_shared>> -> memref<10240x128xf32, #tpu.memory_space<vmem_shared>>
        tpu.wait_indirect_dma semaphore(%run_scoped3A_163 : memref<!tpu.dma_semaphore, #tpu.memory_space<semaphore_mem>>) src(%dma_wait3A_175 : memref<125x128xf32, #tpu.memory_space<vmem>>) dst(%dma_wait3A_181 : memref<10240x128xf32, #tpu.memory_space<vmem_shared>>)
        tpu.yield
      }) : () -> ()
      %dma_wait3A_104 = arith.constant 39 : i32
      %dma_wait3A_105 = arith.constant 0 : i32
      %dma_wait3A_106 = arith.constant 0 : i32
      %dma_wait3A_107 = tpu.memref_slice %arg11[%dma_wait3A_105, %dma_wait3A_106] : memref<125x128xf32, #tpu.memory_space<vmem>> -> memref<125x128xf32, #tpu.memory_space<vmem>>
      %dma_wait3A_108 = arith.constant 0 : i32
      %dma_wait3A_109 = tpu.memref_slice %arg8[%dma_wait3A_104, %dma_wait3A_108] : memref<40x125xi32, #tpu.memory_space<vmem>> -> memref<1x125xi32, #tpu.memory_space<vmem>>
      %dma_wait3A_110 = tpu.memref_squeeze %dma_wait3A_109 : memref<1x125xi32, #tpu.memory_space<vmem>> -> memref<125xi32, #tpu.memory_space<vmem>>
      %dma_wait3A_111 = arith.constant 0 : i32
      %dma_wait3A_112 = arith.constant 0 : i32
      %dma_wait3A_113 = tpu.memref_slice %arg2[%dma_wait3A_111, %dma_wait3A_112] : memref<10000x128xf32, #tpu.memory_space<hbm>> -> memref<10000x128xf32, #tpu.memory_space<hbm>>
      tpu.wait_indirect_dma semaphore(%arg14 : memref<!tpu.dma_semaphore, #tpu.memory_space<semaphore_mem>>) src(%dma_wait3A_113 : memref<10000x128xf32, #tpu.memory_space<hbm>>) dst(%dma_wait3A_107 : memref<125x128xf32, #tpu.memory_space<vmem>>)
      %run_scoped3A_114 = arith.constant 39 : i32
      "tpu.region"() ({
        %run_scoped3A_163 = tpu.sem_alloc : memref<!tpu.dma_semaphore, #tpu.memory_space<semaphore_mem>>
        %dma_start3A_164 = arith.constant 0 : i32
        %dma_start3A_165 = arith.constant 0 : i32
        %dma_start3A_166 = tpu.memref_slice %arg11[%dma_start3A_164, %dma_start3A_165] : memref<125x128xf32, #tpu.memory_space<vmem>> -> memref<125x128xf32, #tpu.memory_space<vmem>>
        %dma_start3A_167 = arith.constant 0 : i32
        %dma_start3A_168 = tpu.memref_slice %arg9[%run_scoped3A_114, %dma_start3A_167] : memref<40x125xi32, #tpu.memory_space<vmem>> -> memref<1x125xi32, #tpu.memory_space<vmem>>
        %dma_start3A_169 = tpu.memref_squeeze %dma_start3A_168 : memref<1x125xi32, #tpu.memory_space<vmem>> -> memref<125xi32, #tpu.memory_space<vmem>>
        %dma_start3A_170 = arith.constant 0 : i32
        %dma_start3A_171 = arith.constant 0 : i32
        %dma_start3A_172 = tpu.memref_slice %arg12[%dma_start3A_170, %dma_start3A_171] : memref<10240x128xf32, #tpu.memory_space<vmem_shared>> -> memref<10240x128xf32, #tpu.memory_space<vmem_shared>>
        tpu.enqueue_indirect_dma source(%dma_start3A_166 : memref<125x128xf32, #tpu.memory_space<vmem>>) target(%dma_start3A_172 : memref<10240x128xf32, #tpu.memory_space<vmem_shared>>) offsets(%dma_start3A_169 : memref<125xi32, #tpu.memory_space<vmem>>) semaphore(%run_scoped3A_163 : memref<!tpu.dma_semaphore, #tpu.memory_space<semaphore_mem>>) {add = true}
        %dma_wait3A_173 = arith.constant 0 : i32
        %dma_wait3A_174 = arith.constant 0 : i32
        %dma_wait3A_175 = tpu.memref_slice %arg11[%dma_wait3A_173, %dma_wait3A_174] : memref<125x128xf32, #tpu.memory_space<vmem>> -> memref<125x128xf32, #tpu.memory_space<vmem>>
        %dma_wait3A_176 = arith.constant 0 : i32
        %dma_wait3A_177 = tpu.memref_slice %arg9[%run_scoped3A_114, %dma_wait3A_176] : memref<40x125xi32, #tpu.memory_space<vmem>> -> memref<1x125xi32, #tpu.memory_space<vmem>>
        %dma_wait3A_178 = tpu.memref_squeeze %dma_wait3A_177 : memref<1x125xi32, #tpu.memory_space<vmem>> -> memref<125xi32, #tpu.memory_space<vmem>>
        %dma_wait3A_179 = arith.constant 0 : i32
        %dma_wait3A_180 = arith.constant 0 : i32
        %dma_wait3A_181 = tpu.memref_slice %arg12[%dma_wait3A_179, %dma_wait3A_180] : memref<10240x128xf32, #tpu.memory_space<vmem_shared>> -> memref<10240x128xf32, #tpu.memory_space<vmem_shared>>
        tpu.wait_indirect_dma semaphore(%run_scoped3A_163 : memref<!tpu.dma_semaphore, #tpu.memory_space<semaphore_mem>>) src(%dma_wait3A_175 : memref<125x128xf32, #tpu.memory_space<vmem>>) dst(%dma_wait3A_181 : memref<10240x128xf32, #tpu.memory_space<vmem_shared>>)
        tpu.yield
      }) : () -> ()
      "tpu.region"() ({
        %run_scoped3A_163 = tpu.sem_alloc : memref<!tpu.dma_semaphore, #tpu.memory_space<semaphore_mem>>
        %dma_start3A_164 = arith.constant 40 : i32
        %dma_start3A_165 = arith.constant 0 : i32
        %dma_start3A_166 = tpu.memref_slice %arg4[%arg1, %dma_start3A_164, %dma_start3A_165] : memref<16x80x125xi32, #tpu.memory_space<hbm>> -> memref<1x40x125xi32, #tpu.memory_space<hbm>>
        %dma_start3A_167 = tpu.memref_squeeze %dma_start3A_166 : memref<1x40x125xi32, #tpu.memory_space<hbm>> -> memref<40x125xi32, #tpu.memory_space<hbm>>
        %dma_start3A_168 = arith.constant 40 : i32
        %dma_start3A_169 = arith.constant 0 : i32
        %dma_start3A_170 = tpu.memref_slice %arg4[%arg1, %dma_start3A_168, %dma_start3A_169] : memref<16x80x125xi32, #tpu.memory_space<hbm>> -> memref<1x40x125xi32, #tpu.memory_space<hbm>>
        %dma_start3A_171 = tpu.memref_squeeze %dma_start3A_170 : memref<1x40x125xi32, #tpu.memory_space<hbm>> -> memref<40x125xi32, #tpu.memory_space<hbm>>
        tpu.enqueue_dma source(%dma_start3A_171 : memref<40x125xi32, #tpu.memory_space<hbm>>) target(%arg8 : memref<40x125xi32, #tpu.memory_space<vmem>>) target_semaphore(%run_scoped3A_163 : memref<!tpu.dma_semaphore, #tpu.memory_space<semaphore_mem>>)
        %dma_wait3A_172 = arith.constant 40 : i32
        %dma_wait3A_173 = arith.constant 0 : i32
        %dma_wait3A_174 = tpu.memref_slice %arg4[%arg1, %dma_wait3A_172, %dma_wait3A_173] : memref<16x80x125xi32, #tpu.memory_space<hbm>> -> memref<1x40x125xi32, #tpu.memory_space<hbm>>
        %dma_wait3A_175 = tpu.memref_squeeze %dma_wait3A_174 : memref<1x40x125xi32, #tpu.memory_space<hbm>> -> memref<40x125xi32, #tpu.memory_space<hbm>>
        %dma_wait3A_176 = arith.constant 40 : i32
        %dma_wait3A_177 = arith.constant 0 : i32
        %dma_wait3A_178 = tpu.memref_slice %arg4[%arg1, %dma_wait3A_176, %dma_wait3A_177] : memref<16x80x125xi32, #tpu.memory_space<hbm>> -> memref<1x40x125xi32, #tpu.memory_space<hbm>>
        %dma_wait3A_179 = tpu.memref_squeeze %dma_wait3A_178 : memref<1x40x125xi32, #tpu.memory_space<hbm>> -> memref<40x125xi32, #tpu.memory_space<hbm>>
        tpu.wait_dma2 semaphore(%run_scoped3A_163 : memref<!tpu.dma_semaphore, #tpu.memory_space<semaphore_mem>>) src(%dma_wait3A_179 : memref<40x125xi32, #tpu.memory_space<hbm>>) dst(%arg8 : memref<40x125xi32, #tpu.memory_space<vmem>>)
        tpu.yield
      }) : () -> ()
      "tpu.region"() ({
        %run_scoped3A_163 = tpu.sem_alloc : memref<!tpu.dma_semaphore, #tpu.memory_space<semaphore_mem>>
        %dma_start3A_164 = arith.constant 40 : i32
        %dma_start3A_165 = arith.constant 0 : i32
        %dma_start3A_166 = tpu.memref_slice %arg5[%arg1, %dma_start3A_164, %dma_start3A_165] : memref<16x80x125xi32, #tpu.memory_space<hbm>> -> memref<1x40x125xi32, #tpu.memory_space<hbm>>
        %dma_start3A_167 = tpu.memref_squeeze %dma_start3A_166 : memref<1x40x125xi32, #tpu.memory_space<hbm>> -> memref<40x125xi32, #tpu.memory_space<hbm>>
        %dma_start3A_168 = arith.constant 40 : i32
        %dma_start3A_169 = arith.constant 0 : i32
        %dma_start3A_170 = tpu.memref_slice %arg5[%arg1, %dma_start3A_168, %dma_start3A_169] : memref<16x80x125xi32, #tpu.memory_space<hbm>> -> memref<1x40x125xi32, #tpu.memory_space<hbm>>
        %dma_start3A_171 = tpu.memref_squeeze %dma_start3A_170 : memref<1x40x125xi32, #tpu.memory_space<hbm>> -> memref<40x125xi32, #tpu.memory_space<hbm>>
        tpu.enqueue_dma source(%dma_start3A_171 : memref<40x125xi32, #tpu.memory_space<hbm>>) target(%arg9 : memref<40x125xi32, #tpu.memory_space<vmem>>) target_semaphore(%run_scoped3A_163 : memref<!tpu.dma_semaphore, #tpu.memory_space<semaphore_mem>>)
        %dma_wait3A_172 = arith.constant 40 : i32
        %dma_wait3A_173 = arith.constant 0 : i32
        %dma_wait3A_174 = tpu.memref_slice %arg5[%arg1, %dma_wait3A_172, %dma_wait3A_173] : memref<16x80x125xi32, #tpu.memory_space<hbm>> -> memref<1x40x125xi32, #tpu.memory_space<hbm>>
        %dma_wait3A_175 = tpu.memref_squeeze %dma_wait3A_174 : memref<1x40x125xi32, #tpu.memory_space<hbm>> -> memref<40x125xi32, #tpu.memory_space<hbm>>
        %dma_wait3A_176 = arith.constant 40 : i32
        %dma_wait3A_177 = arith.constant 0 : i32
        %dma_wait3A_178 = tpu.memref_slice %arg5[%arg1, %dma_wait3A_176, %dma_wait3A_177] : memref<16x80x125xi32, #tpu.memory_space<hbm>> -> memref<1x40x125xi32, #tpu.memory_space<hbm>>
        %dma_wait3A_179 = tpu.memref_squeeze %dma_wait3A_178 : memref<1x40x125xi32, #tpu.memory_space<hbm>> -> memref<40x125xi32, #tpu.memory_space<hbm>>
        tpu.wait_dma2 semaphore(%run_scoped3A_163 : memref<!tpu.dma_semaphore, #tpu.memory_space<semaphore_mem>>) src(%dma_wait3A_179 : memref<40x125xi32, #tpu.memory_space<hbm>>) dst(%arg9 : memref<40x125xi32, #tpu.memory_space<vmem>>)
        tpu.yield
      }) : () -> ()
      %dma_start3A_115 = arith.constant 0 : i32
      %dma_start3A_116 = arith.constant 0 : i32
      %dma_start3A_117 = arith.constant 0 : i32
      %dma_start3A_118 = tpu.memref_slice %arg10[%dma_start3A_116, %dma_start3A_117] : memref<128x128xf32, #tpu.memory_space<vmem>> -> memref<125x128xf32, #tpu.memory_space<vmem>>
      %dma_start3A_119 = arith.constant 0 : i32
      %dma_start3A_120 = tpu.memref_slice %arg8[%dma_start3A_115, %dma_start3A_119] : memref<40x125xi32, #tpu.memory_space<vmem>> -> memref<1x125xi32, #tpu.memory_space<vmem>>
      %dma_start3A_121 = tpu.memref_squeeze %dma_start3A_120 : memref<1x125xi32, #tpu.memory_space<vmem>> -> memref<125xi32, #tpu.memory_space<vmem>>
      %dma_start3A_122 = arith.constant 0 : i32
      %dma_start3A_123 = arith.constant 0 : i32
      %dma_start3A_124 = tpu.memref_slice %arg2[%dma_start3A_122, %dma_start3A_123] : memref<10000x128xf32, #tpu.memory_space<hbm>> -> memref<10000x128xf32, #tpu.memory_space<hbm>>
      tpu.enqueue_indirect_dma source(%dma_start3A_124 : memref<10000x128xf32, #tpu.memory_space<hbm>>) target(%dma_start3A_118 : memref<125x128xf32, #tpu.memory_space<vmem>>) offsets(%dma_start3A_121 : memref<125xi32, #tpu.memory_space<vmem>>) semaphore(%arg13 : memref<!tpu.dma_semaphore, #tpu.memory_space<semaphore_mem>>)
      %dma_start3A_125 = arith.constant 1 : i32
      %dma_start3A_126 = arith.constant 0 : i32
      %dma_start3A_127 = arith.constant 0 : i32
      %dma_start3A_128 = tpu.memref_slice %arg11[%dma_start3A_126, %dma_start3A_127] : memref<125x128xf32, #tpu.memory_space<vmem>> -> memref<125x128xf32, #tpu.memory_space<vmem>>
      %dma_start3A_129 = arith.constant 0 : i32
      %dma_start3A_130 = tpu.memref_slice %arg8[%dma_start3A_125, %dma_start3A_129] : memref<40x125xi32, #tpu.memory_space<vmem>> -> memref<1x125xi32, #tpu.memory_space<vmem>>
      %dma_start3A_131 = tpu.memref_squeeze %dma_start3A_130 : memref<1x125xi32, #tpu.memory_space<vmem>> -> memref<125xi32, #tpu.memory_space<vmem>>
      %dma_start3A_132 = arith.constant 0 : i32
      %dma_start3A_133 = arith.constant 0 : i32
      %dma_start3A_134 = tpu.memref_slice %arg2[%dma_start3A_132, %dma_start3A_133] : memref<10000x128xf32, #tpu.memory_space<hbm>> -> memref<10000x128xf32, #tpu.memory_space<hbm>>
      tpu.enqueue_indirect_dma source(%dma_start3A_134 : memref<10000x128xf32, #tpu.memory_space<hbm>>) target(%dma_start3A_128 : memref<125x128xf32, #tpu.memory_space<vmem>>) offsets(%dma_start3A_131 : memref<125xi32, #tpu.memory_space<vmem>>) semaphore(%arg14 : memref<!tpu.dma_semaphore, #tpu.memory_space<semaphore_mem>>)
      %scan3A_135 = arith.constant 0 : i32
      %scan3A_136 = arith.constant 19 : i32
      %scan3A_137 = arith.addi %scan3A_135, %scan3A_136 : i32
      %scan3A_138 = arith.constant 1 : i32
      scf.for %scan3A_163 = %scan3A_135 to %scan3A_137 step %scan3A_138  : i32 {
        %mul3A_164 = arith.constant 2 : i32
        %mul3A_165 = arith.muli %mul3A_164, %scan3A_163 : i32
        %dma_wait3A_166 = arith.constant 0 : i32
        %dma_wait3A_167 = arith.constant 0 : i32
        %dma_wait3A_168 = tpu.memref_slice %arg10[%dma_wait3A_166, %dma_wait3A_167] : memref<128x128xf32, #tpu.memory_space<vmem>> -> memref<125x128xf32, #tpu.memory_space<vmem>>
        %dma_wait3A_169 = arith.constant 0 : i32
        %dma_wait3A_170 = tpu.memref_slice %arg8[%mul3A_165, %dma_wait3A_169] : memref<40x125xi32, #tpu.memory_space<vmem>> -> memref<1x125xi32, #tpu.memory_space<vmem>>
        %dma_wait3A_171 = tpu.memref_squeeze %dma_wait3A_170 : memref<1x125xi32, #tpu.memory_space<vmem>> -> memref<125xi32, #tpu.memory_space<vmem>>
        %dma_wait3A_172 = arith.constant 0 : i32
        %dma_wait3A_173 = arith.constant 0 : i32
        %dma_wait3A_174 = tpu.memref_slice %arg2[%dma_wait3A_172, %dma_wait3A_173] : memref<10000x128xf32, #tpu.memory_space<hbm>> -> memref<10000x128xf32, #tpu.memory_space<hbm>>
        tpu.wait_indirect_dma semaphore(%arg13 : memref<!tpu.dma_semaphore, #tpu.memory_space<semaphore_mem>>) src(%dma_wait3A_174 : memref<10000x128xf32, #tpu.memory_space<hbm>>) dst(%dma_wait3A_168 : memref<125x128xf32, #tpu.memory_space<vmem>>)
        "tpu.region"() ({
          %run_scoped3A_210 = tpu.sem_alloc : memref<!tpu.dma_semaphore, #tpu.memory_space<semaphore_mem>>
          %dma_start3A_211 = arith.constant 0 : i32
          %dma_start3A_212 = arith.constant 0 : i32
          %dma_start3A_213 = tpu.memref_slice %arg10[%dma_start3A_211, %dma_start3A_212] : memref<128x128xf32, #tpu.memory_space<vmem>> -> memref<125x128xf32, #tpu.memory_space<vmem>>
          %dma_start3A_214 = arith.constant 0 : i32
          %dma_start3A_215 = tpu.memref_slice %arg9[%mul3A_165, %dma_start3A_214] : memref<40x125xi32, #tpu.memory_space<vmem>> -> memref<1x125xi32, #tpu.memory_space<vmem>>
          %dma_start3A_216 = tpu.memref_squeeze %dma_start3A_215 : memref<1x125xi32, #tpu.memory_space<vmem>> -> memref<125xi32, #tpu.memory_space<vmem>>
          %dma_start3A_217 = arith.constant 0 : i32
          %dma_start3A_218 = arith.constant 0 : i32
          %dma_start3A_219 = tpu.memref_slice %arg12[%dma_start3A_217, %dma_start3A_218] : memref<10240x128xf32, #tpu.memory_space<vmem_shared>> -> memref<10240x128xf32, #tpu.memory_space<vmem_shared>>
          tpu.enqueue_indirect_dma source(%dma_start3A_213 : memref<125x128xf32, #tpu.memory_space<vmem>>) target(%dma_start3A_219 : memref<10240x128xf32, #tpu.memory_space<vmem_shared>>) offsets(%dma_start3A_216 : memref<125xi32, #tpu.memory_space<vmem>>) semaphore(%run_scoped3A_210 : memref<!tpu.dma_semaphore, #tpu.memory_space<semaphore_mem>>) {add = true}
          %dma_wait3A_220 = arith.constant 0 : i32
          %dma_wait3A_221 = arith.constant 0 : i32
          %dma_wait3A_222 = tpu.memref_slice %arg10[%dma_wait3A_220, %dma_wait3A_221] : memref<128x128xf32, #tpu.memory_space<vmem>> -> memref<125x128xf32, #tpu.memory_space<vmem>>
          %dma_wait3A_223 = arith.constant 0 : i32
          %dma_wait3A_224 = tpu.memref_slice %arg9[%mul3A_165, %dma_wait3A_223] : memref<40x125xi32, #tpu.memory_space<vmem>> -> memref<1x125xi32, #tpu.memory_space<vmem>>
          %dma_wait3A_225 = tpu.memref_squeeze %dma_wait3A_224 : memref<1x125xi32, #tpu.memory_space<vmem>> -> memref<125xi32, #tpu.memory_space<vmem>>
          %dma_wait3A_226 = arith.constant 0 : i32
          %dma_wait3A_227 = arith.constant 0 : i32
          %dma_wait3A_228 = tpu.memref_slice %arg12[%dma_wait3A_226, %dma_wait3A_227] : memref<10240x128xf32, #tpu.memory_space<vmem_shared>> -> memref<10240x128xf32, #tpu.memory_space<vmem_shared>>
          tpu.wait_indirect_dma semaphore(%run_scoped3A_210 : memref<!tpu.dma_semaphore, #tpu.memory_space<semaphore_mem>>) src(%dma_wait3A_222 : memref<125x128xf32, #tpu.memory_space<vmem>>) dst(%dma_wait3A_228 : memref<10240x128xf32, #tpu.memory_space<vmem_shared>>)
          tpu.yield
        }) : () -> ()
        %add3A_175 = arith.constant 2 : i32
        %add3A_176 = arith.addi %mul3A_165, %add3A_175 : i32
        %dma_start3A_177 = arith.constant 0 : i32
        %dma_start3A_178 = arith.constant 0 : i32
        %dma_start3A_179 = tpu.memref_slice %arg10[%dma_start3A_177, %dma_start3A_178] : memref<128x128xf32, #tpu.memory_space<vmem>> -> memref<125x128xf32, #tpu.memory_space<vmem>>
        %dma_start3A_180 = arith.constant 0 : i32
        %dma_start3A_181 = tpu.memref_slice %arg8[%add3A_176, %dma_start3A_180] : memref<40x125xi32, #tpu.memory_space<vmem>> -> memref<1x125xi32, #tpu.memory_space<vmem>>
        %dma_start3A_182 = tpu.memref_squeeze %dma_start3A_181 : memref<1x125xi32, #tpu.memory_space<vmem>> -> memref<125xi32, #tpu.memory_space<vmem>>
        %dma_start3A_183 = arith.constant 0 : i32
        %dma_start3A_184 = arith.constant 0 : i32
        %dma_start3A_185 = tpu.memref_slice %arg2[%dma_start3A_183, %dma_start3A_184] : memref<10000x128xf32, #tpu.memory_space<hbm>> -> memref<10000x128xf32, #tpu.memory_space<hbm>>
        tpu.enqueue_indirect_dma source(%dma_start3A_185 : memref<10000x128xf32, #tpu.memory_space<hbm>>) target(%dma_start3A_179 : memref<125x128xf32, #tpu.memory_space<vmem>>) offsets(%dma_start3A_182 : memref<125xi32, #tpu.memory_space<vmem>>) semaphore(%arg13 : memref<!tpu.dma_semaphore, #tpu.memory_space<semaphore_mem>>)
        %mul3A_186 = arith.constant 2 : i32
        %mul3A_187 = arith.muli %mul3A_186, %scan3A_163 : i32
        %add3A_188 = arith.constant 1 : i32
        %add3A_189 = arith.addi %mul3A_187, %add3A_188 : i32
        %dma_wait3A_190 = arith.constant 0 : i32
        %dma_wait3A_191 = arith.constant 0 : i32
        %dma_wait3A_192 = tpu.memref_slice %arg11[%dma_wait3A_190, %dma_wait3A_191] : memref<125x128xf32, #tpu.memory_space<vmem>> -> memref<125x128xf32, #tpu.memory_space<vmem>>
        %dma_wait3A_193 = arith.constant 0 : i32
        %dma_wait3A_194 = tpu.memref_slice %arg8[%add3A_189, %dma_wait3A_193] : memref<40x125xi32, #tpu.memory_space<vmem>> -> memref<1x125xi32, #tpu.memory_space<vmem>>
        %dma_wait3A_195 = tpu.memref_squeeze %dma_wait3A_194 : memref<1x125xi32, #tpu.memory_space<vmem>> -> memref<125xi32, #tpu.memory_space<vmem>>
        %dma_wait3A_196 = arith.constant 0 : i32
        %dma_wait3A_197 = arith.constant 0 : i32
        %dma_wait3A_198 = tpu.memref_slice %arg2[%dma_wait3A_196, %dma_wait3A_197] : memref<10000x128xf32, #tpu.memory_space<hbm>> -> memref<10000x128xf32, #tpu.memory_space<hbm>>
        tpu.wait_indirect_dma semaphore(%arg14 : memref<!tpu.dma_semaphore, #tpu.memory_space<semaphore_mem>>) src(%dma_wait3A_198 : memref<10000x128xf32, #tpu.memory_space<hbm>>) dst(%dma_wait3A_192 : memref<125x128xf32, #tpu.memory_space<vmem>>)
        "tpu.region"() ({
          %run_scoped3A_210 = tpu.sem_alloc : memref<!tpu.dma_semaphore, #tpu.memory_space<semaphore_mem>>
          %dma_start3A_211 = arith.constant 0 : i32
          %dma_start3A_212 = arith.constant 0 : i32
          %dma_start3A_213 = tpu.memref_slice %arg11[%dma_start3A_211, %dma_start3A_212] : memref<125x128xf32, #tpu.memory_space<vmem>> -> memref<125x128xf32, #tpu.memory_space<vmem>>
          %dma_start3A_214 = arith.constant 0 : i32
          %dma_start3A_215 = tpu.memref_slice %arg9[%add3A_189, %dma_start3A_214] : memref<40x125xi32, #tpu.memory_space<vmem>> -> memref<1x125xi32, #tpu.memory_space<vmem>>
          %dma_start3A_216 = tpu.memref_squeeze %dma_start3A_215 : memref<1x125xi32, #tpu.memory_space<vmem>> -> memref<125xi32, #tpu.memory_space<vmem>>
          %dma_start3A_217 = arith.constant 0 : i32
          %dma_start3A_218 = arith.constant 0 : i32
          %dma_start3A_219 = tpu.memref_slice %arg12[%dma_start3A_217, %dma_start3A_218] : memref<10240x128xf32, #tpu.memory_space<vmem_shared>> -> memref<10240x128xf32, #tpu.memory_space<vmem_shared>>
          tpu.enqueue_indirect_dma source(%dma_start3A_213 : memref<125x128xf32, #tpu.memory_space<vmem>>) target(%dma_start3A_219 : memref<10240x128xf32, #tpu.memory_space<vmem_shared>>) offsets(%dma_start3A_216 : memref<125xi32, #tpu.memory_space<vmem>>) semaphore(%run_scoped3A_210 : memref<!tpu.dma_semaphore, #tpu.memory_space<semaphore_mem>>) {add = true}
          %dma_wait3A_220 = arith.constant 0 : i32
          %dma_wait3A_221 = arith.constant 0 : i32
          %dma_wait3A_222 = tpu.memref_slice %arg11[%dma_wait3A_220, %dma_wait3A_221] : memref<125x128xf32, #tpu.memory_space<vmem>> -> memref<125x128xf32, #tpu.memory_space<vmem>>
          %dma_wait3A_223 = arith.constant 0 : i32
          %dma_wait3A_224 = tpu.memref_slice %arg9[%add3A_189, %dma_wait3A_223] : memref<40x125xi32, #tpu.memory_space<vmem>> -> memref<1x125xi32, #tpu.memory_space<vmem>>
          %dma_wait3A_225 = tpu.memref_squeeze %dma_wait3A_224 : memref<1x125xi32, #tpu.memory_space<vmem>> -> memref<125xi32, #tpu.memory_space<vmem>>
          %dma_wait3A_226 = arith.constant 0 : i32
          %dma_wait3A_227 = arith.constant 0 : i32
          %dma_wait3A_228 = tpu.memref_slice %arg12[%dma_wait3A_226, %dma_wait3A_227] : memref<10240x128xf32, #tpu.memory_space<vmem_shared>> -> memref<10240x128xf32, #tpu.memory_space<vmem_shared>>
          tpu.wait_indirect_dma semaphore(%run_scoped3A_210 : memref<!tpu.dma_semaphore, #tpu.memory_space<semaphore_mem>>) src(%dma_wait3A_222 : memref<125x128xf32, #tpu.memory_space<vmem>>) dst(%dma_wait3A_228 : memref<10240x128xf32, #tpu.memory_space<vmem_shared>>)
          tpu.yield
        }) : () -> ()
        %add3A_199 = arith.constant 2 : i32
        %add3A_200 = arith.addi %add3A_189, %add3A_199 : i32
        %dma_start3A_201 = arith.constant 0 : i32
        %dma_start3A_202 = arith.constant 0 : i32
        %dma_start3A_203 = tpu.memref_slice %arg11[%dma_start3A_201, %dma_start3A_202] : memref<125x128xf32, #tpu.memory_space<vmem>> -> memref<125x128xf32, #tpu.memory_space<vmem>>
        %dma_start3A_204 = arith.constant 0 : i32
        %dma_start3A_205 = tpu.memref_slice %arg8[%add3A_200, %dma_start3A_204] : memref<40x125xi32, #tpu.memory_space<vmem>> -> memref<1x125xi32, #tpu.memory_space<vmem>>
        %dma_start3A_206 = tpu.memref_squeeze %dma_start3A_205 : memref<1x125xi32, #tpu.memory_space<vmem>> -> memref<125xi32, #tpu.memory_space<vmem>>
        %dma_start3A_207 = arith.constant 0 : i32
        %dma_start3A_208 = arith.constant 0 : i32
        %dma_start3A_209 = tpu.memref_slice %arg2[%dma_start3A_207, %dma_start3A_208] : memref<10000x128xf32, #tpu.memory_space<hbm>> -> memref<10000x128xf32, #tpu.memory_space<hbm>>
        tpu.enqueue_indirect_dma source(%dma_start3A_209 : memref<10000x128xf32, #tpu.memory_space<hbm>>) target(%dma_start3A_203 : memref<125x128xf32, #tpu.memory_space<vmem>>) offsets(%dma_start3A_206 : memref<125xi32, #tpu.memory_space<vmem>>) semaphore(%arg14 : memref<!tpu.dma_semaphore, #tpu.memory_space<semaphore_mem>>)
      }
      %scan3A_139 = arith.constant 19 : i32
      %dma_wait3A_140 = arith.constant 38 : i32
      %dma_wait3A_141 = arith.constant 0 : i32
      %dma_wait3A_142 = arith.constant 0 : i32
      %dma_wait3A_143 = tpu.memref_slice %arg10[%dma_wait3A_141, %dma_wait3A_142] : memref<128x128xf32, #tpu.memory_space<vmem>> -> memref<125x128xf32, #tpu.memory_space<vmem>>
      %dma_wait3A_144 = arith.constant 0 : i32
      %dma_wait3A_145 = tpu.memref_slice %arg8[%dma_wait3A_140, %dma_wait3A_144] : memref<40x125xi32, #tpu.memory_space<vmem>> -> memref<1x125xi32, #tpu.memory_space<vmem>>
      %dma_wait3A_146 = tpu.memref_squeeze %dma_wait3A_145 : memref<1x125xi32, #tpu.memory_space<vmem>> -> memref<125xi32, #tpu.memory_space<vmem>>
      %dma_wait3A_147 = arith.constant 0 : i32
      %dma_wait3A_148 = arith.constant 0 : i32
      %dma_wait3A_149 = tpu.memref_slice %arg2[%dma_wait3A_147, %dma_wait3A_148] : memref<10000x128xf32, #tpu.memory_space<hbm>> -> memref<10000x128xf32, #tpu.memory_space<hbm>>
      tpu.wait_indirect_dma semaphore(%arg13 : memref<!tpu.dma_semaphore, #tpu.memory_space<semaphore_mem>>) src(%dma_wait3A_149 : memref<10000x128xf32, #tpu.memory_space<hbm>>) dst(%dma_wait3A_143 : memref<125x128xf32, #tpu.memory_space<vmem>>)
      %run_scoped3A_150 = arith.constant 38 : i32
      "tpu.region"() ({
        %run_scoped3A_163 = tpu.sem_alloc : memref<!tpu.dma_semaphore, #tpu.memory_space<semaphore_mem>>
        %dma_start3A_164 = arith.constant 0 : i32
        %dma_start3A_165 = arith.constant 0 : i32
        %dma_start3A_166 = tpu.memref_slice %arg10[%dma_start3A_164, %dma_start3A_165] : memref<128x128xf32, #tpu.memory_space<vmem>> -> memref<125x128xf32, #tpu.memory_space<vmem>>
        %dma_start3A_167 = arith.constant 0 : i32
        %dma_start3A_168 = tpu.memref_slice %arg9[%run_scoped3A_150, %dma_start3A_167] : memref<40x125xi32, #tpu.memory_space<vmem>> -> memref<1x125xi32, #tpu.memory_space<vmem>>
        %dma_start3A_169 = tpu.memref_squeeze %dma_start3A_168 : memref<1x125xi32, #tpu.memory_space<vmem>> -> memref<125xi32, #tpu.memory_space<vmem>>
        %dma_start3A_170 = arith.constant 0 : i32
        %dma_start3A_171 = arith.constant 0 : i32
        %dma_start3A_172 = tpu.memref_slice %arg12[%dma_start3A_170, %dma_start3A_171] : memref<10240x128xf32, #tpu.memory_space<vmem_shared>> -> memref<10240x128xf32, #tpu.memory_space<vmem_shared>>
        tpu.enqueue_indirect_dma source(%dma_start3A_166 : memref<125x128xf32, #tpu.memory_space<vmem>>) target(%dma_start3A_172 : memref<10240x128xf32, #tpu.memory_space<vmem_shared>>) offsets(%dma_start3A_169 : memref<125xi32, #tpu.memory_space<vmem>>) semaphore(%run_scoped3A_163 : memref<!tpu.dma_semaphore, #tpu.memory_space<semaphore_mem>>) {add = true}
        %dma_wait3A_173 = arith.constant 0 : i32
        %dma_wait3A_174 = arith.constant 0 : i32
        %dma_wait3A_175 = tpu.memref_slice %arg10[%dma_wait3A_173, %dma_wait3A_174] : memref<128x128xf32, #tpu.memory_space<vmem>> -> memref<125x128xf32, #tpu.memory_space<vmem>>
        %dma_wait3A_176 = arith.constant 0 : i32
        %dma_wait3A_177 = tpu.memref_slice %arg9[%run_scoped3A_150, %dma_wait3A_176] : memref<40x125xi32, #tpu.memory_space<vmem>> -> memref<1x125xi32, #tpu.memory_space<vmem>>
        %dma_wait3A_178 = tpu.memref_squeeze %dma_wait3A_177 : memref<1x125xi32, #tpu.memory_space<vmem>> -> memref<125xi32, #tpu.memory_space<vmem>>
        %dma_wait3A_179 = arith.constant 0 : i32
        %dma_wait3A_180 = arith.constant 0 : i32
        %dma_wait3A_181 = tpu.memref_slice %arg12[%dma_wait3A_179, %dma_wait3A_180] : memref<10240x128xf32, #tpu.memory_space<vmem_shared>> -> memref<10240x128xf32, #tpu.memory_space<vmem_shared>>
        tpu.wait_indirect_dma semaphore(%run_scoped3A_163 : memref<!tpu.dma_semaphore, #tpu.memory_space<semaphore_mem>>) src(%dma_wait3A_175 : memref<125x128xf32, #tpu.memory_space<vmem>>) dst(%dma_wait3A_181 : memref<10240x128xf32, #tpu.memory_space<vmem_shared>>)
        tpu.yield
      }) : () -> ()
      %dma_wait3A_151 = arith.constant 39 : i32
      %dma_wait3A_152 = arith.constant 0 : i32
      %dma_wait3A_153 = arith.constant 0 : i32
      %dma_wait3A_154 = tpu.memref_slice %arg11[%dma_wait3A_152, %dma_wait3A_153] : memref<125x128xf32, #tpu.memory_space<vmem>> -> memref<125x128xf32, #tpu.memory_space<vmem>>
      %dma_wait3A_155 = arith.constant 0 : i32
      %dma_wait3A_156 = tpu.memref_slice %arg8[%dma_wait3A_151, %dma_wait3A_155] : memref<40x125xi32, #tpu.memory_space<vmem>> -> memref<1x125xi32, #tpu.memory_space<vmem>>
      %dma_wait3A_157 = tpu.memref_squeeze %dma_wait3A_156 : memref<1x125xi32, #tpu.memory_space<vmem>> -> memref<125xi32, #tpu.memory_space<vmem>>
      %dma_wait3A_158 = arith.constant 0 : i32
      %dma_wait3A_159 = arith.constant 0 : i32
      %dma_wait3A_160 = tpu.memref_slice %arg2[%dma_wait3A_158, %dma_wait3A_159] : memref<10000x128xf32, #tpu.memory_space<hbm>> -> memref<10000x128xf32, #tpu.memory_space<hbm>>
      tpu.wait_indirect_dma semaphore(%arg14 : memref<!tpu.dma_semaphore, #tpu.memory_space<semaphore_mem>>) src(%dma_wait3A_160 : memref<10000x128xf32, #tpu.memory_space<hbm>>) dst(%dma_wait3A_154 : memref<125x128xf32, #tpu.memory_space<vmem>>)
      %run_scoped3A_161 = arith.constant 39 : i32
      "tpu.region"() ({
        %run_scoped3A_163 = tpu.sem_alloc : memref<!tpu.dma_semaphore, #tpu.memory_space<semaphore_mem>>
        %dma_start3A_164 = arith.constant 0 : i32
        %dma_start3A_165 = arith.constant 0 : i32
        %dma_start3A_166 = tpu.memref_slice %arg11[%dma_start3A_164, %dma_start3A_165] : memref<125x128xf32, #tpu.memory_space<vmem>> -> memref<125x128xf32, #tpu.memory_space<vmem>>
        %dma_start3A_167 = arith.constant 0 : i32
        %dma_start3A_168 = tpu.memref_slice %arg9[%run_scoped3A_161, %dma_start3A_167] : memref<40x125xi32, #tpu.memory_space<vmem>> -> memref<1x125xi32, #tpu.memory_space<vmem>>
        %dma_start3A_169 = tpu.memref_squeeze %dma_start3A_168 : memref<1x125xi32, #tpu.memory_space<vmem>> -> memref<125xi32, #tpu.memory_space<vmem>>
        %dma_start3A_170 = arith.constant 0 : i32
        %dma_start3A_171 = arith.constant 0 : i32
        %dma_start3A_172 = tpu.memref_slice %arg12[%dma_start3A_170, %dma_start3A_171] : memref<10240x128xf32, #tpu.memory_space<vmem_shared>> -> memref<10240x128xf32, #tpu.memory_space<vmem_shared>>
        tpu.enqueue_indirect_dma source(%dma_start3A_166 : memref<125x128xf32, #tpu.memory_space<vmem>>) target(%dma_start3A_172 : memref<10240x128xf32, #tpu.memory_space<vmem_shared>>) offsets(%dma_start3A_169 : memref<125xi32, #tpu.memory_space<vmem>>) semaphore(%run_scoped3A_163 : memref<!tpu.dma_semaphore, #tpu.memory_space<semaphore_mem>>) {add = true}
        %dma_wait3A_173 = arith.constant 0 : i32
        %dma_wait3A_174 = arith.constant 0 : i32
        %dma_wait3A_175 = tpu.memref_slice %arg11[%dma_wait3A_173, %dma_wait3A_174] : memref<125x128xf32, #tpu.memory_space<vmem>> -> memref<125x128xf32, #tpu.memory_space<vmem>>
        %dma_wait3A_176 = arith.constant 0 : i32
        %dma_wait3A_177 = tpu.memref_slice %arg9[%run_scoped3A_161, %dma_wait3A_176] : memref<40x125xi32, #tpu.memory_space<vmem>> -> memref<1x125xi32, #tpu.memory_space<vmem>>
        %dma_wait3A_178 = tpu.memref_squeeze %dma_wait3A_177 : memref<1x125xi32, #tpu.memory_space<vmem>> -> memref<125xi32, #tpu.memory_space<vmem>>
        %dma_wait3A_179 = arith.constant 0 : i32
        %dma_wait3A_180 = arith.constant 0 : i32
        %dma_wait3A_181 = tpu.memref_slice %arg12[%dma_wait3A_179, %dma_wait3A_180] : memref<10240x128xf32, #tpu.memory_space<vmem_shared>> -> memref<10240x128xf32, #tpu.memory_space<vmem_shared>>
        tpu.wait_indirect_dma semaphore(%run_scoped3A_163 : memref<!tpu.dma_semaphore, #tpu.memory_space<semaphore_mem>>) src(%dma_wait3A_175 : memref<125x128xf32, #tpu.memory_space<vmem>>) dst(%dma_wait3A_181 : memref<10240x128xf32, #tpu.memory_space<vmem_shared>>)
        tpu.yield
      }) : () -> ()
      %barrier3A_162 = arith.constant 0 : index
      tpu.barrier barrier_id(%barrier3A_162)
      "tpu.region"() ({
        %run_scoped3A_163 = tpu.sem_alloc : memref<!tpu.dma_semaphore, #tpu.memory_space<semaphore_mem>>
        %dma_start3A_164 = arith.constant 0 : i32
        %dma_start3A_165 = tpu.memref_slice %arg6[%mul3A_4, %dma_start3A_164] : memref<10240x128xf32, #tpu.memory_space<hbm>> -> memref<640x128xf32, #tpu.memory_space<hbm>>
        %dma_start3A_166 = arith.constant 0 : i32
        %dma_start3A_167 = tpu.memref_slice %arg12[%mul3A_4, %dma_start3A_166] : memref<10240x128xf32, #tpu.memory_space<vmem_shared>> -> memref<640x128xf32, #tpu.memory_space<vmem_shared>>
        tpu.enqueue_dma source(%dma_start3A_167 : memref<640x128xf32, #tpu.memory_space<vmem_shared>>) target(%dma_start3A_165 : memref<640x128xf32, #tpu.memory_space<hbm>>) target_semaphore(%run_scoped3A_163 : memref<!tpu.dma_semaphore, #tpu.memory_space<semaphore_mem>>)
        %dma_wait3A_168 = arith.constant 0 : i32
        %dma_wait3A_169 = tpu.memref_slice %arg6[%mul3A_4, %dma_wait3A_168] : memref<10240x128xf32, #tpu.memory_space<hbm>> -> memref<640x128xf32, #tpu.memory_space<hbm>>
        %dma_wait3A_170 = arith.constant 0 : i32
        %dma_wait3A_171 = tpu.memref_slice %arg12[%mul3A_4, %dma_wait3A_170] : memref<10240x128xf32, #tpu.memory_space<vmem_shared>> -> memref<640x128xf32, #tpu.memory_space<vmem_shared>>
        tpu.wait_dma2 semaphore(%run_scoped3A_163 : memref<!tpu.dma_semaphore, #tpu.memory_space<semaphore_mem>>) src(%dma_wait3A_171 : memref<640x128xf32, #tpu.memory_space<vmem_shared>>) dst(%dma_wait3A_169 : memref<640x128xf32, #tpu.memory_space<hbm>>)
        tpu.yield
      }) : () -> ()
    } else {
    }
    %eq3A_64 = arith.constant 1 : i32
    %eq3A_65 = arith.cmpi eq, %arg0, %eq3A_64 : i32
    %convert_element_type3A_66 = arith.extui %eq3A_65 : i1 to i32
    %cond3A_67 = arith.constant 0 : i32
    %cond3A_68 = arith.cmpi ne, %convert_element_type3A_66, %cond3A_67 : i32
    scf.if %cond3A_68 {
      %dma_start3A_69 = arith.constant 0 : i32
      %dma_start3A_70 = arith.constant 0 : i32
      %dma_start3A_71 = arith.constant 0 : i32
      %dma_start3A_72 = tpu.memref_slice %arg10[%dma_start3A_70, %dma_start3A_71] : memref<128x128xf32, #tpu.memory_space<vmem>> -> memref<125x128xf32, #tpu.memory_space<vmem>>
      %dma_start3A_73 = arith.constant 0 : i32
      %dma_start3A_74 = tpu.memref_slice %arg8[%dma_start3A_69, %dma_start3A_73] : memref<40x125xi32, #tpu.memory_space<vmem>> -> memref<1x125xi32, #tpu.memory_space<vmem>>
      %dma_start3A_75 = tpu.memref_squeeze %dma_start3A_74 : memref<1x125xi32, #tpu.memory_space<vmem>> -> memref<125xi32, #tpu.memory_space<vmem>>
      %dma_start3A_76 = arith.constant 0 : i32
      %dma_start3A_77 = arith.constant 0 : i32
      %dma_start3A_78 = tpu.memref_slice %arg3[%dma_start3A_76, %dma_start3A_77] : memref<10000x128xf32, #tpu.memory_space<hbm>> -> memref<10000x128xf32, #tpu.memory_space<hbm>>
      tpu.enqueue_indirect_dma source(%dma_start3A_78 : memref<10000x128xf32, #tpu.memory_space<hbm>>) target(%dma_start3A_72 : memref<125x128xf32, #tpu.memory_space<vmem>>) offsets(%dma_start3A_75 : memref<125xi32, #tpu.memory_space<vmem>>) semaphore(%arg13 : memref<!tpu.dma_semaphore, #tpu.memory_space<semaphore_mem>>)
      %dma_start3A_79 = arith.constant 1 : i32
      %dma_start3A_80 = arith.constant 0 : i32
      %dma_start3A_81 = arith.constant 0 : i32
      %dma_start3A_82 = tpu.memref_slice %arg11[%dma_start3A_80, %dma_start3A_81] : memref<125x128xf32, #tpu.memory_space<vmem>> -> memref<125x128xf32, #tpu.memory_space<vmem>>
      %dma_start3A_83 = arith.constant 0 : i32
      %dma_start3A_84 = tpu.memref_slice %arg8[%dma_start3A_79, %dma_start3A_83] : memref<40x125xi32, #tpu.memory_space<vmem>> -> memref<1x125xi32, #tpu.memory_space<vmem>>
      %dma_start3A_85 = tpu.memref_squeeze %dma_start3A_84 : memref<1x125xi32, #tpu.memory_space<vmem>> -> memref<125xi32, #tpu.memory_space<vmem>>
      %dma_start3A_86 = arith.constant 0 : i32
      %dma_start3A_87 = arith.constant 0 : i32
      %dma_start3A_88 = tpu.memref_slice %arg3[%dma_start3A_86, %dma_start3A_87] : memref<10000x128xf32, #tpu.memory_space<hbm>> -> memref<10000x128xf32, #tpu.memory_space<hbm>>
      tpu.enqueue_indirect_dma source(%dma_start3A_88 : memref<10000x128xf32, #tpu.memory_space<hbm>>) target(%dma_start3A_82 : memref<125x128xf32, #tpu.memory_space<vmem>>) offsets(%dma_start3A_85 : memref<125xi32, #tpu.memory_space<vmem>>) semaphore(%arg14 : memref<!tpu.dma_semaphore, #tpu.memory_space<semaphore_mem>>)
      %scan3A_89 = arith.constant 0 : i32
      %scan3A_90 = arith.constant 19 : i32
      %scan3A_91 = arith.addi %scan3A_89, %scan3A_90 : i32
      %scan3A_92 = arith.constant 1 : i32
      scf.for %scan3A_163 = %scan3A_89 to %scan3A_91 step %scan3A_92  : i32 {
        %mul3A_164 = arith.constant 2 : i32
        %mul3A_165 = arith.muli %mul3A_164, %scan3A_163 : i32
        %dma_wait3A_166 = arith.constant 0 : i32
        %dma_wait3A_167 = arith.constant 0 : i32
        %dma_wait3A_168 = tpu.memref_slice %arg10[%dma_wait3A_166, %dma_wait3A_167] : memref<128x128xf32, #tpu.memory_space<vmem>> -> memref<125x128xf32, #tpu.memory_space<vmem>>
        %dma_wait3A_169 = arith.constant 0 : i32
        %dma_wait3A_170 = tpu.memref_slice %arg8[%mul3A_165, %dma_wait3A_169] : memref<40x125xi32, #tpu.memory_space<vmem>> -> memref<1x125xi32, #tpu.memory_space<vmem>>
        %dma_wait3A_171 = tpu.memref_squeeze %dma_wait3A_170 : memref<1x125xi32, #tpu.memory_space<vmem>> -> memref<125xi32, #tpu.memory_space<vmem>>
        %dma_wait3A_172 = arith.constant 0 : i32
        %dma_wait3A_173 = arith.constant 0 : i32
        %dma_wait3A_174 = tpu.memref_slice %arg3[%dma_wait3A_172, %dma_wait3A_173] : memref<10000x128xf32, #tpu.memory_space<hbm>> -> memref<10000x128xf32, #tpu.memory_space<hbm>>
        tpu.wait_indirect_dma semaphore(%arg13 : memref<!tpu.dma_semaphore, #tpu.memory_space<semaphore_mem>>) src(%dma_wait3A_174 : memref<10000x128xf32, #tpu.memory_space<hbm>>) dst(%dma_wait3A_168 : memref<125x128xf32, #tpu.memory_space<vmem>>)
        "tpu.region"() ({
          %run_scoped3A_210 = tpu.sem_alloc : memref<!tpu.dma_semaphore, #tpu.memory_space<semaphore_mem>>
          %dma_start3A_211 = arith.constant 0 : i32
          %dma_start3A_212 = arith.constant 0 : i32
          %dma_start3A_213 = tpu.memref_slice %arg10[%dma_start3A_211, %dma_start3A_212] : memref<128x128xf32, #tpu.memory_space<vmem>> -> memref<125x128xf32, #tpu.memory_space<vmem>>
          %dma_start3A_214 = arith.constant 0 : i32
          %dma_start3A_215 = tpu.memref_slice %arg9[%mul3A_165, %dma_start3A_214] : memref<40x125xi32, #tpu.memory_space<vmem>> -> memref<1x125xi32, #tpu.memory_space<vmem>>
          %dma_start3A_216 = tpu.memref_squeeze %dma_start3A_215 : memref<1x125xi32, #tpu.memory_space<vmem>> -> memref<125xi32, #tpu.memory_space<vmem>>
          %dma_start3A_217 = arith.constant 0 : i32
          %dma_start3A_218 = arith.constant 0 : i32
          %dma_start3A_219 = tpu.memref_slice %arg12[%dma_start3A_217, %dma_start3A_218] : memref<10240x128xf32, #tpu.memory_space<vmem_shared>> -> memref<10240x128xf32, #tpu.memory_space<vmem_shared>>
          tpu.enqueue_indirect_dma source(%dma_start3A_213 : memref<125x128xf32, #tpu.memory_space<vmem>>) target(%dma_start3A_219 : memref<10240x128xf32, #tpu.memory_space<vmem_shared>>) offsets(%dma_start3A_216 : memref<125xi32, #tpu.memory_space<vmem>>) semaphore(%run_scoped3A_210 : memref<!tpu.dma_semaphore, #tpu.memory_space<semaphore_mem>>) {add = true}
          %dma_wait3A_220 = arith.constant 0 : i32
          %dma_wait3A_221 = arith.constant 0 : i32
          %dma_wait3A_222 = tpu.memref_slice %arg10[%dma_wait3A_220, %dma_wait3A_221] : memref<128x128xf32, #tpu.memory_space<vmem>> -> memref<125x128xf32, #tpu.memory_space<vmem>>
          %dma_wait3A_223 = arith.constant 0 : i32
          %dma_wait3A_224 = tpu.memref_slice %arg9[%mul3A_165, %dma_wait3A_223] : memref<40x125xi32, #tpu.memory_space<vmem>> -> memref<1x125xi32, #tpu.memory_space<vmem>>
          %dma_wait3A_225 = tpu.memref_squeeze %dma_wait3A_224 : memref<1x125xi32, #tpu.memory_space<vmem>> -> memref<125xi32, #tpu.memory_space<vmem>>
          %dma_wait3A_226 = arith.constant 0 : i32
          %dma_wait3A_227 = arith.constant 0 : i32
          %dma_wait3A_228 = tpu.memref_slice %arg12[%dma_wait3A_226, %dma_wait3A_227] : memref<10240x128xf32, #tpu.memory_space<vmem_shared>> -> memref<10240x128xf32, #tpu.memory_space<vmem_shared>>
          tpu.wait_indirect_dma semaphore(%run_scoped3A_210 : memref<!tpu.dma_semaphore, #tpu.memory_space<semaphore_mem>>) src(%dma_wait3A_222 : memref<125x128xf32, #tpu.memory_space<vmem>>) dst(%dma_wait3A_228 : memref<10240x128xf32, #tpu.memory_space<vmem_shared>>)
          tpu.yield
        }) : () -> ()
        %add3A_175 = arith.constant 2 : i32
        %add3A_176 = arith.addi %mul3A_165, %add3A_175 : i32
        %dma_start3A_177 = arith.constant 0 : i32
        %dma_start3A_178 = arith.constant 0 : i32
        %dma_start3A_179 = tpu.memref_slice %arg10[%dma_start3A_177, %dma_start3A_178] : memref<128x128xf32, #tpu.memory_space<vmem>> -> memref<125x128xf32, #tpu.memory_space<vmem>>
        %dma_start3A_180 = arith.constant 0 : i32
        %dma_start3A_181 = tpu.memref_slice %arg8[%add3A_176, %dma_start3A_180] : memref<40x125xi32, #tpu.memory_space<vmem>> -> memref<1x125xi32, #tpu.memory_space<vmem>>
        %dma_start3A_182 = tpu.memref_squeeze %dma_start3A_181 : memref<1x125xi32, #tpu.memory_space<vmem>> -> memref<125xi32, #tpu.memory_space<vmem>>
        %dma_start3A_183 = arith.constant 0 : i32
        %dma_start3A_184 = arith.constant 0 : i32
        %dma_start3A_185 = tpu.memref_slice %arg3[%dma_start3A_183, %dma_start3A_184] : memref<10000x128xf32, #tpu.memory_space<hbm>> -> memref<10000x128xf32, #tpu.memory_space<hbm>>
        tpu.enqueue_indirect_dma source(%dma_start3A_185 : memref<10000x128xf32, #tpu.memory_space<hbm>>) target(%dma_start3A_179 : memref<125x128xf32, #tpu.memory_space<vmem>>) offsets(%dma_start3A_182 : memref<125xi32, #tpu.memory_space<vmem>>) semaphore(%arg13 : memref<!tpu.dma_semaphore, #tpu.memory_space<semaphore_mem>>)
        %mul3A_186 = arith.constant 2 : i32
        %mul3A_187 = arith.muli %mul3A_186, %scan3A_163 : i32
        %add3A_188 = arith.constant 1 : i32
        %add3A_189 = arith.addi %mul3A_187, %add3A_188 : i32
        %dma_wait3A_190 = arith.constant 0 : i32
        %dma_wait3A_191 = arith.constant 0 : i32
        %dma_wait3A_192 = tpu.memref_slice %arg11[%dma_wait3A_190, %dma_wait3A_191] : memref<125x128xf32, #tpu.memory_space<vmem>> -> memref<125x128xf32, #tpu.memory_space<vmem>>
        %dma_wait3A_193 = arith.constant 0 : i32
        %dma_wait3A_194 = tpu.memref_slice %arg8[%add3A_189, %dma_wait3A_193] : memref<40x125xi32, #tpu.memory_space<vmem>> -> memref<1x125xi32, #tpu.memory_space<vmem>>
        %dma_wait3A_195 = tpu.memref_squeeze %dma_wait3A_194 : memref<1x125xi32, #tpu.memory_space<vmem>> -> memref<125xi32, #tpu.memory_space<vmem>>
        %dma_wait3A_196 = arith.constant 0 : i32
        %dma_wait3A_197 = arith.constant 0 : i32
        %dma_wait3A_198 = tpu.memref_slice %arg3[%dma_wait3A_196, %dma_wait3A_197] : memref<10000x128xf32, #tpu.memory_space<hbm>> -> memref<10000x128xf32, #tpu.memory_space<hbm>>
        tpu.wait_indirect_dma semaphore(%arg14 : memref<!tpu.dma_semaphore, #tpu.memory_space<semaphore_mem>>) src(%dma_wait3A_198 : memref<10000x128xf32, #tpu.memory_space<hbm>>) dst(%dma_wait3A_192 : memref<125x128xf32, #tpu.memory_space<vmem>>)
        "tpu.region"() ({
          %run_scoped3A_210 = tpu.sem_alloc : memref<!tpu.dma_semaphore, #tpu.memory_space<semaphore_mem>>
          %dma_start3A_211 = arith.constant 0 : i32
          %dma_start3A_212 = arith.constant 0 : i32
          %dma_start3A_213 = tpu.memref_slice %arg11[%dma_start3A_211, %dma_start3A_212] : memref<125x128xf32, #tpu.memory_space<vmem>> -> memref<125x128xf32, #tpu.memory_space<vmem>>
          %dma_start3A_214 = arith.constant 0 : i32
          %dma_start3A_215 = tpu.memref_slice %arg9[%add3A_189, %dma_start3A_214] : memref<40x125xi32, #tpu.memory_space<vmem>> -> memref<1x125xi32, #tpu.memory_space<vmem>>
          %dma_start3A_216 = tpu.memref_squeeze %dma_start3A_215 : memref<1x125xi32, #tpu.memory_space<vmem>> -> memref<125xi32, #tpu.memory_space<vmem>>
          %dma_start3A_217 = arith.constant 0 : i32
          %dma_start3A_218 = arith.constant 0 : i32
          %dma_start3A_219 = tpu.memref_slice %arg12[%dma_start3A_217, %dma_start3A_218] : memref<10240x128xf32, #tpu.memory_space<vmem_shared>> -> memref<10240x128xf32, #tpu.memory_space<vmem_shared>>
          tpu.enqueue_indirect_dma source(%dma_start3A_213 : memref<125x128xf32, #tpu.memory_space<vmem>>) target(%dma_start3A_219 : memref<10240x128xf32, #tpu.memory_space<vmem_shared>>) offsets(%dma_start3A_216 : memref<125xi32, #tpu.memory_space<vmem>>) semaphore(%run_scoped3A_210 : memref<!tpu.dma_semaphore, #tpu.memory_space<semaphore_mem>>) {add = true}
          %dma_wait3A_220 = arith.constant 0 : i32
          %dma_wait3A_221 = arith.constant 0 : i32
          %dma_wait3A_222 = tpu.memref_slice %arg11[%dma_wait3A_220, %dma_wait3A_221] : memref<125x128xf32, #tpu.memory_space<vmem>> -> memref<125x128xf32, #tpu.memory_space<vmem>>
          %dma_wait3A_223 = arith.constant 0 : i32
          %dma_wait3A_224 = tpu.memref_slice %arg9[%add3A_189, %dma_wait3A_223] : memref<40x125xi32, #tpu.memory_space<vmem>> -> memref<1x125xi32, #tpu.memory_space<vmem>>
          %dma_wait3A_225 = tpu.memref_squeeze %dma_wait3A_224 : memref<1x125xi32, #tpu.memory_space<vmem>> -> memref<125xi32, #tpu.memory_space<vmem>>
          %dma_wait3A_226 = arith.constant 0 : i32
          %dma_wait3A_227 = arith.constant 0 : i32
          %dma_wait3A_228 = tpu.memref_slice %arg12[%dma_wait3A_226, %dma_wait3A_227] : memref<10240x128xf32, #tpu.memory_space<vmem_shared>> -> memref<10240x128xf32, #tpu.memory_space<vmem_shared>>
          tpu.wait_indirect_dma semaphore(%run_scoped3A_210 : memref<!tpu.dma_semaphore, #tpu.memory_space<semaphore_mem>>) src(%dma_wait3A_222 : memref<125x128xf32, #tpu.memory_space<vmem>>) dst(%dma_wait3A_228 : memref<10240x128xf32, #tpu.memory_space<vmem_shared>>)
          tpu.yield
        }) : () -> ()
        %add3A_199 = arith.constant 2 : i32
        %add3A_200 = arith.addi %add3A_189, %add3A_199 : i32
        %dma_start3A_201 = arith.constant 0 : i32
        %dma_start3A_202 = arith.constant 0 : i32
        %dma_start3A_203 = tpu.memref_slice %arg11[%dma_start3A_201, %dma_start3A_202] : memref<125x128xf32, #tpu.memory_space<vmem>> -> memref<125x128xf32, #tpu.memory_space<vmem>>
        %dma_start3A_204 = arith.constant 0 : i32
        %dma_start3A_205 = tpu.memref_slice %arg8[%add3A_200, %dma_start3A_204] : memref<40x125xi32, #tpu.memory_space<vmem>> -> memref<1x125xi32, #tpu.memory_space<vmem>>
        %dma_start3A_206 = tpu.memref_squeeze %dma_start3A_205 : memref<1x125xi32, #tpu.memory_space<vmem>> -> memref<125xi32, #tpu.memory_space<vmem>>
        %dma_start3A_207 = arith.constant 0 : i32
        %dma_start3A_208 = arith.constant 0 : i32
        %dma_start3A_209 = tpu.memref_slice %arg3[%dma_start3A_207, %dma_start3A_208] : memref<10000x128xf32, #tpu.memory_space<hbm>> -> memref<10000x128xf32, #tpu.memory_space<hbm>>
        tpu.enqueue_indirect_dma source(%dma_start3A_209 : memref<10000x128xf32, #tpu.memory_space<hbm>>) target(%dma_start3A_203 : memref<125x128xf32, #tpu.memory_space<vmem>>) offsets(%dma_start3A_206 : memref<125xi32, #tpu.memory_space<vmem>>) semaphore(%arg14 : memref<!tpu.dma_semaphore, #tpu.memory_space<semaphore_mem>>)
      }
      %scan3A_93 = arith.constant 19 : i32
      %dma_wait3A_94 = arith.constant 38 : i32
      %dma_wait3A_95 = arith.constant 0 : i32
      %dma_wait3A_96 = arith.constant 0 : i32
      %dma_wait3A_97 = tpu.memref_slice %arg10[%dma_wait3A_95, %dma_wait3A_96] : memref<128x128xf32, #tpu.memory_space<vmem>> -> memref<125x128xf32, #tpu.memory_space<vmem>>
      %dma_wait3A_98 = arith.constant 0 : i32
      %dma_wait3A_99 = tpu.memref_slice %arg8[%dma_wait3A_94, %dma_wait3A_98] : memref<40x125xi32, #tpu.memory_space<vmem>> -> memref<1x125xi32, #tpu.memory_space<vmem>>
      %dma_wait3A_100 = tpu.memref_squeeze %dma_wait3A_99 : memref<1x125xi32, #tpu.memory_space<vmem>> -> memref<125xi32, #tpu.memory_space<vmem>>
      %dma_wait3A_101 = arith.constant 0 : i32
      %dma_wait3A_102 = arith.constant 0 : i32
      %dma_wait3A_103 = tpu.memref_slice %arg3[%dma_wait3A_101, %dma_wait3A_102] : memref<10000x128xf32, #tpu.memory_space<hbm>> -> memref<10000x128xf32, #tpu.memory_space<hbm>>
      tpu.wait_indirect_dma semaphore(%arg13 : memref<!tpu.dma_semaphore, #tpu.memory_space<semaphore_mem>>) src(%dma_wait3A_103 : memref<10000x128xf32, #tpu.memory_space<hbm>>) dst(%dma_wait3A_97 : memref<125x128xf32, #tpu.memory_space<vmem>>)
      %run_scoped3A = arith.constant 38 : i32
      "tpu.region"() ({
        %run_scoped3A_163 = tpu.sem_alloc : memref<!tpu.dma_semaphore, #tpu.memory_space<semaphore_mem>>
        %dma_start3A_164 = arith.constant 0 : i32
        %dma_start3A_165 = arith.constant 0 : i32
        %dma_start3A_166 = tpu.memref_slice %arg10[%dma_start3A_164, %dma_start3A_165] : memref<128x128xf32, #tpu.memory_space<vmem>> -> memref<125x128xf32, #tpu.memory_space<vmem>>
        %dma_start3A_167 = arith.constant 0 : i32
        %dma_start3A_168 = tpu.memref_slice %arg9[%run_scoped3A, %dma_start3A_167] : memref<40x125xi32, #tpu.memory_space<vmem>> -> memref<1x125xi32, #tpu.memory_space<vmem>>
        %dma_start3A_169 = tpu.memref_squeeze %dma_start3A_168 : memref<1x125xi32, #tpu.memory_space<vmem>> -> memref<125xi32, #tpu.memory_space<vmem>>
        %dma_start3A_170 = arith.constant 0 : i32
        %dma_start3A_171 = arith.constant 0 : i32
        %dma_start3A_172 = tpu.memref_slice %arg12[%dma_start3A_170, %dma_start3A_171] : memref<10240x128xf32, #tpu.memory_space<vmem_shared>> -> memref<10240x128xf32, #tpu.memory_space<vmem_shared>>
        tpu.enqueue_indirect_dma source(%dma_start3A_166 : memref<125x128xf32, #tpu.memory_space<vmem>>) target(%dma_start3A_172 : memref<10240x128xf32, #tpu.memory_space<vmem_shared>>) offsets(%dma_start3A_169 : memref<125xi32, #tpu.memory_space<vmem>>) semaphore(%run_scoped3A_163 : memref<!tpu.dma_semaphore, #tpu.memory_space<semaphore_mem>>) {add = true}
        %dma_wait3A_173 = arith.constant 0 : i32
        %dma_wait3A_174 = arith.constant 0 : i32
        %dma_wait3A_175 = tpu.memref_slice %arg10[%dma_wait3A_173, %dma_wait3A_174] : memref<128x128xf32, #tpu.memory_space<vmem>> -> memref<125x128xf32, #tpu.memory_space<vmem>>
        %dma_wait3A_176 = arith.constant 0 : i32
        %dma_wait3A_177 = tpu.memref_slice %arg9[%run_scoped3A, %dma_wait3A_176] : memref<40x125xi32, #tpu.memory_space<vmem>> -> memref<1x125xi32, #tpu.memory_space<vmem>>
        %dma_wait3A_178 = tpu.memref_squeeze %dma_wait3A_177 : memref<1x125xi32, #tpu.memory_space<vmem>> -> memref<125xi32, #tpu.memory_space<vmem>>
        %dma_wait3A_179 = arith.constant 0 : i32
        %dma_wait3A_180 = arith.constant 0 : i32
        %dma_wait3A_181 = tpu.memref_slice %arg12[%dma_wait3A_179, %dma_wait3A_180] : memref<10240x128xf32, #tpu.memory_space<vmem_shared>> -> memref<10240x128xf32, #tpu.memory_space<vmem_shared>>
        tpu.wait_indirect_dma semaphore(%run_scoped3A_163 : memref<!tpu.dma_semaphore, #tpu.memory_space<semaphore_mem>>) src(%dma_wait3A_175 : memref<125x128xf32, #tpu.memory_space<vmem>>) dst(%dma_wait3A_181 : memref<10240x128xf32, #tpu.memory_space<vmem_shared>>)
        tpu.yield
      }) : () -> ()
      %dma_wait3A_104 = arith.constant 39 : i32
      %dma_wait3A_105 = arith.constant 0 : i32
      %dma_wait3A_106 = arith.constant 0 : i32
      %dma_wait3A_107 = tpu.memref_slice %arg11[%dma_wait3A_105, %dma_wait3A_106] : memref<125x128xf32, #tpu.memory_space<vmem>> -> memref<125x128xf32, #tpu.memory_space<vmem>>
      %dma_wait3A_108 = arith.constant 0 : i32
      %dma_wait3A_109 = tpu.memref_slice %arg8[%dma_wait3A_104, %dma_wait3A_108] : memref<40x125xi32, #tpu.memory_space<vmem>> -> memref<1x125xi32, #tpu.memory_space<vmem>>
      %dma_wait3A_110 = tpu.memref_squeeze %dma_wait3A_109 : memref<1x125xi32, #tpu.memory_space<vmem>> -> memref<125xi32, #tpu.memory_space<vmem>>
      %dma_wait3A_111 = arith.constant 0 : i32
      %dma_wait3A_112 = arith.constant 0 : i32
      %dma_wait3A_113 = tpu.memref_slice %arg3[%dma_wait3A_111, %dma_wait3A_112] : memref<10000x128xf32, #tpu.memory_space<hbm>> -> memref<10000x128xf32, #tpu.memory_space<hbm>>
      tpu.wait_indirect_dma semaphore(%arg14 : memref<!tpu.dma_semaphore, #tpu.memory_space<semaphore_mem>>) src(%dma_wait3A_113 : memref<10000x128xf32, #tpu.memory_space<hbm>>) dst(%dma_wait3A_107 : memref<125x128xf32, #tpu.memory_space<vmem>>)
      %run_scoped3A_114 = arith.constant 39 : i32
      "tpu.region"() ({
        %run_scoped3A_163 = tpu.sem_alloc : memref<!tpu.dma_semaphore, #tpu.memory_space<semaphore_mem>>
        %dma_start3A_164 = arith.constant 0 : i32
        %dma_start3A_165 = arith.constant 0 : i32
        %dma_start3A_166 = tpu.memref_slice %arg11[%dma_start3A_164, %dma_start3A_165] : memref<125x128xf32, #tpu.memory_space<vmem>> -> memref<125x128xf32, #tpu.memory_space<vmem>>
        %dma_start3A_167 = arith.constant 0 : i32
        %dma_start3A_168 = tpu.memref_slice %arg9[%run_scoped3A_114, %dma_start3A_167] : memref<40x125xi32, #tpu.memory_space<vmem>> -> memref<1x125xi32, #tpu.memory_space<vmem>>
        %dma_start3A_169 = tpu.memref_squeeze %dma_start3A_168 : memref<1x125xi32, #tpu.memory_space<vmem>> -> memref<125xi32, #tpu.memory_space<vmem>>
        %dma_start3A_170 = arith.constant 0 : i32
        %dma_start3A_171 = arith.constant 0 : i32
        %dma_start3A_172 = tpu.memref_slice %arg12[%dma_start3A_170, %dma_start3A_171] : memref<10240x128xf32, #tpu.memory_space<vmem_shared>> -> memref<10240x128xf32, #tpu.memory_space<vmem_shared>>
        tpu.enqueue_indirect_dma source(%dma_start3A_166 : memref<125x128xf32, #tpu.memory_space<vmem>>) target(%dma_start3A_172 : memref<10240x128xf32, #tpu.memory_space<vmem_shared>>) offsets(%dma_start3A_169 : memref<125xi32, #tpu.memory_space<vmem>>) semaphore(%run_scoped3A_163 : memref<!tpu.dma_semaphore, #tpu.memory_space<semaphore_mem>>) {add = true}
        %dma_wait3A_173 = arith.constant 0 : i32
        %dma_wait3A_174 = arith.constant 0 : i32
        %dma_wait3A_175 = tpu.memref_slice %arg11[%dma_wait3A_173, %dma_wait3A_174] : memref<125x128xf32, #tpu.memory_space<vmem>> -> memref<125x128xf32, #tpu.memory_space<vmem>>
        %dma_wait3A_176 = arith.constant 0 : i32
        %dma_wait3A_177 = tpu.memref_slice %arg9[%run_scoped3A_114, %dma_wait3A_176] : memref<40x125xi32, #tpu.memory_space<vmem>> -> memref<1x125xi32, #tpu.memory_space<vmem>>
        %dma_wait3A_178 = tpu.memref_squeeze %dma_wait3A_177 : memref<1x125xi32, #tpu.memory_space<vmem>> -> memref<125xi32, #tpu.memory_space<vmem>>
        %dma_wait3A_179 = arith.constant 0 : i32
        %dma_wait3A_180 = arith.constant 0 : i32
        %dma_wait3A_181 = tpu.memref_slice %arg12[%dma_wait3A_179, %dma_wait3A_180] : memref<10240x128xf32, #tpu.memory_space<vmem_shared>> -> memref<10240x128xf32, #tpu.memory_space<vmem_shared>>
        tpu.wait_indirect_dma semaphore(%run_scoped3A_163 : memref<!tpu.dma_semaphore, #tpu.memory_space<semaphore_mem>>) src(%dma_wait3A_175 : memref<125x128xf32, #tpu.memory_space<vmem>>) dst(%dma_wait3A_181 : memref<10240x128xf32, #tpu.memory_space<vmem_shared>>)
        tpu.yield
      }) : () -> ()
      "tpu.region"() ({
        %run_scoped3A_163 = tpu.sem_alloc : memref<!tpu.dma_semaphore, #tpu.memory_space<semaphore_mem>>
        %dma_start3A_164 = arith.constant 40 : i32
        %dma_start3A_165 = arith.constant 0 : i32
        %dma_start3A_166 = tpu.memref_slice %arg4[%arg1, %dma_start3A_164, %dma_start3A_165] : memref<16x80x125xi32, #tpu.memory_space<hbm>> -> memref<1x40x125xi32, #tpu.memory_space<hbm>>
        %dma_start3A_167 = tpu.memref_squeeze %dma_start3A_166 : memref<1x40x125xi32, #tpu.memory_space<hbm>> -> memref<40x125xi32, #tpu.memory_space<hbm>>
        %dma_start3A_168 = arith.constant 40 : i32
        %dma_start3A_169 = arith.constant 0 : i32
        %dma_start3A_170 = tpu.memref_slice %arg4[%arg1, %dma_start3A_168, %dma_start3A_169] : memref<16x80x125xi32, #tpu.memory_space<hbm>> -> memref<1x40x125xi32, #tpu.memory_space<hbm>>
        %dma_start3A_171 = tpu.memref_squeeze %dma_start3A_170 : memref<1x40x125xi32, #tpu.memory_space<hbm>> -> memref<40x125xi32, #tpu.memory_space<hbm>>
        tpu.enqueue_dma source(%dma_start3A_171 : memref<40x125xi32, #tpu.memory_space<hbm>>) target(%arg8 : memref<40x125xi32, #tpu.memory_space<vmem>>) target_semaphore(%run_scoped3A_163 : memref<!tpu.dma_semaphore, #tpu.memory_space<semaphore_mem>>)
        %dma_wait3A_172 = arith.constant 40 : i32
        %dma_wait3A_173 = arith.constant 0 : i32
        %dma_wait3A_174 = tpu.memref_slice %arg4[%arg1, %dma_wait3A_172, %dma_wait3A_173] : memref<16x80x125xi32, #tpu.memory_space<hbm>> -> memref<1x40x125xi32, #tpu.memory_space<hbm>>
        %dma_wait3A_175 = tpu.memref_squeeze %dma_wait3A_174 : memref<1x40x125xi32, #tpu.memory_space<hbm>> -> memref<40x125xi32, #tpu.memory_space<hbm>>
        %dma_wait3A_176 = arith.constant 40 : i32
        %dma_wait3A_177 = arith.constant 0 : i32
        %dma_wait3A_178 = tpu.memref_slice %arg4[%arg1, %dma_wait3A_176, %dma_wait3A_177] : memref<16x80x125xi32, #tpu.memory_space<hbm>> -> memref<1x40x125xi32, #tpu.memory_space<hbm>>
        %dma_wait3A_179 = tpu.memref_squeeze %dma_wait3A_178 : memref<1x40x125xi32, #tpu.memory_space<hbm>> -> memref<40x125xi32, #tpu.memory_space<hbm>>
        tpu.wait_dma2 semaphore(%run_scoped3A_163 : memref<!tpu.dma_semaphore, #tpu.memory_space<semaphore_mem>>) src(%dma_wait3A_179 : memref<40x125xi32, #tpu.memory_space<hbm>>) dst(%arg8 : memref<40x125xi32, #tpu.memory_space<vmem>>)
        tpu.yield
      }) : () -> ()
      "tpu.region"() ({
        %run_scoped3A_163 = tpu.sem_alloc : memref<!tpu.dma_semaphore, #tpu.memory_space<semaphore_mem>>
        %dma_start3A_164 = arith.constant 40 : i32
        %dma_start3A_165 = arith.constant 0 : i32
        %dma_start3A_166 = tpu.memref_slice %arg5[%arg1, %dma_start3A_164, %dma_start3A_165] : memref<16x80x125xi32, #tpu.memory_space<hbm>> -> memref<1x40x125xi32, #tpu.memory_space<hbm>>
        %dma_start3A_167 = tpu.memref_squeeze %dma_start3A_166 : memref<1x40x125xi32, #tpu.memory_space<hbm>> -> memref<40x125xi32, #tpu.memory_space<hbm>>
        %dma_start3A_168 = arith.constant 40 : i32
        %dma_start3A_169 = arith.constant 0 : i32
        %dma_start3A_170 = tpu.memref_slice %arg5[%arg1, %dma_start3A_168, %dma_start3A_169] : memref<16x80x125xi32, #tpu.memory_space<hbm>> -> memref<1x40x125xi32, #tpu.memory_space<hbm>>
        %dma_start3A_171 = tpu.memref_squeeze %dma_start3A_170 : memref<1x40x125xi32, #tpu.memory_space<hbm>> -> memref<40x125xi32, #tpu.memory_space<hbm>>
        tpu.enqueue_dma source(%dma_start3A_171 : memref<40x125xi32, #tpu.memory_space<hbm>>) target(%arg9 : memref<40x125xi32, #tpu.memory_space<vmem>>) target_semaphore(%run_scoped3A_163 : memref<!tpu.dma_semaphore, #tpu.memory_space<semaphore_mem>>)
        %dma_wait3A_172 = arith.constant 40 : i32
        %dma_wait3A_173 = arith.constant 0 : i32
        %dma_wait3A_174 = tpu.memref_slice %arg5[%arg1, %dma_wait3A_172, %dma_wait3A_173] : memref<16x80x125xi32, #tpu.memory_space<hbm>> -> memref<1x40x125xi32, #tpu.memory_space<hbm>>
        %dma_wait3A_175 = tpu.memref_squeeze %dma_wait3A_174 : memref<1x40x125xi32, #tpu.memory_space<hbm>> -> memref<40x125xi32, #tpu.memory_space<hbm>>
        %dma_wait3A_176 = arith.constant 40 : i32
        %dma_wait3A_177 = arith.constant 0 : i32
        %dma_wait3A_178 = tpu.memref_slice %arg5[%arg1, %dma_wait3A_176, %dma_wait3A_177] : memref<16x80x125xi32, #tpu.memory_space<hbm>> -> memref<1x40x125xi32, #tpu.memory_space<hbm>>
        %dma_wait3A_179 = tpu.memref_squeeze %dma_wait3A_178 : memref<1x40x125xi32, #tpu.memory_space<hbm>> -> memref<40x125xi32, #tpu.memory_space<hbm>>
        tpu.wait_dma2 semaphore(%run_scoped3A_163 : memref<!tpu.dma_semaphore, #tpu.memory_space<semaphore_mem>>) src(%dma_wait3A_179 : memref<40x125xi32, #tpu.memory_space<hbm>>) dst(%arg9 : memref<40x125xi32, #tpu.memory_space<vmem>>)
        tpu.yield
      }) : () -> ()
      %dma_start3A_115 = arith.constant 0 : i32
      %dma_start3A_116 = arith.constant 0 : i32
      %dma_start3A_117 = arith.constant 0 : i32
      %dma_start3A_118 = tpu.memref_slice %arg10[%dma_start3A_116, %dma_start3A_117] : memref<128x128xf32, #tpu.memory_space<vmem>> -> memref<125x128xf32, #tpu.memory_space<vmem>>
      %dma_start3A_119 = arith.constant 0 : i32
      %dma_start3A_120 = tpu.memref_slice %arg8[%dma_start3A_115, %dma_start3A_119] : memref<40x125xi32, #tpu.memory_space<vmem>> -> memref<1x125xi32, #tpu.memory_space<vmem>>
      %dma_start3A_121 = tpu.memref_squeeze %dma_start3A_120 : memref<1x125xi32, #tpu.memory_space<vmem>> -> memref<125xi32, #tpu.memory_space<vmem>>
      %dma_start3A_122 = arith.constant 0 : i32
      %dma_start3A_123 = arith.constant 0 : i32
      %dma_start3A_124 = tpu.memref_slice %arg3[%dma_start3A_122, %dma_start3A_123] : memref<10000x128xf32, #tpu.memory_space<hbm>> -> memref<10000x128xf32, #tpu.memory_space<hbm>>
      tpu.enqueue_indirect_dma source(%dma_start3A_124 : memref<10000x128xf32, #tpu.memory_space<hbm>>) target(%dma_start3A_118 : memref<125x128xf32, #tpu.memory_space<vmem>>) offsets(%dma_start3A_121 : memref<125xi32, #tpu.memory_space<vmem>>) semaphore(%arg13 : memref<!tpu.dma_semaphore, #tpu.memory_space<semaphore_mem>>)
      %dma_start3A_125 = arith.constant 1 : i32
      %dma_start3A_126 = arith.constant 0 : i32
      %dma_start3A_127 = arith.constant 0 : i32
      %dma_start3A_128 = tpu.memref_slice %arg11[%dma_start3A_126, %dma_start3A_127] : memref<125x128xf32, #tpu.memory_space<vmem>> -> memref<125x128xf32, #tpu.memory_space<vmem>>
      %dma_start3A_129 = arith.constant 0 : i32
      %dma_start3A_130 = tpu.memref_slice %arg8[%dma_start3A_125, %dma_start3A_129] : memref<40x125xi32, #tpu.memory_space<vmem>> -> memref<1x125xi32, #tpu.memory_space<vmem>>
      %dma_start3A_131 = tpu.memref_squeeze %dma_start3A_130 : memref<1x125xi32, #tpu.memory_space<vmem>> -> memref<125xi32, #tpu.memory_space<vmem>>
      %dma_start3A_132 = arith.constant 0 : i32
      %dma_start3A_133 = arith.constant 0 : i32
      %dma_start3A_134 = tpu.memref_slice %arg3[%dma_start3A_132, %dma_start3A_133] : memref<10000x128xf32, #tpu.memory_space<hbm>> -> memref<10000x128xf32, #tpu.memory_space<hbm>>
      tpu.enqueue_indirect_dma source(%dma_start3A_134 : memref<10000x128xf32, #tpu.memory_space<hbm>>) target(%dma_start3A_128 : memref<125x128xf32, #tpu.memory_space<vmem>>) offsets(%dma_start3A_131 : memref<125xi32, #tpu.memory_space<vmem>>) semaphore(%arg14 : memref<!tpu.dma_semaphore, #tpu.memory_space<semaphore_mem>>)
      %scan3A_135 = arith.constant 0 : i32
      %scan3A_136 = arith.constant 19 : i32
      %scan3A_137 = arith.addi %scan3A_135, %scan3A_136 : i32
      %scan3A_138 = arith.constant 1 : i32
      scf.for %scan3A_163 = %scan3A_135 to %scan3A_137 step %scan3A_138  : i32 {
        %mul3A_164 = arith.constant 2 : i32
        %mul3A_165 = arith.muli %mul3A_164, %scan3A_163 : i32
        %dma_wait3A_166 = arith.constant 0 : i32
        %dma_wait3A_167 = arith.constant 0 : i32
        %dma_wait3A_168 = tpu.memref_slice %arg10[%dma_wait3A_166, %dma_wait3A_167] : memref<128x128xf32, #tpu.memory_space<vmem>> -> memref<125x128xf32, #tpu.memory_space<vmem>>
        %dma_wait3A_169 = arith.constant 0 : i32
        %dma_wait3A_170 = tpu.memref_slice %arg8[%mul3A_165, %dma_wait3A_169] : memref<40x125xi32, #tpu.memory_space<vmem>> -> memref<1x125xi32, #tpu.memory_space<vmem>>
        %dma_wait3A_171 = tpu.memref_squeeze %dma_wait3A_170 : memref<1x125xi32, #tpu.memory_space<vmem>> -> memref<125xi32, #tpu.memory_space<vmem>>
        %dma_wait3A_172 = arith.constant 0 : i32
        %dma_wait3A_173 = arith.constant 0 : i32
        %dma_wait3A_174 = tpu.memref_slice %arg3[%dma_wait3A_172, %dma_wait3A_173] : memref<10000x128xf32, #tpu.memory_space<hbm>> -> memref<10000x128xf32, #tpu.memory_space<hbm>>
        tpu.wait_indirect_dma semaphore(%arg13 : memref<!tpu.dma_semaphore, #tpu.memory_space<semaphore_mem>>) src(%dma_wait3A_174 : memref<10000x128xf32, #tpu.memory_space<hbm>>) dst(%dma_wait3A_168 : memref<125x128xf32, #tpu.memory_space<vmem>>)
        "tpu.region"() ({
          %run_scoped3A_210 = tpu.sem_alloc : memref<!tpu.dma_semaphore, #tpu.memory_space<semaphore_mem>>
          %dma_start3A_211 = arith.constant 0 : i32
          %dma_start3A_212 = arith.constant 0 : i32
          %dma_start3A_213 = tpu.memref_slice %arg10[%dma_start3A_211, %dma_start3A_212] : memref<128x128xf32, #tpu.memory_space<vmem>> -> memref<125x128xf32, #tpu.memory_space<vmem>>
          %dma_start3A_214 = arith.constant 0 : i32
          %dma_start3A_215 = tpu.memref_slice %arg9[%mul3A_165, %dma_start3A_214] : memref<40x125xi32, #tpu.memory_space<vmem>> -> memref<1x125xi32, #tpu.memory_space<vmem>>
          %dma_start3A_216 = tpu.memref_squeeze %dma_start3A_215 : memref<1x125xi32, #tpu.memory_space<vmem>> -> memref<125xi32, #tpu.memory_space<vmem>>
          %dma_start3A_217 = arith.constant 0 : i32
          %dma_start3A_218 = arith.constant 0 : i32
          %dma_start3A_219 = tpu.memref_slice %arg12[%dma_start3A_217, %dma_start3A_218] : memref<10240x128xf32, #tpu.memory_space<vmem_shared>> -> memref<10240x128xf32, #tpu.memory_space<vmem_shared>>
          tpu.enqueue_indirect_dma source(%dma_start3A_213 : memref<125x128xf32, #tpu.memory_space<vmem>>) target(%dma_start3A_219 : memref<10240x128xf32, #tpu.memory_space<vmem_shared>>) offsets(%dma_start3A_216 : memref<125xi32, #tpu.memory_space<vmem>>) semaphore(%run_scoped3A_210 : memref<!tpu.dma_semaphore, #tpu.memory_space<semaphore_mem>>) {add = true}
          %dma_wait3A_220 = arith.constant 0 : i32
          %dma_wait3A_221 = arith.constant 0 : i32
          %dma_wait3A_222 = tpu.memref_slice %arg10[%dma_wait3A_220, %dma_wait3A_221] : memref<128x128xf32, #tpu.memory_space<vmem>> -> memref<125x128xf32, #tpu.memory_space<vmem>>
          %dma_wait3A_223 = arith.constant 0 : i32
          %dma_wait3A_224 = tpu.memref_slice %arg9[%mul3A_165, %dma_wait3A_223] : memref<40x125xi32, #tpu.memory_space<vmem>> -> memref<1x125xi32, #tpu.memory_space<vmem>>
          %dma_wait3A_225 = tpu.memref_squeeze %dma_wait3A_224 : memref<1x125xi32, #tpu.memory_space<vmem>> -> memref<125xi32, #tpu.memory_space<vmem>>
          %dma_wait3A_226 = arith.constant 0 : i32
          %dma_wait3A_227 = arith.constant 0 : i32
          %dma_wait3A_228 = tpu.memref_slice %arg12[%dma_wait3A_226, %dma_wait3A_227] : memref<10240x128xf32, #tpu.memory_space<vmem_shared>> -> memref<10240x128xf32, #tpu.memory_space<vmem_shared>>
          tpu.wait_indirect_dma semaphore(%run_scoped3A_210 : memref<!tpu.dma_semaphore, #tpu.memory_space<semaphore_mem>>) src(%dma_wait3A_222 : memref<125x128xf32, #tpu.memory_space<vmem>>) dst(%dma_wait3A_228 : memref<10240x128xf32, #tpu.memory_space<vmem_shared>>)
          tpu.yield
        }) : () -> ()
        %add3A_175 = arith.constant 2 : i32
        %add3A_176 = arith.addi %mul3A_165, %add3A_175 : i32
        %dma_start3A_177 = arith.constant 0 : i32
        %dma_start3A_178 = arith.constant 0 : i32
        %dma_start3A_179 = tpu.memref_slice %arg10[%dma_start3A_177, %dma_start3A_178] : memref<128x128xf32, #tpu.memory_space<vmem>> -> memref<125x128xf32, #tpu.memory_space<vmem>>
        %dma_start3A_180 = arith.constant 0 : i32
        %dma_start3A_181 = tpu.memref_slice %arg8[%add3A_176, %dma_start3A_180] : memref<40x125xi32, #tpu.memory_space<vmem>> -> memref<1x125xi32, #tpu.memory_space<vmem>>
        %dma_start3A_182 = tpu.memref_squeeze %dma_start3A_181 : memref<1x125xi32, #tpu.memory_space<vmem>> -> memref<125xi32, #tpu.memory_space<vmem>>
        %dma_start3A_183 = arith.constant 0 : i32
        %dma_start3A_184 = arith.constant 0 : i32
        %dma_start3A_185 = tpu.memref_slice %arg3[%dma_start3A_183, %dma_start3A_184] : memref<10000x128xf32, #tpu.memory_space<hbm>> -> memref<10000x128xf32, #tpu.memory_space<hbm>>
        tpu.enqueue_indirect_dma source(%dma_start3A_185 : memref<10000x128xf32, #tpu.memory_space<hbm>>) target(%dma_start3A_179 : memref<125x128xf32, #tpu.memory_space<vmem>>) offsets(%dma_start3A_182 : memref<125xi32, #tpu.memory_space<vmem>>) semaphore(%arg13 : memref<!tpu.dma_semaphore, #tpu.memory_space<semaphore_mem>>)
        %mul3A_186 = arith.constant 2 : i32
        %mul3A_187 = arith.muli %mul3A_186, %scan3A_163 : i32
        %add3A_188 = arith.constant 1 : i32
        %add3A_189 = arith.addi %mul3A_187, %add3A_188 : i32
        %dma_wait3A_190 = arith.constant 0 : i32
        %dma_wait3A_191 = arith.constant 0 : i32
        %dma_wait3A_192 = tpu.memref_slice %arg11[%dma_wait3A_190, %dma_wait3A_191] : memref<125x128xf32, #tpu.memory_space<vmem>> -> memref<125x128xf32, #tpu.memory_space<vmem>>
        %dma_wait3A_193 = arith.constant 0 : i32
        %dma_wait3A_194 = tpu.memref_slice %arg8[%add3A_189, %dma_wait3A_193] : memref<40x125xi32, #tpu.memory_space<vmem>> -> memref<1x125xi32, #tpu.memory_space<vmem>>
        %dma_wait3A_195 = tpu.memref_squeeze %dma_wait3A_194 : memref<1x125xi32, #tpu.memory_space<vmem>> -> memref<125xi32, #tpu.memory_space<vmem>>
        %dma_wait3A_196 = arith.constant 0 : i32
        %dma_wait3A_197 = arith.constant 0 : i32
        %dma_wait3A_198 = tpu.memref_slice %arg3[%dma_wait3A_196, %dma_wait3A_197] : memref<10000x128xf32, #tpu.memory_space<hbm>> -> memref<10000x128xf32, #tpu.memory_space<hbm>>
        tpu.wait_indirect_dma semaphore(%arg14 : memref<!tpu.dma_semaphore, #tpu.memory_space<semaphore_mem>>) src(%dma_wait3A_198 : memref<10000x128xf32, #tpu.memory_space<hbm>>) dst(%dma_wait3A_192 : memref<125x128xf32, #tpu.memory_space<vmem>>)
        "tpu.region"() ({
          %run_scoped3A_210 = tpu.sem_alloc : memref<!tpu.dma_semaphore, #tpu.memory_space<semaphore_mem>>
          %dma_start3A_211 = arith.constant 0 : i32
          %dma_start3A_212 = arith.constant 0 : i32
          %dma_start3A_213 = tpu.memref_slice %arg11[%dma_start3A_211, %dma_start3A_212] : memref<125x128xf32, #tpu.memory_space<vmem>> -> memref<125x128xf32, #tpu.memory_space<vmem>>
          %dma_start3A_214 = arith.constant 0 : i32
          %dma_start3A_215 = tpu.memref_slice %arg9[%add3A_189, %dma_start3A_214] : memref<40x125xi32, #tpu.memory_space<vmem>> -> memref<1x125xi32, #tpu.memory_space<vmem>>
          %dma_start3A_216 = tpu.memref_squeeze %dma_start3A_215 : memref<1x125xi32, #tpu.memory_space<vmem>> -> memref<125xi32, #tpu.memory_space<vmem>>
          %dma_start3A_217 = arith.constant 0 : i32
          %dma_start3A_218 = arith.constant 0 : i32
          %dma_start3A_219 = tpu.memref_slice %arg12[%dma_start3A_217, %dma_start3A_218] : memref<10240x128xf32, #tpu.memory_space<vmem_shared>> -> memref<10240x128xf32, #tpu.memory_space<vmem_shared>>
          tpu.enqueue_indirect_dma source(%dma_start3A_213 : memref<125x128xf32, #tpu.memory_space<vmem>>) target(%dma_start3A_219 : memref<10240x128xf32, #tpu.memory_space<vmem_shared>>) offsets(%dma_start3A_216 : memref<125xi32, #tpu.memory_space<vmem>>) semaphore(%run_scoped3A_210 : memref<!tpu.dma_semaphore, #tpu.memory_space<semaphore_mem>>) {add = true}
          %dma_wait3A_220 = arith.constant 0 : i32
          %dma_wait3A_221 = arith.constant 0 : i32
          %dma_wait3A_222 = tpu.memref_slice %arg11[%dma_wait3A_220, %dma_wait3A_221] : memref<125x128xf32, #tpu.memory_space<vmem>> -> memref<125x128xf32, #tpu.memory_space<vmem>>
          %dma_wait3A_223 = arith.constant 0 : i32
          %dma_wait3A_224 = tpu.memref_slice %arg9[%add3A_189, %dma_wait3A_223] : memref<40x125xi32, #tpu.memory_space<vmem>> -> memref<1x125xi32, #tpu.memory_space<vmem>>
          %dma_wait3A_225 = tpu.memref_squeeze %dma_wait3A_224 : memref<1x125xi32, #tpu.memory_space<vmem>> -> memref<125xi32, #tpu.memory_space<vmem>>
          %dma_wait3A_226 = arith.constant 0 : i32
          %dma_wait3A_227 = arith.constant 0 : i32
          %dma_wait3A_228 = tpu.memref_slice %arg12[%dma_wait3A_226, %dma_wait3A_227] : memref<10240x128xf32, #tpu.memory_space<vmem_shared>> -> memref<10240x128xf32, #tpu.memory_space<vmem_shared>>
          tpu.wait_indirect_dma semaphore(%run_scoped3A_210 : memref<!tpu.dma_semaphore, #tpu.memory_space<semaphore_mem>>) src(%dma_wait3A_222 : memref<125x128xf32, #tpu.memory_space<vmem>>) dst(%dma_wait3A_228 : memref<10240x128xf32, #tpu.memory_space<vmem_shared>>)
          tpu.yield
        }) : () -> ()
        %add3A_199 = arith.constant 2 : i32
        %add3A_200 = arith.addi %add3A_189, %add3A_199 : i32
        %dma_start3A_201 = arith.constant 0 : i32
        %dma_start3A_202 = arith.constant 0 : i32
        %dma_start3A_203 = tpu.memref_slice %arg11[%dma_start3A_201, %dma_start3A_202] : memref<125x128xf32, #tpu.memory_space<vmem>> -> memref<125x128xf32, #tpu.memory_space<vmem>>
        %dma_start3A_204 = arith.constant 0 : i32
        %dma_start3A_205 = tpu.memref_slice %arg8[%add3A_200, %dma_start3A_204] : memref<40x125xi32, #tpu.memory_space<vmem>> -> memref<1x125xi32, #tpu.memory_space<vmem>>
        %dma_start3A_206 = tpu.memref_squeeze %dma_start3A_205 : memref<1x125xi32, #tpu.memory_space<vmem>> -> memref<125xi32, #tpu.memory_space<vmem>>
        %dma_start3A_207 = arith.constant 0 : i32
        %dma_start3A_208 = arith.constant 0 : i32
        %dma_start3A_209 = tpu.memref_slice %arg3[%dma_start3A_207, %dma_start3A_208] : memref<10000x128xf32, #tpu.memory_space<hbm>> -> memref<10000x128xf32, #tpu.memory_space<hbm>>
        tpu.enqueue_indirect_dma source(%dma_start3A_209 : memref<10000x128xf32, #tpu.memory_space<hbm>>) target(%dma_start3A_203 : memref<125x128xf32, #tpu.memory_space<vmem>>) offsets(%dma_start3A_206 : memref<125xi32, #tpu.memory_space<vmem>>) semaphore(%arg14 : memref<!tpu.dma_semaphore, #tpu.memory_space<semaphore_mem>>)
      }
      %scan3A_139 = arith.constant 19 : i32
      %dma_wait3A_140 = arith.constant 38 : i32
      %dma_wait3A_141 = arith.constant 0 : i32
      %dma_wait3A_142 = arith.constant 0 : i32
      %dma_wait3A_143 = tpu.memref_slice %arg10[%dma_wait3A_141, %dma_wait3A_142] : memref<128x128xf32, #tpu.memory_space<vmem>> -> memref<125x128xf32, #tpu.memory_space<vmem>>
      %dma_wait3A_144 = arith.constant 0 : i32
      %dma_wait3A_145 = tpu.memref_slice %arg8[%dma_wait3A_140, %dma_wait3A_144] : memref<40x125xi32, #tpu.memory_space<vmem>> -> memref<1x125xi32, #tpu.memory_space<vmem>>
      %dma_wait3A_146 = tpu.memref_squeeze %dma_wait3A_145 : memref<1x125xi32, #tpu.memory_space<vmem>> -> memref<125xi32, #tpu.memory_space<vmem>>
      %dma_wait3A_147 = arith.constant 0 : i32
      %dma_wait3A_148 = arith.constant 0 : i32
      %dma_wait3A_149 = tpu.memref_slice %arg3[%dma_wait3A_147, %dma_wait3A_148] : memref<10000x128xf32, #tpu.memory_space<hbm>> -> memref<10000x128xf32, #tpu.memory_space<hbm>>
      tpu.wait_indirect_dma semaphore(%arg13 : memref<!tpu.dma_semaphore, #tpu.memory_space<semaphore_mem>>) src(%dma_wait3A_149 : memref<10000x128xf32, #tpu.memory_space<hbm>>) dst(%dma_wait3A_143 : memref<125x128xf32, #tpu.memory_space<vmem>>)
      %run_scoped3A_150 = arith.constant 38 : i32
      "tpu.region"() ({
        %run_scoped3A_163 = tpu.sem_alloc : memref<!tpu.dma_semaphore, #tpu.memory_space<semaphore_mem>>
        %dma_start3A_164 = arith.constant 0 : i32
        %dma_start3A_165 = arith.constant 0 : i32
        %dma_start3A_166 = tpu.memref_slice %arg10[%dma_start3A_164, %dma_start3A_165] : memref<128x128xf32, #tpu.memory_space<vmem>> -> memref<125x128xf32, #tpu.memory_space<vmem>>
        %dma_start3A_167 = arith.constant 0 : i32
        %dma_start3A_168 = tpu.memref_slice %arg9[%run_scoped3A_150, %dma_start3A_167] : memref<40x125xi32, #tpu.memory_space<vmem>> -> memref<1x125xi32, #tpu.memory_space<vmem>>
        %dma_start3A_169 = tpu.memref_squeeze %dma_start3A_168 : memref<1x125xi32, #tpu.memory_space<vmem>> -> memref<125xi32, #tpu.memory_space<vmem>>
        %dma_start3A_170 = arith.constant 0 : i32
        %dma_start3A_171 = arith.constant 0 : i32
        %dma_start3A_172 = tpu.memref_slice %arg12[%dma_start3A_170, %dma_start3A_171] : memref<10240x128xf32, #tpu.memory_space<vmem_shared>> -> memref<10240x128xf32, #tpu.memory_space<vmem_shared>>
        tpu.enqueue_indirect_dma source(%dma_start3A_166 : memref<125x128xf32, #tpu.memory_space<vmem>>) target(%dma_start3A_172 : memref<10240x128xf32, #tpu.memory_space<vmem_shared>>) offsets(%dma_start3A_169 : memref<125xi32, #tpu.memory_space<vmem>>) semaphore(%run_scoped3A_163 : memref<!tpu.dma_semaphore, #tpu.memory_space<semaphore_mem>>) {add = true}
        %dma_wait3A_173 = arith.constant 0 : i32
        %dma_wait3A_174 = arith.constant 0 : i32
        %dma_wait3A_175 = tpu.memref_slice %arg10[%dma_wait3A_173, %dma_wait3A_174] : memref<128x128xf32, #tpu.memory_space<vmem>> -> memref<125x128xf32, #tpu.memory_space<vmem>>
        %dma_wait3A_176 = arith.constant 0 : i32
        %dma_wait3A_177 = tpu.memref_slice %arg9[%run_scoped3A_150, %dma_wait3A_176] : memref<40x125xi32, #tpu.memory_space<vmem>> -> memref<1x125xi32, #tpu.memory_space<vmem>>
        %dma_wait3A_178 = tpu.memref_squeeze %dma_wait3A_177 : memref<1x125xi32, #tpu.memory_space<vmem>> -> memref<125xi32, #tpu.memory_space<vmem>>
        %dma_wait3A_179 = arith.constant 0 : i32
        %dma_wait3A_180 = arith.constant 0 : i32
        %dma_wait3A_181 = tpu.memref_slice %arg12[%dma_wait3A_179, %dma_wait3A_180] : memref<10240x128xf32, #tpu.memory_space<vmem_shared>> -> memref<10240x128xf32, #tpu.memory_space<vmem_shared>>
        tpu.wait_indirect_dma semaphore(%run_scoped3A_163 : memref<!tpu.dma_semaphore, #tpu.memory_space<semaphore_mem>>) src(%dma_wait3A_175 : memref<125x128xf32, #tpu.memory_space<vmem>>) dst(%dma_wait3A_181 : memref<10240x128xf32, #tpu.memory_space<vmem_shared>>)
        tpu.yield
      }) : () -> ()
      %dma_wait3A_151 = arith.constant 39 : i32
      %dma_wait3A_152 = arith.constant 0 : i32
      %dma_wait3A_153 = arith.constant 0 : i32
      %dma_wait3A_154 = tpu.memref_slice %arg11[%dma_wait3A_152, %dma_wait3A_153] : memref<125x128xf32, #tpu.memory_space<vmem>> -> memref<125x128xf32, #tpu.memory_space<vmem>>
      %dma_wait3A_155 = arith.constant 0 : i32
      %dma_wait3A_156 = tpu.memref_slice %arg8[%dma_wait3A_151, %dma_wait3A_155] : memref<40x125xi32, #tpu.memory_space<vmem>> -> memref<1x125xi32, #tpu.memory_space<vmem>>
      %dma_wait3A_157 = tpu.memref_squeeze %dma_wait3A_156 : memref<1x125xi32, #tpu.memory_space<vmem>> -> memref<125xi32, #tpu.memory_space<vmem>>
      %dma_wait3A_158 = arith.constant 0 : i32
      %dma_wait3A_159 = arith.constant 0 : i32
      %dma_wait3A_160 = tpu.memref_slice %arg3[%dma_wait3A_158, %dma_wait3A_159] : memref<10000x128xf32, #tpu.memory_space<hbm>> -> memref<10000x128xf32, #tpu.memory_space<hbm>>
      tpu.wait_indirect_dma semaphore(%arg14 : memref<!tpu.dma_semaphore, #tpu.memory_space<semaphore_mem>>) src(%dma_wait3A_160 : memref<10000x128xf32, #tpu.memory_space<hbm>>) dst(%dma_wait3A_154 : memref<125x128xf32, #tpu.memory_space<vmem>>)
      %run_scoped3A_161 = arith.constant 39 : i32
      "tpu.region"() ({
        %run_scoped3A_163 = tpu.sem_alloc : memref<!tpu.dma_semaphore, #tpu.memory_space<semaphore_mem>>
        %dma_start3A_164 = arith.constant 0 : i32
        %dma_start3A_165 = arith.constant 0 : i32
        %dma_start3A_166 = tpu.memref_slice %arg11[%dma_start3A_164, %dma_start3A_165] : memref<125x128xf32, #tpu.memory_space<vmem>> -> memref<125x128xf32, #tpu.memory_space<vmem>>
        %dma_start3A_167 = arith.constant 0 : i32
        %dma_start3A_168 = tpu.memref_slice %arg9[%run_scoped3A_161, %dma_start3A_167] : memref<40x125xi32, #tpu.memory_space<vmem>> -> memref<1x125xi32, #tpu.memory_space<vmem>>
        %dma_start3A_169 = tpu.memref_squeeze %dma_start3A_168 : memref<1x125xi32, #tpu.memory_space<vmem>> -> memref<125xi32, #tpu.memory_space<vmem>>
        %dma_start3A_170 = arith.constant 0 : i32
        %dma_start3A_171 = arith.constant 0 : i32
        %dma_start3A_172 = tpu.memref_slice %arg12[%dma_start3A_170, %dma_start3A_171] : memref<10240x128xf32, #tpu.memory_space<vmem_shared>> -> memref<10240x128xf32, #tpu.memory_space<vmem_shared>>
        tpu.enqueue_indirect_dma source(%dma_start3A_166 : memref<125x128xf32, #tpu.memory_space<vmem>>) target(%dma_start3A_172 : memref<10240x128xf32, #tpu.memory_space<vmem_shared>>) offsets(%dma_start3A_169 : memref<125xi32, #tpu.memory_space<vmem>>) semaphore(%run_scoped3A_163 : memref<!tpu.dma_semaphore, #tpu.memory_space<semaphore_mem>>) {add = true}
        %dma_wait3A_173 = arith.constant 0 : i32
        %dma_wait3A_174 = arith.constant 0 : i32
        %dma_wait3A_175 = tpu.memref_slice %arg11[%dma_wait3A_173, %dma_wait3A_174] : memref<125x128xf32, #tpu.memory_space<vmem>> -> memref<125x128xf32, #tpu.memory_space<vmem>>
        %dma_wait3A_176 = arith.constant 0 : i32
        %dma_wait3A_177 = tpu.memref_slice %arg9[%run_scoped3A_161, %dma_wait3A_176] : memref<40x125xi32, #tpu.memory_space<vmem>> -> memref<1x125xi32, #tpu.memory_space<vmem>>
        %dma_wait3A_178 = tpu.memref_squeeze %dma_wait3A_177 : memref<1x125xi32, #tpu.memory_space<vmem>> -> memref<125xi32, #tpu.memory_space<vmem>>
        %dma_wait3A_179 = arith.constant 0 : i32
        %dma_wait3A_180 = arith.constant 0 : i32
        %dma_wait3A_181 = tpu.memref_slice %arg12[%dma_wait3A_179, %dma_wait3A_180] : memref<10240x128xf32, #tpu.memory_space<vmem_shared>> -> memref<10240x128xf32, #tpu.memory_space<vmem_shared>>
        tpu.wait_indirect_dma semaphore(%run_scoped3A_163 : memref<!tpu.dma_semaphore, #tpu.memory_space<semaphore_mem>>) src(%dma_wait3A_175 : memref<125x128xf32, #tpu.memory_space<vmem>>) dst(%dma_wait3A_181 : memref<10240x128xf32, #tpu.memory_space<vmem_shared>>)
        tpu.yield
      }) : () -> ()
      %barrier3A_162 = arith.constant 0 : index
      tpu.barrier barrier_id(%barrier3A_162)
      "tpu.region"() ({
        %run_scoped3A_163 = tpu.sem_alloc : memref<!tpu.dma_semaphore, #tpu.memory_space<semaphore_mem>>
        %dma_start3A_164 = arith.constant 0 : i32
        %dma_start3A_165 = tpu.memref_slice %arg7[%mul3A_4, %dma_start3A_164] : memref<10240x128xf32, #tpu.memory_space<hbm>> -> memref<640x128xf32, #tpu.memory_space<hbm>>
        %dma_start3A_166 = arith.constant 0 : i32
        %dma_start3A_167 = tpu.memref_slice %arg12[%mul3A_4, %dma_start3A_166] : memref<10240x128xf32, #tpu.memory_space<vmem_shared>> -> memref<640x128xf32, #tpu.memory_space<vmem_shared>>
        tpu.enqueue_dma source(%dma_start3A_167 : memref<640x128xf32, #tpu.memory_space<vmem_shared>>) target(%dma_start3A_165 : memref<640x128xf32, #tpu.memory_space<hbm>>) target_semaphore(%run_scoped3A_163 : memref<!tpu.dma_semaphore, #tpu.memory_space<semaphore_mem>>)
        %dma_wait3A_168 = arith.constant 0 : i32
        %dma_wait3A_169 = tpu.memref_slice %arg7[%mul3A_4, %dma_wait3A_168] : memref<10240x128xf32, #tpu.memory_space<hbm>> -> memref<640x128xf32, #tpu.memory_space<hbm>>
        %dma_wait3A_170 = arith.constant 0 : i32
        %dma_wait3A_171 = tpu.memref_slice %arg12[%mul3A_4, %dma_wait3A_170] : memref<10240x128xf32, #tpu.memory_space<vmem_shared>> -> memref<640x128xf32, #tpu.memory_space<vmem_shared>>
        tpu.wait_dma2 semaphore(%run_scoped3A_163 : memref<!tpu.dma_semaphore, #tpu.memory_space<semaphore_mem>>) src(%dma_wait3A_171 : memref<640x128xf32, #tpu.memory_space<vmem_shared>>) dst(%dma_wait3A_169 : memref<640x128xf32, #tpu.memory_space<hbm>>)
        tpu.yield
      }) : () -> ()
    } else {
    }
    return
  }
}

#map = affine_map<(d0, d1) -> (0, 0, 0)>
#map1 = affine_map<(d0, d1) -> (0, 0)>
module attributes {stable_mosaic.version = 14 : i64} {
  func.func @_deg_body(%arg0: i32, %arg1: i32, %arg2: memref<32x40x125xi32, #tpu.memory_space<hbm>>, %arg3: memref<2x10240xf32, #tpu.memory_space<hbm>>, %arg4: memref<40x125xi32, #tpu.memory_space<vmem>>, %arg5: memref<640xf32, #tpu.memory_space<vmem>>, %arg6: memref<10240xf32, #tpu.memory_space<vmem_shared>>) attributes {dimension_semantics = [#tpu.dimension_semantics<core_parallel>, #tpu.dimension_semantics<subcore_parallel>], iteration_bounds = array<i64: 2, 16>, scalar_prefetch = 0 : i64, scratch_operands = 3 : i64, tpu.core_type = #tpu.core_type<sc_vector_subcore>, window_params = [{transform_indices = #map}, {transform_indices = #map1}]} {
    %mul3A = arith.constant 16 : i32
    %mul3A_0 = arith.muli %arg0, %mul3A : i32
    %add3A = arith.addi %mul3A_0, %arg1 : i32
    "tpu.region"() ({
      %run_scoped3A = tpu.sem_alloc : memref<!tpu.dma_semaphore, #tpu.memory_space<semaphore_mem>>
      %dma_start3A = arith.constant 0 : i32
      %dma_start3A_18 = arith.constant 0 : i32
      %dma_start3A_19 = tpu.memref_slice %arg2[%add3A, %dma_start3A, %dma_start3A_18] : memref<32x40x125xi32, #tpu.memory_space<hbm>> -> memref<1x40x125xi32, #tpu.memory_space<hbm>>
      %dma_start3A_20 = tpu.memref_squeeze %dma_start3A_19 : memref<1x40x125xi32, #tpu.memory_space<hbm>> -> memref<40x125xi32, #tpu.memory_space<hbm>>
      %dma_start3A_21 = arith.constant 0 : i32
      %dma_start3A_22 = arith.constant 0 : i32
      %dma_start3A_23 = tpu.memref_slice %arg2[%add3A, %dma_start3A_21, %dma_start3A_22] : memref<32x40x125xi32, #tpu.memory_space<hbm>> -> memref<1x40x125xi32, #tpu.memory_space<hbm>>
      %dma_start3A_24 = tpu.memref_squeeze %dma_start3A_23 : memref<1x40x125xi32, #tpu.memory_space<hbm>> -> memref<40x125xi32, #tpu.memory_space<hbm>>
      tpu.enqueue_dma source(%dma_start3A_24 : memref<40x125xi32, #tpu.memory_space<hbm>>) target(%arg4 : memref<40x125xi32, #tpu.memory_space<vmem>>) target_semaphore(%run_scoped3A : memref<!tpu.dma_semaphore, #tpu.memory_space<semaphore_mem>>)
      %dma_wait3A = arith.constant 0 : i32
      %dma_wait3A_25 = arith.constant 0 : i32
      %dma_wait3A_26 = tpu.memref_slice %arg2[%add3A, %dma_wait3A, %dma_wait3A_25] : memref<32x40x125xi32, #tpu.memory_space<hbm>> -> memref<1x40x125xi32, #tpu.memory_space<hbm>>
      %dma_wait3A_27 = tpu.memref_squeeze %dma_wait3A_26 : memref<1x40x125xi32, #tpu.memory_space<hbm>> -> memref<40x125xi32, #tpu.memory_space<hbm>>
      %dma_wait3A_28 = arith.constant 0 : i32
      %dma_wait3A_29 = arith.constant 0 : i32
      %dma_wait3A_30 = tpu.memref_slice %arg2[%add3A, %dma_wait3A_28, %dma_wait3A_29] : memref<32x40x125xi32, #tpu.memory_space<hbm>> -> memref<1x40x125xi32, #tpu.memory_space<hbm>>
      %dma_wait3A_31 = tpu.memref_squeeze %dma_wait3A_30 : memref<1x40x125xi32, #tpu.memory_space<hbm>> -> memref<40x125xi32, #tpu.memory_space<hbm>>
      tpu.wait_dma2 semaphore(%run_scoped3A : memref<!tpu.dma_semaphore, #tpu.memory_space<semaphore_mem>>) src(%dma_wait3A_31 : memref<40x125xi32, #tpu.memory_space<hbm>>) dst(%arg4 : memref<40x125xi32, #tpu.memory_space<vmem>>)
      tpu.yield
    }) : () -> ()
    %scan3A = arith.constant 0 : i32
    %scan3A_1 = arith.constant 40 : i32
    %scan3A_2 = arith.addi %scan3A, %scan3A_1 : i32
    %scan3A_3 = arith.constant 1 : i32
    scf.for %scan3A_18 = %scan3A to %scan3A_2 step %scan3A_3  : i32 {
      %broadcast_in_dim3A = arith.constant 0.000000e+00 : f32
      %broadcast_in_dim3A_19 = vector.broadcast %broadcast_in_dim3A : f32 to vector<16xf32>
      %mul3A_20 = arith.constant 16 : i32
      %mul3A_21 = arith.muli %scan3A_18, %mul3A_20 : i32
      %swap3A = arith.index_cast %mul3A_21 : i32 to index
      %swap3A_22 = tpu.vector_load %arg5[%swap3A] {strides = array<i32>} : memref<640xf32, #tpu.memory_space<vmem>>, vector<16xf32>,
      %swap3A_23 = vector.shape_cast %swap3A_22 : vector<16xf32> to vector<16xf32>
      %swap3A_24 = vector.shape_cast %broadcast_in_dim3A_19 : vector<16xf32> to vector<16xf32>
      tpu.vector_store %arg5[%swap3A], %swap3A_24 {strides = array<i32>} : memref<640xf32, #tpu.memory_space<vmem>>, vector<16xf32>,
    }
    %scan3A_4 = arith.constant 40 : i32
    %mul3A_5 = arith.constant 640 : i32
    %mul3A_6 = arith.muli %arg1, %mul3A_5 : i32
    "tpu.region"() ({
      %run_scoped3A = tpu.sem_alloc : memref<!tpu.dma_semaphore, #tpu.memory_space<semaphore_mem>>
      %dma_start3A = tpu.memref_slice %arg6[%mul3A_6] : memref<10240xf32, #tpu.memory_space<vmem_shared>> -> memref<640xf32, #tpu.memory_space<vmem_shared>>
      %dma_start3A_18 = tpu.memref_slice %arg6[%mul3A_6] : memref<10240xf32, #tpu.memory_space<vmem_shared>> -> memref<640xf32, #tpu.memory_space<vmem_shared>>
      tpu.enqueue_dma source(%arg5 : memref<640xf32, #tpu.memory_space<vmem>>) target(%dma_start3A_18 : memref<640xf32, #tpu.memory_space<vmem_shared>>) target_semaphore(%run_scoped3A : memref<!tpu.dma_semaphore, #tpu.memory_space<semaphore_mem>>)
      %dma_wait3A = tpu.memref_slice %arg6[%mul3A_6] : memref<10240xf32, #tpu.memory_space<vmem_shared>> -> memref<640xf32, #tpu.memory_space<vmem_shared>>
      %dma_wait3A_19 = tpu.memref_slice %arg6[%mul3A_6] : memref<10240xf32, #tpu.memory_space<vmem_shared>> -> memref<640xf32, #tpu.memory_space<vmem_shared>>
      tpu.wait_dma2 semaphore(%run_scoped3A : memref<!tpu.dma_semaphore, #tpu.memory_space<semaphore_mem>>) src(%arg5 : memref<640xf32, #tpu.memory_space<vmem>>) dst(%dma_wait3A_19 : memref<640xf32, #tpu.memory_space<vmem_shared>>)
      tpu.yield
    }) : () -> ()
    %barrier3A = arith.constant 0 : index
    tpu.barrier barrier_id(%barrier3A)
    %scan3A_7 = arith.constant 0 : i32
    %scan3A_8 = arith.constant 8 : i32
    %scan3A_9 = arith.addi %scan3A_7, %scan3A_8 : i32
    %scan3A_10 = arith.constant 1 : i32
    scf.for %scan3A_18 = %scan3A_7 to %scan3A_9 step %scan3A_10  : i32 {
      %broadcast_in_dim3A = arith.constant 1.000000e+00 : f32
      %broadcast_in_dim3A_19 = vector.broadcast %broadcast_in_dim3A : f32 to vector<16xf32>
      %mul3A_20 = arith.constant 16 : i32
      %mul3A_21 = arith.muli %scan3A_18, %mul3A_20 : i32
      %swap3A = arith.index_cast %mul3A_21 : i32 to index
      %swap3A_22 = tpu.vector_load %arg5[%swap3A] {strides = array<i32>} : memref<640xf32, #tpu.memory_space<vmem>>, vector<16xf32>,
      %swap3A_23 = vector.shape_cast %swap3A_22 : vector<16xf32> to vector<16xf32>
      %swap3A_24 = vector.shape_cast %broadcast_in_dim3A_19 : vector<16xf32> to vector<16xf32>
      tpu.vector_store %arg5[%swap3A], %swap3A_24 {strides = array<i32>} : memref<640xf32, #tpu.memory_space<vmem>>, vector<16xf32>,
    }
    %scan3A_11 = arith.constant 8 : i32
    %scan3A_12 = arith.constant 0 : i32
    %scan3A_13 = arith.constant 40 : i32
    %scan3A_14 = arith.addi %scan3A_12, %scan3A_13 : i32
    %scan3A_15 = arith.constant 1 : i32
    scf.for %scan3A_18 = %scan3A_12 to %scan3A_14 step %scan3A_15  : i32 {
      "tpu.region"() ({
        %run_scoped3A = tpu.sem_alloc : memref<!tpu.dma_semaphore, #tpu.memory_space<semaphore_mem>>
        %dma_start3A = arith.constant 0 : i32
        %dma_start3A_19 = tpu.memref_slice %arg5[%dma_start3A] : memref<640xf32, #tpu.memory_space<vmem>> -> memref<125xf32, #tpu.memory_space<vmem>>
        %dma_start3A_20 = arith.constant 0 : i32
        %dma_start3A_21 = tpu.memref_slice %arg4[%scan3A_18, %dma_start3A_20] : memref<40x125xi32, #tpu.memory_space<vmem>> -> memref<1x125xi32, #tpu.memory_space<vmem>>
        %dma_start3A_22 = tpu.memref_squeeze %dma_start3A_21 : memref<1x125xi32, #tpu.memory_space<vmem>> -> memref<125xi32, #tpu.memory_space<vmem>>
        %dma_start3A_23 = arith.constant 0 : i32
        %dma_start3A_24 = tpu.memref_slice %arg6[%dma_start3A_23] : memref<10240xf32, #tpu.memory_space<vmem_shared>> -> memref<10240xf32, #tpu.memory_space<vmem_shared>>
        tpu.enqueue_indirect_dma source(%dma_start3A_19 : memref<125xf32, #tpu.memory_space<vmem>>) target(%dma_start3A_24 : memref<10240xf32, #tpu.memory_space<vmem_shared>>) offsets(%dma_start3A_22 : memref<125xi32, #tpu.memory_space<vmem>>) semaphore(%run_scoped3A : memref<!tpu.dma_semaphore, #tpu.memory_space<semaphore_mem>>) {add = true}
        %dma_wait3A = arith.constant 0 : i32
        %dma_wait3A_25 = tpu.memref_slice %arg5[%dma_wait3A] : memref<640xf32, #tpu.memory_space<vmem>> -> memref<125xf32, #tpu.memory_space<vmem>>
        %dma_wait3A_26 = arith.constant 0 : i32
        %dma_wait3A_27 = tpu.memref_slice %arg4[%scan3A_18, %dma_wait3A_26] : memref<40x125xi32, #tpu.memory_space<vmem>> -> memref<1x125xi32, #tpu.memory_space<vmem>>
        %dma_wait3A_28 = tpu.memref_squeeze %dma_wait3A_27 : memref<1x125xi32, #tpu.memory_space<vmem>> -> memref<125xi32, #tpu.memory_space<vmem>>
        %dma_wait3A_29 = arith.constant 0 : i32
        %dma_wait3A_30 = tpu.memref_slice %arg6[%dma_wait3A_29] : memref<10240xf32, #tpu.memory_space<vmem_shared>> -> memref<10240xf32, #tpu.memory_space<vmem_shared>>
        tpu.wait_indirect_dma semaphore(%run_scoped3A : memref<!tpu.dma_semaphore, #tpu.memory_space<semaphore_mem>>) src(%dma_wait3A_25 : memref<125xf32, #tpu.memory_space<vmem>>) dst(%dma_wait3A_30 : memref<10240xf32, #tpu.memory_space<vmem_shared>>)
        tpu.yield
      }) : () -> ()
    }
    %scan3A_16 = arith.constant 40 : i32
    %barrier3A_17 = arith.constant 0 : index
    tpu.barrier barrier_id(%barrier3A_17)
    "tpu.region"() ({
      %run_scoped3A = tpu.sem_alloc : memref<!tpu.dma_semaphore, #tpu.memory_space<semaphore_mem>>
      %dma_start3A = tpu.memref_slice %arg6[%mul3A_6] : memref<10240xf32, #tpu.memory_space<vmem_shared>> -> memref<640xf32, #tpu.memory_space<vmem_shared>>
      %dma_start3A_18 = tpu.memref_slice %arg6[%mul3A_6] : memref<10240xf32, #tpu.memory_space<vmem_shared>> -> memref<640xf32, #tpu.memory_space<vmem_shared>>
      tpu.enqueue_dma source(%dma_start3A_18 : memref<640xf32, #tpu.memory_space<vmem_shared>>) target(%arg5 : memref<640xf32, #tpu.memory_space<vmem>>) target_semaphore(%run_scoped3A : memref<!tpu.dma_semaphore, #tpu.memory_space<semaphore_mem>>)
      %dma_wait3A = tpu.memref_slice %arg6[%mul3A_6] : memref<10240xf32, #tpu.memory_space<vmem_shared>> -> memref<640xf32, #tpu.memory_space<vmem_shared>>
      %dma_wait3A_19 = tpu.memref_slice %arg6[%mul3A_6] : memref<10240xf32, #tpu.memory_space<vmem_shared>> -> memref<640xf32, #tpu.memory_space<vmem_shared>>
      tpu.wait_dma2 semaphore(%run_scoped3A : memref<!tpu.dma_semaphore, #tpu.memory_space<semaphore_mem>>) src(%dma_wait3A_19 : memref<640xf32, #tpu.memory_space<vmem_shared>>) dst(%arg5 : memref<640xf32, #tpu.memory_space<vmem>>)
      tpu.yield
    }) : () -> ()
    "tpu.region"() ({
      %run_scoped3A = tpu.sem_alloc : memref<!tpu.dma_semaphore, #tpu.memory_space<semaphore_mem>>
      %dma_start3A = tpu.memref_slice %arg3[%arg0, %mul3A_6] : memref<2x10240xf32, #tpu.memory_space<hbm>> -> memref<1x640xf32, #tpu.memory_space<hbm>>
      %dma_start3A_18 = tpu.memref_squeeze %dma_start3A : memref<1x640xf32, #tpu.memory_space<hbm>> -> memref<640xf32, #tpu.memory_space<hbm>>
      %dma_start3A_19 = tpu.memref_slice %arg3[%arg0, %mul3A_6] : memref<2x10240xf32, #tpu.memory_space<hbm>> -> memref<1x640xf32, #tpu.memory_space<hbm>>
      %dma_start3A_20 = tpu.memref_squeeze %dma_start3A_19 : memref<1x640xf32, #tpu.memory_space<hbm>> -> memref<640xf32, #tpu.memory_space<hbm>>
      tpu.enqueue_dma source(%arg5 : memref<640xf32, #tpu.memory_space<vmem>>) target(%dma_start3A_20 : memref<640xf32, #tpu.memory_space<hbm>>) target_semaphore(%run_scoped3A : memref<!tpu.dma_semaphore, #tpu.memory_space<semaphore_mem>>)
      %dma_wait3A = tpu.memref_slice %arg3[%arg0, %mul3A_6] : memref<2x10240xf32, #tpu.memory_space<hbm>> -> memref<1x640xf32, #tpu.memory_space<hbm>>
      %dma_wait3A_21 = tpu.memref_squeeze %dma_wait3A : memref<1x640xf32, #tpu.memory_space<hbm>> -> memref<640xf32, #tpu.memory_space<hbm>>
      %dma_wait3A_22 = tpu.memref_slice %arg3[%arg0, %mul3A_6] : memref<2x10240xf32, #tpu.memory_space<hbm>> -> memref<1x640xf32, #tpu.memory_space<hbm>>
      %dma_wait3A_23 = tpu.memref_squeeze %dma_wait3A_22 : memref<1x640xf32, #tpu.memory_space<hbm>> -> memref<640xf32, #tpu.memory_space<hbm>>
      tpu.wait_dma2 semaphore(%run_scoped3A : memref<!tpu.dma_semaphore, #tpu.memory_space<semaphore_mem>>) src(%arg5 : memref<640xf32, #tpu.memory_space<vmem>>) dst(%dma_wait3A_23 : memref<640xf32, #tpu.memory_space<hbm>>)
      tpu.yield
    }) : () -> ()
    return
  }
}

#map = affine_map<(d0, d1) -> (0, 0)>
#map1 = affine_map<(d0, d1) -> (0, 0, 0)>
module attributes {stable_mosaic.version = 14 : i64} {
  func.func @_msg_body(%arg0: i32, %arg1: i32, %arg2: memref<10000x128xf32, #tpu.memory_space<hbm>>, %arg3: memref<10000x128xf32, #tpu.memory_space<hbm>>, %arg4: memref<16x80x125xi32, #tpu.memory_space<hbm>>, %arg5: memref<16x80x125xi32, #tpu.memory_space<hbm>>, %arg6: memref<10240x128xf32, #tpu.memory_space<hbm>>, %arg7: memref<10240x128xf32, #tpu.memory_space<hbm>>, %arg8: memref<40x125xi32, #tpu.memory_space<vmem>>, %arg9: memref<40x125xi32, #tpu.memory_space<vmem>>, %arg10: memref<128x128xf32, #tpu.memory_space<vmem>>, %arg11: memref<125x128xf32, #tpu.memory_space<vmem>>, %arg12: memref<10240x128xf32, #tpu.memory_space<vmem_shared>>, %arg13: memref<!tpu.dma_semaphore, #tpu.memory_space<semaphore_mem>>, %arg14: memref<!tpu.dma_semaphore, #tpu.memory_space<semaphore_mem>>) attributes {dimension_semantics = [#tpu.dimension_semantics<core_parallel>, #tpu.dimension_semantics<subcore_parallel>], iteration_bounds = array<i64: 2, 16>, scalar_prefetch = 0 : i64, scratch_operands = 7 : i64, tpu.core_type = #tpu.core_type<sc_vector_subcore>, window_params = [{transform_indices = #map}, {transform_indices = #map}, {transform_indices = #map1}, {transform_indices = #map1}, {transform_indices = #map}, {transform_indices = #map}]} {
    %scan3A = arith.constant 0 : i32
    %scan3A_0 = arith.constant 128 : i32
    %scan3A_1 = arith.addi %scan3A, %scan3A_0 : i32
    %scan3A_2 = arith.constant 1 : i32
    scf.for %scan3A_69 = %scan3A to %scan3A_1 step %scan3A_2  : i32 {
      %broadcast_in_dim3A = arith.constant 0.000000e+00 : f32
      %broadcast_in_dim3A_70 = vector.broadcast %broadcast_in_dim3A : f32 to vector<16xf32>
      %swap3A = arith.index_cast %scan3A_69 : i32 to index
      %swap3A_71 = arith.constant 0 : index
      %swap3A_72 = tpu.vector_load %arg10[%swap3A, %swap3A_71] {strides = array<i32>} : memref<128x128xf32, #tpu.memory_space<vmem>>, vector<1x16xf32>,
      %swap3A_73 = vector.shape_cast %swap3A_72 : vector<1x16xf32> to vector<16xf32>
      %swap3A_74 = vector.shape_cast %broadcast_in_dim3A_70 : vector<16xf32> to vector<1x16xf32>
      tpu.vector_store %arg10[%swap3A, %swap3A_71], %swap3A_74 {strides = array<i32>} : memref<128x128xf32, #tpu.memory_space<vmem>>, vector<1x16xf32>,
      %broadcast_in_dim3A_75 = arith.constant 0.000000e+00 : f32
      %broadcast_in_dim3A_76 = vector.broadcast %broadcast_in_dim3A_75 : f32 to vector<16xf32>
      %swap3A_77 = arith.index_cast %scan3A_69 : i32 to index
      %swap3A_78 = arith.constant 16 : index
      %swap3A_79 = tpu.vector_load %arg10[%swap3A_77, %swap3A_78] {strides = array<i32>} : memref<128x128xf32, #tpu.memory_space<vmem>>, vector<1x16xf32>,
      %swap3A_80 = vector.shape_cast %swap3A_79 : vector<1x16xf32> to vector<16xf32>
      %swap3A_81 = vector.shape_cast %broadcast_in_dim3A_76 : vector<16xf32> to vector<1x16xf32>
      tpu.vector_store %arg10[%swap3A_77, %swap3A_78], %swap3A_81 {strides = array<i32>} : memref<128x128xf32, #tpu.memory_space<vmem>>, vector<1x16xf32>,
      %broadcast_in_dim3A_82 = arith.constant 0.000000e+00 : f32
      %broadcast_in_dim3A_83 = vector.broadcast %broadcast_in_dim3A_82 : f32 to vector<16xf32>
      %swap3A_84 = arith.index_cast %scan3A_69 : i32 to index
      %swap3A_85 = arith.constant 32 : index
      %swap3A_86 = tpu.vector_load %arg10[%swap3A_84, %swap3A_85] {strides = array<i32>} : memref<128x128xf32, #tpu.memory_space<vmem>>, vector<1x16xf32>,
      %swap3A_87 = vector.shape_cast %swap3A_86 : vector<1x16xf32> to vector<16xf32>
      %swap3A_88 = vector.shape_cast %broadcast_in_dim3A_83 : vector<16xf32> to vector<1x16xf32>
      tpu.vector_store %arg10[%swap3A_84, %swap3A_85], %swap3A_88 {strides = array<i32>} : memref<128x128xf32, #tpu.memory_space<vmem>>, vector<1x16xf32>,
      %broadcast_in_dim3A_89 = arith.constant 0.000000e+00 : f32
      %broadcast_in_dim3A_90 = vector.broadcast %broadcast_in_dim3A_89 : f32 to vector<16xf32>
      %swap3A_91 = arith.index_cast %scan3A_69 : i32 to index
      %swap3A_92 = arith.constant 48 : index
      %swap3A_93 = tpu.vector_load %arg10[%swap3A_91, %swap3A_92] {strides = array<i32>} : memref<128x128xf32, #tpu.memory_space<vmem>>, vector<1x16xf32>,
      %swap3A_94 = vector.shape_cast %swap3A_93 : vector<1x16xf32> to vector<16xf32>
      %swap3A_95 = vector.shape_cast %broadcast_in_dim3A_90 : vector<16xf32> to vector<1x16xf32>
      tpu.vector_store %arg10[%swap3A_91, %swap3A_92], %swap3A_95 {strides = array<i32>} : memref<128x128xf32, #tpu.memory_space<vmem>>, vector<1x16xf32>,
      %broadcast_in_dim3A_96 = arith.constant 0.000000e+00 : f32
      %broadcast_in_dim3A_97 = vector.broadcast %broadcast_in_dim3A_96 : f32 to vector<16xf32>
      %swap3A_98 = arith.index_cast %scan3A_69 : i32 to index
      %swap3A_99 = arith.constant 64 : index
      %swap3A_100 = tpu.vector_load %arg10[%swap3A_98, %swap3A_99] {strides = array<i32>} : memref<128x128xf32, #tpu.memory_space<vmem>>, vector<1x16xf32>,
      %swap3A_101 = vector.shape_cast %swap3A_100 : vector<1x16xf32> to vector<16xf32>
      %swap3A_102 = vector.shape_cast %broadcast_in_dim3A_97 : vector<16xf32> to vector<1x16xf32>
      tpu.vector_store %arg10[%swap3A_98, %swap3A_99], %swap3A_102 {strides = array<i32>} : memref<128x128xf32, #tpu.memory_space<vmem>>, vector<1x16xf32>,
      %broadcast_in_dim3A_103 = arith.constant 0.000000e+00 : f32
      %broadcast_in_dim3A_104 = vector.broadcast %broadcast_in_dim3A_103 : f32 to vector<16xf32>
      %swap3A_105 = arith.index_cast %scan3A_69 : i32 to index
      %swap3A_106 = arith.constant 80 : index
      %swap3A_107 = tpu.vector_load %arg10[%swap3A_105, %swap3A_106] {strides = array<i32>} : memref<128x128xf32, #tpu.memory_space<vmem>>, vector<1x16xf32>,
      %swap3A_108 = vector.shape_cast %swap3A_107 : vector<1x16xf32> to vector<16xf32>
      %swap3A_109 = vector.shape_cast %broadcast_in_dim3A_104 : vector<16xf32> to vector<1x16xf32>
      tpu.vector_store %arg10[%swap3A_105, %swap3A_106], %swap3A_109 {strides = array<i32>} : memref<128x128xf32, #tpu.memory_space<vmem>>, vector<1x16xf32>,
      %broadcast_in_dim3A_110 = arith.constant 0.000000e+00 : f32
      %broadcast_in_dim3A_111 = vector.broadcast %broadcast_in_dim3A_110 : f32 to vector<16xf32>
      %swap3A_112 = arith.index_cast %scan3A_69 : i32 to index
      %swap3A_113 = arith.constant 96 : index
      %swap3A_114 = tpu.vector_load %arg10[%swap3A_112, %swap3A_113] {strides = array<i32>} : memref<128x128xf32, #tpu.memory_space<vmem>>, vector<1x16xf32>,
      %swap3A_115 = vector.shape_cast %swap3A_114 : vector<1x16xf32> to vector<16xf32>
      %swap3A_116 = vector.shape_cast %broadcast_in_dim3A_111 : vector<16xf32> to vector<1x16xf32>
      tpu.vector_store %arg10[%swap3A_112, %swap3A_113], %swap3A_116 {strides = array<i32>} : memref<128x128xf32, #tpu.memory_space<vmem>>, vector<1x16xf32>,
      %broadcast_in_dim3A_117 = arith.constant 0.000000e+00 : f32
      %broadcast_in_dim3A_118 = vector.broadcast %broadcast_in_dim3A_117 : f32 to vector<16xf32>
      %swap3A_119 = arith.index_cast %scan3A_69 : i32 to index
      %swap3A_120 = arith.constant 112 : index
      %swap3A_121 = tpu.vector_load %arg10[%swap3A_119, %swap3A_120] {strides = array<i32>} : memref<128x128xf32, #tpu.memory_space<vmem>>, vector<1x16xf32>,
      %swap3A_122 = vector.shape_cast %swap3A_121 : vector<1x16xf32> to vector<16xf32>
      %swap3A_123 = vector.shape_cast %broadcast_in_dim3A_118 : vector<16xf32> to vector<1x16xf32>
      tpu.vector_store %arg10[%swap3A_119, %swap3A_120], %swap3A_123 {strides = array<i32>} : memref<128x128xf32, #tpu.memory_space<vmem>>, vector<1x16xf32>,
    }
    %scan3A_3 = arith.constant 128 : i32
    %mul3A = arith.constant 640 : i32
    %mul3A_4 = arith.muli %arg1, %mul3A : i32
    %add3A = arith.constant 0 : i32
    %add3A_5 = arith.addi %mul3A_4, %add3A : i32
    %dma_start3A = arith.constant 0 : i32
    %dma_start3A_6 = tpu.memref_slice %arg12[%add3A_5, %dma_start3A] : memref<10240x128xf32, #tpu.memory_space<vmem_shared>> -> memref<128x128xf32, #tpu.memory_space<vmem_shared>>
    %dma_start3A_7 = arith.constant 0 : i32
    %dma_start3A_8 = tpu.memref_slice %arg12[%add3A_5, %dma_start3A_7] : memref<10240x128xf32, #tpu.memory_space<vmem_shared>> -> memref<128x128xf32, #tpu.memory_space<vmem_shared>>
    tpu.enqueue_dma source(%arg10 : memref<128x128xf32, #tpu.memory_space<vmem>>) target(%dma_start3A_8 : memref<128x128xf32, #tpu.memory_space<vmem_shared>>) target_semaphore(%arg14 : memref<!tpu.dma_semaphore, #tpu.memory_space<semaphore_mem>>)
    %add3A_9 = arith.constant 128 : i32
    %add3A_10 = arith.addi %mul3A_4, %add3A_9 : i32
    %dma_start3A_11 = arith.constant 0 : i32
    %dma_start3A_12 = tpu.memref_slice %arg12[%add3A_10, %dma_start3A_11] : memref<10240x128xf32, #tpu.memory_space<vmem_shared>> -> memref<128x128xf32, #tpu.memory_space<vmem_shared>>
    %dma_start3A_13 = arith.constant 0 : i32
    %dma_start3A_14 = tpu.memref_slice %arg12[%add3A_10, %dma_start3A_13] : memref<10240x128xf32, #tpu.memory_space<vmem_shared>> -> memref<128x128xf32, #tpu.memory_space<vmem_shared>>
    tpu.enqueue_dma source(%arg10 : memref<128x128xf32, #tpu.memory_space<vmem>>) target(%dma_start3A_14 : memref<128x128xf32, #tpu.memory_space<vmem_shared>>) target_semaphore(%arg14 : memref<!tpu.dma_semaphore, #tpu.memory_space<semaphore_mem>>)
    %add3A_15 = arith.constant 256 : i32
    %add3A_16 = arith.addi %mul3A_4, %add3A_15 : i32
    %dma_start3A_17 = arith.constant 0 : i32
    %dma_start3A_18 = tpu.memref_slice %arg12[%add3A_16, %dma_start3A_17] : memref<10240x128xf32, #tpu.memory_space<vmem_shared>> -> memref<128x128xf32, #tpu.memory_space<vmem_shared>>
    %dma_start3A_19 = arith.constant 0 : i32
    %dma_start3A_20 = tpu.memref_slice %arg12[%add3A_16, %dma_start3A_19] : memref<10240x128xf32, #tpu.memory_space<vmem_shared>> -> memref<128x128xf32, #tpu.memory_space<vmem_shared>>
    tpu.enqueue_dma source(%arg10 : memref<128x128xf32, #tpu.memory_space<vmem>>) target(%dma_start3A_20 : memref<128x128xf32, #tpu.memory_space<vmem_shared>>) target_semaphore(%arg14 : memref<!tpu.dma_semaphore, #tpu.memory_space<semaphore_mem>>)
    %add3A_21 = arith.constant 384 : i32
    %add3A_22 = arith.addi %mul3A_4, %add3A_21 : i32
    %dma_start3A_23 = arith.constant 0 : i32
    %dma_start3A_24 = tpu.memref_slice %arg12[%add3A_22, %dma_start3A_23] : memref<10240x128xf32, #tpu.memory_space<vmem_shared>> -> memref<128x128xf32, #tpu.memory_space<vmem_shared>>
    %dma_start3A_25 = arith.constant 0 : i32
    %dma_start3A_26 = tpu.memref_slice %arg12[%add3A_22, %dma_start3A_25] : memref<10240x128xf32, #tpu.memory_space<vmem_shared>> -> memref<128x128xf32, #tpu.memory_space<vmem_shared>>
    tpu.enqueue_dma source(%arg10 : memref<128x128xf32, #tpu.memory_space<vmem>>) target(%dma_start3A_26 : memref<128x128xf32, #tpu.memory_space<vmem_shared>>) target_semaphore(%arg14 : memref<!tpu.dma_semaphore, #tpu.memory_space<semaphore_mem>>)
    %add3A_27 = arith.constant 512 : i32
    %add3A_28 = arith.addi %mul3A_4, %add3A_27 : i32
    %dma_start3A_29 = arith.constant 0 : i32
    %dma_start3A_30 = tpu.memref_slice %arg12[%add3A_28, %dma_start3A_29] : memref<10240x128xf32, #tpu.memory_space<vmem_shared>> -> memref<128x128xf32, #tpu.memory_space<vmem_shared>>
    %dma_start3A_31 = arith.constant 0 : i32
    %dma_start3A_32 = tpu.memref_slice %arg12[%add3A_28, %dma_start3A_31] : memref<10240x128xf32, #tpu.memory_space<vmem_shared>> -> memref<128x128xf32, #tpu.memory_space<vmem_shared>>
    tpu.enqueue_dma source(%arg10 : memref<128x128xf32, #tpu.memory_space<vmem>>) target(%dma_start3A_32 : memref<128x128xf32, #tpu.memory_space<vmem_shared>>) target_semaphore(%arg14 : memref<!tpu.dma_semaphore, #tpu.memory_space<semaphore_mem>>)
    "tpu.region"() ({
      %run_scoped3A = tpu.sem_alloc : memref<!tpu.dma_semaphore, #tpu.memory_space<semaphore_mem>>
      %dma_start3A_69 = arith.constant 0 : i32
      %dma_start3A_70 = arith.constant 0 : i32
      %dma_start3A_71 = tpu.memref_slice %arg4[%arg1, %dma_start3A_69, %dma_start3A_70] : memref<16x80x125xi32, #tpu.memory_space<hbm>> -> memref<1x40x125xi32, #tpu.memory_space<hbm>>
      %dma_start3A_72 = tpu.memref_squeeze %dma_start3A_71 : memref<1x40x125xi32, #tpu.memory_space<hbm>> -> memref<40x125xi32, #tpu.memory_space<hbm>>
      %dma_start3A_73 = arith.constant 0 : i32
      %dma_start3A_74 = arith.constant 0 : i32
      %dma_start3A_75 = tpu.memref_slice %arg4[%arg1, %dma_start3A_73, %dma_start3A_74] : memref<16x80x125xi32, #tpu.memory_space<hbm>> -> memref<1x40x125xi32, #tpu.memory_space<hbm>>
      %dma_start3A_76 = tpu.memref_squeeze %dma_start3A_75 : memref<1x40x125xi32, #tpu.memory_space<hbm>> -> memref<40x125xi32, #tpu.memory_space<hbm>>
      tpu.enqueue_dma source(%dma_start3A_76 : memref<40x125xi32, #tpu.memory_space<hbm>>) target(%arg8 : memref<40x125xi32, #tpu.memory_space<vmem>>) target_semaphore(%run_scoped3A : memref<!tpu.dma_semaphore, #tpu.memory_space<semaphore_mem>>)
      %dma_wait3A_77 = arith.constant 0 : i32
      %dma_wait3A_78 = arith.constant 0 : i32
      %dma_wait3A_79 = tpu.memref_slice %arg4[%arg1, %dma_wait3A_77, %dma_wait3A_78] : memref<16x80x125xi32, #tpu.memory_space<hbm>> -> memref<1x40x125xi32, #tpu.memory_space<hbm>>
      %dma_wait3A_80 = tpu.memref_squeeze %dma_wait3A_79 : memref<1x40x125xi32, #tpu.memory_space<hbm>> -> memref<40x125xi32, #tpu.memory_space<hbm>>
      %dma_wait3A_81 = arith.constant 0 : i32
      %dma_wait3A_82 = arith.constant 0 : i32
      %dma_wait3A_83 = tpu.memref_slice %arg4[%arg1, %dma_wait3A_81, %dma_wait3A_82] : memref<16x80x125xi32, #tpu.memory_space<hbm>> -> memref<1x40x125xi32, #tpu.memory_space<hbm>>
      %dma_wait3A_84 = tpu.memref_squeeze %dma_wait3A_83 : memref<1x40x125xi32, #tpu.memory_space<hbm>> -> memref<40x125xi32, #tpu.memory_space<hbm>>
      tpu.wait_dma2 semaphore(%run_scoped3A : memref<!tpu.dma_semaphore, #tpu.memory_space<semaphore_mem>>) src(%dma_wait3A_84 : memref<40x125xi32, #tpu.memory_space<hbm>>) dst(%arg8 : memref<40x125xi32, #tpu.memory_space<vmem>>)
      tpu.yield
    }) : () -> ()
    "tpu.region"() ({
      %run_scoped3A = tpu.sem_alloc : memref<!tpu.dma_semaphore, #tpu.memory_space<semaphore_mem>>
      %dma_start3A_69 = arith.constant 0 : i32
      %dma_start3A_70 = arith.constant 0 : i32
      %dma_start3A_71 = tpu.memref_slice %arg5[%arg1, %dma_start3A_69, %dma_start3A_70] : memref<16x80x125xi32, #tpu.memory_space<hbm>> -> memref<1x40x125xi32, #tpu.memory_space<hbm>>
      %dma_start3A_72 = tpu.memref_squeeze %dma_start3A_71 : memref<1x40x125xi32, #tpu.memory_space<hbm>> -> memref<40x125xi32, #tpu.memory_space<hbm>>
      %dma_start3A_73 = arith.constant 0 : i32
      %dma_start3A_74 = arith.constant 0 : i32
      %dma_start3A_75 = tpu.memref_slice %arg5[%arg1, %dma_start3A_73, %dma_start3A_74] : memref<16x80x125xi32, #tpu.memory_space<hbm>> -> memref<1x40x125xi32, #tpu.memory_space<hbm>>
      %dma_start3A_76 = tpu.memref_squeeze %dma_start3A_75 : memref<1x40x125xi32, #tpu.memory_space<hbm>> -> memref<40x125xi32, #tpu.memory_space<hbm>>
      tpu.enqueue_dma source(%dma_start3A_76 : memref<40x125xi32, #tpu.memory_space<hbm>>) target(%arg9 : memref<40x125xi32, #tpu.memory_space<vmem>>) target_semaphore(%run_scoped3A : memref<!tpu.dma_semaphore, #tpu.memory_space<semaphore_mem>>)
      %dma_wait3A_77 = arith.constant 0 : i32
      %dma_wait3A_78 = arith.constant 0 : i32
      %dma_wait3A_79 = tpu.memref_slice %arg5[%arg1, %dma_wait3A_77, %dma_wait3A_78] : memref<16x80x125xi32, #tpu.memory_space<hbm>> -> memref<1x40x125xi32, #tpu.memory_space<hbm>>
      %dma_wait3A_80 = tpu.memref_squeeze %dma_wait3A_79 : memref<1x40x125xi32, #tpu.memory_space<hbm>> -> memref<40x125xi32, #tpu.memory_space<hbm>>
      %dma_wait3A_81 = arith.constant 0 : i32
      %dma_wait3A_82 = arith.constant 0 : i32
      %dma_wait3A_83 = tpu.memref_slice %arg5[%arg1, %dma_wait3A_81, %dma_wait3A_82] : memref<16x80x125xi32, #tpu.memory_space<hbm>> -> memref<1x40x125xi32, #tpu.memory_space<hbm>>
      %dma_wait3A_84 = tpu.memref_squeeze %dma_wait3A_83 : memref<1x40x125xi32, #tpu.memory_space<hbm>> -> memref<40x125xi32, #tpu.memory_space<hbm>>
      tpu.wait_dma2 semaphore(%run_scoped3A : memref<!tpu.dma_semaphore, #tpu.memory_space<semaphore_mem>>) src(%dma_wait3A_84 : memref<40x125xi32, #tpu.memory_space<hbm>>) dst(%arg9 : memref<40x125xi32, #tpu.memory_space<vmem>>)
      tpu.yield
    }) : () -> ()
    %add3A_33 = arith.constant 0 : i32
    %add3A_34 = arith.addi %mul3A_4, %add3A_33 : i32
    %dma_wait3A = arith.constant 0 : i32
    %dma_wait3A_35 = tpu.memref_slice %arg12[%add3A_34, %dma_wait3A] : memref<10240x128xf32, #tpu.memory_space<vmem_shared>> -> memref<128x128xf32, #tpu.memory_space<vmem_shared>>
    %dma_wait3A_36 = arith.constant 0 : i32
    %dma_wait3A_37 = tpu.memref_slice %arg12[%add3A_34, %dma_wait3A_36] : memref<10240x128xf32, #tpu.memory_space<vmem_shared>> -> memref<128x128xf32, #tpu.memory_space<vmem_shared>>
    tpu.wait_dma2 semaphore(%arg14 : memref<!tpu.dma_semaphore, #tpu.memory_space<semaphore_mem>>) src(%arg10 : memref<128x128xf32, #tpu.memory_space<vmem>>) dst(%dma_wait3A_37 : memref<128x128xf32, #tpu.memory_space<vmem_shared>>)
    %add3A_38 = arith.constant 128 : i32
    %add3A_39 = arith.addi %mul3A_4, %add3A_38 : i32
    %dma_wait3A_40 = arith.constant 0 : i32
    %dma_wait3A_41 = tpu.memref_slice %arg12[%add3A_39, %dma_wait3A_40] : memref<10240x128xf32, #tpu.memory_space<vmem_shared>> -> memref<128x128xf32, #tpu.memory_space<vmem_shared>>
    %dma_wait3A_42 = arith.constant 0 : i32
    %dma_wait3A_43 = tpu.memref_slice %arg12[%add3A_39, %dma_wait3A_42] : memref<10240x128xf32, #tpu.memory_space<vmem_shared>> -> memref<128x128xf32, #tpu.memory_space<vmem_shared>>
    tpu.wait_dma2 semaphore(%arg14 : memref<!tpu.dma_semaphore, #tpu.memory_space<semaphore_mem>>) src(%arg10 : memref<128x128xf32, #tpu.memory_space<vmem>>) dst(%dma_wait3A_43 : memref<128x128xf32, #tpu.memory_space<vmem_shared>>)
    %add3A_44 = arith.constant 256 : i32
    %add3A_45 = arith.addi %mul3A_4, %add3A_44 : i32
    %dma_wait3A_46 = arith.constant 0 : i32
    %dma_wait3A_47 = tpu.memref_slice %arg12[%add3A_45, %dma_wait3A_46] : memref<10240x128xf32, #tpu.memory_space<vmem_shared>> -> memref<128x128xf32, #tpu.memory_space<vmem_shared>>
    %dma_wait3A_48 = arith.constant 0 : i32
    %dma_wait3A_49 = tpu.memref_slice %arg12[%add3A_45, %dma_wait3A_48] : memref<10240x128xf32, #tpu.memory_space<vmem_shared>> -> memref<128x128xf32, #tpu.memory_space<vmem_shared>>
    tpu.wait_dma2 semaphore(%arg14 : memref<!tpu.dma_semaphore, #tpu.memory_space<semaphore_mem>>) src(%arg10 : memref<128x128xf32, #tpu.memory_space<vmem>>) dst(%dma_wait3A_49 : memref<128x128xf32, #tpu.memory_space<vmem_shared>>)
    %add3A_50 = arith.constant 384 : i32
    %add3A_51 = arith.addi %mul3A_4, %add3A_50 : i32
    %dma_wait3A_52 = arith.constant 0 : i32
    %dma_wait3A_53 = tpu.memref_slice %arg12[%add3A_51, %dma_wait3A_52] : memref<10240x128xf32, #tpu.memory_space<vmem_shared>> -> memref<128x128xf32, #tpu.memory_space<vmem_shared>>
    %dma_wait3A_54 = arith.constant 0 : i32
    %dma_wait3A_55 = tpu.memref_slice %arg12[%add3A_51, %dma_wait3A_54] : memref<10240x128xf32, #tpu.memory_space<vmem_shared>> -> memref<128x128xf32, #tpu.memory_space<vmem_shared>>
    tpu.wait_dma2 semaphore(%arg14 : memref<!tpu.dma_semaphore, #tpu.memory_space<semaphore_mem>>) src(%arg10 : memref<128x128xf32, #tpu.memory_space<vmem>>) dst(%dma_wait3A_55 : memref<128x128xf32, #tpu.memory_space<vmem_shared>>)
    %add3A_56 = arith.constant 512 : i32
    %add3A_57 = arith.addi %mul3A_4, %add3A_56 : i32
    %dma_wait3A_58 = arith.constant 0 : i32
    %dma_wait3A_59 = tpu.memref_slice %arg12[%add3A_57, %dma_wait3A_58] : memref<10240x128xf32, #tpu.memory_space<vmem_shared>> -> memref<128x128xf32, #tpu.memory_space<vmem_shared>>
    %dma_wait3A_60 = arith.constant 0 : i32
    %dma_wait3A_61 = tpu.memref_slice %arg12[%add3A_57, %dma_wait3A_60] : memref<10240x128xf32, #tpu.memory_space<vmem_shared>> -> memref<128x128xf32, #tpu.memory_space<vmem_shared>>
    tpu.wait_dma2 semaphore(%arg14 : memref<!tpu.dma_semaphore, #tpu.memory_space<semaphore_mem>>) src(%arg10 : memref<128x128xf32, #tpu.memory_space<vmem>>) dst(%dma_wait3A_61 : memref<128x128xf32, #tpu.memory_space<vmem_shared>>)
    %barrier3A = arith.constant 0 : index
    tpu.barrier barrier_id(%barrier3A)
    %eq3A = arith.constant 0 : i32
    %eq3A_62 = arith.cmpi eq, %arg0, %eq3A : i32
    %convert_element_type3A = arith.extui %eq3A_62 : i1 to i32
    %cond3A = arith.constant 0 : i32
    %cond3A_63 = arith.cmpi ne, %convert_element_type3A, %cond3A : i32
    scf.if %cond3A_63 {
      %dma_start3A_69 = arith.constant 0 : i32
      %dma_start3A_70 = arith.constant 0 : i32
      %dma_start3A_71 = arith.constant 0 : i32
      %dma_start3A_72 = tpu.memref_slice %arg10[%dma_start3A_70, %dma_start3A_71] : memref<128x128xf32, #tpu.memory_space<vmem>> -> memref<125x128xf32, #tpu.memory_space<vmem>>
      %dma_start3A_73 = arith.constant 0 : i32
      %dma_start3A_74 = tpu.memref_slice %arg8[%dma_start3A_69, %dma_start3A_73] : memref<40x125xi32, #tpu.memory_space<vmem>> -> memref<1x125xi32, #tpu.memory_space<vmem>>
      %dma_start3A_75 = tpu.memref_squeeze %dma_start3A_74 : memref<1x125xi32, #tpu.memory_space<vmem>> -> memref<125xi32, #tpu.memory_space<vmem>>
      %dma_start3A_76 = arith.constant 0 : i32
      %dma_start3A_77 = arith.constant 0 : i32
      %dma_start3A_78 = tpu.memref_slice %arg2[%dma_start3A_76, %dma_start3A_77] : memref<10000x128xf32, #tpu.memory_space<hbm>> -> memref<10000x128xf32, #tpu.memory_space<hbm>>
      tpu.enqueue_indirect_dma source(%dma_start3A_78 : memref<10000x128xf32, #tpu.memory_space<hbm>>) target(%dma_start3A_72 : memref<125x128xf32, #tpu.memory_space<vmem>>) offsets(%dma_start3A_75 : memref<125xi32, #tpu.memory_space<vmem>>) semaphore(%arg13 : memref<!tpu.dma_semaphore, #tpu.memory_space<semaphore_mem>>)
      %dma_start3A_79 = arith.constant 1 : i32
      %dma_start3A_80 = arith.constant 0 : i32
      %dma_start3A_81 = arith.constant 0 : i32
      %dma_start3A_82 = tpu.memref_slice %arg11[%dma_start3A_80, %dma_start3A_81] : memref<125x128xf32, #tpu.memory_space<vmem>> -> memref<125x128xf32, #tpu.memory_space<vmem>>
      %dma_start3A_83 = arith.constant 0 : i32
      %dma_start3A_84 = tpu.memref_slice %arg8[%dma_start3A_79, %dma_start3A_83] : memref<40x125xi32, #tpu.memory_space<vmem>> -> memref<1x125xi32, #tpu.memory_space<vmem>>
      %dma_start3A_85 = tpu.memref_squeeze %dma_start3A_84 : memref<1x125xi32, #tpu.memory_space<vmem>> -> memref<125xi32, #tpu.memory_space<vmem>>
      %dma_start3A_86 = arith.constant 0 : i32
      %dma_start3A_87 = arith.constant 0 : i32
      %dma_start3A_88 = tpu.memref_slice %arg2[%dma_start3A_86, %dma_start3A_87] : memref<10000x128xf32, #tpu.memory_space<hbm>> -> memref<10000x128xf32, #tpu.memory_space<hbm>>
      tpu.enqueue_indirect_dma source(%dma_start3A_88 : memref<10000x128xf32, #tpu.memory_space<hbm>>) target(%dma_start3A_82 : memref<125x128xf32, #tpu.memory_space<vmem>>) offsets(%dma_start3A_85 : memref<125xi32, #tpu.memory_space<vmem>>) semaphore(%arg14 : memref<!tpu.dma_semaphore, #tpu.memory_space<semaphore_mem>>)
      %scan3A_89 = arith.constant 0 : i32
      %scan3A_90 = arith.constant 19 : i32
      %scan3A_91 = arith.addi %scan3A_89, %scan3A_90 : i32
      %scan3A_92 = arith.constant 1 : i32
      scf.for %scan3A_163 = %scan3A_89 to %scan3A_91 step %scan3A_92  : i32 {
        %mul3A_164 = arith.constant 2 : i32
        %mul3A_165 = arith.muli %mul3A_164, %scan3A_163 : i32
        %dma_wait3A_166 = arith.constant 0 : i32
        %dma_wait3A_167 = arith.constant 0 : i32
        %dma_wait3A_168 = tpu.memref_slice %arg10[%dma_wait3A_166, %dma_wait3A_167] : memref<128x128xf32, #tpu.memory_space<vmem>> -> memref<125x128xf32, #tpu.memory_space<vmem>>
        %dma_wait3A_169 = arith.constant 0 : i32
        %dma_wait3A_170 = tpu.memref_slice %arg8[%mul3A_165, %dma_wait3A_169] : memref<40x125xi32, #tpu.memory_space<vmem>> -> memref<1x125xi32, #tpu.memory_space<vmem>>
        %dma_wait3A_171 = tpu.memref_squeeze %dma_wait3A_170 : memref<1x125xi32, #tpu.memory_space<vmem>> -> memref<125xi32, #tpu.memory_space<vmem>>
        %dma_wait3A_172 = arith.constant 0 : i32
        %dma_wait3A_173 = arith.constant 0 : i32
        %dma_wait3A_174 = tpu.memref_slice %arg2[%dma_wait3A_172, %dma_wait3A_173] : memref<10000x128xf32, #tpu.memory_space<hbm>> -> memref<10000x128xf32, #tpu.memory_space<hbm>>
        tpu.wait_indirect_dma semaphore(%arg13 : memref<!tpu.dma_semaphore, #tpu.memory_space<semaphore_mem>>) src(%dma_wait3A_174 : memref<10000x128xf32, #tpu.memory_space<hbm>>) dst(%dma_wait3A_168 : memref<125x128xf32, #tpu.memory_space<vmem>>)
        "tpu.region"() ({
          %run_scoped3A_210 = tpu.sem_alloc : memref<!tpu.dma_semaphore, #tpu.memory_space<semaphore_mem>>
          %dma_start3A_211 = arith.constant 0 : i32
          %dma_start3A_212 = arith.constant 0 : i32
          %dma_start3A_213 = tpu.memref_slice %arg10[%dma_start3A_211, %dma_start3A_212] : memref<128x128xf32, #tpu.memory_space<vmem>> -> memref<125x128xf32, #tpu.memory_space<vmem>>
          %dma_start3A_214 = arith.constant 0 : i32
          %dma_start3A_215 = tpu.memref_slice %arg9[%mul3A_165, %dma_start3A_214] : memref<40x125xi32, #tpu.memory_space<vmem>> -> memref<1x125xi32, #tpu.memory_space<vmem>>
          %dma_start3A_216 = tpu.memref_squeeze %dma_start3A_215 : memref<1x125xi32, #tpu.memory_space<vmem>> -> memref<125xi32, #tpu.memory_space<vmem>>
          %dma_start3A_217 = arith.constant 0 : i32
          %dma_start3A_218 = arith.constant 0 : i32
          %dma_start3A_219 = tpu.memref_slice %arg12[%dma_start3A_217, %dma_start3A_218] : memref<10240x128xf32, #tpu.memory_space<vmem_shared>> -> memref<10240x128xf32, #tpu.memory_space<vmem_shared>>
          tpu.enqueue_indirect_dma source(%dma_start3A_213 : memref<125x128xf32, #tpu.memory_space<vmem>>) target(%dma_start3A_219 : memref<10240x128xf32, #tpu.memory_space<vmem_shared>>) offsets(%dma_start3A_216 : memref<125xi32, #tpu.memory_space<vmem>>) semaphore(%run_scoped3A_210 : memref<!tpu.dma_semaphore, #tpu.memory_space<semaphore_mem>>) {add = true}
          %dma_wait3A_220 = arith.constant 0 : i32
          %dma_wait3A_221 = arith.constant 0 : i32
          %dma_wait3A_222 = tpu.memref_slice %arg10[%dma_wait3A_220, %dma_wait3A_221] : memref<128x128xf32, #tpu.memory_space<vmem>> -> memref<125x128xf32, #tpu.memory_space<vmem>>
          %dma_wait3A_223 = arith.constant 0 : i32
          %dma_wait3A_224 = tpu.memref_slice %arg9[%mul3A_165, %dma_wait3A_223] : memref<40x125xi32, #tpu.memory_space<vmem>> -> memref<1x125xi32, #tpu.memory_space<vmem>>
          %dma_wait3A_225 = tpu.memref_squeeze %dma_wait3A_224 : memref<1x125xi32, #tpu.memory_space<vmem>> -> memref<125xi32, #tpu.memory_space<vmem>>
          %dma_wait3A_226 = arith.constant 0 : i32
          %dma_wait3A_227 = arith.constant 0 : i32
          %dma_wait3A_228 = tpu.memref_slice %arg12[%dma_wait3A_226, %dma_wait3A_227] : memref<10240x128xf32, #tpu.memory_space<vmem_shared>> -> memref<10240x128xf32, #tpu.memory_space<vmem_shared>>
          tpu.wait_indirect_dma semaphore(%run_scoped3A_210 : memref<!tpu.dma_semaphore, #tpu.memory_space<semaphore_mem>>) src(%dma_wait3A_222 : memref<125x128xf32, #tpu.memory_space<vmem>>) dst(%dma_wait3A_228 : memref<10240x128xf32, #tpu.memory_space<vmem_shared>>)
          tpu.yield
        }) : () -> ()
        %add3A_175 = arith.constant 2 : i32
        %add3A_176 = arith.addi %mul3A_165, %add3A_175 : i32
        %dma_start3A_177 = arith.constant 0 : i32
        %dma_start3A_178 = arith.constant 0 : i32
        %dma_start3A_179 = tpu.memref_slice %arg10[%dma_start3A_177, %dma_start3A_178] : memref<128x128xf32, #tpu.memory_space<vmem>> -> memref<125x128xf32, #tpu.memory_space<vmem>>
        %dma_start3A_180 = arith.constant 0 : i32
        %dma_start3A_181 = tpu.memref_slice %arg8[%add3A_176, %dma_start3A_180] : memref<40x125xi32, #tpu.memory_space<vmem>> -> memref<1x125xi32, #tpu.memory_space<vmem>>
        %dma_start3A_182 = tpu.memref_squeeze %dma_start3A_181 : memref<1x125xi32, #tpu.memory_space<vmem>> -> memref<125xi32, #tpu.memory_space<vmem>>
        %dma_start3A_183 = arith.constant 0 : i32
        %dma_start3A_184 = arith.constant 0 : i32
        %dma_start3A_185 = tpu.memref_slice %arg2[%dma_start3A_183, %dma_start3A_184] : memref<10000x128xf32, #tpu.memory_space<hbm>> -> memref<10000x128xf32, #tpu.memory_space<hbm>>
        tpu.enqueue_indirect_dma source(%dma_start3A_185 : memref<10000x128xf32, #tpu.memory_space<hbm>>) target(%dma_start3A_179 : memref<125x128xf32, #tpu.memory_space<vmem>>) offsets(%dma_start3A_182 : memref<125xi32, #tpu.memory_space<vmem>>) semaphore(%arg13 : memref<!tpu.dma_semaphore, #tpu.memory_space<semaphore_mem>>)
        %mul3A_186 = arith.constant 2 : i32
        %mul3A_187 = arith.muli %mul3A_186, %scan3A_163 : i32
        %add3A_188 = arith.constant 1 : i32
        %add3A_189 = arith.addi %mul3A_187, %add3A_188 : i32
        %dma_wait3A_190 = arith.constant 0 : i32
        %dma_wait3A_191 = arith.constant 0 : i32
        %dma_wait3A_192 = tpu.memref_slice %arg11[%dma_wait3A_190, %dma_wait3A_191] : memref<125x128xf32, #tpu.memory_space<vmem>> -> memref<125x128xf32, #tpu.memory_space<vmem>>
        %dma_wait3A_193 = arith.constant 0 : i32
        %dma_wait3A_194 = tpu.memref_slice %arg8[%add3A_189, %dma_wait3A_193] : memref<40x125xi32, #tpu.memory_space<vmem>> -> memref<1x125xi32, #tpu.memory_space<vmem>>
        %dma_wait3A_195 = tpu.memref_squeeze %dma_wait3A_194 : memref<1x125xi32, #tpu.memory_space<vmem>> -> memref<125xi32, #tpu.memory_space<vmem>>
        %dma_wait3A_196 = arith.constant 0 : i32
        %dma_wait3A_197 = arith.constant 0 : i32
        %dma_wait3A_198 = tpu.memref_slice %arg2[%dma_wait3A_196, %dma_wait3A_197] : memref<10000x128xf32, #tpu.memory_space<hbm>> -> memref<10000x128xf32, #tpu.memory_space<hbm>>
        tpu.wait_indirect_dma semaphore(%arg14 : memref<!tpu.dma_semaphore, #tpu.memory_space<semaphore_mem>>) src(%dma_wait3A_198 : memref<10000x128xf32, #tpu.memory_space<hbm>>) dst(%dma_wait3A_192 : memref<125x128xf32, #tpu.memory_space<vmem>>)
        "tpu.region"() ({
          %run_scoped3A_210 = tpu.sem_alloc : memref<!tpu.dma_semaphore, #tpu.memory_space<semaphore_mem>>
          %dma_start3A_211 = arith.constant 0 : i32
          %dma_start3A_212 = arith.constant 0 : i32
          %dma_start3A_213 = tpu.memref_slice %arg11[%dma_start3A_211, %dma_start3A_212] : memref<125x128xf32, #tpu.memory_space<vmem>> -> memref<125x128xf32, #tpu.memory_space<vmem>>
          %dma_start3A_214 = arith.constant 0 : i32
          %dma_start3A_215 = tpu.memref_slice %arg9[%add3A_189, %dma_start3A_214] : memref<40x125xi32, #tpu.memory_space<vmem>> -> memref<1x125xi32, #tpu.memory_space<vmem>>
          %dma_start3A_216 = tpu.memref_squeeze %dma_start3A_215 : memref<1x125xi32, #tpu.memory_space<vmem>> -> memref<125xi32, #tpu.memory_space<vmem>>
          %dma_start3A_217 = arith.constant 0 : i32
          %dma_start3A_218 = arith.constant 0 : i32
          %dma_start3A_219 = tpu.memref_slice %arg12[%dma_start3A_217, %dma_start3A_218] : memref<10240x128xf32, #tpu.memory_space<vmem_shared>> -> memref<10240x128xf32, #tpu.memory_space<vmem_shared>>
          tpu.enqueue_indirect_dma source(%dma_start3A_213 : memref<125x128xf32, #tpu.memory_space<vmem>>) target(%dma_start3A_219 : memref<10240x128xf32, #tpu.memory_space<vmem_shared>>) offsets(%dma_start3A_216 : memref<125xi32, #tpu.memory_space<vmem>>) semaphore(%run_scoped3A_210 : memref<!tpu.dma_semaphore, #tpu.memory_space<semaphore_mem>>) {add = true}
          %dma_wait3A_220 = arith.constant 0 : i32
          %dma_wait3A_221 = arith.constant 0 : i32
          %dma_wait3A_222 = tpu.memref_slice %arg11[%dma_wait3A_220, %dma_wait3A_221] : memref<125x128xf32, #tpu.memory_space<vmem>> -> memref<125x128xf32, #tpu.memory_space<vmem>>
          %dma_wait3A_223 = arith.constant 0 : i32
          %dma_wait3A_224 = tpu.memref_slice %arg9[%add3A_189, %dma_wait3A_223] : memref<40x125xi32, #tpu.memory_space<vmem>> -> memref<1x125xi32, #tpu.memory_space<vmem>>
          %dma_wait3A_225 = tpu.memref_squeeze %dma_wait3A_224 : memref<1x125xi32, #tpu.memory_space<vmem>> -> memref<125xi32, #tpu.memory_space<vmem>>
          %dma_wait3A_226 = arith.constant 0 : i32
          %dma_wait3A_227 = arith.constant 0 : i32
          %dma_wait3A_228 = tpu.memref_slice %arg12[%dma_wait3A_226, %dma_wait3A_227] : memref<10240x128xf32, #tpu.memory_space<vmem_shared>> -> memref<10240x128xf32, #tpu.memory_space<vmem_shared>>
          tpu.wait_indirect_dma semaphore(%run_scoped3A_210 : memref<!tpu.dma_semaphore, #tpu.memory_space<semaphore_mem>>) src(%dma_wait3A_222 : memref<125x128xf32, #tpu.memory_space<vmem>>) dst(%dma_wait3A_228 : memref<10240x128xf32, #tpu.memory_space<vmem_shared>>)
          tpu.yield
        }) : () -> ()
        %add3A_199 = arith.constant 2 : i32
        %add3A_200 = arith.addi %add3A_189, %add3A_199 : i32
        %dma_start3A_201 = arith.constant 0 : i32
        %dma_start3A_202 = arith.constant 0 : i32
        %dma_start3A_203 = tpu.memref_slice %arg11[%dma_start3A_201, %dma_start3A_202] : memref<125x128xf32, #tpu.memory_space<vmem>> -> memref<125x128xf32, #tpu.memory_space<vmem>>
        %dma_start3A_204 = arith.constant 0 : i32
        %dma_start3A_205 = tpu.memref_slice %arg8[%add3A_200, %dma_start3A_204] : memref<40x125xi32, #tpu.memory_space<vmem>> -> memref<1x125xi32, #tpu.memory_space<vmem>>
        %dma_start3A_206 = tpu.memref_squeeze %dma_start3A_205 : memref<1x125xi32, #tpu.memory_space<vmem>> -> memref<125xi32, #tpu.memory_space<vmem>>
        %dma_start3A_207 = arith.constant 0 : i32
        %dma_start3A_208 = arith.constant 0 : i32
        %dma_start3A_209 = tpu.memref_slice %arg2[%dma_start3A_207, %dma_start3A_208] : memref<10000x128xf32, #tpu.memory_space<hbm>> -> memref<10000x128xf32, #tpu.memory_space<hbm>>
        tpu.enqueue_indirect_dma source(%dma_start3A_209 : memref<10000x128xf32, #tpu.memory_space<hbm>>) target(%dma_start3A_203 : memref<125x128xf32, #tpu.memory_space<vmem>>) offsets(%dma_start3A_206 : memref<125xi32, #tpu.memory_space<vmem>>) semaphore(%arg14 : memref<!tpu.dma_semaphore, #tpu.memory_space<semaphore_mem>>)
      }
      %scan3A_93 = arith.constant 19 : i32
      %dma_wait3A_94 = arith.constant 38 : i32
      %dma_wait3A_95 = arith.constant 0 : i32
      %dma_wait3A_96 = arith.constant 0 : i32
      %dma_wait3A_97 = tpu.memref_slice %arg10[%dma_wait3A_95, %dma_wait3A_96] : memref<128x128xf32, #tpu.memory_space<vmem>> -> memref<125x128xf32, #tpu.memory_space<vmem>>
      %dma_wait3A_98 = arith.constant 0 : i32
      %dma_wait3A_99 = tpu.memref_slice %arg8[%dma_wait3A_94, %dma_wait3A_98] : memref<40x125xi32, #tpu.memory_space<vmem>> -> memref<1x125xi32, #tpu.memory_space<vmem>>
      %dma_wait3A_100 = tpu.memref_squeeze %dma_wait3A_99 : memref<1x125xi32, #tpu.memory_space<vmem>> -> memref<125xi32, #tpu.memory_space<vmem>>
      %dma_wait3A_101 = arith.constant 0 : i32
      %dma_wait3A_102 = arith.constant 0 : i32
      %dma_wait3A_103 = tpu.memref_slice %arg2[%dma_wait3A_101, %dma_wait3A_102] : memref<10000x128xf32, #tpu.memory_space<hbm>> -> memref<10000x128xf32, #tpu.memory_space<hbm>>
      tpu.wait_indirect_dma semaphore(%arg13 : memref<!tpu.dma_semaphore, #tpu.memory_space<semaphore_mem>>) src(%dma_wait3A_103 : memref<10000x128xf32, #tpu.memory_space<hbm>>) dst(%dma_wait3A_97 : memref<125x128xf32, #tpu.memory_space<vmem>>)
      %run_scoped3A = arith.constant 38 : i32
      "tpu.region"() ({
        %run_scoped3A_163 = tpu.sem_alloc : memref<!tpu.dma_semaphore, #tpu.memory_space<semaphore_mem>>
        %dma_start3A_164 = arith.constant 0 : i32
        %dma_start3A_165 = arith.constant 0 : i32
        %dma_start3A_166 = tpu.memref_slice %arg10[%dma_start3A_164, %dma_start3A_165] : memref<128x128xf32, #tpu.memory_space<vmem>> -> memref<125x128xf32, #tpu.memory_space<vmem>>
        %dma_start3A_167 = arith.constant 0 : i32
        %dma_start3A_168 = tpu.memref_slice %arg9[%run_scoped3A, %dma_start3A_167] : memref<40x125xi32, #tpu.memory_space<vmem>> -> memref<1x125xi32, #tpu.memory_space<vmem>>
        %dma_start3A_169 = tpu.memref_squeeze %dma_start3A_168 : memref<1x125xi32, #tpu.memory_space<vmem>> -> memref<125xi32, #tpu.memory_space<vmem>>
        %dma_start3A_170 = arith.constant 0 : i32
        %dma_start3A_171 = arith.constant 0 : i32
        %dma_start3A_172 = tpu.memref_slice %arg12[%dma_start3A_170, %dma_start3A_171] : memref<10240x128xf32, #tpu.memory_space<vmem_shared>> -> memref<10240x128xf32, #tpu.memory_space<vmem_shared>>
        tpu.enqueue_indirect_dma source(%dma_start3A_166 : memref<125x128xf32, #tpu.memory_space<vmem>>) target(%dma_start3A_172 : memref<10240x128xf32, #tpu.memory_space<vmem_shared>>) offsets(%dma_start3A_169 : memref<125xi32, #tpu.memory_space<vmem>>) semaphore(%run_scoped3A_163 : memref<!tpu.dma_semaphore, #tpu.memory_space<semaphore_mem>>) {add = true}
        %dma_wait3A_173 = arith.constant 0 : i32
        %dma_wait3A_174 = arith.constant 0 : i32
        %dma_wait3A_175 = tpu.memref_slice %arg10[%dma_wait3A_173, %dma_wait3A_174] : memref<128x128xf32, #tpu.memory_space<vmem>> -> memref<125x128xf32, #tpu.memory_space<vmem>>
        %dma_wait3A_176 = arith.constant 0 : i32
        %dma_wait3A_177 = tpu.memref_slice %arg9[%run_scoped3A, %dma_wait3A_176] : memref<40x125xi32, #tpu.memory_space<vmem>> -> memref<1x125xi32, #tpu.memory_space<vmem>>
        %dma_wait3A_178 = tpu.memref_squeeze %dma_wait3A_177 : memref<1x125xi32, #tpu.memory_space<vmem>> -> memref<125xi32, #tpu.memory_space<vmem>>
        %dma_wait3A_179 = arith.constant 0 : i32
        %dma_wait3A_180 = arith.constant 0 : i32
        %dma_wait3A_181 = tpu.memref_slice %arg12[%dma_wait3A_179, %dma_wait3A_180] : memref<10240x128xf32, #tpu.memory_space<vmem_shared>> -> memref<10240x128xf32, #tpu.memory_space<vmem_shared>>
        tpu.wait_indirect_dma semaphore(%run_scoped3A_163 : memref<!tpu.dma_semaphore, #tpu.memory_space<semaphore_mem>>) src(%dma_wait3A_175 : memref<125x128xf32, #tpu.memory_space<vmem>>) dst(%dma_wait3A_181 : memref<10240x128xf32, #tpu.memory_space<vmem_shared>>)
        tpu.yield
      }) : () -> ()
      %dma_wait3A_104 = arith.constant 39 : i32
      %dma_wait3A_105 = arith.constant 0 : i32
      %dma_wait3A_106 = arith.constant 0 : i32
      %dma_wait3A_107 = tpu.memref_slice %arg11[%dma_wait3A_105, %dma_wait3A_106] : memref<125x128xf32, #tpu.memory_space<vmem>> -> memref<125x128xf32, #tpu.memory_space<vmem>>
      %dma_wait3A_108 = arith.constant 0 : i32
      %dma_wait3A_109 = tpu.memref_slice %arg8[%dma_wait3A_104, %dma_wait3A_108] : memref<40x125xi32, #tpu.memory_space<vmem>> -> memref<1x125xi32, #tpu.memory_space<vmem>>
      %dma_wait3A_110 = tpu.memref_squeeze %dma_wait3A_109 : memref<1x125xi32, #tpu.memory_space<vmem>> -> memref<125xi32, #tpu.memory_space<vmem>>
      %dma_wait3A_111 = arith.constant 0 : i32
      %dma_wait3A_112 = arith.constant 0 : i32
      %dma_wait3A_113 = tpu.memref_slice %arg2[%dma_wait3A_111, %dma_wait3A_112] : memref<10000x128xf32, #tpu.memory_space<hbm>> -> memref<10000x128xf32, #tpu.memory_space<hbm>>
      tpu.wait_indirect_dma semaphore(%arg14 : memref<!tpu.dma_semaphore, #tpu.memory_space<semaphore_mem>>) src(%dma_wait3A_113 : memref<10000x128xf32, #tpu.memory_space<hbm>>) dst(%dma_wait3A_107 : memref<125x128xf32, #tpu.memory_space<vmem>>)
      %run_scoped3A_114 = arith.constant 39 : i32
      "tpu.region"() ({
        %run_scoped3A_163 = tpu.sem_alloc : memref<!tpu.dma_semaphore, #tpu.memory_space<semaphore_mem>>
        %dma_start3A_164 = arith.constant 0 : i32
        %dma_start3A_165 = arith.constant 0 : i32
        %dma_start3A_166 = tpu.memref_slice %arg11[%dma_start3A_164, %dma_start3A_165] : memref<125x128xf32, #tpu.memory_space<vmem>> -> memref<125x128xf32, #tpu.memory_space<vmem>>
        %dma_start3A_167 = arith.constant 0 : i32
        %dma_start3A_168 = tpu.memref_slice %arg9[%run_scoped3A_114, %dma_start3A_167] : memref<40x125xi32, #tpu.memory_space<vmem>> -> memref<1x125xi32, #tpu.memory_space<vmem>>
        %dma_start3A_169 = tpu.memref_squeeze %dma_start3A_168 : memref<1x125xi32, #tpu.memory_space<vmem>> -> memref<125xi32, #tpu.memory_space<vmem>>
        %dma_start3A_170 = arith.constant 0 : i32
        %dma_start3A_171 = arith.constant 0 : i32
        %dma_start3A_172 = tpu.memref_slice %arg12[%dma_start3A_170, %dma_start3A_171] : memref<10240x128xf32, #tpu.memory_space<vmem_shared>> -> memref<10240x128xf32, #tpu.memory_space<vmem_shared>>
        tpu.enqueue_indirect_dma source(%dma_start3A_166 : memref<125x128xf32, #tpu.memory_space<vmem>>) target(%dma_start3A_172 : memref<10240x128xf32, #tpu.memory_space<vmem_shared>>) offsets(%dma_start3A_169 : memref<125xi32, #tpu.memory_space<vmem>>) semaphore(%run_scoped3A_163 : memref<!tpu.dma_semaphore, #tpu.memory_space<semaphore_mem>>) {add = true}
        %dma_wait3A_173 = arith.constant 0 : i32
        %dma_wait3A_174 = arith.constant 0 : i32
        %dma_wait3A_175 = tpu.memref_slice %arg11[%dma_wait3A_173, %dma_wait3A_174] : memref<125x128xf32, #tpu.memory_space<vmem>> -> memref<125x128xf32, #tpu.memory_space<vmem>>
        %dma_wait3A_176 = arith.constant 0 : i32
        %dma_wait3A_177 = tpu.memref_slice %arg9[%run_scoped3A_114, %dma_wait3A_176] : memref<40x125xi32, #tpu.memory_space<vmem>> -> memref<1x125xi32, #tpu.memory_space<vmem>>
        %dma_wait3A_178 = tpu.memref_squeeze %dma_wait3A_177 : memref<1x125xi32, #tpu.memory_space<vmem>> -> memref<125xi32, #tpu.memory_space<vmem>>
        %dma_wait3A_179 = arith.constant 0 : i32
        %dma_wait3A_180 = arith.constant 0 : i32
        %dma_wait3A_181 = tpu.memref_slice %arg12[%dma_wait3A_179, %dma_wait3A_180] : memref<10240x128xf32, #tpu.memory_space<vmem_shared>> -> memref<10240x128xf32, #tpu.memory_space<vmem_shared>>
        tpu.wait_indirect_dma semaphore(%run_scoped3A_163 : memref<!tpu.dma_semaphore, #tpu.memory_space<semaphore_mem>>) src(%dma_wait3A_175 : memref<125x128xf32, #tpu.memory_space<vmem>>) dst(%dma_wait3A_181 : memref<10240x128xf32, #tpu.memory_space<vmem_shared>>)
        tpu.yield
      }) : () -> ()
      "tpu.region"() ({
        %run_scoped3A_163 = tpu.sem_alloc : memref<!tpu.dma_semaphore, #tpu.memory_space<semaphore_mem>>
        %dma_start3A_164 = arith.constant 40 : i32
        %dma_start3A_165 = arith.constant 0 : i32
        %dma_start3A_166 = tpu.memref_slice %arg4[%arg1, %dma_start3A_164, %dma_start3A_165] : memref<16x80x125xi32, #tpu.memory_space<hbm>> -> memref<1x40x125xi32, #tpu.memory_space<hbm>>
        %dma_start3A_167 = tpu.memref_squeeze %dma_start3A_166 : memref<1x40x125xi32, #tpu.memory_space<hbm>> -> memref<40x125xi32, #tpu.memory_space<hbm>>
        %dma_start3A_168 = arith.constant 40 : i32
        %dma_start3A_169 = arith.constant 0 : i32
        %dma_start3A_170 = tpu.memref_slice %arg4[%arg1, %dma_start3A_168, %dma_start3A_169] : memref<16x80x125xi32, #tpu.memory_space<hbm>> -> memref<1x40x125xi32, #tpu.memory_space<hbm>>
        %dma_start3A_171 = tpu.memref_squeeze %dma_start3A_170 : memref<1x40x125xi32, #tpu.memory_space<hbm>> -> memref<40x125xi32, #tpu.memory_space<hbm>>
        tpu.enqueue_dma source(%dma_start3A_171 : memref<40x125xi32, #tpu.memory_space<hbm>>) target(%arg8 : memref<40x125xi32, #tpu.memory_space<vmem>>) target_semaphore(%run_scoped3A_163 : memref<!tpu.dma_semaphore, #tpu.memory_space<semaphore_mem>>)
        %dma_wait3A_172 = arith.constant 40 : i32
        %dma_wait3A_173 = arith.constant 0 : i32
        %dma_wait3A_174 = tpu.memref_slice %arg4[%arg1, %dma_wait3A_172, %dma_wait3A_173] : memref<16x80x125xi32, #tpu.memory_space<hbm>> -> memref<1x40x125xi32, #tpu.memory_space<hbm>>
        %dma_wait3A_175 = tpu.memref_squeeze %dma_wait3A_174 : memref<1x40x125xi32, #tpu.memory_space<hbm>> -> memref<40x125xi32, #tpu.memory_space<hbm>>
        %dma_wait3A_176 = arith.constant 40 : i32
        %dma_wait3A_177 = arith.constant 0 : i32
        %dma_wait3A_178 = tpu.memref_slice %arg4[%arg1, %dma_wait3A_176, %dma_wait3A_177] : memref<16x80x125xi32, #tpu.memory_space<hbm>> -> memref<1x40x125xi32, #tpu.memory_space<hbm>>
        %dma_wait3A_179 = tpu.memref_squeeze %dma_wait3A_178 : memref<1x40x125xi32, #tpu.memory_space<hbm>> -> memref<40x125xi32, #tpu.memory_space<hbm>>
        tpu.wait_dma2 semaphore(%run_scoped3A_163 : memref<!tpu.dma_semaphore, #tpu.memory_space<semaphore_mem>>) src(%dma_wait3A_179 : memref<40x125xi32, #tpu.memory_space<hbm>>) dst(%arg8 : memref<40x125xi32, #tpu.memory_space<vmem>>)
        tpu.yield
      }) : () -> ()
      "tpu.region"() ({
        %run_scoped3A_163 = tpu.sem_alloc : memref<!tpu.dma_semaphore, #tpu.memory_space<semaphore_mem>>
        %dma_start3A_164 = arith.constant 40 : i32
        %dma_start3A_165 = arith.constant 0 : i32
        %dma_start3A_166 = tpu.memref_slice %arg5[%arg1, %dma_start3A_164, %dma_start3A_165] : memref<16x80x125xi32, #tpu.memory_space<hbm>> -> memref<1x40x125xi32, #tpu.memory_space<hbm>>
        %dma_start3A_167 = tpu.memref_squeeze %dma_start3A_166 : memref<1x40x125xi32, #tpu.memory_space<hbm>> -> memref<40x125xi32, #tpu.memory_space<hbm>>
        %dma_start3A_168 = arith.constant 40 : i32
        %dma_start3A_169 = arith.constant 0 : i32
        %dma_start3A_170 = tpu.memref_slice %arg5[%arg1, %dma_start3A_168, %dma_start3A_169] : memref<16x80x125xi32, #tpu.memory_space<hbm>> -> memref<1x40x125xi32, #tpu.memory_space<hbm>>
        %dma_start3A_171 = tpu.memref_squeeze %dma_start3A_170 : memref<1x40x125xi32, #tpu.memory_space<hbm>> -> memref<40x125xi32, #tpu.memory_space<hbm>>
        tpu.enqueue_dma source(%dma_start3A_171 : memref<40x125xi32, #tpu.memory_space<hbm>>) target(%arg9 : memref<40x125xi32, #tpu.memory_space<vmem>>) target_semaphore(%run_scoped3A_163 : memref<!tpu.dma_semaphore, #tpu.memory_space<semaphore_mem>>)
        %dma_wait3A_172 = arith.constant 40 : i32
        %dma_wait3A_173 = arith.constant 0 : i32
        %dma_wait3A_174 = tpu.memref_slice %arg5[%arg1, %dma_wait3A_172, %dma_wait3A_173] : memref<16x80x125xi32, #tpu.memory_space<hbm>> -> memref<1x40x125xi32, #tpu.memory_space<hbm>>
        %dma_wait3A_175 = tpu.memref_squeeze %dma_wait3A_174 : memref<1x40x125xi32, #tpu.memory_space<hbm>> -> memref<40x125xi32, #tpu.memory_space<hbm>>
        %dma_wait3A_176 = arith.constant 40 : i32
        %dma_wait3A_177 = arith.constant 0 : i32
        %dma_wait3A_178 = tpu.memref_slice %arg5[%arg1, %dma_wait3A_176, %dma_wait3A_177] : memref<16x80x125xi32, #tpu.memory_space<hbm>> -> memref<1x40x125xi32, #tpu.memory_space<hbm>>
        %dma_wait3A_179 = tpu.memref_squeeze %dma_wait3A_178 : memref<1x40x125xi32, #tpu.memory_space<hbm>> -> memref<40x125xi32, #tpu.memory_space<hbm>>
        tpu.wait_dma2 semaphore(%run_scoped3A_163 : memref<!tpu.dma_semaphore, #tpu.memory_space<semaphore_mem>>) src(%dma_wait3A_179 : memref<40x125xi32, #tpu.memory_space<hbm>>) dst(%arg9 : memref<40x125xi32, #tpu.memory_space<vmem>>)
        tpu.yield
      }) : () -> ()
      %dma_start3A_115 = arith.constant 0 : i32
      %dma_start3A_116 = arith.constant 0 : i32
      %dma_start3A_117 = arith.constant 0 : i32
      %dma_start3A_118 = tpu.memref_slice %arg10[%dma_start3A_116, %dma_start3A_117] : memref<128x128xf32, #tpu.memory_space<vmem>> -> memref<125x128xf32, #tpu.memory_space<vmem>>
      %dma_start3A_119 = arith.constant 0 : i32
      %dma_start3A_120 = tpu.memref_slice %arg8[%dma_start3A_115, %dma_start3A_119] : memref<40x125xi32, #tpu.memory_space<vmem>> -> memref<1x125xi32, #tpu.memory_space<vmem>>
      %dma_start3A_121 = tpu.memref_squeeze %dma_start3A_120 : memref<1x125xi32, #tpu.memory_space<vmem>> -> memref<125xi32, #tpu.memory_space<vmem>>
      %dma_start3A_122 = arith.constant 0 : i32
      %dma_start3A_123 = arith.constant 0 : i32
      %dma_start3A_124 = tpu.memref_slice %arg2[%dma_start3A_122, %dma_start3A_123] : memref<10000x128xf32, #tpu.memory_space<hbm>> -> memref<10000x128xf32, #tpu.memory_space<hbm>>
      tpu.enqueue_indirect_dma source(%dma_start3A_124 : memref<10000x128xf32, #tpu.memory_space<hbm>>) target(%dma_start3A_118 : memref<125x128xf32, #tpu.memory_space<vmem>>) offsets(%dma_start3A_121 : memref<125xi32, #tpu.memory_space<vmem>>) semaphore(%arg13 : memref<!tpu.dma_semaphore, #tpu.memory_space<semaphore_mem>>)
      %dma_start3A_125 = arith.constant 1 : i32
      %dma_start3A_126 = arith.constant 0 : i32
      %dma_start3A_127 = arith.constant 0 : i32
      %dma_start3A_128 = tpu.memref_slice %arg11[%dma_start3A_126, %dma_start3A_127] : memref<125x128xf32, #tpu.memory_space<vmem>> -> memref<125x128xf32, #tpu.memory_space<vmem>>
      %dma_start3A_129 = arith.constant 0 : i32
      %dma_start3A_130 = tpu.memref_slice %arg8[%dma_start3A_125, %dma_start3A_129] : memref<40x125xi32, #tpu.memory_space<vmem>> -> memref<1x125xi32, #tpu.memory_space<vmem>>
      %dma_start3A_131 = tpu.memref_squeeze %dma_start3A_130 : memref<1x125xi32, #tpu.memory_space<vmem>> -> memref<125xi32, #tpu.memory_space<vmem>>
      %dma_start3A_132 = arith.constant 0 : i32
      %dma_start3A_133 = arith.constant 0 : i32
      %dma_start3A_134 = tpu.memref_slice %arg2[%dma_start3A_132, %dma_start3A_133] : memref<10000x128xf32, #tpu.memory_space<hbm>> -> memref<10000x128xf32, #tpu.memory_space<hbm>>
      tpu.enqueue_indirect_dma source(%dma_start3A_134 : memref<10000x128xf32, #tpu.memory_space<hbm>>) target(%dma_start3A_128 : memref<125x128xf32, #tpu.memory_space<vmem>>) offsets(%dma_start3A_131 : memref<125xi32, #tpu.memory_space<vmem>>) semaphore(%arg14 : memref<!tpu.dma_semaphore, #tpu.memory_space<semaphore_mem>>)
      %scan3A_135 = arith.constant 0 : i32
      %scan3A_136 = arith.constant 19 : i32
      %scan3A_137 = arith.addi %scan3A_135, %scan3A_136 : i32
      %scan3A_138 = arith.constant 1 : i32
      scf.for %scan3A_163 = %scan3A_135 to %scan3A_137 step %scan3A_138  : i32 {
        %mul3A_164 = arith.constant 2 : i32
        %mul3A_165 = arith.muli %mul3A_164, %scan3A_163 : i32
        %dma_wait3A_166 = arith.constant 0 : i32
        %dma_wait3A_167 = arith.constant 0 : i32
        %dma_wait3A_168 = tpu.memref_slice %arg10[%dma_wait3A_166, %dma_wait3A_167] : memref<128x128xf32, #tpu.memory_space<vmem>> -> memref<125x128xf32, #tpu.memory_space<vmem>>
        %dma_wait3A_169 = arith.constant 0 : i32
        %dma_wait3A_170 = tpu.memref_slice %arg8[%mul3A_165, %dma_wait3A_169] : memref<40x125xi32, #tpu.memory_space<vmem>> -> memref<1x125xi32, #tpu.memory_space<vmem>>
        %dma_wait3A_171 = tpu.memref_squeeze %dma_wait3A_170 : memref<1x125xi32, #tpu.memory_space<vmem>> -> memref<125xi32, #tpu.memory_space<vmem>>
        %dma_wait3A_172 = arith.constant 0 : i32
        %dma_wait3A_173 = arith.constant 0 : i32
        %dma_wait3A_174 = tpu.memref_slice %arg2[%dma_wait3A_172, %dma_wait3A_173] : memref<10000x128xf32, #tpu.memory_space<hbm>> -> memref<10000x128xf32, #tpu.memory_space<hbm>>
        tpu.wait_indirect_dma semaphore(%arg13 : memref<!tpu.dma_semaphore, #tpu.memory_space<semaphore_mem>>) src(%dma_wait3A_174 : memref<10000x128xf32, #tpu.memory_space<hbm>>) dst(%dma_wait3A_168 : memref<125x128xf32, #tpu.memory_space<vmem>>)
        "tpu.region"() ({
          %run_scoped3A_210 = tpu.sem_alloc : memref<!tpu.dma_semaphore, #tpu.memory_space<semaphore_mem>>
          %dma_start3A_211 = arith.constant 0 : i32
          %dma_start3A_212 = arith.constant 0 : i32
          %dma_start3A_213 = tpu.memref_slice %arg10[%dma_start3A_211, %dma_start3A_212] : memref<128x128xf32, #tpu.memory_space<vmem>> -> memref<125x128xf32, #tpu.memory_space<vmem>>
          %dma_start3A_214 = arith.constant 0 : i32
          %dma_start3A_215 = tpu.memref_slice %arg9[%mul3A_165, %dma_start3A_214] : memref<40x125xi32, #tpu.memory_space<vmem>> -> memref<1x125xi32, #tpu.memory_space<vmem>>
          %dma_start3A_216 = tpu.memref_squeeze %dma_start3A_215 : memref<1x125xi32, #tpu.memory_space<vmem>> -> memref<125xi32, #tpu.memory_space<vmem>>
          %dma_start3A_217 = arith.constant 0 : i32
          %dma_start3A_218 = arith.constant 0 : i32
          %dma_start3A_219 = tpu.memref_slice %arg12[%dma_start3A_217, %dma_start3A_218] : memref<10240x128xf32, #tpu.memory_space<vmem_shared>> -> memref<10240x128xf32, #tpu.memory_space<vmem_shared>>
          tpu.enqueue_indirect_dma source(%dma_start3A_213 : memref<125x128xf32, #tpu.memory_space<vmem>>) target(%dma_start3A_219 : memref<10240x128xf32, #tpu.memory_space<vmem_shared>>) offsets(%dma_start3A_216 : memref<125xi32, #tpu.memory_space<vmem>>) semaphore(%run_scoped3A_210 : memref<!tpu.dma_semaphore, #tpu.memory_space<semaphore_mem>>) {add = true}
          %dma_wait3A_220 = arith.constant 0 : i32
          %dma_wait3A_221 = arith.constant 0 : i32
          %dma_wait3A_222 = tpu.memref_slice %arg10[%dma_wait3A_220, %dma_wait3A_221] : memref<128x128xf32, #tpu.memory_space<vmem>> -> memref<125x128xf32, #tpu.memory_space<vmem>>
          %dma_wait3A_223 = arith.constant 0 : i32
          %dma_wait3A_224 = tpu.memref_slice %arg9[%mul3A_165, %dma_wait3A_223] : memref<40x125xi32, #tpu.memory_space<vmem>> -> memref<1x125xi32, #tpu.memory_space<vmem>>
          %dma_wait3A_225 = tpu.memref_squeeze %dma_wait3A_224 : memref<1x125xi32, #tpu.memory_space<vmem>> -> memref<125xi32, #tpu.memory_space<vmem>>
          %dma_wait3A_226 = arith.constant 0 : i32
          %dma_wait3A_227 = arith.constant 0 : i32
          %dma_wait3A_228 = tpu.memref_slice %arg12[%dma_wait3A_226, %dma_wait3A_227] : memref<10240x128xf32, #tpu.memory_space<vmem_shared>> -> memref<10240x128xf32, #tpu.memory_space<vmem_shared>>
          tpu.wait_indirect_dma semaphore(%run_scoped3A_210 : memref<!tpu.dma_semaphore, #tpu.memory_space<semaphore_mem>>) src(%dma_wait3A_222 : memref<125x128xf32, #tpu.memory_space<vmem>>) dst(%dma_wait3A_228 : memref<10240x128xf32, #tpu.memory_space<vmem_shared>>)
          tpu.yield
        }) : () -> ()
        %add3A_175 = arith.constant 2 : i32
        %add3A_176 = arith.addi %mul3A_165, %add3A_175 : i32
        %dma_start3A_177 = arith.constant 0 : i32
        %dma_start3A_178 = arith.constant 0 : i32
        %dma_start3A_179 = tpu.memref_slice %arg10[%dma_start3A_177, %dma_start3A_178] : memref<128x128xf32, #tpu.memory_space<vmem>> -> memref<125x128xf32, #tpu.memory_space<vmem>>
        %dma_start3A_180 = arith.constant 0 : i32
        %dma_start3A_181 = tpu.memref_slice %arg8[%add3A_176, %dma_start3A_180] : memref<40x125xi32, #tpu.memory_space<vmem>> -> memref<1x125xi32, #tpu.memory_space<vmem>>
        %dma_start3A_182 = tpu.memref_squeeze %dma_start3A_181 : memref<1x125xi32, #tpu.memory_space<vmem>> -> memref<125xi32, #tpu.memory_space<vmem>>
        %dma_start3A_183 = arith.constant 0 : i32
        %dma_start3A_184 = arith.constant 0 : i32
        %dma_start3A_185 = tpu.memref_slice %arg2[%dma_start3A_183, %dma_start3A_184] : memref<10000x128xf32, #tpu.memory_space<hbm>> -> memref<10000x128xf32, #tpu.memory_space<hbm>>
        tpu.enqueue_indirect_dma source(%dma_start3A_185 : memref<10000x128xf32, #tpu.memory_space<hbm>>) target(%dma_start3A_179 : memref<125x128xf32, #tpu.memory_space<vmem>>) offsets(%dma_start3A_182 : memref<125xi32, #tpu.memory_space<vmem>>) semaphore(%arg13 : memref<!tpu.dma_semaphore, #tpu.memory_space<semaphore_mem>>)
        %mul3A_186 = arith.constant 2 : i32
        %mul3A_187 = arith.muli %mul3A_186, %scan3A_163 : i32
        %add3A_188 = arith.constant 1 : i32
        %add3A_189 = arith.addi %mul3A_187, %add3A_188 : i32
        %dma_wait3A_190 = arith.constant 0 : i32
        %dma_wait3A_191 = arith.constant 0 : i32
        %dma_wait3A_192 = tpu.memref_slice %arg11[%dma_wait3A_190, %dma_wait3A_191] : memref<125x128xf32, #tpu.memory_space<vmem>> -> memref<125x128xf32, #tpu.memory_space<vmem>>
        %dma_wait3A_193 = arith.constant 0 : i32
        %dma_wait3A_194 = tpu.memref_slice %arg8[%add3A_189, %dma_wait3A_193] : memref<40x125xi32, #tpu.memory_space<vmem>> -> memref<1x125xi32, #tpu.memory_space<vmem>>
        %dma_wait3A_195 = tpu.memref_squeeze %dma_wait3A_194 : memref<1x125xi32, #tpu.memory_space<vmem>> -> memref<125xi32, #tpu.memory_space<vmem>>
        %dma_wait3A_196 = arith.constant 0 : i32
        %dma_wait3A_197 = arith.constant 0 : i32
        %dma_wait3A_198 = tpu.memref_slice %arg2[%dma_wait3A_196, %dma_wait3A_197] : memref<10000x128xf32, #tpu.memory_space<hbm>> -> memref<10000x128xf32, #tpu.memory_space<hbm>>
        tpu.wait_indirect_dma semaphore(%arg14 : memref<!tpu.dma_semaphore, #tpu.memory_space<semaphore_mem>>) src(%dma_wait3A_198 : memref<10000x128xf32, #tpu.memory_space<hbm>>) dst(%dma_wait3A_192 : memref<125x128xf32, #tpu.memory_space<vmem>>)
        "tpu.region"() ({
          %run_scoped3A_210 = tpu.sem_alloc : memref<!tpu.dma_semaphore, #tpu.memory_space<semaphore_mem>>
          %dma_start3A_211 = arith.constant 0 : i32
          %dma_start3A_212 = arith.constant 0 : i32
          %dma_start3A_213 = tpu.memref_slice %arg11[%dma_start3A_211, %dma_start3A_212] : memref<125x128xf32, #tpu.memory_space<vmem>> -> memref<125x128xf32, #tpu.memory_space<vmem>>
          %dma_start3A_214 = arith.constant 0 : i32
          %dma_start3A_215 = tpu.memref_slice %arg9[%add3A_189, %dma_start3A_214] : memref<40x125xi32, #tpu.memory_space<vmem>> -> memref<1x125xi32, #tpu.memory_space<vmem>>
          %dma_start3A_216 = tpu.memref_squeeze %dma_start3A_215 : memref<1x125xi32, #tpu.memory_space<vmem>> -> memref<125xi32, #tpu.memory_space<vmem>>
          %dma_start3A_217 = arith.constant 0 : i32
          %dma_start3A_218 = arith.constant 0 : i32
          %dma_start3A_219 = tpu.memref_slice %arg12[%dma_start3A_217, %dma_start3A_218] : memref<10240x128xf32, #tpu.memory_space<vmem_shared>> -> memref<10240x128xf32, #tpu.memory_space<vmem_shared>>
          tpu.enqueue_indirect_dma source(%dma_start3A_213 : memref<125x128xf32, #tpu.memory_space<vmem>>) target(%dma_start3A_219 : memref<10240x128xf32, #tpu.memory_space<vmem_shared>>) offsets(%dma_start3A_216 : memref<125xi32, #tpu.memory_space<vmem>>) semaphore(%run_scoped3A_210 : memref<!tpu.dma_semaphore, #tpu.memory_space<semaphore_mem>>) {add = true}
          %dma_wait3A_220 = arith.constant 0 : i32
          %dma_wait3A_221 = arith.constant 0 : i32
          %dma_wait3A_222 = tpu.memref_slice %arg11[%dma_wait3A_220, %dma_wait3A_221] : memref<125x128xf32, #tpu.memory_space<vmem>> -> memref<125x128xf32, #tpu.memory_space<vmem>>
          %dma_wait3A_223 = arith.constant 0 : i32
          %dma_wait3A_224 = tpu.memref_slice %arg9[%add3A_189, %dma_wait3A_223] : memref<40x125xi32, #tpu.memory_space<vmem>> -> memref<1x125xi32, #tpu.memory_space<vmem>>
          %dma_wait3A_225 = tpu.memref_squeeze %dma_wait3A_224 : memref<1x125xi32, #tpu.memory_space<vmem>> -> memref<125xi32, #tpu.memory_space<vmem>>
          %dma_wait3A_226 = arith.constant 0 : i32
          %dma_wait3A_227 = arith.constant 0 : i32
          %dma_wait3A_228 = tpu.memref_slice %arg12[%dma_wait3A_226, %dma_wait3A_227] : memref<10240x128xf32, #tpu.memory_space<vmem_shared>> -> memref<10240x128xf32, #tpu.memory_space<vmem_shared>>
          tpu.wait_indirect_dma semaphore(%run_scoped3A_210 : memref<!tpu.dma_semaphore, #tpu.memory_space<semaphore_mem>>) src(%dma_wait3A_222 : memref<125x128xf32, #tpu.memory_space<vmem>>) dst(%dma_wait3A_228 : memref<10240x128xf32, #tpu.memory_space<vmem_shared>>)
          tpu.yield
        }) : () -> ()
        %add3A_199 = arith.constant 2 : i32
        %add3A_200 = arith.addi %add3A_189, %add3A_199 : i32
        %dma_start3A_201 = arith.constant 0 : i32
        %dma_start3A_202 = arith.constant 0 : i32
        %dma_start3A_203 = tpu.memref_slice %arg11[%dma_start3A_201, %dma_start3A_202] : memref<125x128xf32, #tpu.memory_space<vmem>> -> memref<125x128xf32, #tpu.memory_space<vmem>>
        %dma_start3A_204 = arith.constant 0 : i32
        %dma_start3A_205 = tpu.memref_slice %arg8[%add3A_200, %dma_start3A_204] : memref<40x125xi32, #tpu.memory_space<vmem>> -> memref<1x125xi32, #tpu.memory_space<vmem>>
        %dma_start3A_206 = tpu.memref_squeeze %dma_start3A_205 : memref<1x125xi32, #tpu.memory_space<vmem>> -> memref<125xi32, #tpu.memory_space<vmem>>
        %dma_start3A_207 = arith.constant 0 : i32
        %dma_start3A_208 = arith.constant 0 : i32
        %dma_start3A_209 = tpu.memref_slice %arg2[%dma_start3A_207, %dma_start3A_208] : memref<10000x128xf32, #tpu.memory_space<hbm>> -> memref<10000x128xf32, #tpu.memory_space<hbm>>
        tpu.enqueue_indirect_dma source(%dma_start3A_209 : memref<10000x128xf32, #tpu.memory_space<hbm>>) target(%dma_start3A_203 : memref<125x128xf32, #tpu.memory_space<vmem>>) offsets(%dma_start3A_206 : memref<125xi32, #tpu.memory_space<vmem>>) semaphore(%arg14 : memref<!tpu.dma_semaphore, #tpu.memory_space<semaphore_mem>>)
      }
      %scan3A_139 = arith.constant 19 : i32
      %dma_wait3A_140 = arith.constant 38 : i32
      %dma_wait3A_141 = arith.constant 0 : i32
      %dma_wait3A_142 = arith.constant 0 : i32
      %dma_wait3A_143 = tpu.memref_slice %arg10[%dma_wait3A_141, %dma_wait3A_142] : memref<128x128xf32, #tpu.memory_space<vmem>> -> memref<125x128xf32, #tpu.memory_space<vmem>>
      %dma_wait3A_144 = arith.constant 0 : i32
      %dma_wait3A_145 = tpu.memref_slice %arg8[%dma_wait3A_140, %dma_wait3A_144] : memref<40x125xi32, #tpu.memory_space<vmem>> -> memref<1x125xi32, #tpu.memory_space<vmem>>
      %dma_wait3A_146 = tpu.memref_squeeze %dma_wait3A_145 : memref<1x125xi32, #tpu.memory_space<vmem>> -> memref<125xi32, #tpu.memory_space<vmem>>
      %dma_wait3A_147 = arith.constant 0 : i32
      %dma_wait3A_148 = arith.constant 0 : i32
      %dma_wait3A_149 = tpu.memref_slice %arg2[%dma_wait3A_147, %dma_wait3A_148] : memref<10000x128xf32, #tpu.memory_space<hbm>> -> memref<10000x128xf32, #tpu.memory_space<hbm>>
      tpu.wait_indirect_dma semaphore(%arg13 : memref<!tpu.dma_semaphore, #tpu.memory_space<semaphore_mem>>) src(%dma_wait3A_149 : memref<10000x128xf32, #tpu.memory_space<hbm>>) dst(%dma_wait3A_143 : memref<125x128xf32, #tpu.memory_space<vmem>>)
      %run_scoped3A_150 = arith.constant 38 : i32
      "tpu.region"() ({
        %run_scoped3A_163 = tpu.sem_alloc : memref<!tpu.dma_semaphore, #tpu.memory_space<semaphore_mem>>
        %dma_start3A_164 = arith.constant 0 : i32
        %dma_start3A_165 = arith.constant 0 : i32
        %dma_start3A_166 = tpu.memref_slice %arg10[%dma_start3A_164, %dma_start3A_165] : memref<128x128xf32, #tpu.memory_space<vmem>> -> memref<125x128xf32, #tpu.memory_space<vmem>>
        %dma_start3A_167 = arith.constant 0 : i32
        %dma_start3A_168 = tpu.memref_slice %arg9[%run_scoped3A_150, %dma_start3A_167] : memref<40x125xi32, #tpu.memory_space<vmem>> -> memref<1x125xi32, #tpu.memory_space<vmem>>
        %dma_start3A_169 = tpu.memref_squeeze %dma_start3A_168 : memref<1x125xi32, #tpu.memory_space<vmem>> -> memref<125xi32, #tpu.memory_space<vmem>>
        %dma_start3A_170 = arith.constant 0 : i32
        %dma_start3A_171 = arith.constant 0 : i32
        %dma_start3A_172 = tpu.memref_slice %arg12[%dma_start3A_170, %dma_start3A_171] : memref<10240x128xf32, #tpu.memory_space<vmem_shared>> -> memref<10240x128xf32, #tpu.memory_space<vmem_shared>>
        tpu.enqueue_indirect_dma source(%dma_start3A_166 : memref<125x128xf32, #tpu.memory_space<vmem>>) target(%dma_start3A_172 : memref<10240x128xf32, #tpu.memory_space<vmem_shared>>) offsets(%dma_start3A_169 : memref<125xi32, #tpu.memory_space<vmem>>) semaphore(%run_scoped3A_163 : memref<!tpu.dma_semaphore, #tpu.memory_space<semaphore_mem>>) {add = true}
        %dma_wait3A_173 = arith.constant 0 : i32
        %dma_wait3A_174 = arith.constant 0 : i32
        %dma_wait3A_175 = tpu.memref_slice %arg10[%dma_wait3A_173, %dma_wait3A_174] : memref<128x128xf32, #tpu.memory_space<vmem>> -> memref<125x128xf32, #tpu.memory_space<vmem>>
        %dma_wait3A_176 = arith.constant 0 : i32
        %dma_wait3A_177 = tpu.memref_slice %arg9[%run_scoped3A_150, %dma_wait3A_176] : memref<40x125xi32, #tpu.memory_space<vmem>> -> memref<1x125xi32, #tpu.memory_space<vmem>>
        %dma_wait3A_178 = tpu.memref_squeeze %dma_wait3A_177 : memref<1x125xi32, #tpu.memory_space<vmem>> -> memref<125xi32, #tpu.memory_space<vmem>>
        %dma_wait3A_179 = arith.constant 0 : i32
        %dma_wait3A_180 = arith.constant 0 : i32
        %dma_wait3A_181 = tpu.memref_slice %arg12[%dma_wait3A_179, %dma_wait3A_180] : memref<10240x128xf32, #tpu.memory_space<vmem_shared>> -> memref<10240x128xf32, #tpu.memory_space<vmem_shared>>
        tpu.wait_indirect_dma semaphore(%run_scoped3A_163 : memref<!tpu.dma_semaphore, #tpu.memory_space<semaphore_mem>>) src(%dma_wait3A_175 : memref<125x128xf32, #tpu.memory_space<vmem>>) dst(%dma_wait3A_181 : memref<10240x128xf32, #tpu.memory_space<vmem_shared>>)
        tpu.yield
      }) : () -> ()
      %dma_wait3A_151 = arith.constant 39 : i32
      %dma_wait3A_152 = arith.constant 0 : i32
      %dma_wait3A_153 = arith.constant 0 : i32
      %dma_wait3A_154 = tpu.memref_slice %arg11[%dma_wait3A_152, %dma_wait3A_153] : memref<125x128xf32, #tpu.memory_space<vmem>> -> memref<125x128xf32, #tpu.memory_space<vmem>>
      %dma_wait3A_155 = arith.constant 0 : i32
      %dma_wait3A_156 = tpu.memref_slice %arg8[%dma_wait3A_151, %dma_wait3A_155] : memref<40x125xi32, #tpu.memory_space<vmem>> -> memref<1x125xi32, #tpu.memory_space<vmem>>
      %dma_wait3A_157 = tpu.memref_squeeze %dma_wait3A_156 : memref<1x125xi32, #tpu.memory_space<vmem>> -> memref<125xi32, #tpu.memory_space<vmem>>
      %dma_wait3A_158 = arith.constant 0 : i32
      %dma_wait3A_159 = arith.constant 0 : i32
      %dma_wait3A_160 = tpu.memref_slice %arg2[%dma_wait3A_158, %dma_wait3A_159] : memref<10000x128xf32, #tpu.memory_space<hbm>> -> memref<10000x128xf32, #tpu.memory_space<hbm>>
      tpu.wait_indirect_dma semaphore(%arg14 : memref<!tpu.dma_semaphore, #tpu.memory_space<semaphore_mem>>) src(%dma_wait3A_160 : memref<10000x128xf32, #tpu.memory_space<hbm>>) dst(%dma_wait3A_154 : memref<125x128xf32, #tpu.memory_space<vmem>>)
      %run_scoped3A_161 = arith.constant 39 : i32
      "tpu.region"() ({
        %run_scoped3A_163 = tpu.sem_alloc : memref<!tpu.dma_semaphore, #tpu.memory_space<semaphore_mem>>
        %dma_start3A_164 = arith.constant 0 : i32
        %dma_start3A_165 = arith.constant 0 : i32
        %dma_start3A_166 = tpu.memref_slice %arg11[%dma_start3A_164, %dma_start3A_165] : memref<125x128xf32, #tpu.memory_space<vmem>> -> memref<125x128xf32, #tpu.memory_space<vmem>>
        %dma_start3A_167 = arith.constant 0 : i32
        %dma_start3A_168 = tpu.memref_slice %arg9[%run_scoped3A_161, %dma_start3A_167] : memref<40x125xi32, #tpu.memory_space<vmem>> -> memref<1x125xi32, #tpu.memory_space<vmem>>
        %dma_start3A_169 = tpu.memref_squeeze %dma_start3A_168 : memref<1x125xi32, #tpu.memory_space<vmem>> -> memref<125xi32, #tpu.memory_space<vmem>>
        %dma_start3A_170 = arith.constant 0 : i32
        %dma_start3A_171 = arith.constant 0 : i32
        %dma_start3A_172 = tpu.memref_slice %arg12[%dma_start3A_170, %dma_start3A_171] : memref<10240x128xf32, #tpu.memory_space<vmem_shared>> -> memref<10240x128xf32, #tpu.memory_space<vmem_shared>>
        tpu.enqueue_indirect_dma source(%dma_start3A_166 : memref<125x128xf32, #tpu.memory_space<vmem>>) target(%dma_start3A_172 : memref<10240x128xf32, #tpu.memory_space<vmem_shared>>) offsets(%dma_start3A_169 : memref<125xi32, #tpu.memory_space<vmem>>) semaphore(%run_scoped3A_163 : memref<!tpu.dma_semaphore, #tpu.memory_space<semaphore_mem>>) {add = true}
        %dma_wait3A_173 = arith.constant 0 : i32
        %dma_wait3A_174 = arith.constant 0 : i32
        %dma_wait3A_175 = tpu.memref_slice %arg11[%dma_wait3A_173, %dma_wait3A_174] : memref<125x128xf32, #tpu.memory_space<vmem>> -> memref<125x128xf32, #tpu.memory_space<vmem>>
        %dma_wait3A_176 = arith.constant 0 : i32
        %dma_wait3A_177 = tpu.memref_slice %arg9[%run_scoped3A_161, %dma_wait3A_176] : memref<40x125xi32, #tpu.memory_space<vmem>> -> memref<1x125xi32, #tpu.memory_space<vmem>>
        %dma_wait3A_178 = tpu.memref_squeeze %dma_wait3A_177 : memref<1x125xi32, #tpu.memory_space<vmem>> -> memref<125xi32, #tpu.memory_space<vmem>>
        %dma_wait3A_179 = arith.constant 0 : i32
        %dma_wait3A_180 = arith.constant 0 : i32
        %dma_wait3A_181 = tpu.memref_slice %arg12[%dma_wait3A_179, %dma_wait3A_180] : memref<10240x128xf32, #tpu.memory_space<vmem_shared>> -> memref<10240x128xf32, #tpu.memory_space<vmem_shared>>
        tpu.wait_indirect_dma semaphore(%run_scoped3A_163 : memref<!tpu.dma_semaphore, #tpu.memory_space<semaphore_mem>>) src(%dma_wait3A_175 : memref<125x128xf32, #tpu.memory_space<vmem>>) dst(%dma_wait3A_181 : memref<10240x128xf32, #tpu.memory_space<vmem_shared>>)
        tpu.yield
      }) : () -> ()
      %barrier3A_162 = arith.constant 0 : index
      tpu.barrier barrier_id(%barrier3A_162)
      "tpu.region"() ({
        %run_scoped3A_163 = tpu.sem_alloc : memref<!tpu.dma_semaphore, #tpu.memory_space<semaphore_mem>>
        %dma_start3A_164 = arith.constant 0 : i32
        %dma_start3A_165 = tpu.memref_slice %arg6[%mul3A_4, %dma_start3A_164] : memref<10240x128xf32, #tpu.memory_space<hbm>> -> memref<640x128xf32, #tpu.memory_space<hbm>>
        %dma_start3A_166 = arith.constant 0 : i32
        %dma_start3A_167 = tpu.memref_slice %arg12[%mul3A_4, %dma_start3A_166] : memref<10240x128xf32, #tpu.memory_space<vmem_shared>> -> memref<640x128xf32, #tpu.memory_space<vmem_shared>>
        tpu.enqueue_dma source(%dma_start3A_167 : memref<640x128xf32, #tpu.memory_space<vmem_shared>>) target(%dma_start3A_165 : memref<640x128xf32, #tpu.memory_space<hbm>>) target_semaphore(%run_scoped3A_163 : memref<!tpu.dma_semaphore, #tpu.memory_space<semaphore_mem>>)
        %dma_wait3A_168 = arith.constant 0 : i32
        %dma_wait3A_169 = tpu.memref_slice %arg6[%mul3A_4, %dma_wait3A_168] : memref<10240x128xf32, #tpu.memory_space<hbm>> -> memref<640x128xf32, #tpu.memory_space<hbm>>
        %dma_wait3A_170 = arith.constant 0 : i32
        %dma_wait3A_171 = tpu.memref_slice %arg12[%mul3A_4, %dma_wait3A_170] : memref<10240x128xf32, #tpu.memory_space<vmem_shared>> -> memref<640x128xf32, #tpu.memory_space<vmem_shared>>
        tpu.wait_dma2 semaphore(%run_scoped3A_163 : memref<!tpu.dma_semaphore, #tpu.memory_space<semaphore_mem>>) src(%dma_wait3A_171 : memref<640x128xf32, #tpu.memory_space<vmem_shared>>) dst(%dma_wait3A_169 : memref<640x128xf32, #tpu.memory_space<hbm>>)
        tpu.yield
      }) : () -> ()
    } else {
    }
    %eq3A_64 = arith.constant 1 : i32
    %eq3A_65 = arith.cmpi eq, %arg0, %eq3A_64 : i32
    %convert_element_type3A_66 = arith.extui %eq3A_65 : i1 to i32
    %cond3A_67 = arith.constant 0 : i32
    %cond3A_68 = arith.cmpi ne, %convert_element_type3A_66, %cond3A_67 : i32
    scf.if %cond3A_68 {
      %dma_start3A_69 = arith.constant 0 : i32
      %dma_start3A_70 = arith.constant 0 : i32
      %dma_start3A_71 = arith.constant 0 : i32
      %dma_start3A_72 = tpu.memref_slice %arg10[%dma_start3A_70, %dma_start3A_71] : memref<128x128xf32, #tpu.memory_space<vmem>> -> memref<125x128xf32, #tpu.memory_space<vmem>>
      %dma_start3A_73 = arith.constant 0 : i32
      %dma_start3A_74 = tpu.memref_slice %arg8[%dma_start3A_69, %dma_start3A_73] : memref<40x125xi32, #tpu.memory_space<vmem>> -> memref<1x125xi32, #tpu.memory_space<vmem>>
      %dma_start3A_75 = tpu.memref_squeeze %dma_start3A_74 : memref<1x125xi32, #tpu.memory_space<vmem>> -> memref<125xi32, #tpu.memory_space<vmem>>
      %dma_start3A_76 = arith.constant 0 : i32
      %dma_start3A_77 = arith.constant 0 : i32
      %dma_start3A_78 = tpu.memref_slice %arg3[%dma_start3A_76, %dma_start3A_77] : memref<10000x128xf32, #tpu.memory_space<hbm>> -> memref<10000x128xf32, #tpu.memory_space<hbm>>
      tpu.enqueue_indirect_dma source(%dma_start3A_78 : memref<10000x128xf32, #tpu.memory_space<hbm>>) target(%dma_start3A_72 : memref<125x128xf32, #tpu.memory_space<vmem>>) offsets(%dma_start3A_75 : memref<125xi32, #tpu.memory_space<vmem>>) semaphore(%arg13 : memref<!tpu.dma_semaphore, #tpu.memory_space<semaphore_mem>>)
      %dma_start3A_79 = arith.constant 1 : i32
      %dma_start3A_80 = arith.constant 0 : i32
      %dma_start3A_81 = arith.constant 0 : i32
      %dma_start3A_82 = tpu.memref_slice %arg11[%dma_start3A_80, %dma_start3A_81] : memref<125x128xf32, #tpu.memory_space<vmem>> -> memref<125x128xf32, #tpu.memory_space<vmem>>
      %dma_start3A_83 = arith.constant 0 : i32
      %dma_start3A_84 = tpu.memref_slice %arg8[%dma_start3A_79, %dma_start3A_83] : memref<40x125xi32, #tpu.memory_space<vmem>> -> memref<1x125xi32, #tpu.memory_space<vmem>>
      %dma_start3A_85 = tpu.memref_squeeze %dma_start3A_84 : memref<1x125xi32, #tpu.memory_space<vmem>> -> memref<125xi32, #tpu.memory_space<vmem>>
      %dma_start3A_86 = arith.constant 0 : i32
      %dma_start3A_87 = arith.constant 0 : i32
      %dma_start3A_88 = tpu.memref_slice %arg3[%dma_start3A_86, %dma_start3A_87] : memref<10000x128xf32, #tpu.memory_space<hbm>> -> memref<10000x128xf32, #tpu.memory_space<hbm>>
      tpu.enqueue_indirect_dma source(%dma_start3A_88 : memref<10000x128xf32, #tpu.memory_space<hbm>>) target(%dma_start3A_82 : memref<125x128xf32, #tpu.memory_space<vmem>>) offsets(%dma_start3A_85 : memref<125xi32, #tpu.memory_space<vmem>>) semaphore(%arg14 : memref<!tpu.dma_semaphore, #tpu.memory_space<semaphore_mem>>)
      %scan3A_89 = arith.constant 0 : i32
      %scan3A_90 = arith.constant 19 : i32
      %scan3A_91 = arith.addi %scan3A_89, %scan3A_90 : i32
      %scan3A_92 = arith.constant 1 : i32
      scf.for %scan3A_163 = %scan3A_89 to %scan3A_91 step %scan3A_92  : i32 {
        %mul3A_164 = arith.constant 2 : i32
        %mul3A_165 = arith.muli %mul3A_164, %scan3A_163 : i32
        %dma_wait3A_166 = arith.constant 0 : i32
        %dma_wait3A_167 = arith.constant 0 : i32
        %dma_wait3A_168 = tpu.memref_slice %arg10[%dma_wait3A_166, %dma_wait3A_167] : memref<128x128xf32, #tpu.memory_space<vmem>> -> memref<125x128xf32, #tpu.memory_space<vmem>>
        %dma_wait3A_169 = arith.constant 0 : i32
        %dma_wait3A_170 = tpu.memref_slice %arg8[%mul3A_165, %dma_wait3A_169] : memref<40x125xi32, #tpu.memory_space<vmem>> -> memref<1x125xi32, #tpu.memory_space<vmem>>
        %dma_wait3A_171 = tpu.memref_squeeze %dma_wait3A_170 : memref<1x125xi32, #tpu.memory_space<vmem>> -> memref<125xi32, #tpu.memory_space<vmem>>
        %dma_wait3A_172 = arith.constant 0 : i32
        %dma_wait3A_173 = arith.constant 0 : i32
        %dma_wait3A_174 = tpu.memref_slice %arg3[%dma_wait3A_172, %dma_wait3A_173] : memref<10000x128xf32, #tpu.memory_space<hbm>> -> memref<10000x128xf32, #tpu.memory_space<hbm>>
        tpu.wait_indirect_dma semaphore(%arg13 : memref<!tpu.dma_semaphore, #tpu.memory_space<semaphore_mem>>) src(%dma_wait3A_174 : memref<10000x128xf32, #tpu.memory_space<hbm>>) dst(%dma_wait3A_168 : memref<125x128xf32, #tpu.memory_space<vmem>>)
        "tpu.region"() ({
          %run_scoped3A_210 = tpu.sem_alloc : memref<!tpu.dma_semaphore, #tpu.memory_space<semaphore_mem>>
          %dma_start3A_211 = arith.constant 0 : i32
          %dma_start3A_212 = arith.constant 0 : i32
          %dma_start3A_213 = tpu.memref_slice %arg10[%dma_start3A_211, %dma_start3A_212] : memref<128x128xf32, #tpu.memory_space<vmem>> -> memref<125x128xf32, #tpu.memory_space<vmem>>
          %dma_start3A_214 = arith.constant 0 : i32
          %dma_start3A_215 = tpu.memref_slice %arg9[%mul3A_165, %dma_start3A_214] : memref<40x125xi32, #tpu.memory_space<vmem>> -> memref<1x125xi32, #tpu.memory_space<vmem>>
          %dma_start3A_216 = tpu.memref_squeeze %dma_start3A_215 : memref<1x125xi32, #tpu.memory_space<vmem>> -> memref<125xi32, #tpu.memory_space<vmem>>
          %dma_start3A_217 = arith.constant 0 : i32
          %dma_start3A_218 = arith.constant 0 : i32
          %dma_start3A_219 = tpu.memref_slice %arg12[%dma_start3A_217, %dma_start3A_218] : memref<10240x128xf32, #tpu.memory_space<vmem_shared>> -> memref<10240x128xf32, #tpu.memory_space<vmem_shared>>
          tpu.enqueue_indirect_dma source(%dma_start3A_213 : memref<125x128xf32, #tpu.memory_space<vmem>>) target(%dma_start3A_219 : memref<10240x128xf32, #tpu.memory_space<vmem_shared>>) offsets(%dma_start3A_216 : memref<125xi32, #tpu.memory_space<vmem>>) semaphore(%run_scoped3A_210 : memref<!tpu.dma_semaphore, #tpu.memory_space<semaphore_mem>>) {add = true}
          %dma_wait3A_220 = arith.constant 0 : i32
          %dma_wait3A_221 = arith.constant 0 : i32
          %dma_wait3A_222 = tpu.memref_slice %arg10[%dma_wait3A_220, %dma_wait3A_221] : memref<128x128xf32, #tpu.memory_space<vmem>> -> memref<125x128xf32, #tpu.memory_space<vmem>>
          %dma_wait3A_223 = arith.constant 0 : i32
          %dma_wait3A_224 = tpu.memref_slice %arg9[%mul3A_165, %dma_wait3A_223] : memref<40x125xi32, #tpu.memory_space<vmem>> -> memref<1x125xi32, #tpu.memory_space<vmem>>
          %dma_wait3A_225 = tpu.memref_squeeze %dma_wait3A_224 : memref<1x125xi32, #tpu.memory_space<vmem>> -> memref<125xi32, #tpu.memory_space<vmem>>
          %dma_wait3A_226 = arith.constant 0 : i32
          %dma_wait3A_227 = arith.constant 0 : i32
          %dma_wait3A_228 = tpu.memref_slice %arg12[%dma_wait3A_226, %dma_wait3A_227] : memref<10240x128xf32, #tpu.memory_space<vmem_shared>> -> memref<10240x128xf32, #tpu.memory_space<vmem_shared>>
          tpu.wait_indirect_dma semaphore(%run_scoped3A_210 : memref<!tpu.dma_semaphore, #tpu.memory_space<semaphore_mem>>) src(%dma_wait3A_222 : memref<125x128xf32, #tpu.memory_space<vmem>>) dst(%dma_wait3A_228 : memref<10240x128xf32, #tpu.memory_space<vmem_shared>>)
          tpu.yield
        }) : () -> ()
        %add3A_175 = arith.constant 2 : i32
        %add3A_176 = arith.addi %mul3A_165, %add3A_175 : i32
        %dma_start3A_177 = arith.constant 0 : i32
        %dma_start3A_178 = arith.constant 0 : i32
        %dma_start3A_179 = tpu.memref_slice %arg10[%dma_start3A_177, %dma_start3A_178] : memref<128x128xf32, #tpu.memory_space<vmem>> -> memref<125x128xf32, #tpu.memory_space<vmem>>
        %dma_start3A_180 = arith.constant 0 : i32
        %dma_start3A_181 = tpu.memref_slice %arg8[%add3A_176, %dma_start3A_180] : memref<40x125xi32, #tpu.memory_space<vmem>> -> memref<1x125xi32, #tpu.memory_space<vmem>>
        %dma_start3A_182 = tpu.memref_squeeze %dma_start3A_181 : memref<1x125xi32, #tpu.memory_space<vmem>> -> memref<125xi32, #tpu.memory_space<vmem>>
        %dma_start3A_183 = arith.constant 0 : i32
        %dma_start3A_184 = arith.constant 0 : i32
        %dma_start3A_185 = tpu.memref_slice %arg3[%dma_start3A_183, %dma_start3A_184] : memref<10000x128xf32, #tpu.memory_space<hbm>> -> memref<10000x128xf32, #tpu.memory_space<hbm>>
        tpu.enqueue_indirect_dma source(%dma_start3A_185 : memref<10000x128xf32, #tpu.memory_space<hbm>>) target(%dma_start3A_179 : memref<125x128xf32, #tpu.memory_space<vmem>>) offsets(%dma_start3A_182 : memref<125xi32, #tpu.memory_space<vmem>>) semaphore(%arg13 : memref<!tpu.dma_semaphore, #tpu.memory_space<semaphore_mem>>)
        %mul3A_186 = arith.constant 2 : i32
        %mul3A_187 = arith.muli %mul3A_186, %scan3A_163 : i32
        %add3A_188 = arith.constant 1 : i32
        %add3A_189 = arith.addi %mul3A_187, %add3A_188 : i32
        %dma_wait3A_190 = arith.constant 0 : i32
        %dma_wait3A_191 = arith.constant 0 : i32
        %dma_wait3A_192 = tpu.memref_slice %arg11[%dma_wait3A_190, %dma_wait3A_191] : memref<125x128xf32, #tpu.memory_space<vmem>> -> memref<125x128xf32, #tpu.memory_space<vmem>>
        %dma_wait3A_193 = arith.constant 0 : i32
        %dma_wait3A_194 = tpu.memref_slice %arg8[%add3A_189, %dma_wait3A_193] : memref<40x125xi32, #tpu.memory_space<vmem>> -> memref<1x125xi32, #tpu.memory_space<vmem>>
        %dma_wait3A_195 = tpu.memref_squeeze %dma_wait3A_194 : memref<1x125xi32, #tpu.memory_space<vmem>> -> memref<125xi32, #tpu.memory_space<vmem>>
        %dma_wait3A_196 = arith.constant 0 : i32
        %dma_wait3A_197 = arith.constant 0 : i32
        %dma_wait3A_198 = tpu.memref_slice %arg3[%dma_wait3A_196, %dma_wait3A_197] : memref<10000x128xf32, #tpu.memory_space<hbm>> -> memref<10000x128xf32, #tpu.memory_space<hbm>>
        tpu.wait_indirect_dma semaphore(%arg14 : memref<!tpu.dma_semaphore, #tpu.memory_space<semaphore_mem>>) src(%dma_wait3A_198 : memref<10000x128xf32, #tpu.memory_space<hbm>>) dst(%dma_wait3A_192 : memref<125x128xf32, #tpu.memory_space<vmem>>)
        "tpu.region"() ({
          %run_scoped3A_210 = tpu.sem_alloc : memref<!tpu.dma_semaphore, #tpu.memory_space<semaphore_mem>>
          %dma_start3A_211 = arith.constant 0 : i32
          %dma_start3A_212 = arith.constant 0 : i32
          %dma_start3A_213 = tpu.memref_slice %arg11[%dma_start3A_211, %dma_start3A_212] : memref<125x128xf32, #tpu.memory_space<vmem>> -> memref<125x128xf32, #tpu.memory_space<vmem>>
          %dma_start3A_214 = arith.constant 0 : i32
          %dma_start3A_215 = tpu.memref_slice %arg9[%add3A_189, %dma_start3A_214] : memref<40x125xi32, #tpu.memory_space<vmem>> -> memref<1x125xi32, #tpu.memory_space<vmem>>
          %dma_start3A_216 = tpu.memref_squeeze %dma_start3A_215 : memref<1x125xi32, #tpu.memory_space<vmem>> -> memref<125xi32, #tpu.memory_space<vmem>>
          %dma_start3A_217 = arith.constant 0 : i32
          %dma_start3A_218 = arith.constant 0 : i32
          %dma_start3A_219 = tpu.memref_slice %arg12[%dma_start3A_217, %dma_start3A_218] : memref<10240x128xf32, #tpu.memory_space<vmem_shared>> -> memref<10240x128xf32, #tpu.memory_space<vmem_shared>>
          tpu.enqueue_indirect_dma source(%dma_start3A_213 : memref<125x128xf32, #tpu.memory_space<vmem>>) target(%dma_start3A_219 : memref<10240x128xf32, #tpu.memory_space<vmem_shared>>) offsets(%dma_start3A_216 : memref<125xi32, #tpu.memory_space<vmem>>) semaphore(%run_scoped3A_210 : memref<!tpu.dma_semaphore, #tpu.memory_space<semaphore_mem>>) {add = true}
          %dma_wait3A_220 = arith.constant 0 : i32
          %dma_wait3A_221 = arith.constant 0 : i32
          %dma_wait3A_222 = tpu.memref_slice %arg11[%dma_wait3A_220, %dma_wait3A_221] : memref<125x128xf32, #tpu.memory_space<vmem>> -> memref<125x128xf32, #tpu.memory_space<vmem>>
          %dma_wait3A_223 = arith.constant 0 : i32
          %dma_wait3A_224 = tpu.memref_slice %arg9[%add3A_189, %dma_wait3A_223] : memref<40x125xi32, #tpu.memory_space<vmem>> -> memref<1x125xi32, #tpu.memory_space<vmem>>
          %dma_wait3A_225 = tpu.memref_squeeze %dma_wait3A_224 : memref<1x125xi32, #tpu.memory_space<vmem>> -> memref<125xi32, #tpu.memory_space<vmem>>
          %dma_wait3A_226 = arith.constant 0 : i32
          %dma_wait3A_227 = arith.constant 0 : i32
          %dma_wait3A_228 = tpu.memref_slice %arg12[%dma_wait3A_226, %dma_wait3A_227] : memref<10240x128xf32, #tpu.memory_space<vmem_shared>> -> memref<10240x128xf32, #tpu.memory_space<vmem_shared>>
          tpu.wait_indirect_dma semaphore(%run_scoped3A_210 : memref<!tpu.dma_semaphore, #tpu.memory_space<semaphore_mem>>) src(%dma_wait3A_222 : memref<125x128xf32, #tpu.memory_space<vmem>>) dst(%dma_wait3A_228 : memref<10240x128xf32, #tpu.memory_space<vmem_shared>>)
          tpu.yield
        }) : () -> ()
        %add3A_199 = arith.constant 2 : i32
        %add3A_200 = arith.addi %add3A_189, %add3A_199 : i32
        %dma_start3A_201 = arith.constant 0 : i32
        %dma_start3A_202 = arith.constant 0 : i32
        %dma_start3A_203 = tpu.memref_slice %arg11[%dma_start3A_201, %dma_start3A_202] : memref<125x128xf32, #tpu.memory_space<vmem>> -> memref<125x128xf32, #tpu.memory_space<vmem>>
        %dma_start3A_204 = arith.constant 0 : i32
        %dma_start3A_205 = tpu.memref_slice %arg8[%add3A_200, %dma_start3A_204] : memref<40x125xi32, #tpu.memory_space<vmem>> -> memref<1x125xi32, #tpu.memory_space<vmem>>
        %dma_start3A_206 = tpu.memref_squeeze %dma_start3A_205 : memref<1x125xi32, #tpu.memory_space<vmem>> -> memref<125xi32, #tpu.memory_space<vmem>>
        %dma_start3A_207 = arith.constant 0 : i32
        %dma_start3A_208 = arith.constant 0 : i32
        %dma_start3A_209 = tpu.memref_slice %arg3[%dma_start3A_207, %dma_start3A_208] : memref<10000x128xf32, #tpu.memory_space<hbm>> -> memref<10000x128xf32, #tpu.memory_space<hbm>>
        tpu.enqueue_indirect_dma source(%dma_start3A_209 : memref<10000x128xf32, #tpu.memory_space<hbm>>) target(%dma_start3A_203 : memref<125x128xf32, #tpu.memory_space<vmem>>) offsets(%dma_start3A_206 : memref<125xi32, #tpu.memory_space<vmem>>) semaphore(%arg14 : memref<!tpu.dma_semaphore, #tpu.memory_space<semaphore_mem>>)
      }
      %scan3A_93 = arith.constant 19 : i32
      %dma_wait3A_94 = arith.constant 38 : i32
      %dma_wait3A_95 = arith.constant 0 : i32
      %dma_wait3A_96 = arith.constant 0 : i32
      %dma_wait3A_97 = tpu.memref_slice %arg10[%dma_wait3A_95, %dma_wait3A_96] : memref<128x128xf32, #tpu.memory_space<vmem>> -> memref<125x128xf32, #tpu.memory_space<vmem>>
      %dma_wait3A_98 = arith.constant 0 : i32
      %dma_wait3A_99 = tpu.memref_slice %arg8[%dma_wait3A_94, %dma_wait3A_98] : memref<40x125xi32, #tpu.memory_space<vmem>> -> memref<1x125xi32, #tpu.memory_space<vmem>>
      %dma_wait3A_100 = tpu.memref_squeeze %dma_wait3A_99 : memref<1x125xi32, #tpu.memory_space<vmem>> -> memref<125xi32, #tpu.memory_space<vmem>>
      %dma_wait3A_101 = arith.constant 0 : i32
      %dma_wait3A_102 = arith.constant 0 : i32
      %dma_wait3A_103 = tpu.memref_slice %arg3[%dma_wait3A_101, %dma_wait3A_102] : memref<10000x128xf32, #tpu.memory_space<hbm>> -> memref<10000x128xf32, #tpu.memory_space<hbm>>
      tpu.wait_indirect_dma semaphore(%arg13 : memref<!tpu.dma_semaphore, #tpu.memory_space<semaphore_mem>>) src(%dma_wait3A_103 : memref<10000x128xf32, #tpu.memory_space<hbm>>) dst(%dma_wait3A_97 : memref<125x128xf32, #tpu.memory_space<vmem>>)
      %run_scoped3A = arith.constant 38 : i32
      "tpu.region"() ({
        %run_scoped3A_163 = tpu.sem_alloc : memref<!tpu.dma_semaphore, #tpu.memory_space<semaphore_mem>>
        %dma_start3A_164 = arith.constant 0 : i32
        %dma_start3A_165 = arith.constant 0 : i32
        %dma_start3A_166 = tpu.memref_slice %arg10[%dma_start3A_164, %dma_start3A_165] : memref<128x128xf32, #tpu.memory_space<vmem>> -> memref<125x128xf32, #tpu.memory_space<vmem>>
        %dma_start3A_167 = arith.constant 0 : i32
        %dma_start3A_168 = tpu.memref_slice %arg9[%run_scoped3A, %dma_start3A_167] : memref<40x125xi32, #tpu.memory_space<vmem>> -> memref<1x125xi32, #tpu.memory_space<vmem>>
        %dma_start3A_169 = tpu.memref_squeeze %dma_start3A_168 : memref<1x125xi32, #tpu.memory_space<vmem>> -> memref<125xi32, #tpu.memory_space<vmem>>
        %dma_start3A_170 = arith.constant 0 : i32
        %dma_start3A_171 = arith.constant 0 : i32
        %dma_start3A_172 = tpu.memref_slice %arg12[%dma_start3A_170, %dma_start3A_171] : memref<10240x128xf32, #tpu.memory_space<vmem_shared>> -> memref<10240x128xf32, #tpu.memory_space<vmem_shared>>
        tpu.enqueue_indirect_dma source(%dma_start3A_166 : memref<125x128xf32, #tpu.memory_space<vmem>>) target(%dma_start3A_172 : memref<10240x128xf32, #tpu.memory_space<vmem_shared>>) offsets(%dma_start3A_169 : memref<125xi32, #tpu.memory_space<vmem>>) semaphore(%run_scoped3A_163 : memref<!tpu.dma_semaphore, #tpu.memory_space<semaphore_mem>>) {add = true}
        %dma_wait3A_173 = arith.constant 0 : i32
        %dma_wait3A_174 = arith.constant 0 : i32
        %dma_wait3A_175 = tpu.memref_slice %arg10[%dma_wait3A_173, %dma_wait3A_174] : memref<128x128xf32, #tpu.memory_space<vmem>> -> memref<125x128xf32, #tpu.memory_space<vmem>>
        %dma_wait3A_176 = arith.constant 0 : i32
        %dma_wait3A_177 = tpu.memref_slice %arg9[%run_scoped3A, %dma_wait3A_176] : memref<40x125xi32, #tpu.memory_space<vmem>> -> memref<1x125xi32, #tpu.memory_space<vmem>>
        %dma_wait3A_178 = tpu.memref_squeeze %dma_wait3A_177 : memref<1x125xi32, #tpu.memory_space<vmem>> -> memref<125xi32, #tpu.memory_space<vmem>>
        %dma_wait3A_179 = arith.constant 0 : i32
        %dma_wait3A_180 = arith.constant 0 : i32
        %dma_wait3A_181 = tpu.memref_slice %arg12[%dma_wait3A_179, %dma_wait3A_180] : memref<10240x128xf32, #tpu.memory_space<vmem_shared>> -> memref<10240x128xf32, #tpu.memory_space<vmem_shared>>
        tpu.wait_indirect_dma semaphore(%run_scoped3A_163 : memref<!tpu.dma_semaphore, #tpu.memory_space<semaphore_mem>>) src(%dma_wait3A_175 : memref<125x128xf32, #tpu.memory_space<vmem>>) dst(%dma_wait3A_181 : memref<10240x128xf32, #tpu.memory_space<vmem_shared>>)
        tpu.yield
      }) : () -> ()
      %dma_wait3A_104 = arith.constant 39 : i32
      %dma_wait3A_105 = arith.constant 0 : i32
      %dma_wait3A_106 = arith.constant 0 : i32
      %dma_wait3A_107 = tpu.memref_slice %arg11[%dma_wait3A_105, %dma_wait3A_106] : memref<125x128xf32, #tpu.memory_space<vmem>> -> memref<125x128xf32, #tpu.memory_space<vmem>>
      %dma_wait3A_108 = arith.constant 0 : i32
      %dma_wait3A_109 = tpu.memref_slice %arg8[%dma_wait3A_104, %dma_wait3A_108] : memref<40x125xi32, #tpu.memory_space<vmem>> -> memref<1x125xi32, #tpu.memory_space<vmem>>
      %dma_wait3A_110 = tpu.memref_squeeze %dma_wait3A_109 : memref<1x125xi32, #tpu.memory_space<vmem>> -> memref<125xi32, #tpu.memory_space<vmem>>
      %dma_wait3A_111 = arith.constant 0 : i32
      %dma_wait3A_112 = arith.constant 0 : i32
      %dma_wait3A_113 = tpu.memref_slice %arg3[%dma_wait3A_111, %dma_wait3A_112] : memref<10000x128xf32, #tpu.memory_space<hbm>> -> memref<10000x128xf32, #tpu.memory_space<hbm>>
      tpu.wait_indirect_dma semaphore(%arg14 : memref<!tpu.dma_semaphore, #tpu.memory_space<semaphore_mem>>) src(%dma_wait3A_113 : memref<10000x128xf32, #tpu.memory_space<hbm>>) dst(%dma_wait3A_107 : memref<125x128xf32, #tpu.memory_space<vmem>>)
      %run_scoped3A_114 = arith.constant 39 : i32
      "tpu.region"() ({
        %run_scoped3A_163 = tpu.sem_alloc : memref<!tpu.dma_semaphore, #tpu.memory_space<semaphore_mem>>
        %dma_start3A_164 = arith.constant 0 : i32
        %dma_start3A_165 = arith.constant 0 : i32
        %dma_start3A_166 = tpu.memref_slice %arg11[%dma_start3A_164, %dma_start3A_165] : memref<125x128xf32, #tpu.memory_space<vmem>> -> memref<125x128xf32, #tpu.memory_space<vmem>>
        %dma_start3A_167 = arith.constant 0 : i32
        %dma_start3A_168 = tpu.memref_slice %arg9[%run_scoped3A_114, %dma_start3A_167] : memref<40x125xi32, #tpu.memory_space<vmem>> -> memref<1x125xi32, #tpu.memory_space<vmem>>
        %dma_start3A_169 = tpu.memref_squeeze %dma_start3A_168 : memref<1x125xi32, #tpu.memory_space<vmem>> -> memref<125xi32, #tpu.memory_space<vmem>>
        %dma_start3A_170 = arith.constant 0 : i32
        %dma_start3A_171 = arith.constant 0 : i32
        %dma_start3A_172 = tpu.memref_slice %arg12[%dma_start3A_170, %dma_start3A_171] : memref<10240x128xf32, #tpu.memory_space<vmem_shared>> -> memref<10240x128xf32, #tpu.memory_space<vmem_shared>>
        tpu.enqueue_indirect_dma source(%dma_start3A_166 : memref<125x128xf32, #tpu.memory_space<vmem>>) target(%dma_start3A_172 : memref<10240x128xf32, #tpu.memory_space<vmem_shared>>) offsets(%dma_start3A_169 : memref<125xi32, #tpu.memory_space<vmem>>) semaphore(%run_scoped3A_163 : memref<!tpu.dma_semaphore, #tpu.memory_space<semaphore_mem>>) {add = true}
        %dma_wait3A_173 = arith.constant 0 : i32
        %dma_wait3A_174 = arith.constant 0 : i32
        %dma_wait3A_175 = tpu.memref_slice %arg11[%dma_wait3A_173, %dma_wait3A_174] : memref<125x128xf32, #tpu.memory_space<vmem>> -> memref<125x128xf32, #tpu.memory_space<vmem>>
        %dma_wait3A_176 = arith.constant 0 : i32
        %dma_wait3A_177 = tpu.memref_slice %arg9[%run_scoped3A_114, %dma_wait3A_176] : memref<40x125xi32, #tpu.memory_space<vmem>> -> memref<1x125xi32, #tpu.memory_space<vmem>>
        %dma_wait3A_178 = tpu.memref_squeeze %dma_wait3A_177 : memref<1x125xi32, #tpu.memory_space<vmem>> -> memref<125xi32, #tpu.memory_space<vmem>>
        %dma_wait3A_179 = arith.constant 0 : i32
        %dma_wait3A_180 = arith.constant 0 : i32
        %dma_wait3A_181 = tpu.memref_slice %arg12[%dma_wait3A_179, %dma_wait3A_180] : memref<10240x128xf32, #tpu.memory_space<vmem_shared>> -> memref<10240x128xf32, #tpu.memory_space<vmem_shared>>
        tpu.wait_indirect_dma semaphore(%run_scoped3A_163 : memref<!tpu.dma_semaphore, #tpu.memory_space<semaphore_mem>>) src(%dma_wait3A_175 : memref<125x128xf32, #tpu.memory_space<vmem>>) dst(%dma_wait3A_181 : memref<10240x128xf32, #tpu.memory_space<vmem_shared>>)
        tpu.yield
      }) : () -> ()
      "tpu.region"() ({
        %run_scoped3A_163 = tpu.sem_alloc : memref<!tpu.dma_semaphore, #tpu.memory_space<semaphore_mem>>
        %dma_start3A_164 = arith.constant 40 : i32
        %dma_start3A_165 = arith.constant 0 : i32
        %dma_start3A_166 = tpu.memref_slice %arg4[%arg1, %dma_start3A_164, %dma_start3A_165] : memref<16x80x125xi32, #tpu.memory_space<hbm>> -> memref<1x40x125xi32, #tpu.memory_space<hbm>>
        %dma_start3A_167 = tpu.memref_squeeze %dma_start3A_166 : memref<1x40x125xi32, #tpu.memory_space<hbm>> -> memref<40x125xi32, #tpu.memory_space<hbm>>
        %dma_start3A_168 = arith.constant 40 : i32
        %dma_start3A_169 = arith.constant 0 : i32
        %dma_start3A_170 = tpu.memref_slice %arg4[%arg1, %dma_start3A_168, %dma_start3A_169] : memref<16x80x125xi32, #tpu.memory_space<hbm>> -> memref<1x40x125xi32, #tpu.memory_space<hbm>>
        %dma_start3A_171 = tpu.memref_squeeze %dma_start3A_170 : memref<1x40x125xi32, #tpu.memory_space<hbm>> -> memref<40x125xi32, #tpu.memory_space<hbm>>
        tpu.enqueue_dma source(%dma_start3A_171 : memref<40x125xi32, #tpu.memory_space<hbm>>) target(%arg8 : memref<40x125xi32, #tpu.memory_space<vmem>>) target_semaphore(%run_scoped3A_163 : memref<!tpu.dma_semaphore, #tpu.memory_space<semaphore_mem>>)
        %dma_wait3A_172 = arith.constant 40 : i32
        %dma_wait3A_173 = arith.constant 0 : i32
        %dma_wait3A_174 = tpu.memref_slice %arg4[%arg1, %dma_wait3A_172, %dma_wait3A_173] : memref<16x80x125xi32, #tpu.memory_space<hbm>> -> memref<1x40x125xi32, #tpu.memory_space<hbm>>
        %dma_wait3A_175 = tpu.memref_squeeze %dma_wait3A_174 : memref<1x40x125xi32, #tpu.memory_space<hbm>> -> memref<40x125xi32, #tpu.memory_space<hbm>>
        %dma_wait3A_176 = arith.constant 40 : i32
        %dma_wait3A_177 = arith.constant 0 : i32
        %dma_wait3A_178 = tpu.memref_slice %arg4[%arg1, %dma_wait3A_176, %dma_wait3A_177] : memref<16x80x125xi32, #tpu.memory_space<hbm>> -> memref<1x40x125xi32, #tpu.memory_space<hbm>>
        %dma_wait3A_179 = tpu.memref_squeeze %dma_wait3A_178 : memref<1x40x125xi32, #tpu.memory_space<hbm>> -> memref<40x125xi32, #tpu.memory_space<hbm>>
        tpu.wait_dma2 semaphore(%run_scoped3A_163 : memref<!tpu.dma_semaphore, #tpu.memory_space<semaphore_mem>>) src(%dma_wait3A_179 : memref<40x125xi32, #tpu.memory_space<hbm>>) dst(%arg8 : memref<40x125xi32, #tpu.memory_space<vmem>>)
        tpu.yield
      }) : () -> ()
      "tpu.region"() ({
        %run_scoped3A_163 = tpu.sem_alloc : memref<!tpu.dma_semaphore, #tpu.memory_space<semaphore_mem>>
        %dma_start3A_164 = arith.constant 40 : i32
        %dma_start3A_165 = arith.constant 0 : i32
        %dma_start3A_166 = tpu.memref_slice %arg5[%arg1, %dma_start3A_164, %dma_start3A_165] : memref<16x80x125xi32, #tpu.memory_space<hbm>> -> memref<1x40x125xi32, #tpu.memory_space<hbm>>
        %dma_start3A_167 = tpu.memref_squeeze %dma_start3A_166 : memref<1x40x125xi32, #tpu.memory_space<hbm>> -> memref<40x125xi32, #tpu.memory_space<hbm>>
        %dma_start3A_168 = arith.constant 40 : i32
        %dma_start3A_169 = arith.constant 0 : i32
        %dma_start3A_170 = tpu.memref_slice %arg5[%arg1, %dma_start3A_168, %dma_start3A_169] : memref<16x80x125xi32, #tpu.memory_space<hbm>> -> memref<1x40x125xi32, #tpu.memory_space<hbm>>
        %dma_start3A_171 = tpu.memref_squeeze %dma_start3A_170 : memref<1x40x125xi32, #tpu.memory_space<hbm>> -> memref<40x125xi32, #tpu.memory_space<hbm>>
        tpu.enqueue_dma source(%dma_start3A_171 : memref<40x125xi32, #tpu.memory_space<hbm>>) target(%arg9 : memref<40x125xi32, #tpu.memory_space<vmem>>) target_semaphore(%run_scoped3A_163 : memref<!tpu.dma_semaphore, #tpu.memory_space<semaphore_mem>>)
        %dma_wait3A_172 = arith.constant 40 : i32
        %dma_wait3A_173 = arith.constant 0 : i32
        %dma_wait3A_174 = tpu.memref_slice %arg5[%arg1, %dma_wait3A_172, %dma_wait3A_173] : memref<16x80x125xi32, #tpu.memory_space<hbm>> -> memref<1x40x125xi32, #tpu.memory_space<hbm>>
        %dma_wait3A_175 = tpu.memref_squeeze %dma_wait3A_174 : memref<1x40x125xi32, #tpu.memory_space<hbm>> -> memref<40x125xi32, #tpu.memory_space<hbm>>
        %dma_wait3A_176 = arith.constant 40 : i32
        %dma_wait3A_177 = arith.constant 0 : i32
        %dma_wait3A_178 = tpu.memref_slice %arg5[%arg1, %dma_wait3A_176, %dma_wait3A_177] : memref<16x80x125xi32, #tpu.memory_space<hbm>> -> memref<1x40x125xi32, #tpu.memory_space<hbm>>
        %dma_wait3A_179 = tpu.memref_squeeze %dma_wait3A_178 : memref<1x40x125xi32, #tpu.memory_space<hbm>> -> memref<40x125xi32, #tpu.memory_space<hbm>>
        tpu.wait_dma2 semaphore(%run_scoped3A_163 : memref<!tpu.dma_semaphore, #tpu.memory_space<semaphore_mem>>) src(%dma_wait3A_179 : memref<40x125xi32, #tpu.memory_space<hbm>>) dst(%arg9 : memref<40x125xi32, #tpu.memory_space<vmem>>)
        tpu.yield
      }) : () -> ()
      %dma_start3A_115 = arith.constant 0 : i32
      %dma_start3A_116 = arith.constant 0 : i32
      %dma_start3A_117 = arith.constant 0 : i32
      %dma_start3A_118 = tpu.memref_slice %arg10[%dma_start3A_116, %dma_start3A_117] : memref<128x128xf32, #tpu.memory_space<vmem>> -> memref<125x128xf32, #tpu.memory_space<vmem>>
      %dma_start3A_119 = arith.constant 0 : i32
      %dma_start3A_120 = tpu.memref_slice %arg8[%dma_start3A_115, %dma_start3A_119] : memref<40x125xi32, #tpu.memory_space<vmem>> -> memref<1x125xi32, #tpu.memory_space<vmem>>
      %dma_start3A_121 = tpu.memref_squeeze %dma_start3A_120 : memref<1x125xi32, #tpu.memory_space<vmem>> -> memref<125xi32, #tpu.memory_space<vmem>>
      %dma_start3A_122 = arith.constant 0 : i32
      %dma_start3A_123 = arith.constant 0 : i32
      %dma_start3A_124 = tpu.memref_slice %arg3[%dma_start3A_122, %dma_start3A_123] : memref<10000x128xf32, #tpu.memory_space<hbm>> -> memref<10000x128xf32, #tpu.memory_space<hbm>>
      tpu.enqueue_indirect_dma source(%dma_start3A_124 : memref<10000x128xf32, #tpu.memory_space<hbm>>) target(%dma_start3A_118 : memref<125x128xf32, #tpu.memory_space<vmem>>) offsets(%dma_start3A_121 : memref<125xi32, #tpu.memory_space<vmem>>) semaphore(%arg13 : memref<!tpu.dma_semaphore, #tpu.memory_space<semaphore_mem>>)
      %dma_start3A_125 = arith.constant 1 : i32
      %dma_start3A_126 = arith.constant 0 : i32
      %dma_start3A_127 = arith.constant 0 : i32
      %dma_start3A_128 = tpu.memref_slice %arg11[%dma_start3A_126, %dma_start3A_127] : memref<125x128xf32, #tpu.memory_space<vmem>> -> memref<125x128xf32, #tpu.memory_space<vmem>>
      %dma_start3A_129 = arith.constant 0 : i32
      %dma_start3A_130 = tpu.memref_slice %arg8[%dma_start3A_125, %dma_start3A_129] : memref<40x125xi32, #tpu.memory_space<vmem>> -> memref<1x125xi32, #tpu.memory_space<vmem>>
      %dma_start3A_131 = tpu.memref_squeeze %dma_start3A_130 : memref<1x125xi32, #tpu.memory_space<vmem>> -> memref<125xi32, #tpu.memory_space<vmem>>
      %dma_start3A_132 = arith.constant 0 : i32
      %dma_start3A_133 = arith.constant 0 : i32
      %dma_start3A_134 = tpu.memref_slice %arg3[%dma_start3A_132, %dma_start3A_133] : memref<10000x128xf32, #tpu.memory_space<hbm>> -> memref<10000x128xf32, #tpu.memory_space<hbm>>
      tpu.enqueue_indirect_dma source(%dma_start3A_134 : memref<10000x128xf32, #tpu.memory_space<hbm>>) target(%dma_start3A_128 : memref<125x128xf32, #tpu.memory_space<vmem>>) offsets(%dma_start3A_131 : memref<125xi32, #tpu.memory_space<vmem>>) semaphore(%arg14 : memref<!tpu.dma_semaphore, #tpu.memory_space<semaphore_mem>>)
      %scan3A_135 = arith.constant 0 : i32
      %scan3A_136 = arith.constant 19 : i32
      %scan3A_137 = arith.addi %scan3A_135, %scan3A_136 : i32
      %scan3A_138 = arith.constant 1 : i32
      scf.for %scan3A_163 = %scan3A_135 to %scan3A_137 step %scan3A_138  : i32 {
        %mul3A_164 = arith.constant 2 : i32
        %mul3A_165 = arith.muli %mul3A_164, %scan3A_163 : i32
        %dma_wait3A_166 = arith.constant 0 : i32
        %dma_wait3A_167 = arith.constant 0 : i32
        %dma_wait3A_168 = tpu.memref_slice %arg10[%dma_wait3A_166, %dma_wait3A_167] : memref<128x128xf32, #tpu.memory_space<vmem>> -> memref<125x128xf32, #tpu.memory_space<vmem>>
        %dma_wait3A_169 = arith.constant 0 : i32
        %dma_wait3A_170 = tpu.memref_slice %arg8[%mul3A_165, %dma_wait3A_169] : memref<40x125xi32, #tpu.memory_space<vmem>> -> memref<1x125xi32, #tpu.memory_space<vmem>>
        %dma_wait3A_171 = tpu.memref_squeeze %dma_wait3A_170 : memref<1x125xi32, #tpu.memory_space<vmem>> -> memref<125xi32, #tpu.memory_space<vmem>>
        %dma_wait3A_172 = arith.constant 0 : i32
        %dma_wait3A_173 = arith.constant 0 : i32
        %dma_wait3A_174 = tpu.memref_slice %arg3[%dma_wait3A_172, %dma_wait3A_173] : memref<10000x128xf32, #tpu.memory_space<hbm>> -> memref<10000x128xf32, #tpu.memory_space<hbm>>
        tpu.wait_indirect_dma semaphore(%arg13 : memref<!tpu.dma_semaphore, #tpu.memory_space<semaphore_mem>>) src(%dma_wait3A_174 : memref<10000x128xf32, #tpu.memory_space<hbm>>) dst(%dma_wait3A_168 : memref<125x128xf32, #tpu.memory_space<vmem>>)
        "tpu.region"() ({
          %run_scoped3A_210 = tpu.sem_alloc : memref<!tpu.dma_semaphore, #tpu.memory_space<semaphore_mem>>
          %dma_start3A_211 = arith.constant 0 : i32
          %dma_start3A_212 = arith.constant 0 : i32
          %dma_start3A_213 = tpu.memref_slice %arg10[%dma_start3A_211, %dma_start3A_212] : memref<128x128xf32, #tpu.memory_space<vmem>> -> memref<125x128xf32, #tpu.memory_space<vmem>>
          %dma_start3A_214 = arith.constant 0 : i32
          %dma_start3A_215 = tpu.memref_slice %arg9[%mul3A_165, %dma_start3A_214] : memref<40x125xi32, #tpu.memory_space<vmem>> -> memref<1x125xi32, #tpu.memory_space<vmem>>
          %dma_start3A_216 = tpu.memref_squeeze %dma_start3A_215 : memref<1x125xi32, #tpu.memory_space<vmem>> -> memref<125xi32, #tpu.memory_space<vmem>>
          %dma_start3A_217 = arith.constant 0 : i32
          %dma_start3A_218 = arith.constant 0 : i32
          %dma_start3A_219 = tpu.memref_slice %arg12[%dma_start3A_217, %dma_start3A_218] : memref<10240x128xf32, #tpu.memory_space<vmem_shared>> -> memref<10240x128xf32, #tpu.memory_space<vmem_shared>>
          tpu.enqueue_indirect_dma source(%dma_start3A_213 : memref<125x128xf32, #tpu.memory_space<vmem>>) target(%dma_start3A_219 : memref<10240x128xf32, #tpu.memory_space<vmem_shared>>) offsets(%dma_start3A_216 : memref<125xi32, #tpu.memory_space<vmem>>) semaphore(%run_scoped3A_210 : memref<!tpu.dma_semaphore, #tpu.memory_space<semaphore_mem>>) {add = true}
          %dma_wait3A_220 = arith.constant 0 : i32
          %dma_wait3A_221 = arith.constant 0 : i32
          %dma_wait3A_222 = tpu.memref_slice %arg10[%dma_wait3A_220, %dma_wait3A_221] : memref<128x128xf32, #tpu.memory_space<vmem>> -> memref<125x128xf32, #tpu.memory_space<vmem>>
          %dma_wait3A_223 = arith.constant 0 : i32
          %dma_wait3A_224 = tpu.memref_slice %arg9[%mul3A_165, %dma_wait3A_223] : memref<40x125xi32, #tpu.memory_space<vmem>> -> memref<1x125xi32, #tpu.memory_space<vmem>>
          %dma_wait3A_225 = tpu.memref_squeeze %dma_wait3A_224 : memref<1x125xi32, #tpu.memory_space<vmem>> -> memref<125xi32, #tpu.memory_space<vmem>>
          %dma_wait3A_226 = arith.constant 0 : i32
          %dma_wait3A_227 = arith.constant 0 : i32
          %dma_wait3A_228 = tpu.memref_slice %arg12[%dma_wait3A_226, %dma_wait3A_227] : memref<10240x128xf32, #tpu.memory_space<vmem_shared>> -> memref<10240x128xf32, #tpu.memory_space<vmem_shared>>
          tpu.wait_indirect_dma semaphore(%run_scoped3A_210 : memref<!tpu.dma_semaphore, #tpu.memory_space<semaphore_mem>>) src(%dma_wait3A_222 : memref<125x128xf32, #tpu.memory_space<vmem>>) dst(%dma_wait3A_228 : memref<10240x128xf32, #tpu.memory_space<vmem_shared>>)
          tpu.yield
        }) : () -> ()
        %add3A_175 = arith.constant 2 : i32
        %add3A_176 = arith.addi %mul3A_165, %add3A_175 : i32
        %dma_start3A_177 = arith.constant 0 : i32
        %dma_start3A_178 = arith.constant 0 : i32
        %dma_start3A_179 = tpu.memref_slice %arg10[%dma_start3A_177, %dma_start3A_178] : memref<128x128xf32, #tpu.memory_space<vmem>> -> memref<125x128xf32, #tpu.memory_space<vmem>>
        %dma_start3A_180 = arith.constant 0 : i32
        %dma_start3A_181 = tpu.memref_slice %arg8[%add3A_176, %dma_start3A_180] : memref<40x125xi32, #tpu.memory_space<vmem>> -> memref<1x125xi32, #tpu.memory_space<vmem>>
        %dma_start3A_182 = tpu.memref_squeeze %dma_start3A_181 : memref<1x125xi32, #tpu.memory_space<vmem>> -> memref<125xi32, #tpu.memory_space<vmem>>
        %dma_start3A_183 = arith.constant 0 : i32
        %dma_start3A_184 = arith.constant 0 : i32
        %dma_start3A_185 = tpu.memref_slice %arg3[%dma_start3A_183, %dma_start3A_184] : memref<10000x128xf32, #tpu.memory_space<hbm>> -> memref<10000x128xf32, #tpu.memory_space<hbm>>
        tpu.enqueue_indirect_dma source(%dma_start3A_185 : memref<10000x128xf32, #tpu.memory_space<hbm>>) target(%dma_start3A_179 : memref<125x128xf32, #tpu.memory_space<vmem>>) offsets(%dma_start3A_182 : memref<125xi32, #tpu.memory_space<vmem>>) semaphore(%arg13 : memref<!tpu.dma_semaphore, #tpu.memory_space<semaphore_mem>>)
        %mul3A_186 = arith.constant 2 : i32
        %mul3A_187 = arith.muli %mul3A_186, %scan3A_163 : i32
        %add3A_188 = arith.constant 1 : i32
        %add3A_189 = arith.addi %mul3A_187, %add3A_188 : i32
        %dma_wait3A_190 = arith.constant 0 : i32
        %dma_wait3A_191 = arith.constant 0 : i32
        %dma_wait3A_192 = tpu.memref_slice %arg11[%dma_wait3A_190, %dma_wait3A_191] : memref<125x128xf32, #tpu.memory_space<vmem>> -> memref<125x128xf32, #tpu.memory_space<vmem>>
        %dma_wait3A_193 = arith.constant 0 : i32
        %dma_wait3A_194 = tpu.memref_slice %arg8[%add3A_189, %dma_wait3A_193] : memref<40x125xi32, #tpu.memory_space<vmem>> -> memref<1x125xi32, #tpu.memory_space<vmem>>
        %dma_wait3A_195 = tpu.memref_squeeze %dma_wait3A_194 : memref<1x125xi32, #tpu.memory_space<vmem>> -> memref<125xi32, #tpu.memory_space<vmem>>
        %dma_wait3A_196 = arith.constant 0 : i32
        %dma_wait3A_197 = arith.constant 0 : i32
        %dma_wait3A_198 = tpu.memref_slice %arg3[%dma_wait3A_196, %dma_wait3A_197] : memref<10000x128xf32, #tpu.memory_space<hbm>> -> memref<10000x128xf32, #tpu.memory_space<hbm>>
        tpu.wait_indirect_dma semaphore(%arg14 : memref<!tpu.dma_semaphore, #tpu.memory_space<semaphore_mem>>) src(%dma_wait3A_198 : memref<10000x128xf32, #tpu.memory_space<hbm>>) dst(%dma_wait3A_192 : memref<125x128xf32, #tpu.memory_space<vmem>>)
        "tpu.region"() ({
          %run_scoped3A_210 = tpu.sem_alloc : memref<!tpu.dma_semaphore, #tpu.memory_space<semaphore_mem>>
          %dma_start3A_211 = arith.constant 0 : i32
          %dma_start3A_212 = arith.constant 0 : i32
          %dma_start3A_213 = tpu.memref_slice %arg11[%dma_start3A_211, %dma_start3A_212] : memref<125x128xf32, #tpu.memory_space<vmem>> -> memref<125x128xf32, #tpu.memory_space<vmem>>
          %dma_start3A_214 = arith.constant 0 : i32
          %dma_start3A_215 = tpu.memref_slice %arg9[%add3A_189, %dma_start3A_214] : memref<40x125xi32, #tpu.memory_space<vmem>> -> memref<1x125xi32, #tpu.memory_space<vmem>>
          %dma_start3A_216 = tpu.memref_squeeze %dma_start3A_215 : memref<1x125xi32, #tpu.memory_space<vmem>> -> memref<125xi32, #tpu.memory_space<vmem>>
          %dma_start3A_217 = arith.constant 0 : i32
          %dma_start3A_218 = arith.constant 0 : i32
          %dma_start3A_219 = tpu.memref_slice %arg12[%dma_start3A_217, %dma_start3A_218] : memref<10240x128xf32, #tpu.memory_space<vmem_shared>> -> memref<10240x128xf32, #tpu.memory_space<vmem_shared>>
          tpu.enqueue_indirect_dma source(%dma_start3A_213 : memref<125x128xf32, #tpu.memory_space<vmem>>) target(%dma_start3A_219 : memref<10240x128xf32, #tpu.memory_space<vmem_shared>>) offsets(%dma_start3A_216 : memref<125xi32, #tpu.memory_space<vmem>>) semaphore(%run_scoped3A_210 : memref<!tpu.dma_semaphore, #tpu.memory_space<semaphore_mem>>) {add = true}
          %dma_wait3A_220 = arith.constant 0 : i32
          %dma_wait3A_221 = arith.constant 0 : i32
          %dma_wait3A_222 = tpu.memref_slice %arg11[%dma_wait3A_220, %dma_wait3A_221] : memref<125x128xf32, #tpu.memory_space<vmem>> -> memref<125x128xf32, #tpu.memory_space<vmem>>
          %dma_wait3A_223 = arith.constant 0 : i32
          %dma_wait3A_224 = tpu.memref_slice %arg9[%add3A_189, %dma_wait3A_223] : memref<40x125xi32, #tpu.memory_space<vmem>> -> memref<1x125xi32, #tpu.memory_space<vmem>>
          %dma_wait3A_225 = tpu.memref_squeeze %dma_wait3A_224 : memref<1x125xi32, #tpu.memory_space<vmem>> -> memref<125xi32, #tpu.memory_space<vmem>>
          %dma_wait3A_226 = arith.constant 0 : i32
          %dma_wait3A_227 = arith.constant 0 : i32
          %dma_wait3A_228 = tpu.memref_slice %arg12[%dma_wait3A_226, %dma_wait3A_227] : memref<10240x128xf32, #tpu.memory_space<vmem_shared>> -> memref<10240x128xf32, #tpu.memory_space<vmem_shared>>
          tpu.wait_indirect_dma semaphore(%run_scoped3A_210 : memref<!tpu.dma_semaphore, #tpu.memory_space<semaphore_mem>>) src(%dma_wait3A_222 : memref<125x128xf32, #tpu.memory_space<vmem>>) dst(%dma_wait3A_228 : memref<10240x128xf32, #tpu.memory_space<vmem_shared>>)
          tpu.yield
        }) : () -> ()
        %add3A_199 = arith.constant 2 : i32
        %add3A_200 = arith.addi %add3A_189, %add3A_199 : i32
        %dma_start3A_201 = arith.constant 0 : i32
        %dma_start3A_202 = arith.constant 0 : i32
        %dma_start3A_203 = tpu.memref_slice %arg11[%dma_start3A_201, %dma_start3A_202] : memref<125x128xf32, #tpu.memory_space<vmem>> -> memref<125x128xf32, #tpu.memory_space<vmem>>
        %dma_start3A_204 = arith.constant 0 : i32
        %dma_start3A_205 = tpu.memref_slice %arg8[%add3A_200, %dma_start3A_204] : memref<40x125xi32, #tpu.memory_space<vmem>> -> memref<1x125xi32, #tpu.memory_space<vmem>>
        %dma_start3A_206 = tpu.memref_squeeze %dma_start3A_205 : memref<1x125xi32, #tpu.memory_space<vmem>> -> memref<125xi32, #tpu.memory_space<vmem>>
        %dma_start3A_207 = arith.constant 0 : i32
        %dma_start3A_208 = arith.constant 0 : i32
        %dma_start3A_209 = tpu.memref_slice %arg3[%dma_start3A_207, %dma_start3A_208] : memref<10000x128xf32, #tpu.memory_space<hbm>> -> memref<10000x128xf32, #tpu.memory_space<hbm>>
        tpu.enqueue_indirect_dma source(%dma_start3A_209 : memref<10000x128xf32, #tpu.memory_space<hbm>>) target(%dma_start3A_203 : memref<125x128xf32, #tpu.memory_space<vmem>>) offsets(%dma_start3A_206 : memref<125xi32, #tpu.memory_space<vmem>>) semaphore(%arg14 : memref<!tpu.dma_semaphore, #tpu.memory_space<semaphore_mem>>)
      }
      %scan3A_139 = arith.constant 19 : i32
      %dma_wait3A_140 = arith.constant 38 : i32
      %dma_wait3A_141 = arith.constant 0 : i32
      %dma_wait3A_142 = arith.constant 0 : i32
      %dma_wait3A_143 = tpu.memref_slice %arg10[%dma_wait3A_141, %dma_wait3A_142] : memref<128x128xf32, #tpu.memory_space<vmem>> -> memref<125x128xf32, #tpu.memory_space<vmem>>
      %dma_wait3A_144 = arith.constant 0 : i32
      %dma_wait3A_145 = tpu.memref_slice %arg8[%dma_wait3A_140, %dma_wait3A_144] : memref<40x125xi32, #tpu.memory_space<vmem>> -> memref<1x125xi32, #tpu.memory_space<vmem>>
      %dma_wait3A_146 = tpu.memref_squeeze %dma_wait3A_145 : memref<1x125xi32, #tpu.memory_space<vmem>> -> memref<125xi32, #tpu.memory_space<vmem>>
      %dma_wait3A_147 = arith.constant 0 : i32
      %dma_wait3A_148 = arith.constant 0 : i32
      %dma_wait3A_149 = tpu.memref_slice %arg3[%dma_wait3A_147, %dma_wait3A_148] : memref<10000x128xf32, #tpu.memory_space<hbm>> -> memref<10000x128xf32, #tpu.memory_space<hbm>>
      tpu.wait_indirect_dma semaphore(%arg13 : memref<!tpu.dma_semaphore, #tpu.memory_space<semaphore_mem>>) src(%dma_wait3A_149 : memref<10000x128xf32, #tpu.memory_space<hbm>>) dst(%dma_wait3A_143 : memref<125x128xf32, #tpu.memory_space<vmem>>)
      %run_scoped3A_150 = arith.constant 38 : i32
      "tpu.region"() ({
        %run_scoped3A_163 = tpu.sem_alloc : memref<!tpu.dma_semaphore, #tpu.memory_space<semaphore_mem>>
        %dma_start3A_164 = arith.constant 0 : i32
        %dma_start3A_165 = arith.constant 0 : i32
        %dma_start3A_166 = tpu.memref_slice %arg10[%dma_start3A_164, %dma_start3A_165] : memref<128x128xf32, #tpu.memory_space<vmem>> -> memref<125x128xf32, #tpu.memory_space<vmem>>
        %dma_start3A_167 = arith.constant 0 : i32
        %dma_start3A_168 = tpu.memref_slice %arg9[%run_scoped3A_150, %dma_start3A_167] : memref<40x125xi32, #tpu.memory_space<vmem>> -> memref<1x125xi32, #tpu.memory_space<vmem>>
        %dma_start3A_169 = tpu.memref_squeeze %dma_start3A_168 : memref<1x125xi32, #tpu.memory_space<vmem>> -> memref<125xi32, #tpu.memory_space<vmem>>
        %dma_start3A_170 = arith.constant 0 : i32
        %dma_start3A_171 = arith.constant 0 : i32
        %dma_start3A_172 = tpu.memref_slice %arg12[%dma_start3A_170, %dma_start3A_171] : memref<10240x128xf32, #tpu.memory_space<vmem_shared>> -> memref<10240x128xf32, #tpu.memory_space<vmem_shared>>
        tpu.enqueue_indirect_dma source(%dma_start3A_166 : memref<125x128xf32, #tpu.memory_space<vmem>>) target(%dma_start3A_172 : memref<10240x128xf32, #tpu.memory_space<vmem_shared>>) offsets(%dma_start3A_169 : memref<125xi32, #tpu.memory_space<vmem>>) semaphore(%run_scoped3A_163 : memref<!tpu.dma_semaphore, #tpu.memory_space<semaphore_mem>>) {add = true}
        %dma_wait3A_173 = arith.constant 0 : i32
        %dma_wait3A_174 = arith.constant 0 : i32
        %dma_wait3A_175 = tpu.memref_slice %arg10[%dma_wait3A_173, %dma_wait3A_174] : memref<128x128xf32, #tpu.memory_space<vmem>> -> memref<125x128xf32, #tpu.memory_space<vmem>>
        %dma_wait3A_176 = arith.constant 0 : i32
        %dma_wait3A_177 = tpu.memref_slice %arg9[%run_scoped3A_150, %dma_wait3A_176] : memref<40x125xi32, #tpu.memory_space<vmem>> -> memref<1x125xi32, #tpu.memory_space<vmem>>
        %dma_wait3A_178 = tpu.memref_squeeze %dma_wait3A_177 : memref<1x125xi32, #tpu.memory_space<vmem>> -> memref<125xi32, #tpu.memory_space<vmem>>
        %dma_wait3A_179 = arith.constant 0 : i32
        %dma_wait3A_180 = arith.constant 0 : i32
        %dma_wait3A_181 = tpu.memref_slice %arg12[%dma_wait3A_179, %dma_wait3A_180] : memref<10240x128xf32, #tpu.memory_space<vmem_shared>> -> memref<10240x128xf32, #tpu.memory_space<vmem_shared>>
        tpu.wait_indirect_dma semaphore(%run_scoped3A_163 : memref<!tpu.dma_semaphore, #tpu.memory_space<semaphore_mem>>) src(%dma_wait3A_175 : memref<125x128xf32, #tpu.memory_space<vmem>>) dst(%dma_wait3A_181 : memref<10240x128xf32, #tpu.memory_space<vmem_shared>>)
        tpu.yield
      }) : () -> ()
      %dma_wait3A_151 = arith.constant 39 : i32
      %dma_wait3A_152 = arith.constant 0 : i32
      %dma_wait3A_153 = arith.constant 0 : i32
      %dma_wait3A_154 = tpu.memref_slice %arg11[%dma_wait3A_152, %dma_wait3A_153] : memref<125x128xf32, #tpu.memory_space<vmem>> -> memref<125x128xf32, #tpu.memory_space<vmem>>
      %dma_wait3A_155 = arith.constant 0 : i32
      %dma_wait3A_156 = tpu.memref_slice %arg8[%dma_wait3A_151, %dma_wait3A_155] : memref<40x125xi32, #tpu.memory_space<vmem>> -> memref<1x125xi32, #tpu.memory_space<vmem>>
      %dma_wait3A_157 = tpu.memref_squeeze %dma_wait3A_156 : memref<1x125xi32, #tpu.memory_space<vmem>> -> memref<125xi32, #tpu.memory_space<vmem>>
      %dma_wait3A_158 = arith.constant 0 : i32
      %dma_wait3A_159 = arith.constant 0 : i32
      %dma_wait3A_160 = tpu.memref_slice %arg3[%dma_wait3A_158, %dma_wait3A_159] : memref<10000x128xf32, #tpu.memory_space<hbm>> -> memref<10000x128xf32, #tpu.memory_space<hbm>>
      tpu.wait_indirect_dma semaphore(%arg14 : memref<!tpu.dma_semaphore, #tpu.memory_space<semaphore_mem>>) src(%dma_wait3A_160 : memref<10000x128xf32, #tpu.memory_space<hbm>>) dst(%dma_wait3A_154 : memref<125x128xf32, #tpu.memory_space<vmem>>)
      %run_scoped3A_161 = arith.constant 39 : i32
      "tpu.region"() ({
        %run_scoped3A_163 = tpu.sem_alloc : memref<!tpu.dma_semaphore, #tpu.memory_space<semaphore_mem>>
        %dma_start3A_164 = arith.constant 0 : i32
        %dma_start3A_165 = arith.constant 0 : i32
        %dma_start3A_166 = tpu.memref_slice %arg11[%dma_start3A_164, %dma_start3A_165] : memref<125x128xf32, #tpu.memory_space<vmem>> -> memref<125x128xf32, #tpu.memory_space<vmem>>
        %dma_start3A_167 = arith.constant 0 : i32
        %dma_start3A_168 = tpu.memref_slice %arg9[%run_scoped3A_161, %dma_start3A_167] : memref<40x125xi32, #tpu.memory_space<vmem>> -> memref<1x125xi32, #tpu.memory_space<vmem>>
        %dma_start3A_169 = tpu.memref_squeeze %dma_start3A_168 : memref<1x125xi32, #tpu.memory_space<vmem>> -> memref<125xi32, #tpu.memory_space<vmem>>
        %dma_start3A_170 = arith.constant 0 : i32
        %dma_start3A_171 = arith.constant 0 : i32
        %dma_start3A_172 = tpu.memref_slice %arg12[%dma_start3A_170, %dma_start3A_171] : memref<10240x128xf32, #tpu.memory_space<vmem_shared>> -> memref<10240x128xf32, #tpu.memory_space<vmem_shared>>
        tpu.enqueue_indirect_dma source(%dma_start3A_166 : memref<125x128xf32, #tpu.memory_space<vmem>>) target(%dma_start3A_172 : memref<10240x128xf32, #tpu.memory_space<vmem_shared>>) offsets(%dma_start3A_169 : memref<125xi32, #tpu.memory_space<vmem>>) semaphore(%run_scoped3A_163 : memref<!tpu.dma_semaphore, #tpu.memory_space<semaphore_mem>>) {add = true}
        %dma_wait3A_173 = arith.constant 0 : i32
        %dma_wait3A_174 = arith.constant 0 : i32
        %dma_wait3A_175 = tpu.memref_slice %arg11[%dma_wait3A_173, %dma_wait3A_174] : memref<125x128xf32, #tpu.memory_space<vmem>> -> memref<125x128xf32, #tpu.memory_space<vmem>>
        %dma_wait3A_176 = arith.constant 0 : i32
        %dma_wait3A_177 = tpu.memref_slice %arg9[%run_scoped3A_161, %dma_wait3A_176] : memref<40x125xi32, #tpu.memory_space<vmem>> -> memref<1x125xi32, #tpu.memory_space<vmem>>
        %dma_wait3A_178 = tpu.memref_squeeze %dma_wait3A_177 : memref<1x125xi32, #tpu.memory_space<vmem>> -> memref<125xi32, #tpu.memory_space<vmem>>
        %dma_wait3A_179 = arith.constant 0 : i32
        %dma_wait3A_180 = arith.constant 0 : i32
        %dma_wait3A_181 = tpu.memref_slice %arg12[%dma_wait3A_179, %dma_wait3A_180] : memref<10240x128xf32, #tpu.memory_space<vmem_shared>> -> memref<10240x128xf32, #tpu.memory_space<vmem_shared>>
        tpu.wait_indirect_dma semaphore(%run_scoped3A_163 : memref<!tpu.dma_semaphore, #tpu.memory_space<semaphore_mem>>) src(%dma_wait3A_175 : memref<125x128xf32, #tpu.memory_space<vmem>>) dst(%dma_wait3A_181 : memref<10240x128xf32, #tpu.memory_space<vmem_shared>>)
        tpu.yield
      }) : () -> ()
      %barrier3A_162 = arith.constant 0 : index
      tpu.barrier barrier_id(%barrier3A_162)
      "tpu.region"() ({
        %run_scoped3A_163 = tpu.sem_alloc : memref<!tpu.dma_semaphore, #tpu.memory_space<semaphore_mem>>
        %dma_start3A_164 = arith.constant 0 : i32
        %dma_start3A_165 = tpu.memref_slice %arg7[%mul3A_4, %dma_start3A_164] : memref<10240x128xf32, #tpu.memory_space<hbm>> -> memref<640x128xf32, #tpu.memory_space<hbm>>
        %dma_start3A_166 = arith.constant 0 : i32
        %dma_start3A_167 = tpu.memref_slice %arg12[%mul3A_4, %dma_start3A_166] : memref<10240x128xf32, #tpu.memory_space<vmem_shared>> -> memref<640x128xf32, #tpu.memory_space<vmem_shared>>
        tpu.enqueue_dma source(%dma_start3A_167 : memref<640x128xf32, #tpu.memory_space<vmem_shared>>) target(%dma_start3A_165 : memref<640x128xf32, #tpu.memory_space<hbm>>) target_semaphore(%run_scoped3A_163 : memref<!tpu.dma_semaphore, #tpu.memory_space<semaphore_mem>>)
        %dma_wait3A_168 = arith.constant 0 : i32
        %dma_wait3A_169 = tpu.memref_slice %arg7[%mul3A_4, %dma_wait3A_168] : memref<10240x128xf32, #tpu.memory_space<hbm>> -> memref<640x128xf32, #tpu.memory_space<hbm>>
        %dma_wait3A_170 = arith.constant 0 : i32
        %dma_wait3A_171 = tpu.memref_slice %arg12[%mul3A_4, %dma_wait3A_170] : memref<10240x128xf32, #tpu.memory_space<vmem_shared>> -> memref<640x128xf32, #tpu.memory_space<vmem_shared>>
        tpu.wait_dma2 semaphore(%run_scoped3A_163 : memref<!tpu.dma_semaphore, #tpu.memory_space<semaphore_mem>>) src(%dma_wait3A_171 : memref<640x128xf32, #tpu.memory_space<vmem_shared>>) dst(%dma_wait3A_169 : memref<640x128xf32, #tpu.memory_space<hbm>>)
        tpu.yield
      }) : () -> ()
    } else {
    }
    return
  }
}

#map = affine_map<(d0, d1) -> (0, 0)>
#map1 = affine_map<(d0, d1) -> (0, 0, 0)>
module attributes {stable_mosaic.version = 14 : i64} {
  func.func @_msg_body(%arg0: i32, %arg1: i32, %arg2: memref<10000x128xf32, #tpu.memory_space<hbm>>, %arg3: memref<10000x128xf32, #tpu.memory_space<hbm>>, %arg4: memref<16x80x125xi32, #tpu.memory_space<hbm>>, %arg5: memref<16x80x125xi32, #tpu.memory_space<hbm>>, %arg6: memref<10240x128xf32, #tpu.memory_space<hbm>>, %arg7: memref<10240x128xf32, #tpu.memory_space<hbm>>, %arg8: memref<40x125xi32, #tpu.memory_space<vmem>>, %arg9: memref<40x125xi32, #tpu.memory_space<vmem>>, %arg10: memref<128x128xf32, #tpu.memory_space<vmem>>, %arg11: memref<125x128xf32, #tpu.memory_space<vmem>>, %arg12: memref<10240x128xf32, #tpu.memory_space<vmem_shared>>, %arg13: memref<!tpu.dma_semaphore, #tpu.memory_space<semaphore_mem>>, %arg14: memref<!tpu.dma_semaphore, #tpu.memory_space<semaphore_mem>>) attributes {dimension_semantics = [#tpu.dimension_semantics<core_parallel>, #tpu.dimension_semantics<subcore_parallel>], iteration_bounds = array<i64: 2, 16>, scalar_prefetch = 0 : i64, scratch_operands = 7 : i64, tpu.core_type = #tpu.core_type<sc_vector_subcore>, window_params = [{transform_indices = #map}, {transform_indices = #map}, {transform_indices = #map1}, {transform_indices = #map1}, {transform_indices = #map}, {transform_indices = #map}]} {
    %scan3A = arith.constant 0 : i32
    %scan3A_0 = arith.constant 128 : i32
    %scan3A_1 = arith.addi %scan3A, %scan3A_0 : i32
    %scan3A_2 = arith.constant 1 : i32
    scf.for %scan3A_69 = %scan3A to %scan3A_1 step %scan3A_2  : i32 {
      %broadcast_in_dim3A = arith.constant 0.000000e+00 : f32
      %broadcast_in_dim3A_70 = vector.broadcast %broadcast_in_dim3A : f32 to vector<16xf32>
      %swap3A = arith.index_cast %scan3A_69 : i32 to index
      %swap3A_71 = arith.constant 0 : index
      %swap3A_72 = tpu.vector_load %arg10[%swap3A, %swap3A_71] {strides = array<i32>} : memref<128x128xf32, #tpu.memory_space<vmem>>, vector<1x16xf32>,
      %swap3A_73 = vector.shape_cast %swap3A_72 : vector<1x16xf32> to vector<16xf32>
      %swap3A_74 = vector.shape_cast %broadcast_in_dim3A_70 : vector<16xf32> to vector<1x16xf32>
      tpu.vector_store %arg10[%swap3A, %swap3A_71], %swap3A_74 {strides = array<i32>} : memref<128x128xf32, #tpu.memory_space<vmem>>, vector<1x16xf32>,
      %broadcast_in_dim3A_75 = arith.constant 0.000000e+00 : f32
      %broadcast_in_dim3A_76 = vector.broadcast %broadcast_in_dim3A_75 : f32 to vector<16xf32>
      %swap3A_77 = arith.index_cast %scan3A_69 : i32 to index
      %swap3A_78 = arith.constant 16 : index
      %swap3A_79 = tpu.vector_load %arg10[%swap3A_77, %swap3A_78] {strides = array<i32>} : memref<128x128xf32, #tpu.memory_space<vmem>>, vector<1x16xf32>,
      %swap3A_80 = vector.shape_cast %swap3A_79 : vector<1x16xf32> to vector<16xf32>
      %swap3A_81 = vector.shape_cast %broadcast_in_dim3A_76 : vector<16xf32> to vector<1x16xf32>
      tpu.vector_store %arg10[%swap3A_77, %swap3A_78], %swap3A_81 {strides = array<i32>} : memref<128x128xf32, #tpu.memory_space<vmem>>, vector<1x16xf32>,
      %broadcast_in_dim3A_82 = arith.constant 0.000000e+00 : f32
      %broadcast_in_dim3A_83 = vector.broadcast %broadcast_in_dim3A_82 : f32 to vector<16xf32>
      %swap3A_84 = arith.index_cast %scan3A_69 : i32 to index
      %swap3A_85 = arith.constant 32 : index
      %swap3A_86 = tpu.vector_load %arg10[%swap3A_84, %swap3A_85] {strides = array<i32>} : memref<128x128xf32, #tpu.memory_space<vmem>>, vector<1x16xf32>,
      %swap3A_87 = vector.shape_cast %swap3A_86 : vector<1x16xf32> to vector<16xf32>
      %swap3A_88 = vector.shape_cast %broadcast_in_dim3A_83 : vector<16xf32> to vector<1x16xf32>
      tpu.vector_store %arg10[%swap3A_84, %swap3A_85], %swap3A_88 {strides = array<i32>} : memref<128x128xf32, #tpu.memory_space<vmem>>, vector<1x16xf32>,
      %broadcast_in_dim3A_89 = arith.constant 0.000000e+00 : f32
      %broadcast_in_dim3A_90 = vector.broadcast %broadcast_in_dim3A_89 : f32 to vector<16xf32>
      %swap3A_91 = arith.index_cast %scan3A_69 : i32 to index
      %swap3A_92 = arith.constant 48 : index
      %swap3A_93 = tpu.vector_load %arg10[%swap3A_91, %swap3A_92] {strides = array<i32>} : memref<128x128xf32, #tpu.memory_space<vmem>>, vector<1x16xf32>,
      %swap3A_94 = vector.shape_cast %swap3A_93 : vector<1x16xf32> to vector<16xf32>
      %swap3A_95 = vector.shape_cast %broadcast_in_dim3A_90 : vector<16xf32> to vector<1x16xf32>
      tpu.vector_store %arg10[%swap3A_91, %swap3A_92], %swap3A_95 {strides = array<i32>} : memref<128x128xf32, #tpu.memory_space<vmem>>, vector<1x16xf32>,
      %broadcast_in_dim3A_96 = arith.constant 0.000000e+00 : f32
      %broadcast_in_dim3A_97 = vector.broadcast %broadcast_in_dim3A_96 : f32 to vector<16xf32>
      %swap3A_98 = arith.index_cast %scan3A_69 : i32 to index
      %swap3A_99 = arith.constant 64 : index
      %swap3A_100 = tpu.vector_load %arg10[%swap3A_98, %swap3A_99] {strides = array<i32>} : memref<128x128xf32, #tpu.memory_space<vmem>>, vector<1x16xf32>,
      %swap3A_101 = vector.shape_cast %swap3A_100 : vector<1x16xf32> to vector<16xf32>
      %swap3A_102 = vector.shape_cast %broadcast_in_dim3A_97 : vector<16xf32> to vector<1x16xf32>
      tpu.vector_store %arg10[%swap3A_98, %swap3A_99], %swap3A_102 {strides = array<i32>} : memref<128x128xf32, #tpu.memory_space<vmem>>, vector<1x16xf32>,
      %broadcast_in_dim3A_103 = arith.constant 0.000000e+00 : f32
      %broadcast_in_dim3A_104 = vector.broadcast %broadcast_in_dim3A_103 : f32 to vector<16xf32>
      %swap3A_105 = arith.index_cast %scan3A_69 : i32 to index
      %swap3A_106 = arith.constant 80 : index
      %swap3A_107 = tpu.vector_load %arg10[%swap3A_105, %swap3A_106] {strides = array<i32>} : memref<128x128xf32, #tpu.memory_space<vmem>>, vector<1x16xf32>,
      %swap3A_108 = vector.shape_cast %swap3A_107 : vector<1x16xf32> to vector<16xf32>
      %swap3A_109 = vector.shape_cast %broadcast_in_dim3A_104 : vector<16xf32> to vector<1x16xf32>
      tpu.vector_store %arg10[%swap3A_105, %swap3A_106], %swap3A_109 {strides = array<i32>} : memref<128x128xf32, #tpu.memory_space<vmem>>, vector<1x16xf32>,
      %broadcast_in_dim3A_110 = arith.constant 0.000000e+00 : f32
      %broadcast_in_dim3A_111 = vector.broadcast %broadcast_in_dim3A_110 : f32 to vector<16xf32>
      %swap3A_112 = arith.index_cast %scan3A_69 : i32 to index
      %swap3A_113 = arith.constant 96 : index
      %swap3A_114 = tpu.vector_load %arg10[%swap3A_112, %swap3A_113] {strides = array<i32>} : memref<128x128xf32, #tpu.memory_space<vmem>>, vector<1x16xf32>,
      %swap3A_115 = vector.shape_cast %swap3A_114 : vector<1x16xf32> to vector<16xf32>
      %swap3A_116 = vector.shape_cast %broadcast_in_dim3A_111 : vector<16xf32> to vector<1x16xf32>
      tpu.vector_store %arg10[%swap3A_112, %swap3A_113], %swap3A_116 {strides = array<i32>} : memref<128x128xf32, #tpu.memory_space<vmem>>, vector<1x16xf32>,
      %broadcast_in_dim3A_117 = arith.constant 0.000000e+00 : f32
      %broadcast_in_dim3A_118 = vector.broadcast %broadcast_in_dim3A_117 : f32 to vector<16xf32>
      %swap3A_119 = arith.index_cast %scan3A_69 : i32 to index
      %swap3A_120 = arith.constant 112 : index
      %swap3A_121 = tpu.vector_load %arg10[%swap3A_119, %swap3A_120] {strides = array<i32>} : memref<128x128xf32, #tpu.memory_space<vmem>>, vector<1x16xf32>,
      %swap3A_122 = vector.shape_cast %swap3A_121 : vector<1x16xf32> to vector<16xf32>
      %swap3A_123 = vector.shape_cast %broadcast_in_dim3A_118 : vector<16xf32> to vector<1x16xf32>
      tpu.vector_store %arg10[%swap3A_119, %swap3A_120], %swap3A_123 {strides = array<i32>} : memref<128x128xf32, #tpu.memory_space<vmem>>, vector<1x16xf32>,
    }
    %scan3A_3 = arith.constant 128 : i32
    %mul3A = arith.constant 640 : i32
    %mul3A_4 = arith.muli %arg1, %mul3A : i32
    %add3A = arith.constant 0 : i32
    %add3A_5 = arith.addi %mul3A_4, %add3A : i32
    %dma_start3A = arith.constant 0 : i32
    %dma_start3A_6 = tpu.memref_slice %arg12[%add3A_5, %dma_start3A] : memref<10240x128xf32, #tpu.memory_space<vmem_shared>> -> memref<128x128xf32, #tpu.memory_space<vmem_shared>>
    %dma_start3A_7 = arith.constant 0 : i32
    %dma_start3A_8 = tpu.memref_slice %arg12[%add3A_5, %dma_start3A_7] : memref<10240x128xf32, #tpu.memory_space<vmem_shared>> -> memref<128x128xf32, #tpu.memory_space<vmem_shared>>
    tpu.enqueue_dma source(%arg10 : memref<128x128xf32, #tpu.memory_space<vmem>>) target(%dma_start3A_8 : memref<128x128xf32, #tpu.memory_space<vmem_shared>>) target_semaphore(%arg14 : memref<!tpu.dma_semaphore, #tpu.memory_space<semaphore_mem>>)
    %add3A_9 = arith.constant 128 : i32
    %add3A_10 = arith.addi %mul3A_4, %add3A_9 : i32
    %dma_start3A_11 = arith.constant 0 : i32
    %dma_start3A_12 = tpu.memref_slice %arg12[%add3A_10, %dma_start3A_11] : memref<10240x128xf32, #tpu.memory_space<vmem_shared>> -> memref<128x128xf32, #tpu.memory_space<vmem_shared>>
    %dma_start3A_13 = arith.constant 0 : i32
    %dma_start3A_14 = tpu.memref_slice %arg12[%add3A_10, %dma_start3A_13] : memref<10240x128xf32, #tpu.memory_space<vmem_shared>> -> memref<128x128xf32, #tpu.memory_space<vmem_shared>>
    tpu.enqueue_dma source(%arg10 : memref<128x128xf32, #tpu.memory_space<vmem>>) target(%dma_start3A_14 : memref<128x128xf32, #tpu.memory_space<vmem_shared>>) target_semaphore(%arg14 : memref<!tpu.dma_semaphore, #tpu.memory_space<semaphore_mem>>)
    %add3A_15 = arith.constant 256 : i32
    %add3A_16 = arith.addi %mul3A_4, %add3A_15 : i32
    %dma_start3A_17 = arith.constant 0 : i32
    %dma_start3A_18 = tpu.memref_slice %arg12[%add3A_16, %dma_start3A_17] : memref<10240x128xf32, #tpu.memory_space<vmem_shared>> -> memref<128x128xf32, #tpu.memory_space<vmem_shared>>
    %dma_start3A_19 = arith.constant 0 : i32
    %dma_start3A_20 = tpu.memref_slice %arg12[%add3A_16, %dma_start3A_19] : memref<10240x128xf32, #tpu.memory_space<vmem_shared>> -> memref<128x128xf32, #tpu.memory_space<vmem_shared>>
    tpu.enqueue_dma source(%arg10 : memref<128x128xf32, #tpu.memory_space<vmem>>) target(%dma_start3A_20 : memref<128x128xf32, #tpu.memory_space<vmem_shared>>) target_semaphore(%arg14 : memref<!tpu.dma_semaphore, #tpu.memory_space<semaphore_mem>>)
    %add3A_21 = arith.constant 384 : i32
    %add3A_22 = arith.addi %mul3A_4, %add3A_21 : i32
    %dma_start3A_23 = arith.constant 0 : i32
    %dma_start3A_24 = tpu.memref_slice %arg12[%add3A_22, %dma_start3A_23] : memref<10240x128xf32, #tpu.memory_space<vmem_shared>> -> memref<128x128xf32, #tpu.memory_space<vmem_shared>>
    %dma_start3A_25 = arith.constant 0 : i32
    %dma_start3A_26 = tpu.memref_slice %arg12[%add3A_22, %dma_start3A_25] : memref<10240x128xf32, #tpu.memory_space<vmem_shared>> -> memref<128x128xf32, #tpu.memory_space<vmem_shared>>
    tpu.enqueue_dma source(%arg10 : memref<128x128xf32, #tpu.memory_space<vmem>>) target(%dma_start3A_26 : memref<128x128xf32, #tpu.memory_space<vmem_shared>>) target_semaphore(%arg14 : memref<!tpu.dma_semaphore, #tpu.memory_space<semaphore_mem>>)
    %add3A_27 = arith.constant 512 : i32
    %add3A_28 = arith.addi %mul3A_4, %add3A_27 : i32
    %dma_start3A_29 = arith.constant 0 : i32
    %dma_start3A_30 = tpu.memref_slice %arg12[%add3A_28, %dma_start3A_29] : memref<10240x128xf32, #tpu.memory_space<vmem_shared>> -> memref<128x128xf32, #tpu.memory_space<vmem_shared>>
    %dma_start3A_31 = arith.constant 0 : i32
    %dma_start3A_32 = tpu.memref_slice %arg12[%add3A_28, %dma_start3A_31] : memref<10240x128xf32, #tpu.memory_space<vmem_shared>> -> memref<128x128xf32, #tpu.memory_space<vmem_shared>>
    tpu.enqueue_dma source(%arg10 : memref<128x128xf32, #tpu.memory_space<vmem>>) target(%dma_start3A_32 : memref<128x128xf32, #tpu.memory_space<vmem_shared>>) target_semaphore(%arg14 : memref<!tpu.dma_semaphore, #tpu.memory_space<semaphore_mem>>)
    "tpu.region"() ({
      %run_scoped3A = tpu.sem_alloc : memref<!tpu.dma_semaphore, #tpu.memory_space<semaphore_mem>>
      %dma_start3A_69 = arith.constant 0 : i32
      %dma_start3A_70 = arith.constant 0 : i32
      %dma_start3A_71 = tpu.memref_slice %arg4[%arg1, %dma_start3A_69, %dma_start3A_70] : memref<16x80x125xi32, #tpu.memory_space<hbm>> -> memref<1x40x125xi32, #tpu.memory_space<hbm>>
      %dma_start3A_72 = tpu.memref_squeeze %dma_start3A_71 : memref<1x40x125xi32, #tpu.memory_space<hbm>> -> memref<40x125xi32, #tpu.memory_space<hbm>>
      %dma_start3A_73 = arith.constant 0 : i32
      %dma_start3A_74 = arith.constant 0 : i32
      %dma_start3A_75 = tpu.memref_slice %arg4[%arg1, %dma_start3A_73, %dma_start3A_74] : memref<16x80x125xi32, #tpu.memory_space<hbm>> -> memref<1x40x125xi32, #tpu.memory_space<hbm>>
      %dma_start3A_76 = tpu.memref_squeeze %dma_start3A_75 : memref<1x40x125xi32, #tpu.memory_space<hbm>> -> memref<40x125xi32, #tpu.memory_space<hbm>>
      tpu.enqueue_dma source(%dma_start3A_76 : memref<40x125xi32, #tpu.memory_space<hbm>>) target(%arg8 : memref<40x125xi32, #tpu.memory_space<vmem>>) target_semaphore(%run_scoped3A : memref<!tpu.dma_semaphore, #tpu.memory_space<semaphore_mem>>)
      %dma_wait3A_77 = arith.constant 0 : i32
      %dma_wait3A_78 = arith.constant 0 : i32
      %dma_wait3A_79 = tpu.memref_slice %arg4[%arg1, %dma_wait3A_77, %dma_wait3A_78] : memref<16x80x125xi32, #tpu.memory_space<hbm>> -> memref<1x40x125xi32, #tpu.memory_space<hbm>>
      %dma_wait3A_80 = tpu.memref_squeeze %dma_wait3A_79 : memref<1x40x125xi32, #tpu.memory_space<hbm>> -> memref<40x125xi32, #tpu.memory_space<hbm>>
      %dma_wait3A_81 = arith.constant 0 : i32
      %dma_wait3A_82 = arith.constant 0 : i32
      %dma_wait3A_83 = tpu.memref_slice %arg4[%arg1, %dma_wait3A_81, %dma_wait3A_82] : memref<16x80x125xi32, #tpu.memory_space<hbm>> -> memref<1x40x125xi32, #tpu.memory_space<hbm>>
      %dma_wait3A_84 = tpu.memref_squeeze %dma_wait3A_83 : memref<1x40x125xi32, #tpu.memory_space<hbm>> -> memref<40x125xi32, #tpu.memory_space<hbm>>
      tpu.wait_dma2 semaphore(%run_scoped3A : memref<!tpu.dma_semaphore, #tpu.memory_space<semaphore_mem>>) src(%dma_wait3A_84 : memref<40x125xi32, #tpu.memory_space<hbm>>) dst(%arg8 : memref<40x125xi32, #tpu.memory_space<vmem>>)
      tpu.yield
    }) : () -> ()
    "tpu.region"() ({
      %run_scoped3A = tpu.sem_alloc : memref<!tpu.dma_semaphore, #tpu.memory_space<semaphore_mem>>
      %dma_start3A_69 = arith.constant 0 : i32
      %dma_start3A_70 = arith.constant 0 : i32
      %dma_start3A_71 = tpu.memref_slice %arg5[%arg1, %dma_start3A_69, %dma_start3A_70] : memref<16x80x125xi32, #tpu.memory_space<hbm>> -> memref<1x40x125xi32, #tpu.memory_space<hbm>>
      %dma_start3A_72 = tpu.memref_squeeze %dma_start3A_71 : memref<1x40x125xi32, #tpu.memory_space<hbm>> -> memref<40x125xi32, #tpu.memory_space<hbm>>
      %dma_start3A_73 = arith.constant 0 : i32
      %dma_start3A_74 = arith.constant 0 : i32
      %dma_start3A_75 = tpu.memref_slice %arg5[%arg1, %dma_start3A_73, %dma_start3A_74] : memref<16x80x125xi32, #tpu.memory_space<hbm>> -> memref<1x40x125xi32, #tpu.memory_space<hbm>>
      %dma_start3A_76 = tpu.memref_squeeze %dma_start3A_75 : memref<1x40x125xi32, #tpu.memory_space<hbm>> -> memref<40x125xi32, #tpu.memory_space<hbm>>
      tpu.enqueue_dma source(%dma_start3A_76 : memref<40x125xi32, #tpu.memory_space<hbm>>) target(%arg9 : memref<40x125xi32, #tpu.memory_space<vmem>>) target_semaphore(%run_scoped3A : memref<!tpu.dma_semaphore, #tpu.memory_space<semaphore_mem>>)
      %dma_wait3A_77 = arith.constant 0 : i32
      %dma_wait3A_78 = arith.constant 0 : i32
      %dma_wait3A_79 = tpu.memref_slice %arg5[%arg1, %dma_wait3A_77, %dma_wait3A_78] : memref<16x80x125xi32, #tpu.memory_space<hbm>> -> memref<1x40x125xi32, #tpu.memory_space<hbm>>
      %dma_wait3A_80 = tpu.memref_squeeze %dma_wait3A_79 : memref<1x40x125xi32, #tpu.memory_space<hbm>> -> memref<40x125xi32, #tpu.memory_space<hbm>>
      %dma_wait3A_81 = arith.constant 0 : i32
      %dma_wait3A_82 = arith.constant 0 : i32
      %dma_wait3A_83 = tpu.memref_slice %arg5[%arg1, %dma_wait3A_81, %dma_wait3A_82] : memref<16x80x125xi32, #tpu.memory_space<hbm>> -> memref<1x40x125xi32, #tpu.memory_space<hbm>>
      %dma_wait3A_84 = tpu.memref_squeeze %dma_wait3A_83 : memref<1x40x125xi32, #tpu.memory_space<hbm>> -> memref<40x125xi32, #tpu.memory_space<hbm>>
      tpu.wait_dma2 semaphore(%run_scoped3A : memref<!tpu.dma_semaphore, #tpu.memory_space<semaphore_mem>>) src(%dma_wait3A_84 : memref<40x125xi32, #tpu.memory_space<hbm>>) dst(%arg9 : memref<40x125xi32, #tpu.memory_space<vmem>>)
      tpu.yield
    }) : () -> ()
    %add3A_33 = arith.constant 0 : i32
    %add3A_34 = arith.addi %mul3A_4, %add3A_33 : i32
    %dma_wait3A = arith.constant 0 : i32
    %dma_wait3A_35 = tpu.memref_slice %arg12[%add3A_34, %dma_wait3A] : memref<10240x128xf32, #tpu.memory_space<vmem_shared>> -> memref<128x128xf32, #tpu.memory_space<vmem_shared>>
    %dma_wait3A_36 = arith.constant 0 : i32
    %dma_wait3A_37 = tpu.memref_slice %arg12[%add3A_34, %dma_wait3A_36] : memref<10240x128xf32, #tpu.memory_space<vmem_shared>> -> memref<128x128xf32, #tpu.memory_space<vmem_shared>>
    tpu.wait_dma2 semaphore(%arg14 : memref<!tpu.dma_semaphore, #tpu.memory_space<semaphore_mem>>) src(%arg10 : memref<128x128xf32, #tpu.memory_space<vmem>>) dst(%dma_wait3A_37 : memref<128x128xf32, #tpu.memory_space<vmem_shared>>)
    %add3A_38 = arith.constant 128 : i32
    %add3A_39 = arith.addi %mul3A_4, %add3A_38 : i32
    %dma_wait3A_40 = arith.constant 0 : i32
    %dma_wait3A_41 = tpu.memref_slice %arg12[%add3A_39, %dma_wait3A_40] : memref<10240x128xf32, #tpu.memory_space<vmem_shared>> -> memref<128x128xf32, #tpu.memory_space<vmem_shared>>
    %dma_wait3A_42 = arith.constant 0 : i32
    %dma_wait3A_43 = tpu.memref_slice %arg12[%add3A_39, %dma_wait3A_42] : memref<10240x128xf32, #tpu.memory_space<vmem_shared>> -> memref<128x128xf32, #tpu.memory_space<vmem_shared>>
    tpu.wait_dma2 semaphore(%arg14 : memref<!tpu.dma_semaphore, #tpu.memory_space<semaphore_mem>>) src(%arg10 : memref<128x128xf32, #tpu.memory_space<vmem>>) dst(%dma_wait3A_43 : memref<128x128xf32, #tpu.memory_space<vmem_shared>>)
    %add3A_44 = arith.constant 256 : i32
    %add3A_45 = arith.addi %mul3A_4, %add3A_44 : i32
    %dma_wait3A_46 = arith.constant 0 : i32
    %dma_wait3A_47 = tpu.memref_slice %arg12[%add3A_45, %dma_wait3A_46] : memref<10240x128xf32, #tpu.memory_space<vmem_shared>> -> memref<128x128xf32, #tpu.memory_space<vmem_shared>>
    %dma_wait3A_48 = arith.constant 0 : i32
    %dma_wait3A_49 = tpu.memref_slice %arg12[%add3A_45, %dma_wait3A_48] : memref<10240x128xf32, #tpu.memory_space<vmem_shared>> -> memref<128x128xf32, #tpu.memory_space<vmem_shared>>
    tpu.wait_dma2 semaphore(%arg14 : memref<!tpu.dma_semaphore, #tpu.memory_space<semaphore_mem>>) src(%arg10 : memref<128x128xf32, #tpu.memory_space<vmem>>) dst(%dma_wait3A_49 : memref<128x128xf32, #tpu.memory_space<vmem_shared>>)
    %add3A_50 = arith.constant 384 : i32
    %add3A_51 = arith.addi %mul3A_4, %add3A_50 : i32
    %dma_wait3A_52 = arith.constant 0 : i32
    %dma_wait3A_53 = tpu.memref_slice %arg12[%add3A_51, %dma_wait3A_52] : memref<10240x128xf32, #tpu.memory_space<vmem_shared>> -> memref<128x128xf32, #tpu.memory_space<vmem_shared>>
    %dma_wait3A_54 = arith.constant 0 : i32
    %dma_wait3A_55 = tpu.memref_slice %arg12[%add3A_51, %dma_wait3A_54] : memref<10240x128xf32, #tpu.memory_space<vmem_shared>> -> memref<128x128xf32, #tpu.memory_space<vmem_shared>>
    tpu.wait_dma2 semaphore(%arg14 : memref<!tpu.dma_semaphore, #tpu.memory_space<semaphore_mem>>) src(%arg10 : memref<128x128xf32, #tpu.memory_space<vmem>>) dst(%dma_wait3A_55 : memref<128x128xf32, #tpu.memory_space<vmem_shared>>)
    %add3A_56 = arith.constant 512 : i32
    %add3A_57 = arith.addi %mul3A_4, %add3A_56 : i32
    %dma_wait3A_58 = arith.constant 0 : i32
    %dma_wait3A_59 = tpu.memref_slice %arg12[%add3A_57, %dma_wait3A_58] : memref<10240x128xf32, #tpu.memory_space<vmem_shared>> -> memref<128x128xf32, #tpu.memory_space<vmem_shared>>
    %dma_wait3A_60 = arith.constant 0 : i32
    %dma_wait3A_61 = tpu.memref_slice %arg12[%add3A_57, %dma_wait3A_60] : memref<10240x128xf32, #tpu.memory_space<vmem_shared>> -> memref<128x128xf32, #tpu.memory_space<vmem_shared>>
    tpu.wait_dma2 semaphore(%arg14 : memref<!tpu.dma_semaphore, #tpu.memory_space<semaphore_mem>>) src(%arg10 : memref<128x128xf32, #tpu.memory_space<vmem>>) dst(%dma_wait3A_61 : memref<128x128xf32, #tpu.memory_space<vmem_shared>>)
    %barrier3A = arith.constant 0 : index
    tpu.barrier barrier_id(%barrier3A)
    %eq3A = arith.constant 0 : i32
    %eq3A_62 = arith.cmpi eq, %arg0, %eq3A : i32
    %convert_element_type3A = arith.extui %eq3A_62 : i1 to i32
    %cond3A = arith.constant 0 : i32
    %cond3A_63 = arith.cmpi ne, %convert_element_type3A, %cond3A : i32
    scf.if %cond3A_63 {
      %dma_start3A_69 = arith.constant 0 : i32
      %dma_start3A_70 = arith.constant 0 : i32
      %dma_start3A_71 = arith.constant 0 : i32
      %dma_start3A_72 = tpu.memref_slice %arg10[%dma_start3A_70, %dma_start3A_71] : memref<128x128xf32, #tpu.memory_space<vmem>> -> memref<125x128xf32, #tpu.memory_space<vmem>>
      %dma_start3A_73 = arith.constant 0 : i32
      %dma_start3A_74 = tpu.memref_slice %arg8[%dma_start3A_69, %dma_start3A_73] : memref<40x125xi32, #tpu.memory_space<vmem>> -> memref<1x125xi32, #tpu.memory_space<vmem>>
      %dma_start3A_75 = tpu.memref_squeeze %dma_start3A_74 : memref<1x125xi32, #tpu.memory_space<vmem>> -> memref<125xi32, #tpu.memory_space<vmem>>
      %dma_start3A_76 = arith.constant 0 : i32
      %dma_start3A_77 = arith.constant 0 : i32
      %dma_start3A_78 = tpu.memref_slice %arg2[%dma_start3A_76, %dma_start3A_77] : memref<10000x128xf32, #tpu.memory_space<hbm>> -> memref<10000x128xf32, #tpu.memory_space<hbm>>
      tpu.enqueue_indirect_dma source(%dma_start3A_78 : memref<10000x128xf32, #tpu.memory_space<hbm>>) target(%dma_start3A_72 : memref<125x128xf32, #tpu.memory_space<vmem>>) offsets(%dma_start3A_75 : memref<125xi32, #tpu.memory_space<vmem>>) semaphore(%arg13 : memref<!tpu.dma_semaphore, #tpu.memory_space<semaphore_mem>>)
      %dma_start3A_79 = arith.constant 1 : i32
      %dma_start3A_80 = arith.constant 0 : i32
      %dma_start3A_81 = arith.constant 0 : i32
      %dma_start3A_82 = tpu.memref_slice %arg11[%dma_start3A_80, %dma_start3A_81] : memref<125x128xf32, #tpu.memory_space<vmem>> -> memref<125x128xf32, #tpu.memory_space<vmem>>
      %dma_start3A_83 = arith.constant 0 : i32
      %dma_start3A_84 = tpu.memref_slice %arg8[%dma_start3A_79, %dma_start3A_83] : memref<40x125xi32, #tpu.memory_space<vmem>> -> memref<1x125xi32, #tpu.memory_space<vmem>>
      %dma_start3A_85 = tpu.memref_squeeze %dma_start3A_84 : memref<1x125xi32, #tpu.memory_space<vmem>> -> memref<125xi32, #tpu.memory_space<vmem>>
      %dma_start3A_86 = arith.constant 0 : i32
      %dma_start3A_87 = arith.constant 0 : i32
      %dma_start3A_88 = tpu.memref_slice %arg2[%dma_start3A_86, %dma_start3A_87] : memref<10000x128xf32, #tpu.memory_space<hbm>> -> memref<10000x128xf32, #tpu.memory_space<hbm>>
      tpu.enqueue_indirect_dma source(%dma_start3A_88 : memref<10000x128xf32, #tpu.memory_space<hbm>>) target(%dma_start3A_82 : memref<125x128xf32, #tpu.memory_space<vmem>>) offsets(%dma_start3A_85 : memref<125xi32, #tpu.memory_space<vmem>>) semaphore(%arg14 : memref<!tpu.dma_semaphore, #tpu.memory_space<semaphore_mem>>)
      %scan3A_89 = arith.constant 0 : i32
      %scan3A_90 = arith.constant 19 : i32
      %scan3A_91 = arith.addi %scan3A_89, %scan3A_90 : i32
      %scan3A_92 = arith.constant 1 : i32
      scf.for %scan3A_163 = %scan3A_89 to %scan3A_91 step %scan3A_92  : i32 {
        %mul3A_164 = arith.constant 2 : i32
        %mul3A_165 = arith.muli %mul3A_164, %scan3A_163 : i32
        %dma_wait3A_166 = arith.constant 0 : i32
        %dma_wait3A_167 = arith.constant 0 : i32
        %dma_wait3A_168 = tpu.memref_slice %arg10[%dma_wait3A_166, %dma_wait3A_167] : memref<128x128xf32, #tpu.memory_space<vmem>> -> memref<125x128xf32, #tpu.memory_space<vmem>>
        %dma_wait3A_169 = arith.constant 0 : i32
        %dma_wait3A_170 = tpu.memref_slice %arg8[%mul3A_165, %dma_wait3A_169] : memref<40x125xi32, #tpu.memory_space<vmem>> -> memref<1x125xi32, #tpu.memory_space<vmem>>
        %dma_wait3A_171 = tpu.memref_squeeze %dma_wait3A_170 : memref<1x125xi32, #tpu.memory_space<vmem>> -> memref<125xi32, #tpu.memory_space<vmem>>
        %dma_wait3A_172 = arith.constant 0 : i32
        %dma_wait3A_173 = arith.constant 0 : i32
        %dma_wait3A_174 = tpu.memref_slice %arg2[%dma_wait3A_172, %dma_wait3A_173] : memref<10000x128xf32, #tpu.memory_space<hbm>> -> memref<10000x128xf32, #tpu.memory_space<hbm>>
        tpu.wait_indirect_dma semaphore(%arg13 : memref<!tpu.dma_semaphore, #tpu.memory_space<semaphore_mem>>) src(%dma_wait3A_174 : memref<10000x128xf32, #tpu.memory_space<hbm>>) dst(%dma_wait3A_168 : memref<125x128xf32, #tpu.memory_space<vmem>>)
        "tpu.region"() ({
          %run_scoped3A_210 = tpu.sem_alloc : memref<!tpu.dma_semaphore, #tpu.memory_space<semaphore_mem>>
          %dma_start3A_211 = arith.constant 0 : i32
          %dma_start3A_212 = arith.constant 0 : i32
          %dma_start3A_213 = tpu.memref_slice %arg10[%dma_start3A_211, %dma_start3A_212] : memref<128x128xf32, #tpu.memory_space<vmem>> -> memref<125x128xf32, #tpu.memory_space<vmem>>
          %dma_start3A_214 = arith.constant 0 : i32
          %dma_start3A_215 = tpu.memref_slice %arg9[%mul3A_165, %dma_start3A_214] : memref<40x125xi32, #tpu.memory_space<vmem>> -> memref<1x125xi32, #tpu.memory_space<vmem>>
          %dma_start3A_216 = tpu.memref_squeeze %dma_start3A_215 : memref<1x125xi32, #tpu.memory_space<vmem>> -> memref<125xi32, #tpu.memory_space<vmem>>
          %dma_start3A_217 = arith.constant 0 : i32
          %dma_start3A_218 = arith.constant 0 : i32
          %dma_start3A_219 = tpu.memref_slice %arg12[%dma_start3A_217, %dma_start3A_218] : memref<10240x128xf32, #tpu.memory_space<vmem_shared>> -> memref<10240x128xf32, #tpu.memory_space<vmem_shared>>
          tpu.enqueue_indirect_dma source(%dma_start3A_213 : memref<125x128xf32, #tpu.memory_space<vmem>>) target(%dma_start3A_219 : memref<10240x128xf32, #tpu.memory_space<vmem_shared>>) offsets(%dma_start3A_216 : memref<125xi32, #tpu.memory_space<vmem>>) semaphore(%run_scoped3A_210 : memref<!tpu.dma_semaphore, #tpu.memory_space<semaphore_mem>>) {add = true}
          %dma_wait3A_220 = arith.constant 0 : i32
          %dma_wait3A_221 = arith.constant 0 : i32
          %dma_wait3A_222 = tpu.memref_slice %arg10[%dma_wait3A_220, %dma_wait3A_221] : memref<128x128xf32, #tpu.memory_space<vmem>> -> memref<125x128xf32, #tpu.memory_space<vmem>>
          %dma_wait3A_223 = arith.constant 0 : i32
          %dma_wait3A_224 = tpu.memref_slice %arg9[%mul3A_165, %dma_wait3A_223] : memref<40x125xi32, #tpu.memory_space<vmem>> -> memref<1x125xi32, #tpu.memory_space<vmem>>
          %dma_wait3A_225 = tpu.memref_squeeze %dma_wait3A_224 : memref<1x125xi32, #tpu.memory_space<vmem>> -> memref<125xi32, #tpu.memory_space<vmem>>
          %dma_wait3A_226 = arith.constant 0 : i32
          %dma_wait3A_227 = arith.constant 0 : i32
          %dma_wait3A_228 = tpu.memref_slice %arg12[%dma_wait3A_226, %dma_wait3A_227] : memref<10240x128xf32, #tpu.memory_space<vmem_shared>> -> memref<10240x128xf32, #tpu.memory_space<vmem_shared>>
          tpu.wait_indirect_dma semaphore(%run_scoped3A_210 : memref<!tpu.dma_semaphore, #tpu.memory_space<semaphore_mem>>) src(%dma_wait3A_222 : memref<125x128xf32, #tpu.memory_space<vmem>>) dst(%dma_wait3A_228 : memref<10240x128xf32, #tpu.memory_space<vmem_shared>>)
          tpu.yield
        }) : () -> ()
        %add3A_175 = arith.constant 2 : i32
        %add3A_176 = arith.addi %mul3A_165, %add3A_175 : i32
        %dma_start3A_177 = arith.constant 0 : i32
        %dma_start3A_178 = arith.constant 0 : i32
        %dma_start3A_179 = tpu.memref_slice %arg10[%dma_start3A_177, %dma_start3A_178] : memref<128x128xf32, #tpu.memory_space<vmem>> -> memref<125x128xf32, #tpu.memory_space<vmem>>
        %dma_start3A_180 = arith.constant 0 : i32
        %dma_start3A_181 = tpu.memref_slice %arg8[%add3A_176, %dma_start3A_180] : memref<40x125xi32, #tpu.memory_space<vmem>> -> memref<1x125xi32, #tpu.memory_space<vmem>>
        %dma_start3A_182 = tpu.memref_squeeze %dma_start3A_181 : memref<1x125xi32, #tpu.memory_space<vmem>> -> memref<125xi32, #tpu.memory_space<vmem>>
        %dma_start3A_183 = arith.constant 0 : i32
        %dma_start3A_184 = arith.constant 0 : i32
        %dma_start3A_185 = tpu.memref_slice %arg2[%dma_start3A_183, %dma_start3A_184] : memref<10000x128xf32, #tpu.memory_space<hbm>> -> memref<10000x128xf32, #tpu.memory_space<hbm>>
        tpu.enqueue_indirect_dma source(%dma_start3A_185 : memref<10000x128xf32, #tpu.memory_space<hbm>>) target(%dma_start3A_179 : memref<125x128xf32, #tpu.memory_space<vmem>>) offsets(%dma_start3A_182 : memref<125xi32, #tpu.memory_space<vmem>>) semaphore(%arg13 : memref<!tpu.dma_semaphore, #tpu.memory_space<semaphore_mem>>)
        %mul3A_186 = arith.constant 2 : i32
        %mul3A_187 = arith.muli %mul3A_186, %scan3A_163 : i32
        %add3A_188 = arith.constant 1 : i32
        %add3A_189 = arith.addi %mul3A_187, %add3A_188 : i32
        %dma_wait3A_190 = arith.constant 0 : i32
        %dma_wait3A_191 = arith.constant 0 : i32
        %dma_wait3A_192 = tpu.memref_slice %arg11[%dma_wait3A_190, %dma_wait3A_191] : memref<125x128xf32, #tpu.memory_space<vmem>> -> memref<125x128xf32, #tpu.memory_space<vmem>>
        %dma_wait3A_193 = arith.constant 0 : i32
        %dma_wait3A_194 = tpu.memref_slice %arg8[%add3A_189, %dma_wait3A_193] : memref<40x125xi32, #tpu.memory_space<vmem>> -> memref<1x125xi32, #tpu.memory_space<vmem>>
        %dma_wait3A_195 = tpu.memref_squeeze %dma_wait3A_194 : memref<1x125xi32, #tpu.memory_space<vmem>> -> memref<125xi32, #tpu.memory_space<vmem>>
        %dma_wait3A_196 = arith.constant 0 : i32
        %dma_wait3A_197 = arith.constant 0 : i32
        %dma_wait3A_198 = tpu.memref_slice %arg2[%dma_wait3A_196, %dma_wait3A_197] : memref<10000x128xf32, #tpu.memory_space<hbm>> -> memref<10000x128xf32, #tpu.memory_space<hbm>>
        tpu.wait_indirect_dma semaphore(%arg14 : memref<!tpu.dma_semaphore, #tpu.memory_space<semaphore_mem>>) src(%dma_wait3A_198 : memref<10000x128xf32, #tpu.memory_space<hbm>>) dst(%dma_wait3A_192 : memref<125x128xf32, #tpu.memory_space<vmem>>)
        "tpu.region"() ({
          %run_scoped3A_210 = tpu.sem_alloc : memref<!tpu.dma_semaphore, #tpu.memory_space<semaphore_mem>>
          %dma_start3A_211 = arith.constant 0 : i32
          %dma_start3A_212 = arith.constant 0 : i32
          %dma_start3A_213 = tpu.memref_slice %arg11[%dma_start3A_211, %dma_start3A_212] : memref<125x128xf32, #tpu.memory_space<vmem>> -> memref<125x128xf32, #tpu.memory_space<vmem>>
          %dma_start3A_214 = arith.constant 0 : i32
          %dma_start3A_215 = tpu.memref_slice %arg9[%add3A_189, %dma_start3A_214] : memref<40x125xi32, #tpu.memory_space<vmem>> -> memref<1x125xi32, #tpu.memory_space<vmem>>
          %dma_start3A_216 = tpu.memref_squeeze %dma_start3A_215 : memref<1x125xi32, #tpu.memory_space<vmem>> -> memref<125xi32, #tpu.memory_space<vmem>>
          %dma_start3A_217 = arith.constant 0 : i32
          %dma_start3A_218 = arith.constant 0 : i32
          %dma_start3A_219 = tpu.memref_slice %arg12[%dma_start3A_217, %dma_start3A_218] : memref<10240x128xf32, #tpu.memory_space<vmem_shared>> -> memref<10240x128xf32, #tpu.memory_space<vmem_shared>>
          tpu.enqueue_indirect_dma source(%dma_start3A_213 : memref<125x128xf32, #tpu.memory_space<vmem>>) target(%dma_start3A_219 : memref<10240x128xf32, #tpu.memory_space<vmem_shared>>) offsets(%dma_start3A_216 : memref<125xi32, #tpu.memory_space<vmem>>) semaphore(%run_scoped3A_210 : memref<!tpu.dma_semaphore, #tpu.memory_space<semaphore_mem>>) {add = true}
          %dma_wait3A_220 = arith.constant 0 : i32
          %dma_wait3A_221 = arith.constant 0 : i32
          %dma_wait3A_222 = tpu.memref_slice %arg11[%dma_wait3A_220, %dma_wait3A_221] : memref<125x128xf32, #tpu.memory_space<vmem>> -> memref<125x128xf32, #tpu.memory_space<vmem>>
          %dma_wait3A_223 = arith.constant 0 : i32
          %dma_wait3A_224 = tpu.memref_slice %arg9[%add3A_189, %dma_wait3A_223] : memref<40x125xi32, #tpu.memory_space<vmem>> -> memref<1x125xi32, #tpu.memory_space<vmem>>
          %dma_wait3A_225 = tpu.memref_squeeze %dma_wait3A_224 : memref<1x125xi32, #tpu.memory_space<vmem>> -> memref<125xi32, #tpu.memory_space<vmem>>
          %dma_wait3A_226 = arith.constant 0 : i32
          %dma_wait3A_227 = arith.constant 0 : i32
          %dma_wait3A_228 = tpu.memref_slice %arg12[%dma_wait3A_226, %dma_wait3A_227] : memref<10240x128xf32, #tpu.memory_space<vmem_shared>> -> memref<10240x128xf32, #tpu.memory_space<vmem_shared>>
          tpu.wait_indirect_dma semaphore(%run_scoped3A_210 : memref<!tpu.dma_semaphore, #tpu.memory_space<semaphore_mem>>) src(%dma_wait3A_222 : memref<125x128xf32, #tpu.memory_space<vmem>>) dst(%dma_wait3A_228 : memref<10240x128xf32, #tpu.memory_space<vmem_shared>>)
          tpu.yield
        }) : () -> ()
        %add3A_199 = arith.constant 2 : i32
        %add3A_200 = arith.addi %add3A_189, %add3A_199 : i32
        %dma_start3A_201 = arith.constant 0 : i32
        %dma_start3A_202 = arith.constant 0 : i32
        %dma_start3A_203 = tpu.memref_slice %arg11[%dma_start3A_201, %dma_start3A_202] : memref<125x128xf32, #tpu.memory_space<vmem>> -> memref<125x128xf32, #tpu.memory_space<vmem>>
        %dma_start3A_204 = arith.constant 0 : i32
        %dma_start3A_205 = tpu.memref_slice %arg8[%add3A_200, %dma_start3A_204] : memref<40x125xi32, #tpu.memory_space<vmem>> -> memref<1x125xi32, #tpu.memory_space<vmem>>
        %dma_start3A_206 = tpu.memref_squeeze %dma_start3A_205 : memref<1x125xi32, #tpu.memory_space<vmem>> -> memref<125xi32, #tpu.memory_space<vmem>>
        %dma_start3A_207 = arith.constant 0 : i32
        %dma_start3A_208 = arith.constant 0 : i32
        %dma_start3A_209 = tpu.memref_slice %arg2[%dma_start3A_207, %dma_start3A_208] : memref<10000x128xf32, #tpu.memory_space<hbm>> -> memref<10000x128xf32, #tpu.memory_space<hbm>>
        tpu.enqueue_indirect_dma source(%dma_start3A_209 : memref<10000x128xf32, #tpu.memory_space<hbm>>) target(%dma_start3A_203 : memref<125x128xf32, #tpu.memory_space<vmem>>) offsets(%dma_start3A_206 : memref<125xi32, #tpu.memory_space<vmem>>) semaphore(%arg14 : memref<!tpu.dma_semaphore, #tpu.memory_space<semaphore_mem>>)
      }
      %scan3A_93 = arith.constant 19 : i32
      %dma_wait3A_94 = arith.constant 38 : i32
      %dma_wait3A_95 = arith.constant 0 : i32
      %dma_wait3A_96 = arith.constant 0 : i32
      %dma_wait3A_97 = tpu.memref_slice %arg10[%dma_wait3A_95, %dma_wait3A_96] : memref<128x128xf32, #tpu.memory_space<vmem>> -> memref<125x128xf32, #tpu.memory_space<vmem>>
      %dma_wait3A_98 = arith.constant 0 : i32
      %dma_wait3A_99 = tpu.memref_slice %arg8[%dma_wait3A_94, %dma_wait3A_98] : memref<40x125xi32, #tpu.memory_space<vmem>> -> memref<1x125xi32, #tpu.memory_space<vmem>>
      %dma_wait3A_100 = tpu.memref_squeeze %dma_wait3A_99 : memref<1x125xi32, #tpu.memory_space<vmem>> -> memref<125xi32, #tpu.memory_space<vmem>>
      %dma_wait3A_101 = arith.constant 0 : i32
      %dma_wait3A_102 = arith.constant 0 : i32
      %dma_wait3A_103 = tpu.memref_slice %arg2[%dma_wait3A_101, %dma_wait3A_102] : memref<10000x128xf32, #tpu.memory_space<hbm>> -> memref<10000x128xf32, #tpu.memory_space<hbm>>
      tpu.wait_indirect_dma semaphore(%arg13 : memref<!tpu.dma_semaphore, #tpu.memory_space<semaphore_mem>>) src(%dma_wait3A_103 : memref<10000x128xf32, #tpu.memory_space<hbm>>) dst(%dma_wait3A_97 : memref<125x128xf32, #tpu.memory_space<vmem>>)
      %run_scoped3A = arith.constant 38 : i32
      "tpu.region"() ({
        %run_scoped3A_163 = tpu.sem_alloc : memref<!tpu.dma_semaphore, #tpu.memory_space<semaphore_mem>>
        %dma_start3A_164 = arith.constant 0 : i32
        %dma_start3A_165 = arith.constant 0 : i32
        %dma_start3A_166 = tpu.memref_slice %arg10[%dma_start3A_164, %dma_start3A_165] : memref<128x128xf32, #tpu.memory_space<vmem>> -> memref<125x128xf32, #tpu.memory_space<vmem>>
        %dma_start3A_167 = arith.constant 0 : i32
        %dma_start3A_168 = tpu.memref_slice %arg9[%run_scoped3A, %dma_start3A_167] : memref<40x125xi32, #tpu.memory_space<vmem>> -> memref<1x125xi32, #tpu.memory_space<vmem>>
        %dma_start3A_169 = tpu.memref_squeeze %dma_start3A_168 : memref<1x125xi32, #tpu.memory_space<vmem>> -> memref<125xi32, #tpu.memory_space<vmem>>
        %dma_start3A_170 = arith.constant 0 : i32
        %dma_start3A_171 = arith.constant 0 : i32
        %dma_start3A_172 = tpu.memref_slice %arg12[%dma_start3A_170, %dma_start3A_171] : memref<10240x128xf32, #tpu.memory_space<vmem_shared>> -> memref<10240x128xf32, #tpu.memory_space<vmem_shared>>
        tpu.enqueue_indirect_dma source(%dma_start3A_166 : memref<125x128xf32, #tpu.memory_space<vmem>>) target(%dma_start3A_172 : memref<10240x128xf32, #tpu.memory_space<vmem_shared>>) offsets(%dma_start3A_169 : memref<125xi32, #tpu.memory_space<vmem>>) semaphore(%run_scoped3A_163 : memref<!tpu.dma_semaphore, #tpu.memory_space<semaphore_mem>>) {add = true}
        %dma_wait3A_173 = arith.constant 0 : i32
        %dma_wait3A_174 = arith.constant 0 : i32
        %dma_wait3A_175 = tpu.memref_slice %arg10[%dma_wait3A_173, %dma_wait3A_174] : memref<128x128xf32, #tpu.memory_space<vmem>> -> memref<125x128xf32, #tpu.memory_space<vmem>>
        %dma_wait3A_176 = arith.constant 0 : i32
        %dma_wait3A_177 = tpu.memref_slice %arg9[%run_scoped3A, %dma_wait3A_176] : memref<40x125xi32, #tpu.memory_space<vmem>> -> memref<1x125xi32, #tpu.memory_space<vmem>>
        %dma_wait3A_178 = tpu.memref_squeeze %dma_wait3A_177 : memref<1x125xi32, #tpu.memory_space<vmem>> -> memref<125xi32, #tpu.memory_space<vmem>>
        %dma_wait3A_179 = arith.constant 0 : i32
        %dma_wait3A_180 = arith.constant 0 : i32
        %dma_wait3A_181 = tpu.memref_slice %arg12[%dma_wait3A_179, %dma_wait3A_180] : memref<10240x128xf32, #tpu.memory_space<vmem_shared>> -> memref<10240x128xf32, #tpu.memory_space<vmem_shared>>
        tpu.wait_indirect_dma semaphore(%run_scoped3A_163 : memref<!tpu.dma_semaphore, #tpu.memory_space<semaphore_mem>>) src(%dma_wait3A_175 : memref<125x128xf32, #tpu.memory_space<vmem>>) dst(%dma_wait3A_181 : memref<10240x128xf32, #tpu.memory_space<vmem_shared>>)
        tpu.yield
      }) : () -> ()
      %dma_wait3A_104 = arith.constant 39 : i32
      %dma_wait3A_105 = arith.constant 0 : i32
      %dma_wait3A_106 = arith.constant 0 : i32
      %dma_wait3A_107 = tpu.memref_slice %arg11[%dma_wait3A_105, %dma_wait3A_106] : memref<125x128xf32, #tpu.memory_space<vmem>> -> memref<125x128xf32, #tpu.memory_space<vmem>>
      %dma_wait3A_108 = arith.constant 0 : i32
      %dma_wait3A_109 = tpu.memref_slice %arg8[%dma_wait3A_104, %dma_wait3A_108] : memref<40x125xi32, #tpu.memory_space<vmem>> -> memref<1x125xi32, #tpu.memory_space<vmem>>
      %dma_wait3A_110 = tpu.memref_squeeze %dma_wait3A_109 : memref<1x125xi32, #tpu.memory_space<vmem>> -> memref<125xi32, #tpu.memory_space<vmem>>
      %dma_wait3A_111 = arith.constant 0 : i32
      %dma_wait3A_112 = arith.constant 0 : i32
      %dma_wait3A_113 = tpu.memref_slice %arg2[%dma_wait3A_111, %dma_wait3A_112] : memref<10000x128xf32, #tpu.memory_space<hbm>> -> memref<10000x128xf32, #tpu.memory_space<hbm>>
      tpu.wait_indirect_dma semaphore(%arg14 : memref<!tpu.dma_semaphore, #tpu.memory_space<semaphore_mem>>) src(%dma_wait3A_113 : memref<10000x128xf32, #tpu.memory_space<hbm>>) dst(%dma_wait3A_107 : memref<125x128xf32, #tpu.memory_space<vmem>>)
      %run_scoped3A_114 = arith.constant 39 : i32
      "tpu.region"() ({
        %run_scoped3A_163 = tpu.sem_alloc : memref<!tpu.dma_semaphore, #tpu.memory_space<semaphore_mem>>
        %dma_start3A_164 = arith.constant 0 : i32
        %dma_start3A_165 = arith.constant 0 : i32
        %dma_start3A_166 = tpu.memref_slice %arg11[%dma_start3A_164, %dma_start3A_165] : memref<125x128xf32, #tpu.memory_space<vmem>> -> memref<125x128xf32, #tpu.memory_space<vmem>>
        %dma_start3A_167 = arith.constant 0 : i32
        %dma_start3A_168 = tpu.memref_slice %arg9[%run_scoped3A_114, %dma_start3A_167] : memref<40x125xi32, #tpu.memory_space<vmem>> -> memref<1x125xi32, #tpu.memory_space<vmem>>
        %dma_start3A_169 = tpu.memref_squeeze %dma_start3A_168 : memref<1x125xi32, #tpu.memory_space<vmem>> -> memref<125xi32, #tpu.memory_space<vmem>>
        %dma_start3A_170 = arith.constant 0 : i32
        %dma_start3A_171 = arith.constant 0 : i32
        %dma_start3A_172 = tpu.memref_slice %arg12[%dma_start3A_170, %dma_start3A_171] : memref<10240x128xf32, #tpu.memory_space<vmem_shared>> -> memref<10240x128xf32, #tpu.memory_space<vmem_shared>>
        tpu.enqueue_indirect_dma source(%dma_start3A_166 : memref<125x128xf32, #tpu.memory_space<vmem>>) target(%dma_start3A_172 : memref<10240x128xf32, #tpu.memory_space<vmem_shared>>) offsets(%dma_start3A_169 : memref<125xi32, #tpu.memory_space<vmem>>) semaphore(%run_scoped3A_163 : memref<!tpu.dma_semaphore, #tpu.memory_space<semaphore_mem>>) {add = true}
        %dma_wait3A_173 = arith.constant 0 : i32
        %dma_wait3A_174 = arith.constant 0 : i32
        %dma_wait3A_175 = tpu.memref_slice %arg11[%dma_wait3A_173, %dma_wait3A_174] : memref<125x128xf32, #tpu.memory_space<vmem>> -> memref<125x128xf32, #tpu.memory_space<vmem>>
        %dma_wait3A_176 = arith.constant 0 : i32
        %dma_wait3A_177 = tpu.memref_slice %arg9[%run_scoped3A_114, %dma_wait3A_176] : memref<40x125xi32, #tpu.memory_space<vmem>> -> memref<1x125xi32, #tpu.memory_space<vmem>>
        %dma_wait3A_178 = tpu.memref_squeeze %dma_wait3A_177 : memref<1x125xi32, #tpu.memory_space<vmem>> -> memref<125xi32, #tpu.memory_space<vmem>>
        %dma_wait3A_179 = arith.constant 0 : i32
        %dma_wait3A_180 = arith.constant 0 : i32
        %dma_wait3A_181 = tpu.memref_slice %arg12[%dma_wait3A_179, %dma_wait3A_180] : memref<10240x128xf32, #tpu.memory_space<vmem_shared>> -> memref<10240x128xf32, #tpu.memory_space<vmem_shared>>
        tpu.wait_indirect_dma semaphore(%run_scoped3A_163 : memref<!tpu.dma_semaphore, #tpu.memory_space<semaphore_mem>>) src(%dma_wait3A_175 : memref<125x128xf32, #tpu.memory_space<vmem>>) dst(%dma_wait3A_181 : memref<10240x128xf32, #tpu.memory_space<vmem_shared>>)
        tpu.yield
      }) : () -> ()
      "tpu.region"() ({
        %run_scoped3A_163 = tpu.sem_alloc : memref<!tpu.dma_semaphore, #tpu.memory_space<semaphore_mem>>
        %dma_start3A_164 = arith.constant 40 : i32
        %dma_start3A_165 = arith.constant 0 : i32
        %dma_start3A_166 = tpu.memref_slice %arg4[%arg1, %dma_start3A_164, %dma_start3A_165] : memref<16x80x125xi32, #tpu.memory_space<hbm>> -> memref<1x40x125xi32, #tpu.memory_space<hbm>>
        %dma_start3A_167 = tpu.memref_squeeze %dma_start3A_166 : memref<1x40x125xi32, #tpu.memory_space<hbm>> -> memref<40x125xi32, #tpu.memory_space<hbm>>
        %dma_start3A_168 = arith.constant 40 : i32
        %dma_start3A_169 = arith.constant 0 : i32
        %dma_start3A_170 = tpu.memref_slice %arg4[%arg1, %dma_start3A_168, %dma_start3A_169] : memref<16x80x125xi32, #tpu.memory_space<hbm>> -> memref<1x40x125xi32, #tpu.memory_space<hbm>>
        %dma_start3A_171 = tpu.memref_squeeze %dma_start3A_170 : memref<1x40x125xi32, #tpu.memory_space<hbm>> -> memref<40x125xi32, #tpu.memory_space<hbm>>
        tpu.enqueue_dma source(%dma_start3A_171 : memref<40x125xi32, #tpu.memory_space<hbm>>) target(%arg8 : memref<40x125xi32, #tpu.memory_space<vmem>>) target_semaphore(%run_scoped3A_163 : memref<!tpu.dma_semaphore, #tpu.memory_space<semaphore_mem>>)
        %dma_wait3A_172 = arith.constant 40 : i32
        %dma_wait3A_173 = arith.constant 0 : i32
        %dma_wait3A_174 = tpu.memref_slice %arg4[%arg1, %dma_wait3A_172, %dma_wait3A_173] : memref<16x80x125xi32, #tpu.memory_space<hbm>> -> memref<1x40x125xi32, #tpu.memory_space<hbm>>
        %dma_wait3A_175 = tpu.memref_squeeze %dma_wait3A_174 : memref<1x40x125xi32, #tpu.memory_space<hbm>> -> memref<40x125xi32, #tpu.memory_space<hbm>>
        %dma_wait3A_176 = arith.constant 40 : i32
        %dma_wait3A_177 = arith.constant 0 : i32
        %dma_wait3A_178 = tpu.memref_slice %arg4[%arg1, %dma_wait3A_176, %dma_wait3A_177] : memref<16x80x125xi32, #tpu.memory_space<hbm>> -> memref<1x40x125xi32, #tpu.memory_space<hbm>>
        %dma_wait3A_179 = tpu.memref_squeeze %dma_wait3A_178 : memref<1x40x125xi32, #tpu.memory_space<hbm>> -> memref<40x125xi32, #tpu.memory_space<hbm>>
        tpu.wait_dma2 semaphore(%run_scoped3A_163 : memref<!tpu.dma_semaphore, #tpu.memory_space<semaphore_mem>>) src(%dma_wait3A_179 : memref<40x125xi32, #tpu.memory_space<hbm>>) dst(%arg8 : memref<40x125xi32, #tpu.memory_space<vmem>>)
        tpu.yield
      }) : () -> ()
      "tpu.region"() ({
        %run_scoped3A_163 = tpu.sem_alloc : memref<!tpu.dma_semaphore, #tpu.memory_space<semaphore_mem>>
        %dma_start3A_164 = arith.constant 40 : i32
        %dma_start3A_165 = arith.constant 0 : i32
        %dma_start3A_166 = tpu.memref_slice %arg5[%arg1, %dma_start3A_164, %dma_start3A_165] : memref<16x80x125xi32, #tpu.memory_space<hbm>> -> memref<1x40x125xi32, #tpu.memory_space<hbm>>
        %dma_start3A_167 = tpu.memref_squeeze %dma_start3A_166 : memref<1x40x125xi32, #tpu.memory_space<hbm>> -> memref<40x125xi32, #tpu.memory_space<hbm>>
        %dma_start3A_168 = arith.constant 40 : i32
        %dma_start3A_169 = arith.constant 0 : i32
        %dma_start3A_170 = tpu.memref_slice %arg5[%arg1, %dma_start3A_168, %dma_start3A_169] : memref<16x80x125xi32, #tpu.memory_space<hbm>> -> memref<1x40x125xi32, #tpu.memory_space<hbm>>
        %dma_start3A_171 = tpu.memref_squeeze %dma_start3A_170 : memref<1x40x125xi32, #tpu.memory_space<hbm>> -> memref<40x125xi32, #tpu.memory_space<hbm>>
        tpu.enqueue_dma source(%dma_start3A_171 : memref<40x125xi32, #tpu.memory_space<hbm>>) target(%arg9 : memref<40x125xi32, #tpu.memory_space<vmem>>) target_semaphore(%run_scoped3A_163 : memref<!tpu.dma_semaphore, #tpu.memory_space<semaphore_mem>>)
        %dma_wait3A_172 = arith.constant 40 : i32
        %dma_wait3A_173 = arith.constant 0 : i32
        %dma_wait3A_174 = tpu.memref_slice %arg5[%arg1, %dma_wait3A_172, %dma_wait3A_173] : memref<16x80x125xi32, #tpu.memory_space<hbm>> -> memref<1x40x125xi32, #tpu.memory_space<hbm>>
        %dma_wait3A_175 = tpu.memref_squeeze %dma_wait3A_174 : memref<1x40x125xi32, #tpu.memory_space<hbm>> -> memref<40x125xi32, #tpu.memory_space<hbm>>
        %dma_wait3A_176 = arith.constant 40 : i32
        %dma_wait3A_177 = arith.constant 0 : i32
        %dma_wait3A_178 = tpu.memref_slice %arg5[%arg1, %dma_wait3A_176, %dma_wait3A_177] : memref<16x80x125xi32, #tpu.memory_space<hbm>> -> memref<1x40x125xi32, #tpu.memory_space<hbm>>
        %dma_wait3A_179 = tpu.memref_squeeze %dma_wait3A_178 : memref<1x40x125xi32, #tpu.memory_space<hbm>> -> memref<40x125xi32, #tpu.memory_space<hbm>>
        tpu.wait_dma2 semaphore(%run_scoped3A_163 : memref<!tpu.dma_semaphore, #tpu.memory_space<semaphore_mem>>) src(%dma_wait3A_179 : memref<40x125xi32, #tpu.memory_space<hbm>>) dst(%arg9 : memref<40x125xi32, #tpu.memory_space<vmem>>)
        tpu.yield
      }) : () -> ()
      %dma_start3A_115 = arith.constant 0 : i32
      %dma_start3A_116 = arith.constant 0 : i32
      %dma_start3A_117 = arith.constant 0 : i32
      %dma_start3A_118 = tpu.memref_slice %arg10[%dma_start3A_116, %dma_start3A_117] : memref<128x128xf32, #tpu.memory_space<vmem>> -> memref<125x128xf32, #tpu.memory_space<vmem>>
      %dma_start3A_119 = arith.constant 0 : i32
      %dma_start3A_120 = tpu.memref_slice %arg8[%dma_start3A_115, %dma_start3A_119] : memref<40x125xi32, #tpu.memory_space<vmem>> -> memref<1x125xi32, #tpu.memory_space<vmem>>
      %dma_start3A_121 = tpu.memref_squeeze %dma_start3A_120 : memref<1x125xi32, #tpu.memory_space<vmem>> -> memref<125xi32, #tpu.memory_space<vmem>>
      %dma_start3A_122 = arith.constant 0 : i32
      %dma_start3A_123 = arith.constant 0 : i32
      %dma_start3A_124 = tpu.memref_slice %arg2[%dma_start3A_122, %dma_start3A_123] : memref<10000x128xf32, #tpu.memory_space<hbm>> -> memref<10000x128xf32, #tpu.memory_space<hbm>>
      tpu.enqueue_indirect_dma source(%dma_start3A_124 : memref<10000x128xf32, #tpu.memory_space<hbm>>) target(%dma_start3A_118 : memref<125x128xf32, #tpu.memory_space<vmem>>) offsets(%dma_start3A_121 : memref<125xi32, #tpu.memory_space<vmem>>) semaphore(%arg13 : memref<!tpu.dma_semaphore, #tpu.memory_space<semaphore_mem>>)
      %dma_start3A_125 = arith.constant 1 : i32
      %dma_start3A_126 = arith.constant 0 : i32
      %dma_start3A_127 = arith.constant 0 : i32
      %dma_start3A_128 = tpu.memref_slice %arg11[%dma_start3A_126, %dma_start3A_127] : memref<125x128xf32, #tpu.memory_space<vmem>> -> memref<125x128xf32, #tpu.memory_space<vmem>>
      %dma_start3A_129 = arith.constant 0 : i32
      %dma_start3A_130 = tpu.memref_slice %arg8[%dma_start3A_125, %dma_start3A_129] : memref<40x125xi32, #tpu.memory_space<vmem>> -> memref<1x125xi32, #tpu.memory_space<vmem>>
      %dma_start3A_131 = tpu.memref_squeeze %dma_start3A_130 : memref<1x125xi32, #tpu.memory_space<vmem>> -> memref<125xi32, #tpu.memory_space<vmem>>
      %dma_start3A_132 = arith.constant 0 : i32
      %dma_start3A_133 = arith.constant 0 : i32
      %dma_start3A_134 = tpu.memref_slice %arg2[%dma_start3A_132, %dma_start3A_133] : memref<10000x128xf32, #tpu.memory_space<hbm>> -> memref<10000x128xf32, #tpu.memory_space<hbm>>
      tpu.enqueue_indirect_dma source(%dma_start3A_134 : memref<10000x128xf32, #tpu.memory_space<hbm>>) target(%dma_start3A_128 : memref<125x128xf32, #tpu.memory_space<vmem>>) offsets(%dma_start3A_131 : memref<125xi32, #tpu.memory_space<vmem>>) semaphore(%arg14 : memref<!tpu.dma_semaphore, #tpu.memory_space<semaphore_mem>>)
      %scan3A_135 = arith.constant 0 : i32
      %scan3A_136 = arith.constant 19 : i32
      %scan3A_137 = arith.addi %scan3A_135, %scan3A_136 : i32
      %scan3A_138 = arith.constant 1 : i32
      scf.for %scan3A_163 = %scan3A_135 to %scan3A_137 step %scan3A_138  : i32 {
        %mul3A_164 = arith.constant 2 : i32
        %mul3A_165 = arith.muli %mul3A_164, %scan3A_163 : i32
        %dma_wait3A_166 = arith.constant 0 : i32
        %dma_wait3A_167 = arith.constant 0 : i32
        %dma_wait3A_168 = tpu.memref_slice %arg10[%dma_wait3A_166, %dma_wait3A_167] : memref<128x128xf32, #tpu.memory_space<vmem>> -> memref<125x128xf32, #tpu.memory_space<vmem>>
        %dma_wait3A_169 = arith.constant 0 : i32
        %dma_wait3A_170 = tpu.memref_slice %arg8[%mul3A_165, %dma_wait3A_169] : memref<40x125xi32, #tpu.memory_space<vmem>> -> memref<1x125xi32, #tpu.memory_space<vmem>>
        %dma_wait3A_171 = tpu.memref_squeeze %dma_wait3A_170 : memref<1x125xi32, #tpu.memory_space<vmem>> -> memref<125xi32, #tpu.memory_space<vmem>>
        %dma_wait3A_172 = arith.constant 0 : i32
        %dma_wait3A_173 = arith.constant 0 : i32
        %dma_wait3A_174 = tpu.memref_slice %arg2[%dma_wait3A_172, %dma_wait3A_173] : memref<10000x128xf32, #tpu.memory_space<hbm>> -> memref<10000x128xf32, #tpu.memory_space<hbm>>
        tpu.wait_indirect_dma semaphore(%arg13 : memref<!tpu.dma_semaphore, #tpu.memory_space<semaphore_mem>>) src(%dma_wait3A_174 : memref<10000x128xf32, #tpu.memory_space<hbm>>) dst(%dma_wait3A_168 : memref<125x128xf32, #tpu.memory_space<vmem>>)
        "tpu.region"() ({
          %run_scoped3A_210 = tpu.sem_alloc : memref<!tpu.dma_semaphore, #tpu.memory_space<semaphore_mem>>
          %dma_start3A_211 = arith.constant 0 : i32
          %dma_start3A_212 = arith.constant 0 : i32
          %dma_start3A_213 = tpu.memref_slice %arg10[%dma_start3A_211, %dma_start3A_212] : memref<128x128xf32, #tpu.memory_space<vmem>> -> memref<125x128xf32, #tpu.memory_space<vmem>>
          %dma_start3A_214 = arith.constant 0 : i32
          %dma_start3A_215 = tpu.memref_slice %arg9[%mul3A_165, %dma_start3A_214] : memref<40x125xi32, #tpu.memory_space<vmem>> -> memref<1x125xi32, #tpu.memory_space<vmem>>
          %dma_start3A_216 = tpu.memref_squeeze %dma_start3A_215 : memref<1x125xi32, #tpu.memory_space<vmem>> -> memref<125xi32, #tpu.memory_space<vmem>>
          %dma_start3A_217 = arith.constant 0 : i32
          %dma_start3A_218 = arith.constant 0 : i32
          %dma_start3A_219 = tpu.memref_slice %arg12[%dma_start3A_217, %dma_start3A_218] : memref<10240x128xf32, #tpu.memory_space<vmem_shared>> -> memref<10240x128xf32, #tpu.memory_space<vmem_shared>>
          tpu.enqueue_indirect_dma source(%dma_start3A_213 : memref<125x128xf32, #tpu.memory_space<vmem>>) target(%dma_start3A_219 : memref<10240x128xf32, #tpu.memory_space<vmem_shared>>) offsets(%dma_start3A_216 : memref<125xi32, #tpu.memory_space<vmem>>) semaphore(%run_scoped3A_210 : memref<!tpu.dma_semaphore, #tpu.memory_space<semaphore_mem>>) {add = true}
          %dma_wait3A_220 = arith.constant 0 : i32
          %dma_wait3A_221 = arith.constant 0 : i32
          %dma_wait3A_222 = tpu.memref_slice %arg10[%dma_wait3A_220, %dma_wait3A_221] : memref<128x128xf32, #tpu.memory_space<vmem>> -> memref<125x128xf32, #tpu.memory_space<vmem>>
          %dma_wait3A_223 = arith.constant 0 : i32
          %dma_wait3A_224 = tpu.memref_slice %arg9[%mul3A_165, %dma_wait3A_223] : memref<40x125xi32, #tpu.memory_space<vmem>> -> memref<1x125xi32, #tpu.memory_space<vmem>>
          %dma_wait3A_225 = tpu.memref_squeeze %dma_wait3A_224 : memref<1x125xi32, #tpu.memory_space<vmem>> -> memref<125xi32, #tpu.memory_space<vmem>>
          %dma_wait3A_226 = arith.constant 0 : i32
          %dma_wait3A_227 = arith.constant 0 : i32
          %dma_wait3A_228 = tpu.memref_slice %arg12[%dma_wait3A_226, %dma_wait3A_227] : memref<10240x128xf32, #tpu.memory_space<vmem_shared>> -> memref<10240x128xf32, #tpu.memory_space<vmem_shared>>
          tpu.wait_indirect_dma semaphore(%run_scoped3A_210 : memref<!tpu.dma_semaphore, #tpu.memory_space<semaphore_mem>>) src(%dma_wait3A_222 : memref<125x128xf32, #tpu.memory_space<vmem>>) dst(%dma_wait3A_228 : memref<10240x128xf32, #tpu.memory_space<vmem_shared>>)
          tpu.yield
        }) : () -> ()
        %add3A_175 = arith.constant 2 : i32
        %add3A_176 = arith.addi %mul3A_165, %add3A_175 : i32
        %dma_start3A_177 = arith.constant 0 : i32
        %dma_start3A_178 = arith.constant 0 : i32
        %dma_start3A_179 = tpu.memref_slice %arg10[%dma_start3A_177, %dma_start3A_178] : memref<128x128xf32, #tpu.memory_space<vmem>> -> memref<125x128xf32, #tpu.memory_space<vmem>>
        %dma_start3A_180 = arith.constant 0 : i32
        %dma_start3A_181 = tpu.memref_slice %arg8[%add3A_176, %dma_start3A_180] : memref<40x125xi32, #tpu.memory_space<vmem>> -> memref<1x125xi32, #tpu.memory_space<vmem>>
        %dma_start3A_182 = tpu.memref_squeeze %dma_start3A_181 : memref<1x125xi32, #tpu.memory_space<vmem>> -> memref<125xi32, #tpu.memory_space<vmem>>
        %dma_start3A_183 = arith.constant 0 : i32
        %dma_start3A_184 = arith.constant 0 : i32
        %dma_start3A_185 = tpu.memref_slice %arg2[%dma_start3A_183, %dma_start3A_184] : memref<10000x128xf32, #tpu.memory_space<hbm>> -> memref<10000x128xf32, #tpu.memory_space<hbm>>
        tpu.enqueue_indirect_dma source(%dma_start3A_185 : memref<10000x128xf32, #tpu.memory_space<hbm>>) target(%dma_start3A_179 : memref<125x128xf32, #tpu.memory_space<vmem>>) offsets(%dma_start3A_182 : memref<125xi32, #tpu.memory_space<vmem>>) semaphore(%arg13 : memref<!tpu.dma_semaphore, #tpu.memory_space<semaphore_mem>>)
        %mul3A_186 = arith.constant 2 : i32
        %mul3A_187 = arith.muli %mul3A_186, %scan3A_163 : i32
        %add3A_188 = arith.constant 1 : i32
        %add3A_189 = arith.addi %mul3A_187, %add3A_188 : i32
        %dma_wait3A_190 = arith.constant 0 : i32
        %dma_wait3A_191 = arith.constant 0 : i32
        %dma_wait3A_192 = tpu.memref_slice %arg11[%dma_wait3A_190, %dma_wait3A_191] : memref<125x128xf32, #tpu.memory_space<vmem>> -> memref<125x128xf32, #tpu.memory_space<vmem>>
        %dma_wait3A_193 = arith.constant 0 : i32
        %dma_wait3A_194 = tpu.memref_slice %arg8[%add3A_189, %dma_wait3A_193] : memref<40x125xi32, #tpu.memory_space<vmem>> -> memref<1x125xi32, #tpu.memory_space<vmem>>
        %dma_wait3A_195 = tpu.memref_squeeze %dma_wait3A_194 : memref<1x125xi32, #tpu.memory_space<vmem>> -> memref<125xi32, #tpu.memory_space<vmem>>
        %dma_wait3A_196 = arith.constant 0 : i32
        %dma_wait3A_197 = arith.constant 0 : i32
        %dma_wait3A_198 = tpu.memref_slice %arg2[%dma_wait3A_196, %dma_wait3A_197] : memref<10000x128xf32, #tpu.memory_space<hbm>> -> memref<10000x128xf32, #tpu.memory_space<hbm>>
        tpu.wait_indirect_dma semaphore(%arg14 : memref<!tpu.dma_semaphore, #tpu.memory_space<semaphore_mem>>) src(%dma_wait3A_198 : memref<10000x128xf32, #tpu.memory_space<hbm>>) dst(%dma_wait3A_192 : memref<125x128xf32, #tpu.memory_space<vmem>>)
        "tpu.region"() ({
          %run_scoped3A_210 = tpu.sem_alloc : memref<!tpu.dma_semaphore, #tpu.memory_space<semaphore_mem>>
          %dma_start3A_211 = arith.constant 0 : i32
          %dma_start3A_212 = arith.constant 0 : i32
          %dma_start3A_213 = tpu.memref_slice %arg11[%dma_start3A_211, %dma_start3A_212] : memref<125x128xf32, #tpu.memory_space<vmem>> -> memref<125x128xf32, #tpu.memory_space<vmem>>
          %dma_start3A_214 = arith.constant 0 : i32
          %dma_start3A_215 = tpu.memref_slice %arg9[%add3A_189, %dma_start3A_214] : memref<40x125xi32, #tpu.memory_space<vmem>> -> memref<1x125xi32, #tpu.memory_space<vmem>>
          %dma_start3A_216 = tpu.memref_squeeze %dma_start3A_215 : memref<1x125xi32, #tpu.memory_space<vmem>> -> memref<125xi32, #tpu.memory_space<vmem>>
          %dma_start3A_217 = arith.constant 0 : i32
          %dma_start3A_218 = arith.constant 0 : i32
          %dma_start3A_219 = tpu.memref_slice %arg12[%dma_start3A_217, %dma_start3A_218] : memref<10240x128xf32, #tpu.memory_space<vmem_shared>> -> memref<10240x128xf32, #tpu.memory_space<vmem_shared>>
          tpu.enqueue_indirect_dma source(%dma_start3A_213 : memref<125x128xf32, #tpu.memory_space<vmem>>) target(%dma_start3A_219 : memref<10240x128xf32, #tpu.memory_space<vmem_shared>>) offsets(%dma_start3A_216 : memref<125xi32, #tpu.memory_space<vmem>>) semaphore(%run_scoped3A_210 : memref<!tpu.dma_semaphore, #tpu.memory_space<semaphore_mem>>) {add = true}
          %dma_wait3A_220 = arith.constant 0 : i32
          %dma_wait3A_221 = arith.constant 0 : i32
          %dma_wait3A_222 = tpu.memref_slice %arg11[%dma_wait3A_220, %dma_wait3A_221] : memref<125x128xf32, #tpu.memory_space<vmem>> -> memref<125x128xf32, #tpu.memory_space<vmem>>
          %dma_wait3A_223 = arith.constant 0 : i32
          %dma_wait3A_224 = tpu.memref_slice %arg9[%add3A_189, %dma_wait3A_223] : memref<40x125xi32, #tpu.memory_space<vmem>> -> memref<1x125xi32, #tpu.memory_space<vmem>>
          %dma_wait3A_225 = tpu.memref_squeeze %dma_wait3A_224 : memref<1x125xi32, #tpu.memory_space<vmem>> -> memref<125xi32, #tpu.memory_space<vmem>>
          %dma_wait3A_226 = arith.constant 0 : i32
          %dma_wait3A_227 = arith.constant 0 : i32
          %dma_wait3A_228 = tpu.memref_slice %arg12[%dma_wait3A_226, %dma_wait3A_227] : memref<10240x128xf32, #tpu.memory_space<vmem_shared>> -> memref<10240x128xf32, #tpu.memory_space<vmem_shared>>
          tpu.wait_indirect_dma semaphore(%run_scoped3A_210 : memref<!tpu.dma_semaphore, #tpu.memory_space<semaphore_mem>>) src(%dma_wait3A_222 : memref<125x128xf32, #tpu.memory_space<vmem>>) dst(%dma_wait3A_228 : memref<10240x128xf32, #tpu.memory_space<vmem_shared>>)
          tpu.yield
        }) : () -> ()
        %add3A_199 = arith.constant 2 : i32
        %add3A_200 = arith.addi %add3A_189, %add3A_199 : i32
        %dma_start3A_201 = arith.constant 0 : i32
        %dma_start3A_202 = arith.constant 0 : i32
        %dma_start3A_203 = tpu.memref_slice %arg11[%dma_start3A_201, %dma_start3A_202] : memref<125x128xf32, #tpu.memory_space<vmem>> -> memref<125x128xf32, #tpu.memory_space<vmem>>
        %dma_start3A_204 = arith.constant 0 : i32
        %dma_start3A_205 = tpu.memref_slice %arg8[%add3A_200, %dma_start3A_204] : memref<40x125xi32, #tpu.memory_space<vmem>> -> memref<1x125xi32, #tpu.memory_space<vmem>>
        %dma_start3A_206 = tpu.memref_squeeze %dma_start3A_205 : memref<1x125xi32, #tpu.memory_space<vmem>> -> memref<125xi32, #tpu.memory_space<vmem>>
        %dma_start3A_207 = arith.constant 0 : i32
        %dma_start3A_208 = arith.constant 0 : i32
        %dma_start3A_209 = tpu.memref_slice %arg2[%dma_start3A_207, %dma_start3A_208] : memref<10000x128xf32, #tpu.memory_space<hbm>> -> memref<10000x128xf32, #tpu.memory_space<hbm>>
        tpu.enqueue_indirect_dma source(%dma_start3A_209 : memref<10000x128xf32, #tpu.memory_space<hbm>>) target(%dma_start3A_203 : memref<125x128xf32, #tpu.memory_space<vmem>>) offsets(%dma_start3A_206 : memref<125xi32, #tpu.memory_space<vmem>>) semaphore(%arg14 : memref<!tpu.dma_semaphore, #tpu.memory_space<semaphore_mem>>)
      }
      %scan3A_139 = arith.constant 19 : i32
      %dma_wait3A_140 = arith.constant 38 : i32
      %dma_wait3A_141 = arith.constant 0 : i32
      %dma_wait3A_142 = arith.constant 0 : i32
      %dma_wait3A_143 = tpu.memref_slice %arg10[%dma_wait3A_141, %dma_wait3A_142] : memref<128x128xf32, #tpu.memory_space<vmem>> -> memref<125x128xf32, #tpu.memory_space<vmem>>
      %dma_wait3A_144 = arith.constant 0 : i32
      %dma_wait3A_145 = tpu.memref_slice %arg8[%dma_wait3A_140, %dma_wait3A_144] : memref<40x125xi32, #tpu.memory_space<vmem>> -> memref<1x125xi32, #tpu.memory_space<vmem>>
      %dma_wait3A_146 = tpu.memref_squeeze %dma_wait3A_145 : memref<1x125xi32, #tpu.memory_space<vmem>> -> memref<125xi32, #tpu.memory_space<vmem>>
      %dma_wait3A_147 = arith.constant 0 : i32
      %dma_wait3A_148 = arith.constant 0 : i32
      %dma_wait3A_149 = tpu.memref_slice %arg2[%dma_wait3A_147, %dma_wait3A_148] : memref<10000x128xf32, #tpu.memory_space<hbm>> -> memref<10000x128xf32, #tpu.memory_space<hbm>>
      tpu.wait_indirect_dma semaphore(%arg13 : memref<!tpu.dma_semaphore, #tpu.memory_space<semaphore_mem>>) src(%dma_wait3A_149 : memref<10000x128xf32, #tpu.memory_space<hbm>>) dst(%dma_wait3A_143 : memref<125x128xf32, #tpu.memory_space<vmem>>)
      %run_scoped3A_150 = arith.constant 38 : i32
      "tpu.region"() ({
        %run_scoped3A_163 = tpu.sem_alloc : memref<!tpu.dma_semaphore, #tpu.memory_space<semaphore_mem>>
        %dma_start3A_164 = arith.constant 0 : i32
        %dma_start3A_165 = arith.constant 0 : i32
        %dma_start3A_166 = tpu.memref_slice %arg10[%dma_start3A_164, %dma_start3A_165] : memref<128x128xf32, #tpu.memory_space<vmem>> -> memref<125x128xf32, #tpu.memory_space<vmem>>
        %dma_start3A_167 = arith.constant 0 : i32
        %dma_start3A_168 = tpu.memref_slice %arg9[%run_scoped3A_150, %dma_start3A_167] : memref<40x125xi32, #tpu.memory_space<vmem>> -> memref<1x125xi32, #tpu.memory_space<vmem>>
        %dma_start3A_169 = tpu.memref_squeeze %dma_start3A_168 : memref<1x125xi32, #tpu.memory_space<vmem>> -> memref<125xi32, #tpu.memory_space<vmem>>
        %dma_start3A_170 = arith.constant 0 : i32
        %dma_start3A_171 = arith.constant 0 : i32
        %dma_start3A_172 = tpu.memref_slice %arg12[%dma_start3A_170, %dma_start3A_171] : memref<10240x128xf32, #tpu.memory_space<vmem_shared>> -> memref<10240x128xf32, #tpu.memory_space<vmem_shared>>
        tpu.enqueue_indirect_dma source(%dma_start3A_166 : memref<125x128xf32, #tpu.memory_space<vmem>>) target(%dma_start3A_172 : memref<10240x128xf32, #tpu.memory_space<vmem_shared>>) offsets(%dma_start3A_169 : memref<125xi32, #tpu.memory_space<vmem>>) semaphore(%run_scoped3A_163 : memref<!tpu.dma_semaphore, #tpu.memory_space<semaphore_mem>>) {add = true}
        %dma_wait3A_173 = arith.constant 0 : i32
        %dma_wait3A_174 = arith.constant 0 : i32
        %dma_wait3A_175 = tpu.memref_slice %arg10[%dma_wait3A_173, %dma_wait3A_174] : memref<128x128xf32, #tpu.memory_space<vmem>> -> memref<125x128xf32, #tpu.memory_space<vmem>>
        %dma_wait3A_176 = arith.constant 0 : i32
        %dma_wait3A_177 = tpu.memref_slice %arg9[%run_scoped3A_150, %dma_wait3A_176] : memref<40x125xi32, #tpu.memory_space<vmem>> -> memref<1x125xi32, #tpu.memory_space<vmem>>
        %dma_wait3A_178 = tpu.memref_squeeze %dma_wait3A_177 : memref<1x125xi32, #tpu.memory_space<vmem>> -> memref<125xi32, #tpu.memory_space<vmem>>
        %dma_wait3A_179 = arith.constant 0 : i32
        %dma_wait3A_180 = arith.constant 0 : i32
        %dma_wait3A_181 = tpu.memref_slice %arg12[%dma_wait3A_179, %dma_wait3A_180] : memref<10240x128xf32, #tpu.memory_space<vmem_shared>> -> memref<10240x128xf32, #tpu.memory_space<vmem_shared>>
        tpu.wait_indirect_dma semaphore(%run_scoped3A_163 : memref<!tpu.dma_semaphore, #tpu.memory_space<semaphore_mem>>) src(%dma_wait3A_175 : memref<125x128xf32, #tpu.memory_space<vmem>>) dst(%dma_wait3A_181 : memref<10240x128xf32, #tpu.memory_space<vmem_shared>>)
        tpu.yield
      }) : () -> ()
      %dma_wait3A_151 = arith.constant 39 : i32
      %dma_wait3A_152 = arith.constant 0 : i32
      %dma_wait3A_153 = arith.constant 0 : i32
      %dma_wait3A_154 = tpu.memref_slice %arg11[%dma_wait3A_152, %dma_wait3A_153] : memref<125x128xf32, #tpu.memory_space<vmem>> -> memref<125x128xf32, #tpu.memory_space<vmem>>
      %dma_wait3A_155 = arith.constant 0 : i32
      %dma_wait3A_156 = tpu.memref_slice %arg8[%dma_wait3A_151, %dma_wait3A_155] : memref<40x125xi32, #tpu.memory_space<vmem>> -> memref<1x125xi32, #tpu.memory_space<vmem>>
      %dma_wait3A_157 = tpu.memref_squeeze %dma_wait3A_156 : memref<1x125xi32, #tpu.memory_space<vmem>> -> memref<125xi32, #tpu.memory_space<vmem>>
      %dma_wait3A_158 = arith.constant 0 : i32
      %dma_wait3A_159 = arith.constant 0 : i32
      %dma_wait3A_160 = tpu.memref_slice %arg2[%dma_wait3A_158, %dma_wait3A_159] : memref<10000x128xf32, #tpu.memory_space<hbm>> -> memref<10000x128xf32, #tpu.memory_space<hbm>>
      tpu.wait_indirect_dma semaphore(%arg14 : memref<!tpu.dma_semaphore, #tpu.memory_space<semaphore_mem>>) src(%dma_wait3A_160 : memref<10000x128xf32, #tpu.memory_space<hbm>>) dst(%dma_wait3A_154 : memref<125x128xf32, #tpu.memory_space<vmem>>)
      %run_scoped3A_161 = arith.constant 39 : i32
      "tpu.region"() ({
        %run_scoped3A_163 = tpu.sem_alloc : memref<!tpu.dma_semaphore, #tpu.memory_space<semaphore_mem>>
        %dma_start3A_164 = arith.constant 0 : i32
        %dma_start3A_165 = arith.constant 0 : i32
        %dma_start3A_166 = tpu.memref_slice %arg11[%dma_start3A_164, %dma_start3A_165] : memref<125x128xf32, #tpu.memory_space<vmem>> -> memref<125x128xf32, #tpu.memory_space<vmem>>
        %dma_start3A_167 = arith.constant 0 : i32
        %dma_start3A_168 = tpu.memref_slice %arg9[%run_scoped3A_161, %dma_start3A_167] : memref<40x125xi32, #tpu.memory_space<vmem>> -> memref<1x125xi32, #tpu.memory_space<vmem>>
        %dma_start3A_169 = tpu.memref_squeeze %dma_start3A_168 : memref<1x125xi32, #tpu.memory_space<vmem>> -> memref<125xi32, #tpu.memory_space<vmem>>
        %dma_start3A_170 = arith.constant 0 : i32
        %dma_start3A_171 = arith.constant 0 : i32
        %dma_start3A_172 = tpu.memref_slice %arg12[%dma_start3A_170, %dma_start3A_171] : memref<10240x128xf32, #tpu.memory_space<vmem_shared>> -> memref<10240x128xf32, #tpu.memory_space<vmem_shared>>
        tpu.enqueue_indirect_dma source(%dma_start3A_166 : memref<125x128xf32, #tpu.memory_space<vmem>>) target(%dma_start3A_172 : memref<10240x128xf32, #tpu.memory_space<vmem_shared>>) offsets(%dma_start3A_169 : memref<125xi32, #tpu.memory_space<vmem>>) semaphore(%run_scoped3A_163 : memref<!tpu.dma_semaphore, #tpu.memory_space<semaphore_mem>>) {add = true}
        %dma_wait3A_173 = arith.constant 0 : i32
        %dma_wait3A_174 = arith.constant 0 : i32
        %dma_wait3A_175 = tpu.memref_slice %arg11[%dma_wait3A_173, %dma_wait3A_174] : memref<125x128xf32, #tpu.memory_space<vmem>> -> memref<125x128xf32, #tpu.memory_space<vmem>>
        %dma_wait3A_176 = arith.constant 0 : i32
        %dma_wait3A_177 = tpu.memref_slice %arg9[%run_scoped3A_161, %dma_wait3A_176] : memref<40x125xi32, #tpu.memory_space<vmem>> -> memref<1x125xi32, #tpu.memory_space<vmem>>
        %dma_wait3A_178 = tpu.memref_squeeze %dma_wait3A_177 : memref<1x125xi32, #tpu.memory_space<vmem>> -> memref<125xi32, #tpu.memory_space<vmem>>
        %dma_wait3A_179 = arith.constant 0 : i32
        %dma_wait3A_180 = arith.constant 0 : i32
        %dma_wait3A_181 = tpu.memref_slice %arg12[%dma_wait3A_179, %dma_wait3A_180] : memref<10240x128xf32, #tpu.memory_space<vmem_shared>> -> memref<10240x128xf32, #tpu.memory_space<vmem_shared>>
        tpu.wait_indirect_dma semaphore(%run_scoped3A_163 : memref<!tpu.dma_semaphore, #tpu.memory_space<semaphore_mem>>) src(%dma_wait3A_175 : memref<125x128xf32, #tpu.memory_space<vmem>>) dst(%dma_wait3A_181 : memref<10240x128xf32, #tpu.memory_space<vmem_shared>>)
        tpu.yield
      }) : () -> ()
      %barrier3A_162 = arith.constant 0 : index
      tpu.barrier barrier_id(%barrier3A_162)
      "tpu.region"() ({
        %run_scoped3A_163 = tpu.sem_alloc : memref<!tpu.dma_semaphore, #tpu.memory_space<semaphore_mem>>
        %dma_start3A_164 = arith.constant 0 : i32
        %dma_start3A_165 = tpu.memref_slice %arg6[%mul3A_4, %dma_start3A_164] : memref<10240x128xf32, #tpu.memory_space<hbm>> -> memref<640x128xf32, #tpu.memory_space<hbm>>
        %dma_start3A_166 = arith.constant 0 : i32
        %dma_start3A_167 = tpu.memref_slice %arg12[%mul3A_4, %dma_start3A_166] : memref<10240x128xf32, #tpu.memory_space<vmem_shared>> -> memref<640x128xf32, #tpu.memory_space<vmem_shared>>
        tpu.enqueue_dma source(%dma_start3A_167 : memref<640x128xf32, #tpu.memory_space<vmem_shared>>) target(%dma_start3A_165 : memref<640x128xf32, #tpu.memory_space<hbm>>) target_semaphore(%run_scoped3A_163 : memref<!tpu.dma_semaphore, #tpu.memory_space<semaphore_mem>>)
        %dma_wait3A_168 = arith.constant 0 : i32
        %dma_wait3A_169 = tpu.memref_slice %arg6[%mul3A_4, %dma_wait3A_168] : memref<10240x128xf32, #tpu.memory_space<hbm>> -> memref<640x128xf32, #tpu.memory_space<hbm>>
        %dma_wait3A_170 = arith.constant 0 : i32
        %dma_wait3A_171 = tpu.memref_slice %arg12[%mul3A_4, %dma_wait3A_170] : memref<10240x128xf32, #tpu.memory_space<vmem_shared>> -> memref<640x128xf32, #tpu.memory_space<vmem_shared>>
        tpu.wait_dma2 semaphore(%run_scoped3A_163 : memref<!tpu.dma_semaphore, #tpu.memory_space<semaphore_mem>>) src(%dma_wait3A_171 : memref<640x128xf32, #tpu.memory_space<vmem_shared>>) dst(%dma_wait3A_169 : memref<640x128xf32, #tpu.memory_space<hbm>>)
        tpu.yield
      }) : () -> ()
    } else {
    }
    %eq3A_64 = arith.constant 1 : i32
    %eq3A_65 = arith.cmpi eq, %arg0, %eq3A_64 : i32
    %convert_element_type3A_66 = arith.extui %eq3A_65 : i1 to i32
    %cond3A_67 = arith.constant 0 : i32
    %cond3A_68 = arith.cmpi ne, %convert_element_type3A_66, %cond3A_67 : i32
    scf.if %cond3A_68 {
      %dma_start3A_69 = arith.constant 0 : i32
      %dma_start3A_70 = arith.constant 0 : i32
      %dma_start3A_71 = arith.constant 0 : i32
      %dma_start3A_72 = tpu.memref_slice %arg10[%dma_start3A_70, %dma_start3A_71] : memref<128x128xf32, #tpu.memory_space<vmem>> -> memref<125x128xf32, #tpu.memory_space<vmem>>
      %dma_start3A_73 = arith.constant 0 : i32
      %dma_start3A_74 = tpu.memref_slice %arg8[%dma_start3A_69, %dma_start3A_73] : memref<40x125xi32, #tpu.memory_space<vmem>> -> memref<1x125xi32, #tpu.memory_space<vmem>>
      %dma_start3A_75 = tpu.memref_squeeze %dma_start3A_74 : memref<1x125xi32, #tpu.memory_space<vmem>> -> memref<125xi32, #tpu.memory_space<vmem>>
      %dma_start3A_76 = arith.constant 0 : i32
      %dma_start3A_77 = arith.constant 0 : i32
      %dma_start3A_78 = tpu.memref_slice %arg3[%dma_start3A_76, %dma_start3A_77] : memref<10000x128xf32, #tpu.memory_space<hbm>> -> memref<10000x128xf32, #tpu.memory_space<hbm>>
      tpu.enqueue_indirect_dma source(%dma_start3A_78 : memref<10000x128xf32, #tpu.memory_space<hbm>>) target(%dma_start3A_72 : memref<125x128xf32, #tpu.memory_space<vmem>>) offsets(%dma_start3A_75 : memref<125xi32, #tpu.memory_space<vmem>>) semaphore(%arg13 : memref<!tpu.dma_semaphore, #tpu.memory_space<semaphore_mem>>)
      %dma_start3A_79 = arith.constant 1 : i32
      %dma_start3A_80 = arith.constant 0 : i32
      %dma_start3A_81 = arith.constant 0 : i32
      %dma_start3A_82 = tpu.memref_slice %arg11[%dma_start3A_80, %dma_start3A_81] : memref<125x128xf32, #tpu.memory_space<vmem>> -> memref<125x128xf32, #tpu.memory_space<vmem>>
      %dma_start3A_83 = arith.constant 0 : i32
      %dma_start3A_84 = tpu.memref_slice %arg8[%dma_start3A_79, %dma_start3A_83] : memref<40x125xi32, #tpu.memory_space<vmem>> -> memref<1x125xi32, #tpu.memory_space<vmem>>
      %dma_start3A_85 = tpu.memref_squeeze %dma_start3A_84 : memref<1x125xi32, #tpu.memory_space<vmem>> -> memref<125xi32, #tpu.memory_space<vmem>>
      %dma_start3A_86 = arith.constant 0 : i32
      %dma_start3A_87 = arith.constant 0 : i32
      %dma_start3A_88 = tpu.memref_slice %arg3[%dma_start3A_86, %dma_start3A_87] : memref<10000x128xf32, #tpu.memory_space<hbm>> -> memref<10000x128xf32, #tpu.memory_space<hbm>>
      tpu.enqueue_indirect_dma source(%dma_start3A_88 : memref<10000x128xf32, #tpu.memory_space<hbm>>) target(%dma_start3A_82 : memref<125x128xf32, #tpu.memory_space<vmem>>) offsets(%dma_start3A_85 : memref<125xi32, #tpu.memory_space<vmem>>) semaphore(%arg14 : memref<!tpu.dma_semaphore, #tpu.memory_space<semaphore_mem>>)
      %scan3A_89 = arith.constant 0 : i32
      %scan3A_90 = arith.constant 19 : i32
      %scan3A_91 = arith.addi %scan3A_89, %scan3A_90 : i32
      %scan3A_92 = arith.constant 1 : i32
      scf.for %scan3A_163 = %scan3A_89 to %scan3A_91 step %scan3A_92  : i32 {
        %mul3A_164 = arith.constant 2 : i32
        %mul3A_165 = arith.muli %mul3A_164, %scan3A_163 : i32
        %dma_wait3A_166 = arith.constant 0 : i32
        %dma_wait3A_167 = arith.constant 0 : i32
        %dma_wait3A_168 = tpu.memref_slice %arg10[%dma_wait3A_166, %dma_wait3A_167] : memref<128x128xf32, #tpu.memory_space<vmem>> -> memref<125x128xf32, #tpu.memory_space<vmem>>
        %dma_wait3A_169 = arith.constant 0 : i32
        %dma_wait3A_170 = tpu.memref_slice %arg8[%mul3A_165, %dma_wait3A_169] : memref<40x125xi32, #tpu.memory_space<vmem>> -> memref<1x125xi32, #tpu.memory_space<vmem>>
        %dma_wait3A_171 = tpu.memref_squeeze %dma_wait3A_170 : memref<1x125xi32, #tpu.memory_space<vmem>> -> memref<125xi32, #tpu.memory_space<vmem>>
        %dma_wait3A_172 = arith.constant 0 : i32
        %dma_wait3A_173 = arith.constant 0 : i32
        %dma_wait3A_174 = tpu.memref_slice %arg3[%dma_wait3A_172, %dma_wait3A_173] : memref<10000x128xf32, #tpu.memory_space<hbm>> -> memref<10000x128xf32, #tpu.memory_space<hbm>>
        tpu.wait_indirect_dma semaphore(%arg13 : memref<!tpu.dma_semaphore, #tpu.memory_space<semaphore_mem>>) src(%dma_wait3A_174 : memref<10000x128xf32, #tpu.memory_space<hbm>>) dst(%dma_wait3A_168 : memref<125x128xf32, #tpu.memory_space<vmem>>)
        "tpu.region"() ({
          %run_scoped3A_210 = tpu.sem_alloc : memref<!tpu.dma_semaphore, #tpu.memory_space<semaphore_mem>>
          %dma_start3A_211 = arith.constant 0 : i32
          %dma_start3A_212 = arith.constant 0 : i32
          %dma_start3A_213 = tpu.memref_slice %arg10[%dma_start3A_211, %dma_start3A_212] : memref<128x128xf32, #tpu.memory_space<vmem>> -> memref<125x128xf32, #tpu.memory_space<vmem>>
          %dma_start3A_214 = arith.constant 0 : i32
          %dma_start3A_215 = tpu.memref_slice %arg9[%mul3A_165, %dma_start3A_214] : memref<40x125xi32, #tpu.memory_space<vmem>> -> memref<1x125xi32, #tpu.memory_space<vmem>>
          %dma_start3A_216 = tpu.memref_squeeze %dma_start3A_215 : memref<1x125xi32, #tpu.memory_space<vmem>> -> memref<125xi32, #tpu.memory_space<vmem>>
          %dma_start3A_217 = arith.constant 0 : i32
          %dma_start3A_218 = arith.constant 0 : i32
          %dma_start3A_219 = tpu.memref_slice %arg12[%dma_start3A_217, %dma_start3A_218] : memref<10240x128xf32, #tpu.memory_space<vmem_shared>> -> memref<10240x128xf32, #tpu.memory_space<vmem_shared>>
          tpu.enqueue_indirect_dma source(%dma_start3A_213 : memref<125x128xf32, #tpu.memory_space<vmem>>) target(%dma_start3A_219 : memref<10240x128xf32, #tpu.memory_space<vmem_shared>>) offsets(%dma_start3A_216 : memref<125xi32, #tpu.memory_space<vmem>>) semaphore(%run_scoped3A_210 : memref<!tpu.dma_semaphore, #tpu.memory_space<semaphore_mem>>) {add = true}
          %dma_wait3A_220 = arith.constant 0 : i32
          %dma_wait3A_221 = arith.constant 0 : i32
          %dma_wait3A_222 = tpu.memref_slice %arg10[%dma_wait3A_220, %dma_wait3A_221] : memref<128x128xf32, #tpu.memory_space<vmem>> -> memref<125x128xf32, #tpu.memory_space<vmem>>
          %dma_wait3A_223 = arith.constant 0 : i32
          %dma_wait3A_224 = tpu.memref_slice %arg9[%mul3A_165, %dma_wait3A_223] : memref<40x125xi32, #tpu.memory_space<vmem>> -> memref<1x125xi32, #tpu.memory_space<vmem>>
          %dma_wait3A_225 = tpu.memref_squeeze %dma_wait3A_224 : memref<1x125xi32, #tpu.memory_space<vmem>> -> memref<125xi32, #tpu.memory_space<vmem>>
          %dma_wait3A_226 = arith.constant 0 : i32
          %dma_wait3A_227 = arith.constant 0 : i32
          %dma_wait3A_228 = tpu.memref_slice %arg12[%dma_wait3A_226, %dma_wait3A_227] : memref<10240x128xf32, #tpu.memory_space<vmem_shared>> -> memref<10240x128xf32, #tpu.memory_space<vmem_shared>>
          tpu.wait_indirect_dma semaphore(%run_scoped3A_210 : memref<!tpu.dma_semaphore, #tpu.memory_space<semaphore_mem>>) src(%dma_wait3A_222 : memref<125x128xf32, #tpu.memory_space<vmem>>) dst(%dma_wait3A_228 : memref<10240x128xf32, #tpu.memory_space<vmem_shared>>)
          tpu.yield
        }) : () -> ()
        %add3A_175 = arith.constant 2 : i32
        %add3A_176 = arith.addi %mul3A_165, %add3A_175 : i32
        %dma_start3A_177 = arith.constant 0 : i32
        %dma_start3A_178 = arith.constant 0 : i32
        %dma_start3A_179 = tpu.memref_slice %arg10[%dma_start3A_177, %dma_start3A_178] : memref<128x128xf32, #tpu.memory_space<vmem>> -> memref<125x128xf32, #tpu.memory_space<vmem>>
        %dma_start3A_180 = arith.constant 0 : i32
        %dma_start3A_181 = tpu.memref_slice %arg8[%add3A_176, %dma_start3A_180] : memref<40x125xi32, #tpu.memory_space<vmem>> -> memref<1x125xi32, #tpu.memory_space<vmem>>
        %dma_start3A_182 = tpu.memref_squeeze %dma_start3A_181 : memref<1x125xi32, #tpu.memory_space<vmem>> -> memref<125xi32, #tpu.memory_space<vmem>>
        %dma_start3A_183 = arith.constant 0 : i32
        %dma_start3A_184 = arith.constant 0 : i32
        %dma_start3A_185 = tpu.memref_slice %arg3[%dma_start3A_183, %dma_start3A_184] : memref<10000x128xf32, #tpu.memory_space<hbm>> -> memref<10000x128xf32, #tpu.memory_space<hbm>>
        tpu.enqueue_indirect_dma source(%dma_start3A_185 : memref<10000x128xf32, #tpu.memory_space<hbm>>) target(%dma_start3A_179 : memref<125x128xf32, #tpu.memory_space<vmem>>) offsets(%dma_start3A_182 : memref<125xi32, #tpu.memory_space<vmem>>) semaphore(%arg13 : memref<!tpu.dma_semaphore, #tpu.memory_space<semaphore_mem>>)
        %mul3A_186 = arith.constant 2 : i32
        %mul3A_187 = arith.muli %mul3A_186, %scan3A_163 : i32
        %add3A_188 = arith.constant 1 : i32
        %add3A_189 = arith.addi %mul3A_187, %add3A_188 : i32
        %dma_wait3A_190 = arith.constant 0 : i32
        %dma_wait3A_191 = arith.constant 0 : i32
        %dma_wait3A_192 = tpu.memref_slice %arg11[%dma_wait3A_190, %dma_wait3A_191] : memref<125x128xf32, #tpu.memory_space<vmem>> -> memref<125x128xf32, #tpu.memory_space<vmem>>
        %dma_wait3A_193 = arith.constant 0 : i32
        %dma_wait3A_194 = tpu.memref_slice %arg8[%add3A_189, %dma_wait3A_193] : memref<40x125xi32, #tpu.memory_space<vmem>> -> memref<1x125xi32, #tpu.memory_space<vmem>>
        %dma_wait3A_195 = tpu.memref_squeeze %dma_wait3A_194 : memref<1x125xi32, #tpu.memory_space<vmem>> -> memref<125xi32, #tpu.memory_space<vmem>>
        %dma_wait3A_196 = arith.constant 0 : i32
        %dma_wait3A_197 = arith.constant 0 : i32
        %dma_wait3A_198 = tpu.memref_slice %arg3[%dma_wait3A_196, %dma_wait3A_197] : memref<10000x128xf32, #tpu.memory_space<hbm>> -> memref<10000x128xf32, #tpu.memory_space<hbm>>
        tpu.wait_indirect_dma semaphore(%arg14 : memref<!tpu.dma_semaphore, #tpu.memory_space<semaphore_mem>>) src(%dma_wait3A_198 : memref<10000x128xf32, #tpu.memory_space<hbm>>) dst(%dma_wait3A_192 : memref<125x128xf32, #tpu.memory_space<vmem>>)
        "tpu.region"() ({
          %run_scoped3A_210 = tpu.sem_alloc : memref<!tpu.dma_semaphore, #tpu.memory_space<semaphore_mem>>
          %dma_start3A_211 = arith.constant 0 : i32
          %dma_start3A_212 = arith.constant 0 : i32
          %dma_start3A_213 = tpu.memref_slice %arg11[%dma_start3A_211, %dma_start3A_212] : memref<125x128xf32, #tpu.memory_space<vmem>> -> memref<125x128xf32, #tpu.memory_space<vmem>>
          %dma_start3A_214 = arith.constant 0 : i32
          %dma_start3A_215 = tpu.memref_slice %arg9[%add3A_189, %dma_start3A_214] : memref<40x125xi32, #tpu.memory_space<vmem>> -> memref<1x125xi32, #tpu.memory_space<vmem>>
          %dma_start3A_216 = tpu.memref_squeeze %dma_start3A_215 : memref<1x125xi32, #tpu.memory_space<vmem>> -> memref<125xi32, #tpu.memory_space<vmem>>
          %dma_start3A_217 = arith.constant 0 : i32
          %dma_start3A_218 = arith.constant 0 : i32
          %dma_start3A_219 = tpu.memref_slice %arg12[%dma_start3A_217, %dma_start3A_218] : memref<10240x128xf32, #tpu.memory_space<vmem_shared>> -> memref<10240x128xf32, #tpu.memory_space<vmem_shared>>
          tpu.enqueue_indirect_dma source(%dma_start3A_213 : memref<125x128xf32, #tpu.memory_space<vmem>>) target(%dma_start3A_219 : memref<10240x128xf32, #tpu.memory_space<vmem_shared>>) offsets(%dma_start3A_216 : memref<125xi32, #tpu.memory_space<vmem>>) semaphore(%run_scoped3A_210 : memref<!tpu.dma_semaphore, #tpu.memory_space<semaphore_mem>>) {add = true}
          %dma_wait3A_220 = arith.constant 0 : i32
          %dma_wait3A_221 = arith.constant 0 : i32
          %dma_wait3A_222 = tpu.memref_slice %arg11[%dma_wait3A_220, %dma_wait3A_221] : memref<125x128xf32, #tpu.memory_space<vmem>> -> memref<125x128xf32, #tpu.memory_space<vmem>>
          %dma_wait3A_223 = arith.constant 0 : i32
          %dma_wait3A_224 = tpu.memref_slice %arg9[%add3A_189, %dma_wait3A_223] : memref<40x125xi32, #tpu.memory_space<vmem>> -> memref<1x125xi32, #tpu.memory_space<vmem>>
          %dma_wait3A_225 = tpu.memref_squeeze %dma_wait3A_224 : memref<1x125xi32, #tpu.memory_space<vmem>> -> memref<125xi32, #tpu.memory_space<vmem>>
          %dma_wait3A_226 = arith.constant 0 : i32
          %dma_wait3A_227 = arith.constant 0 : i32
          %dma_wait3A_228 = tpu.memref_slice %arg12[%dma_wait3A_226, %dma_wait3A_227] : memref<10240x128xf32, #tpu.memory_space<vmem_shared>> -> memref<10240x128xf32, #tpu.memory_space<vmem_shared>>
          tpu.wait_indirect_dma semaphore(%run_scoped3A_210 : memref<!tpu.dma_semaphore, #tpu.memory_space<semaphore_mem>>) src(%dma_wait3A_222 : memref<125x128xf32, #tpu.memory_space<vmem>>) dst(%dma_wait3A_228 : memref<10240x128xf32, #tpu.memory_space<vmem_shared>>)
          tpu.yield
        }) : () -> ()
        %add3A_199 = arith.constant 2 : i32
        %add3A_200 = arith.addi %add3A_189, %add3A_199 : i32
        %dma_start3A_201 = arith.constant 0 : i32
        %dma_start3A_202 = arith.constant 0 : i32
        %dma_start3A_203 = tpu.memref_slice %arg11[%dma_start3A_201, %dma_start3A_202] : memref<125x128xf32, #tpu.memory_space<vmem>> -> memref<125x128xf32, #tpu.memory_space<vmem>>
        %dma_start3A_204 = arith.constant 0 : i32
        %dma_start3A_205 = tpu.memref_slice %arg8[%add3A_200, %dma_start3A_204] : memref<40x125xi32, #tpu.memory_space<vmem>> -> memref<1x125xi32, #tpu.memory_space<vmem>>
        %dma_start3A_206 = tpu.memref_squeeze %dma_start3A_205 : memref<1x125xi32, #tpu.memory_space<vmem>> -> memref<125xi32, #tpu.memory_space<vmem>>
        %dma_start3A_207 = arith.constant 0 : i32
        %dma_start3A_208 = arith.constant 0 : i32
        %dma_start3A_209 = tpu.memref_slice %arg3[%dma_start3A_207, %dma_start3A_208] : memref<10000x128xf32, #tpu.memory_space<hbm>> -> memref<10000x128xf32, #tpu.memory_space<hbm>>
        tpu.enqueue_indirect_dma source(%dma_start3A_209 : memref<10000x128xf32, #tpu.memory_space<hbm>>) target(%dma_start3A_203 : memref<125x128xf32, #tpu.memory_space<vmem>>) offsets(%dma_start3A_206 : memref<125xi32, #tpu.memory_space<vmem>>) semaphore(%arg14 : memref<!tpu.dma_semaphore, #tpu.memory_space<semaphore_mem>>)
      }
      %scan3A_93 = arith.constant 19 : i32
      %dma_wait3A_94 = arith.constant 38 : i32
      %dma_wait3A_95 = arith.constant 0 : i32
      %dma_wait3A_96 = arith.constant 0 : i32
      %dma_wait3A_97 = tpu.memref_slice %arg10[%dma_wait3A_95, %dma_wait3A_96] : memref<128x128xf32, #tpu.memory_space<vmem>> -> memref<125x128xf32, #tpu.memory_space<vmem>>
      %dma_wait3A_98 = arith.constant 0 : i32
      %dma_wait3A_99 = tpu.memref_slice %arg8[%dma_wait3A_94, %dma_wait3A_98] : memref<40x125xi32, #tpu.memory_space<vmem>> -> memref<1x125xi32, #tpu.memory_space<vmem>>
      %dma_wait3A_100 = tpu.memref_squeeze %dma_wait3A_99 : memref<1x125xi32, #tpu.memory_space<vmem>> -> memref<125xi32, #tpu.memory_space<vmem>>
      %dma_wait3A_101 = arith.constant 0 : i32
      %dma_wait3A_102 = arith.constant 0 : i32
      %dma_wait3A_103 = tpu.memref_slice %arg3[%dma_wait3A_101, %dma_wait3A_102] : memref<10000x128xf32, #tpu.memory_space<hbm>> -> memref<10000x128xf32, #tpu.memory_space<hbm>>
      tpu.wait_indirect_dma semaphore(%arg13 : memref<!tpu.dma_semaphore, #tpu.memory_space<semaphore_mem>>) src(%dma_wait3A_103 : memref<10000x128xf32, #tpu.memory_space<hbm>>) dst(%dma_wait3A_97 : memref<125x128xf32, #tpu.memory_space<vmem>>)
      %run_scoped3A = arith.constant 38 : i32
      "tpu.region"() ({
        %run_scoped3A_163 = tpu.sem_alloc : memref<!tpu.dma_semaphore, #tpu.memory_space<semaphore_mem>>
        %dma_start3A_164 = arith.constant 0 : i32
        %dma_start3A_165 = arith.constant 0 : i32
        %dma_start3A_166 = tpu.memref_slice %arg10[%dma_start3A_164, %dma_start3A_165] : memref<128x128xf32, #tpu.memory_space<vmem>> -> memref<125x128xf32, #tpu.memory_space<vmem>>
        %dma_start3A_167 = arith.constant 0 : i32
        %dma_start3A_168 = tpu.memref_slice %arg9[%run_scoped3A, %dma_start3A_167] : memref<40x125xi32, #tpu.memory_space<vmem>> -> memref<1x125xi32, #tpu.memory_space<vmem>>
        %dma_start3A_169 = tpu.memref_squeeze %dma_start3A_168 : memref<1x125xi32, #tpu.memory_space<vmem>> -> memref<125xi32, #tpu.memory_space<vmem>>
        %dma_start3A_170 = arith.constant 0 : i32
        %dma_start3A_171 = arith.constant 0 : i32
        %dma_start3A_172 = tpu.memref_slice %arg12[%dma_start3A_170, %dma_start3A_171] : memref<10240x128xf32, #tpu.memory_space<vmem_shared>> -> memref<10240x128xf32, #tpu.memory_space<vmem_shared>>
        tpu.enqueue_indirect_dma source(%dma_start3A_166 : memref<125x128xf32, #tpu.memory_space<vmem>>) target(%dma_start3A_172 : memref<10240x128xf32, #tpu.memory_space<vmem_shared>>) offsets(%dma_start3A_169 : memref<125xi32, #tpu.memory_space<vmem>>) semaphore(%run_scoped3A_163 : memref<!tpu.dma_semaphore, #tpu.memory_space<semaphore_mem>>) {add = true}
        %dma_wait3A_173 = arith.constant 0 : i32
        %dma_wait3A_174 = arith.constant 0 : i32
        %dma_wait3A_175 = tpu.memref_slice %arg10[%dma_wait3A_173, %dma_wait3A_174] : memref<128x128xf32, #tpu.memory_space<vmem>> -> memref<125x128xf32, #tpu.memory_space<vmem>>
        %dma_wait3A_176 = arith.constant 0 : i32
        %dma_wait3A_177 = tpu.memref_slice %arg9[%run_scoped3A, %dma_wait3A_176] : memref<40x125xi32, #tpu.memory_space<vmem>> -> memref<1x125xi32, #tpu.memory_space<vmem>>
        %dma_wait3A_178 = tpu.memref_squeeze %dma_wait3A_177 : memref<1x125xi32, #tpu.memory_space<vmem>> -> memref<125xi32, #tpu.memory_space<vmem>>
        %dma_wait3A_179 = arith.constant 0 : i32
        %dma_wait3A_180 = arith.constant 0 : i32
        %dma_wait3A_181 = tpu.memref_slice %arg12[%dma_wait3A_179, %dma_wait3A_180] : memref<10240x128xf32, #tpu.memory_space<vmem_shared>> -> memref<10240x128xf32, #tpu.memory_space<vmem_shared>>
        tpu.wait_indirect_dma semaphore(%run_scoped3A_163 : memref<!tpu.dma_semaphore, #tpu.memory_space<semaphore_mem>>) src(%dma_wait3A_175 : memref<125x128xf32, #tpu.memory_space<vmem>>) dst(%dma_wait3A_181 : memref<10240x128xf32, #tpu.memory_space<vmem_shared>>)
        tpu.yield
      }) : () -> ()
      %dma_wait3A_104 = arith.constant 39 : i32
      %dma_wait3A_105 = arith.constant 0 : i32
      %dma_wait3A_106 = arith.constant 0 : i32
      %dma_wait3A_107 = tpu.memref_slice %arg11[%dma_wait3A_105, %dma_wait3A_106] : memref<125x128xf32, #tpu.memory_space<vmem>> -> memref<125x128xf32, #tpu.memory_space<vmem>>
      %dma_wait3A_108 = arith.constant 0 : i32
      %dma_wait3A_109 = tpu.memref_slice %arg8[%dma_wait3A_104, %dma_wait3A_108] : memref<40x125xi32, #tpu.memory_space<vmem>> -> memref<1x125xi32, #tpu.memory_space<vmem>>
      %dma_wait3A_110 = tpu.memref_squeeze %dma_wait3A_109 : memref<1x125xi32, #tpu.memory_space<vmem>> -> memref<125xi32, #tpu.memory_space<vmem>>
      %dma_wait3A_111 = arith.constant 0 : i32
      %dma_wait3A_112 = arith.constant 0 : i32
      %dma_wait3A_113 = tpu.memref_slice %arg3[%dma_wait3A_111, %dma_wait3A_112] : memref<10000x128xf32, #tpu.memory_space<hbm>> -> memref<10000x128xf32, #tpu.memory_space<hbm>>
      tpu.wait_indirect_dma semaphore(%arg14 : memref<!tpu.dma_semaphore, #tpu.memory_space<semaphore_mem>>) src(%dma_wait3A_113 : memref<10000x128xf32, #tpu.memory_space<hbm>>) dst(%dma_wait3A_107 : memref<125x128xf32, #tpu.memory_space<vmem>>)
      %run_scoped3A_114 = arith.constant 39 : i32
      "tpu.region"() ({
        %run_scoped3A_163 = tpu.sem_alloc : memref<!tpu.dma_semaphore, #tpu.memory_space<semaphore_mem>>
        %dma_start3A_164 = arith.constant 0 : i32
        %dma_start3A_165 = arith.constant 0 : i32
        %dma_start3A_166 = tpu.memref_slice %arg11[%dma_start3A_164, %dma_start3A_165] : memref<125x128xf32, #tpu.memory_space<vmem>> -> memref<125x128xf32, #tpu.memory_space<vmem>>
        %dma_start3A_167 = arith.constant 0 : i32
        %dma_start3A_168 = tpu.memref_slice %arg9[%run_scoped3A_114, %dma_start3A_167] : memref<40x125xi32, #tpu.memory_space<vmem>> -> memref<1x125xi32, #tpu.memory_space<vmem>>
        %dma_start3A_169 = tpu.memref_squeeze %dma_start3A_168 : memref<1x125xi32, #tpu.memory_space<vmem>> -> memref<125xi32, #tpu.memory_space<vmem>>
        %dma_start3A_170 = arith.constant 0 : i32
        %dma_start3A_171 = arith.constant 0 : i32
        %dma_start3A_172 = tpu.memref_slice %arg12[%dma_start3A_170, %dma_start3A_171] : memref<10240x128xf32, #tpu.memory_space<vmem_shared>> -> memref<10240x128xf32, #tpu.memory_space<vmem_shared>>
        tpu.enqueue_indirect_dma source(%dma_start3A_166 : memref<125x128xf32, #tpu.memory_space<vmem>>) target(%dma_start3A_172 : memref<10240x128xf32, #tpu.memory_space<vmem_shared>>) offsets(%dma_start3A_169 : memref<125xi32, #tpu.memory_space<vmem>>) semaphore(%run_scoped3A_163 : memref<!tpu.dma_semaphore, #tpu.memory_space<semaphore_mem>>) {add = true}
        %dma_wait3A_173 = arith.constant 0 : i32
        %dma_wait3A_174 = arith.constant 0 : i32
        %dma_wait3A_175 = tpu.memref_slice %arg11[%dma_wait3A_173, %dma_wait3A_174] : memref<125x128xf32, #tpu.memory_space<vmem>> -> memref<125x128xf32, #tpu.memory_space<vmem>>
        %dma_wait3A_176 = arith.constant 0 : i32
        %dma_wait3A_177 = tpu.memref_slice %arg9[%run_scoped3A_114, %dma_wait3A_176] : memref<40x125xi32, #tpu.memory_space<vmem>> -> memref<1x125xi32, #tpu.memory_space<vmem>>
        %dma_wait3A_178 = tpu.memref_squeeze %dma_wait3A_177 : memref<1x125xi32, #tpu.memory_space<vmem>> -> memref<125xi32, #tpu.memory_space<vmem>>
        %dma_wait3A_179 = arith.constant 0 : i32
        %dma_wait3A_180 = arith.constant 0 : i32
        %dma_wait3A_181 = tpu.memref_slice %arg12[%dma_wait3A_179, %dma_wait3A_180] : memref<10240x128xf32, #tpu.memory_space<vmem_shared>> -> memref<10240x128xf32, #tpu.memory_space<vmem_shared>>
        tpu.wait_indirect_dma semaphore(%run_scoped3A_163 : memref<!tpu.dma_semaphore, #tpu.memory_space<semaphore_mem>>) src(%dma_wait3A_175 : memref<125x128xf32, #tpu.memory_space<vmem>>) dst(%dma_wait3A_181 : memref<10240x128xf32, #tpu.memory_space<vmem_shared>>)
        tpu.yield
      }) : () -> ()
      "tpu.region"() ({
        %run_scoped3A_163 = tpu.sem_alloc : memref<!tpu.dma_semaphore, #tpu.memory_space<semaphore_mem>>
        %dma_start3A_164 = arith.constant 40 : i32
        %dma_start3A_165 = arith.constant 0 : i32
        %dma_start3A_166 = tpu.memref_slice %arg4[%arg1, %dma_start3A_164, %dma_start3A_165] : memref<16x80x125xi32, #tpu.memory_space<hbm>> -> memref<1x40x125xi32, #tpu.memory_space<hbm>>
        %dma_start3A_167 = tpu.memref_squeeze %dma_start3A_166 : memref<1x40x125xi32, #tpu.memory_space<hbm>> -> memref<40x125xi32, #tpu.memory_space<hbm>>
        %dma_start3A_168 = arith.constant 40 : i32
        %dma_start3A_169 = arith.constant 0 : i32
        %dma_start3A_170 = tpu.memref_slice %arg4[%arg1, %dma_start3A_168, %dma_start3A_169] : memref<16x80x125xi32, #tpu.memory_space<hbm>> -> memref<1x40x125xi32, #tpu.memory_space<hbm>>
        %dma_start3A_171 = tpu.memref_squeeze %dma_start3A_170 : memref<1x40x125xi32, #tpu.memory_space<hbm>> -> memref<40x125xi32, #tpu.memory_space<hbm>>
        tpu.enqueue_dma source(%dma_start3A_171 : memref<40x125xi32, #tpu.memory_space<hbm>>) target(%arg8 : memref<40x125xi32, #tpu.memory_space<vmem>>) target_semaphore(%run_scoped3A_163 : memref<!tpu.dma_semaphore, #tpu.memory_space<semaphore_mem>>)
        %dma_wait3A_172 = arith.constant 40 : i32
        %dma_wait3A_173 = arith.constant 0 : i32
        %dma_wait3A_174 = tpu.memref_slice %arg4[%arg1, %dma_wait3A_172, %dma_wait3A_173] : memref<16x80x125xi32, #tpu.memory_space<hbm>> -> memref<1x40x125xi32, #tpu.memory_space<hbm>>
        %dma_wait3A_175 = tpu.memref_squeeze %dma_wait3A_174 : memref<1x40x125xi32, #tpu.memory_space<hbm>> -> memref<40x125xi32, #tpu.memory_space<hbm>>
        %dma_wait3A_176 = arith.constant 40 : i32
        %dma_wait3A_177 = arith.constant 0 : i32
        %dma_wait3A_178 = tpu.memref_slice %arg4[%arg1, %dma_wait3A_176, %dma_wait3A_177] : memref<16x80x125xi32, #tpu.memory_space<hbm>> -> memref<1x40x125xi32, #tpu.memory_space<hbm>>
        %dma_wait3A_179 = tpu.memref_squeeze %dma_wait3A_178 : memref<1x40x125xi32, #tpu.memory_space<hbm>> -> memref<40x125xi32, #tpu.memory_space<hbm>>
        tpu.wait_dma2 semaphore(%run_scoped3A_163 : memref<!tpu.dma_semaphore, #tpu.memory_space<semaphore_mem>>) src(%dma_wait3A_179 : memref<40x125xi32, #tpu.memory_space<hbm>>) dst(%arg8 : memref<40x125xi32, #tpu.memory_space<vmem>>)
        tpu.yield
      }) : () -> ()
      "tpu.region"() ({
        %run_scoped3A_163 = tpu.sem_alloc : memref<!tpu.dma_semaphore, #tpu.memory_space<semaphore_mem>>
        %dma_start3A_164 = arith.constant 40 : i32
        %dma_start3A_165 = arith.constant 0 : i32
        %dma_start3A_166 = tpu.memref_slice %arg5[%arg1, %dma_start3A_164, %dma_start3A_165] : memref<16x80x125xi32, #tpu.memory_space<hbm>> -> memref<1x40x125xi32, #tpu.memory_space<hbm>>
        %dma_start3A_167 = tpu.memref_squeeze %dma_start3A_166 : memref<1x40x125xi32, #tpu.memory_space<hbm>> -> memref<40x125xi32, #tpu.memory_space<hbm>>
        %dma_start3A_168 = arith.constant 40 : i32
        %dma_start3A_169 = arith.constant 0 : i32
        %dma_start3A_170 = tpu.memref_slice %arg5[%arg1, %dma_start3A_168, %dma_start3A_169] : memref<16x80x125xi32, #tpu.memory_space<hbm>> -> memref<1x40x125xi32, #tpu.memory_space<hbm>>
        %dma_start3A_171 = tpu.memref_squeeze %dma_start3A_170 : memref<1x40x125xi32, #tpu.memory_space<hbm>> -> memref<40x125xi32, #tpu.memory_space<hbm>>
        tpu.enqueue_dma source(%dma_start3A_171 : memref<40x125xi32, #tpu.memory_space<hbm>>) target(%arg9 : memref<40x125xi32, #tpu.memory_space<vmem>>) target_semaphore(%run_scoped3A_163 : memref<!tpu.dma_semaphore, #tpu.memory_space<semaphore_mem>>)
        %dma_wait3A_172 = arith.constant 40 : i32
        %dma_wait3A_173 = arith.constant 0 : i32
        %dma_wait3A_174 = tpu.memref_slice %arg5[%arg1, %dma_wait3A_172, %dma_wait3A_173] : memref<16x80x125xi32, #tpu.memory_space<hbm>> -> memref<1x40x125xi32, #tpu.memory_space<hbm>>
        %dma_wait3A_175 = tpu.memref_squeeze %dma_wait3A_174 : memref<1x40x125xi32, #tpu.memory_space<hbm>> -> memref<40x125xi32, #tpu.memory_space<hbm>>
        %dma_wait3A_176 = arith.constant 40 : i32
        %dma_wait3A_177 = arith.constant 0 : i32
        %dma_wait3A_178 = tpu.memref_slice %arg5[%arg1, %dma_wait3A_176, %dma_wait3A_177] : memref<16x80x125xi32, #tpu.memory_space<hbm>> -> memref<1x40x125xi32, #tpu.memory_space<hbm>>
        %dma_wait3A_179 = tpu.memref_squeeze %dma_wait3A_178 : memref<1x40x125xi32, #tpu.memory_space<hbm>> -> memref<40x125xi32, #tpu.memory_space<hbm>>
        tpu.wait_dma2 semaphore(%run_scoped3A_163 : memref<!tpu.dma_semaphore, #tpu.memory_space<semaphore_mem>>) src(%dma_wait3A_179 : memref<40x125xi32, #tpu.memory_space<hbm>>) dst(%arg9 : memref<40x125xi32, #tpu.memory_space<vmem>>)
        tpu.yield
      }) : () -> ()
      %dma_start3A_115 = arith.constant 0 : i32
      %dma_start3A_116 = arith.constant 0 : i32
      %dma_start3A_117 = arith.constant 0 : i32
      %dma_start3A_118 = tpu.memref_slice %arg10[%dma_start3A_116, %dma_start3A_117] : memref<128x128xf32, #tpu.memory_space<vmem>> -> memref<125x128xf32, #tpu.memory_space<vmem>>
      %dma_start3A_119 = arith.constant 0 : i32
      %dma_start3A_120 = tpu.memref_slice %arg8[%dma_start3A_115, %dma_start3A_119] : memref<40x125xi32, #tpu.memory_space<vmem>> -> memref<1x125xi32, #tpu.memory_space<vmem>>
      %dma_start3A_121 = tpu.memref_squeeze %dma_start3A_120 : memref<1x125xi32, #tpu.memory_space<vmem>> -> memref<125xi32, #tpu.memory_space<vmem>>
      %dma_start3A_122 = arith.constant 0 : i32
      %dma_start3A_123 = arith.constant 0 : i32
      %dma_start3A_124 = tpu.memref_slice %arg3[%dma_start3A_122, %dma_start3A_123] : memref<10000x128xf32, #tpu.memory_space<hbm>> -> memref<10000x128xf32, #tpu.memory_space<hbm>>
      tpu.enqueue_indirect_dma source(%dma_start3A_124 : memref<10000x128xf32, #tpu.memory_space<hbm>>) target(%dma_start3A_118 : memref<125x128xf32, #tpu.memory_space<vmem>>) offsets(%dma_start3A_121 : memref<125xi32, #tpu.memory_space<vmem>>) semaphore(%arg13 : memref<!tpu.dma_semaphore, #tpu.memory_space<semaphore_mem>>)
      %dma_start3A_125 = arith.constant 1 : i32
      %dma_start3A_126 = arith.constant 0 : i32
      %dma_start3A_127 = arith.constant 0 : i32
      %dma_start3A_128 = tpu.memref_slice %arg11[%dma_start3A_126, %dma_start3A_127] : memref<125x128xf32, #tpu.memory_space<vmem>> -> memref<125x128xf32, #tpu.memory_space<vmem>>
      %dma_start3A_129 = arith.constant 0 : i32
      %dma_start3A_130 = tpu.memref_slice %arg8[%dma_start3A_125, %dma_start3A_129] : memref<40x125xi32, #tpu.memory_space<vmem>> -> memref<1x125xi32, #tpu.memory_space<vmem>>
      %dma_start3A_131 = tpu.memref_squeeze %dma_start3A_130 : memref<1x125xi32, #tpu.memory_space<vmem>> -> memref<125xi32, #tpu.memory_space<vmem>>
      %dma_start3A_132 = arith.constant 0 : i32
      %dma_start3A_133 = arith.constant 0 : i32
      %dma_start3A_134 = tpu.memref_slice %arg3[%dma_start3A_132, %dma_start3A_133] : memref<10000x128xf32, #tpu.memory_space<hbm>> -> memref<10000x128xf32, #tpu.memory_space<hbm>>
      tpu.enqueue_indirect_dma source(%dma_start3A_134 : memref<10000x128xf32, #tpu.memory_space<hbm>>) target(%dma_start3A_128 : memref<125x128xf32, #tpu.memory_space<vmem>>) offsets(%dma_start3A_131 : memref<125xi32, #tpu.memory_space<vmem>>) semaphore(%arg14 : memref<!tpu.dma_semaphore, #tpu.memory_space<semaphore_mem>>)
      %scan3A_135 = arith.constant 0 : i32
      %scan3A_136 = arith.constant 19 : i32
      %scan3A_137 = arith.addi %scan3A_135, %scan3A_136 : i32
      %scan3A_138 = arith.constant 1 : i32
      scf.for %scan3A_163 = %scan3A_135 to %scan3A_137 step %scan3A_138  : i32 {
        %mul3A_164 = arith.constant 2 : i32
        %mul3A_165 = arith.muli %mul3A_164, %scan3A_163 : i32
        %dma_wait3A_166 = arith.constant 0 : i32
        %dma_wait3A_167 = arith.constant 0 : i32
        %dma_wait3A_168 = tpu.memref_slice %arg10[%dma_wait3A_166, %dma_wait3A_167] : memref<128x128xf32, #tpu.memory_space<vmem>> -> memref<125x128xf32, #tpu.memory_space<vmem>>
        %dma_wait3A_169 = arith.constant 0 : i32
        %dma_wait3A_170 = tpu.memref_slice %arg8[%mul3A_165, %dma_wait3A_169] : memref<40x125xi32, #tpu.memory_space<vmem>> -> memref<1x125xi32, #tpu.memory_space<vmem>>
        %dma_wait3A_171 = tpu.memref_squeeze %dma_wait3A_170 : memref<1x125xi32, #tpu.memory_space<vmem>> -> memref<125xi32, #tpu.memory_space<vmem>>
        %dma_wait3A_172 = arith.constant 0 : i32
        %dma_wait3A_173 = arith.constant 0 : i32
        %dma_wait3A_174 = tpu.memref_slice %arg3[%dma_wait3A_172, %dma_wait3A_173] : memref<10000x128xf32, #tpu.memory_space<hbm>> -> memref<10000x128xf32, #tpu.memory_space<hbm>>
        tpu.wait_indirect_dma semaphore(%arg13 : memref<!tpu.dma_semaphore, #tpu.memory_space<semaphore_mem>>) src(%dma_wait3A_174 : memref<10000x128xf32, #tpu.memory_space<hbm>>) dst(%dma_wait3A_168 : memref<125x128xf32, #tpu.memory_space<vmem>>)
        "tpu.region"() ({
          %run_scoped3A_210 = tpu.sem_alloc : memref<!tpu.dma_semaphore, #tpu.memory_space<semaphore_mem>>
          %dma_start3A_211 = arith.constant 0 : i32
          %dma_start3A_212 = arith.constant 0 : i32
          %dma_start3A_213 = tpu.memref_slice %arg10[%dma_start3A_211, %dma_start3A_212] : memref<128x128xf32, #tpu.memory_space<vmem>> -> memref<125x128xf32, #tpu.memory_space<vmem>>
          %dma_start3A_214 = arith.constant 0 : i32
          %dma_start3A_215 = tpu.memref_slice %arg9[%mul3A_165, %dma_start3A_214] : memref<40x125xi32, #tpu.memory_space<vmem>> -> memref<1x125xi32, #tpu.memory_space<vmem>>
          %dma_start3A_216 = tpu.memref_squeeze %dma_start3A_215 : memref<1x125xi32, #tpu.memory_space<vmem>> -> memref<125xi32, #tpu.memory_space<vmem>>
          %dma_start3A_217 = arith.constant 0 : i32
          %dma_start3A_218 = arith.constant 0 : i32
          %dma_start3A_219 = tpu.memref_slice %arg12[%dma_start3A_217, %dma_start3A_218] : memref<10240x128xf32, #tpu.memory_space<vmem_shared>> -> memref<10240x128xf32, #tpu.memory_space<vmem_shared>>
          tpu.enqueue_indirect_dma source(%dma_start3A_213 : memref<125x128xf32, #tpu.memory_space<vmem>>) target(%dma_start3A_219 : memref<10240x128xf32, #tpu.memory_space<vmem_shared>>) offsets(%dma_start3A_216 : memref<125xi32, #tpu.memory_space<vmem>>) semaphore(%run_scoped3A_210 : memref<!tpu.dma_semaphore, #tpu.memory_space<semaphore_mem>>) {add = true}
          %dma_wait3A_220 = arith.constant 0 : i32
          %dma_wait3A_221 = arith.constant 0 : i32
          %dma_wait3A_222 = tpu.memref_slice %arg10[%dma_wait3A_220, %dma_wait3A_221] : memref<128x128xf32, #tpu.memory_space<vmem>> -> memref<125x128xf32, #tpu.memory_space<vmem>>
          %dma_wait3A_223 = arith.constant 0 : i32
          %dma_wait3A_224 = tpu.memref_slice %arg9[%mul3A_165, %dma_wait3A_223] : memref<40x125xi32, #tpu.memory_space<vmem>> -> memref<1x125xi32, #tpu.memory_space<vmem>>
          %dma_wait3A_225 = tpu.memref_squeeze %dma_wait3A_224 : memref<1x125xi32, #tpu.memory_space<vmem>> -> memref<125xi32, #tpu.memory_space<vmem>>
          %dma_wait3A_226 = arith.constant 0 : i32
          %dma_wait3A_227 = arith.constant 0 : i32
          %dma_wait3A_228 = tpu.memref_slice %arg12[%dma_wait3A_226, %dma_wait3A_227] : memref<10240x128xf32, #tpu.memory_space<vmem_shared>> -> memref<10240x128xf32, #tpu.memory_space<vmem_shared>>
          tpu.wait_indirect_dma semaphore(%run_scoped3A_210 : memref<!tpu.dma_semaphore, #tpu.memory_space<semaphore_mem>>) src(%dma_wait3A_222 : memref<125x128xf32, #tpu.memory_space<vmem>>) dst(%dma_wait3A_228 : memref<10240x128xf32, #tpu.memory_space<vmem_shared>>)
          tpu.yield
        }) : () -> ()
        %add3A_175 = arith.constant 2 : i32
        %add3A_176 = arith.addi %mul3A_165, %add3A_175 : i32
        %dma_start3A_177 = arith.constant 0 : i32
        %dma_start3A_178 = arith.constant 0 : i32
        %dma_start3A_179 = tpu.memref_slice %arg10[%dma_start3A_177, %dma_start3A_178] : memref<128x128xf32, #tpu.memory_space<vmem>> -> memref<125x128xf32, #tpu.memory_space<vmem>>
        %dma_start3A_180 = arith.constant 0 : i32
        %dma_start3A_181 = tpu.memref_slice %arg8[%add3A_176, %dma_start3A_180] : memref<40x125xi32, #tpu.memory_space<vmem>> -> memref<1x125xi32, #tpu.memory_space<vmem>>
        %dma_start3A_182 = tpu.memref_squeeze %dma_start3A_181 : memref<1x125xi32, #tpu.memory_space<vmem>> -> memref<125xi32, #tpu.memory_space<vmem>>
        %dma_start3A_183 = arith.constant 0 : i32
        %dma_start3A_184 = arith.constant 0 : i32
        %dma_start3A_185 = tpu.memref_slice %arg3[%dma_start3A_183, %dma_start3A_184] : memref<10000x128xf32, #tpu.memory_space<hbm>> -> memref<10000x128xf32, #tpu.memory_space<hbm>>
        tpu.enqueue_indirect_dma source(%dma_start3A_185 : memref<10000x128xf32, #tpu.memory_space<hbm>>) target(%dma_start3A_179 : memref<125x128xf32, #tpu.memory_space<vmem>>) offsets(%dma_start3A_182 : memref<125xi32, #tpu.memory_space<vmem>>) semaphore(%arg13 : memref<!tpu.dma_semaphore, #tpu.memory_space<semaphore_mem>>)
        %mul3A_186 = arith.constant 2 : i32
        %mul3A_187 = arith.muli %mul3A_186, %scan3A_163 : i32
        %add3A_188 = arith.constant 1 : i32
        %add3A_189 = arith.addi %mul3A_187, %add3A_188 : i32
        %dma_wait3A_190 = arith.constant 0 : i32
        %dma_wait3A_191 = arith.constant 0 : i32
        %dma_wait3A_192 = tpu.memref_slice %arg11[%dma_wait3A_190, %dma_wait3A_191] : memref<125x128xf32, #tpu.memory_space<vmem>> -> memref<125x128xf32, #tpu.memory_space<vmem>>
        %dma_wait3A_193 = arith.constant 0 : i32
        %dma_wait3A_194 = tpu.memref_slice %arg8[%add3A_189, %dma_wait3A_193] : memref<40x125xi32, #tpu.memory_space<vmem>> -> memref<1x125xi32, #tpu.memory_space<vmem>>
        %dma_wait3A_195 = tpu.memref_squeeze %dma_wait3A_194 : memref<1x125xi32, #tpu.memory_space<vmem>> -> memref<125xi32, #tpu.memory_space<vmem>>
        %dma_wait3A_196 = arith.constant 0 : i32
        %dma_wait3A_197 = arith.constant 0 : i32
        %dma_wait3A_198 = tpu.memref_slice %arg3[%dma_wait3A_196, %dma_wait3A_197] : memref<10000x128xf32, #tpu.memory_space<hbm>> -> memref<10000x128xf32, #tpu.memory_space<hbm>>
        tpu.wait_indirect_dma semaphore(%arg14 : memref<!tpu.dma_semaphore, #tpu.memory_space<semaphore_mem>>) src(%dma_wait3A_198 : memref<10000x128xf32, #tpu.memory_space<hbm>>) dst(%dma_wait3A_192 : memref<125x128xf32, #tpu.memory_space<vmem>>)
        "tpu.region"() ({
          %run_scoped3A_210 = tpu.sem_alloc : memref<!tpu.dma_semaphore, #tpu.memory_space<semaphore_mem>>
          %dma_start3A_211 = arith.constant 0 : i32
          %dma_start3A_212 = arith.constant 0 : i32
          %dma_start3A_213 = tpu.memref_slice %arg11[%dma_start3A_211, %dma_start3A_212] : memref<125x128xf32, #tpu.memory_space<vmem>> -> memref<125x128xf32, #tpu.memory_space<vmem>>
          %dma_start3A_214 = arith.constant 0 : i32
          %dma_start3A_215 = tpu.memref_slice %arg9[%add3A_189, %dma_start3A_214] : memref<40x125xi32, #tpu.memory_space<vmem>> -> memref<1x125xi32, #tpu.memory_space<vmem>>
          %dma_start3A_216 = tpu.memref_squeeze %dma_start3A_215 : memref<1x125xi32, #tpu.memory_space<vmem>> -> memref<125xi32, #tpu.memory_space<vmem>>
          %dma_start3A_217 = arith.constant 0 : i32
          %dma_start3A_218 = arith.constant 0 : i32
          %dma_start3A_219 = tpu.memref_slice %arg12[%dma_start3A_217, %dma_start3A_218] : memref<10240x128xf32, #tpu.memory_space<vmem_shared>> -> memref<10240x128xf32, #tpu.memory_space<vmem_shared>>
          tpu.enqueue_indirect_dma source(%dma_start3A_213 : memref<125x128xf32, #tpu.memory_space<vmem>>) target(%dma_start3A_219 : memref<10240x128xf32, #tpu.memory_space<vmem_shared>>) offsets(%dma_start3A_216 : memref<125xi32, #tpu.memory_space<vmem>>) semaphore(%run_scoped3A_210 : memref<!tpu.dma_semaphore, #tpu.memory_space<semaphore_mem>>) {add = true}
          %dma_wait3A_220 = arith.constant 0 : i32
          %dma_wait3A_221 = arith.constant 0 : i32
          %dma_wait3A_222 = tpu.memref_slice %arg11[%dma_wait3A_220, %dma_wait3A_221] : memref<125x128xf32, #tpu.memory_space<vmem>> -> memref<125x128xf32, #tpu.memory_space<vmem>>
          %dma_wait3A_223 = arith.constant 0 : i32
          %dma_wait3A_224 = tpu.memref_slice %arg9[%add3A_189, %dma_wait3A_223] : memref<40x125xi32, #tpu.memory_space<vmem>> -> memref<1x125xi32, #tpu.memory_space<vmem>>
          %dma_wait3A_225 = tpu.memref_squeeze %dma_wait3A_224 : memref<1x125xi32, #tpu.memory_space<vmem>> -> memref<125xi32, #tpu.memory_space<vmem>>
          %dma_wait3A_226 = arith.constant 0 : i32
          %dma_wait3A_227 = arith.constant 0 : i32
          %dma_wait3A_228 = tpu.memref_slice %arg12[%dma_wait3A_226, %dma_wait3A_227] : memref<10240x128xf32, #tpu.memory_space<vmem_shared>> -> memref<10240x128xf32, #tpu.memory_space<vmem_shared>>
          tpu.wait_indirect_dma semaphore(%run_scoped3A_210 : memref<!tpu.dma_semaphore, #tpu.memory_space<semaphore_mem>>) src(%dma_wait3A_222 : memref<125x128xf32, #tpu.memory_space<vmem>>) dst(%dma_wait3A_228 : memref<10240x128xf32, #tpu.memory_space<vmem_shared>>)
          tpu.yield
        }) : () -> ()
        %add3A_199 = arith.constant 2 : i32
        %add3A_200 = arith.addi %add3A_189, %add3A_199 : i32
        %dma_start3A_201 = arith.constant 0 : i32
        %dma_start3A_202 = arith.constant 0 : i32
        %dma_start3A_203 = tpu.memref_slice %arg11[%dma_start3A_201, %dma_start3A_202] : memref<125x128xf32, #tpu.memory_space<vmem>> -> memref<125x128xf32, #tpu.memory_space<vmem>>
        %dma_start3A_204 = arith.constant 0 : i32
        %dma_start3A_205 = tpu.memref_slice %arg8[%add3A_200, %dma_start3A_204] : memref<40x125xi32, #tpu.memory_space<vmem>> -> memref<1x125xi32, #tpu.memory_space<vmem>>
        %dma_start3A_206 = tpu.memref_squeeze %dma_start3A_205 : memref<1x125xi32, #tpu.memory_space<vmem>> -> memref<125xi32, #tpu.memory_space<vmem>>
        %dma_start3A_207 = arith.constant 0 : i32
        %dma_start3A_208 = arith.constant 0 : i32
        %dma_start3A_209 = tpu.memref_slice %arg3[%dma_start3A_207, %dma_start3A_208] : memref<10000x128xf32, #tpu.memory_space<hbm>> -> memref<10000x128xf32, #tpu.memory_space<hbm>>
        tpu.enqueue_indirect_dma source(%dma_start3A_209 : memref<10000x128xf32, #tpu.memory_space<hbm>>) target(%dma_start3A_203 : memref<125x128xf32, #tpu.memory_space<vmem>>) offsets(%dma_start3A_206 : memref<125xi32, #tpu.memory_space<vmem>>) semaphore(%arg14 : memref<!tpu.dma_semaphore, #tpu.memory_space<semaphore_mem>>)
      }
      %scan3A_139 = arith.constant 19 : i32
      %dma_wait3A_140 = arith.constant 38 : i32
      %dma_wait3A_141 = arith.constant 0 : i32
      %dma_wait3A_142 = arith.constant 0 : i32
      %dma_wait3A_143 = tpu.memref_slice %arg10[%dma_wait3A_141, %dma_wait3A_142] : memref<128x128xf32, #tpu.memory_space<vmem>> -> memref<125x128xf32, #tpu.memory_space<vmem>>
      %dma_wait3A_144 = arith.constant 0 : i32
      %dma_wait3A_145 = tpu.memref_slice %arg8[%dma_wait3A_140, %dma_wait3A_144] : memref<40x125xi32, #tpu.memory_space<vmem>> -> memref<1x125xi32, #tpu.memory_space<vmem>>
      %dma_wait3A_146 = tpu.memref_squeeze %dma_wait3A_145 : memref<1x125xi32, #tpu.memory_space<vmem>> -> memref<125xi32, #tpu.memory_space<vmem>>
      %dma_wait3A_147 = arith.constant 0 : i32
      %dma_wait3A_148 = arith.constant 0 : i32
      %dma_wait3A_149 = tpu.memref_slice %arg3[%dma_wait3A_147, %dma_wait3A_148] : memref<10000x128xf32, #tpu.memory_space<hbm>> -> memref<10000x128xf32, #tpu.memory_space<hbm>>
      tpu.wait_indirect_dma semaphore(%arg13 : memref<!tpu.dma_semaphore, #tpu.memory_space<semaphore_mem>>) src(%dma_wait3A_149 : memref<10000x128xf32, #tpu.memory_space<hbm>>) dst(%dma_wait3A_143 : memref<125x128xf32, #tpu.memory_space<vmem>>)
      %run_scoped3A_150 = arith.constant 38 : i32
      "tpu.region"() ({
        %run_scoped3A_163 = tpu.sem_alloc : memref<!tpu.dma_semaphore, #tpu.memory_space<semaphore_mem>>
        %dma_start3A_164 = arith.constant 0 : i32
        %dma_start3A_165 = arith.constant 0 : i32
        %dma_start3A_166 = tpu.memref_slice %arg10[%dma_start3A_164, %dma_start3A_165] : memref<128x128xf32, #tpu.memory_space<vmem>> -> memref<125x128xf32, #tpu.memory_space<vmem>>
        %dma_start3A_167 = arith.constant 0 : i32
        %dma_start3A_168 = tpu.memref_slice %arg9[%run_scoped3A_150, %dma_start3A_167] : memref<40x125xi32, #tpu.memory_space<vmem>> -> memref<1x125xi32, #tpu.memory_space<vmem>>
        %dma_start3A_169 = tpu.memref_squeeze %dma_start3A_168 : memref<1x125xi32, #tpu.memory_space<vmem>> -> memref<125xi32, #tpu.memory_space<vmem>>
        %dma_start3A_170 = arith.constant 0 : i32
        %dma_start3A_171 = arith.constant 0 : i32
        %dma_start3A_172 = tpu.memref_slice %arg12[%dma_start3A_170, %dma_start3A_171] : memref<10240x128xf32, #tpu.memory_space<vmem_shared>> -> memref<10240x128xf32, #tpu.memory_space<vmem_shared>>
        tpu.enqueue_indirect_dma source(%dma_start3A_166 : memref<125x128xf32, #tpu.memory_space<vmem>>) target(%dma_start3A_172 : memref<10240x128xf32, #tpu.memory_space<vmem_shared>>) offsets(%dma_start3A_169 : memref<125xi32, #tpu.memory_space<vmem>>) semaphore(%run_scoped3A_163 : memref<!tpu.dma_semaphore, #tpu.memory_space<semaphore_mem>>) {add = true}
        %dma_wait3A_173 = arith.constant 0 : i32
        %dma_wait3A_174 = arith.constant 0 : i32
        %dma_wait3A_175 = tpu.memref_slice %arg10[%dma_wait3A_173, %dma_wait3A_174] : memref<128x128xf32, #tpu.memory_space<vmem>> -> memref<125x128xf32, #tpu.memory_space<vmem>>
        %dma_wait3A_176 = arith.constant 0 : i32
        %dma_wait3A_177 = tpu.memref_slice %arg9[%run_scoped3A_150, %dma_wait3A_176] : memref<40x125xi32, #tpu.memory_space<vmem>> -> memref<1x125xi32, #tpu.memory_space<vmem>>
        %dma_wait3A_178 = tpu.memref_squeeze %dma_wait3A_177 : memref<1x125xi32, #tpu.memory_space<vmem>> -> memref<125xi32, #tpu.memory_space<vmem>>
        %dma_wait3A_179 = arith.constant 0 : i32
        %dma_wait3A_180 = arith.constant 0 : i32
        %dma_wait3A_181 = tpu.memref_slice %arg12[%dma_wait3A_179, %dma_wait3A_180] : memref<10240x128xf32, #tpu.memory_space<vmem_shared>> -> memref<10240x128xf32, #tpu.memory_space<vmem_shared>>
        tpu.wait_indirect_dma semaphore(%run_scoped3A_163 : memref<!tpu.dma_semaphore, #tpu.memory_space<semaphore_mem>>) src(%dma_wait3A_175 : memref<125x128xf32, #tpu.memory_space<vmem>>) dst(%dma_wait3A_181 : memref<10240x128xf32, #tpu.memory_space<vmem_shared>>)
        tpu.yield
      }) : () -> ()
      %dma_wait3A_151 = arith.constant 39 : i32
      %dma_wait3A_152 = arith.constant 0 : i32
      %dma_wait3A_153 = arith.constant 0 : i32
      %dma_wait3A_154 = tpu.memref_slice %arg11[%dma_wait3A_152, %dma_wait3A_153] : memref<125x128xf32, #tpu.memory_space<vmem>> -> memref<125x128xf32, #tpu.memory_space<vmem>>
      %dma_wait3A_155 = arith.constant 0 : i32
      %dma_wait3A_156 = tpu.memref_slice %arg8[%dma_wait3A_151, %dma_wait3A_155] : memref<40x125xi32, #tpu.memory_space<vmem>> -> memref<1x125xi32, #tpu.memory_space<vmem>>
      %dma_wait3A_157 = tpu.memref_squeeze %dma_wait3A_156 : memref<1x125xi32, #tpu.memory_space<vmem>> -> memref<125xi32, #tpu.memory_space<vmem>>
      %dma_wait3A_158 = arith.constant 0 : i32
      %dma_wait3A_159 = arith.constant 0 : i32
      %dma_wait3A_160 = tpu.memref_slice %arg3[%dma_wait3A_158, %dma_wait3A_159] : memref<10000x128xf32, #tpu.memory_space<hbm>> -> memref<10000x128xf32, #tpu.memory_space<hbm>>
      tpu.wait_indirect_dma semaphore(%arg14 : memref<!tpu.dma_semaphore, #tpu.memory_space<semaphore_mem>>) src(%dma_wait3A_160 : memref<10000x128xf32, #tpu.memory_space<hbm>>) dst(%dma_wait3A_154 : memref<125x128xf32, #tpu.memory_space<vmem>>)
      %run_scoped3A_161 = arith.constant 39 : i32
      "tpu.region"() ({
        %run_scoped3A_163 = tpu.sem_alloc : memref<!tpu.dma_semaphore, #tpu.memory_space<semaphore_mem>>
        %dma_start3A_164 = arith.constant 0 : i32
        %dma_start3A_165 = arith.constant 0 : i32
        %dma_start3A_166 = tpu.memref_slice %arg11[%dma_start3A_164, %dma_start3A_165] : memref<125x128xf32, #tpu.memory_space<vmem>> -> memref<125x128xf32, #tpu.memory_space<vmem>>
        %dma_start3A_167 = arith.constant 0 : i32
        %dma_start3A_168 = tpu.memref_slice %arg9[%run_scoped3A_161, %dma_start3A_167] : memref<40x125xi32, #tpu.memory_space<vmem>> -> memref<1x125xi32, #tpu.memory_space<vmem>>
        %dma_start3A_169 = tpu.memref_squeeze %dma_start3A_168 : memref<1x125xi32, #tpu.memory_space<vmem>> -> memref<125xi32, #tpu.memory_space<vmem>>
        %dma_start3A_170 = arith.constant 0 : i32
        %dma_start3A_171 = arith.constant 0 : i32
        %dma_start3A_172 = tpu.memref_slice %arg12[%dma_start3A_170, %dma_start3A_171] : memref<10240x128xf32, #tpu.memory_space<vmem_shared>> -> memref<10240x128xf32, #tpu.memory_space<vmem_shared>>
        tpu.enqueue_indirect_dma source(%dma_start3A_166 : memref<125x128xf32, #tpu.memory_space<vmem>>) target(%dma_start3A_172 : memref<10240x128xf32, #tpu.memory_space<vmem_shared>>) offsets(%dma_start3A_169 : memref<125xi32, #tpu.memory_space<vmem>>) semaphore(%run_scoped3A_163 : memref<!tpu.dma_semaphore, #tpu.memory_space<semaphore_mem>>) {add = true}
        %dma_wait3A_173 = arith.constant 0 : i32
        %dma_wait3A_174 = arith.constant 0 : i32
        %dma_wait3A_175 = tpu.memref_slice %arg11[%dma_wait3A_173, %dma_wait3A_174] : memref<125x128xf32, #tpu.memory_space<vmem>> -> memref<125x128xf32, #tpu.memory_space<vmem>>
        %dma_wait3A_176 = arith.constant 0 : i32
        %dma_wait3A_177 = tpu.memref_slice %arg9[%run_scoped3A_161, %dma_wait3A_176] : memref<40x125xi32, #tpu.memory_space<vmem>> -> memref<1x125xi32, #tpu.memory_space<vmem>>
        %dma_wait3A_178 = tpu.memref_squeeze %dma_wait3A_177 : memref<1x125xi32, #tpu.memory_space<vmem>> -> memref<125xi32, #tpu.memory_space<vmem>>
        %dma_wait3A_179 = arith.constant 0 : i32
        %dma_wait3A_180 = arith.constant 0 : i32
        %dma_wait3A_181 = tpu.memref_slice %arg12[%dma_wait3A_179, %dma_wait3A_180] : memref<10240x128xf32, #tpu.memory_space<vmem_shared>> -> memref<10240x128xf32, #tpu.memory_space<vmem_shared>>
        tpu.wait_indirect_dma semaphore(%run_scoped3A_163 : memref<!tpu.dma_semaphore, #tpu.memory_space<semaphore_mem>>) src(%dma_wait3A_175 : memref<125x128xf32, #tpu.memory_space<vmem>>) dst(%dma_wait3A_181 : memref<10240x128xf32, #tpu.memory_space<vmem_shared>>)
        tpu.yield
      }) : () -> ()
      %barrier3A_162 = arith.constant 0 : index
      tpu.barrier barrier_id(%barrier3A_162)
      "tpu.region"() ({
        %run_scoped3A_163 = tpu.sem_alloc : memref<!tpu.dma_semaphore, #tpu.memory_space<semaphore_mem>>
        %dma_start3A_164 = arith.constant 0 : i32
        %dma_start3A_165 = tpu.memref_slice %arg7[%mul3A_4, %dma_start3A_164] : memref<10240x128xf32, #tpu.memory_space<hbm>> -> memref<640x128xf32, #tpu.memory_space<hbm>>
        %dma_start3A_166 = arith.constant 0 : i32
        %dma_start3A_167 = tpu.memref_slice %arg12[%mul3A_4, %dma_start3A_166] : memref<10240x128xf32, #tpu.memory_space<vmem_shared>> -> memref<640x128xf32, #tpu.memory_space<vmem_shared>>
        tpu.enqueue_dma source(%dma_start3A_167 : memref<640x128xf32, #tpu.memory_space<vmem_shared>>) target(%dma_start3A_165 : memref<640x128xf32, #tpu.memory_space<hbm>>) target_semaphore(%run_scoped3A_163 : memref<!tpu.dma_semaphore, #tpu.memory_space<semaphore_mem>>)
        %dma_wait3A_168 = arith.constant 0 : i32
        %dma_wait3A_169 = tpu.memref_slice %arg7[%mul3A_4, %dma_wait3A_168] : memref<10240x128xf32, #tpu.memory_space<hbm>> -> memref<640x128xf32, #tpu.memory_space<hbm>>
        %dma_wait3A_170 = arith.constant 0 : i32
        %dma_wait3A_171 = tpu.memref_slice %arg12[%mul3A_4, %dma_wait3A_170] : memref<10240x128xf32, #tpu.memory_space<vmem_shared>> -> memref<640x128xf32, #tpu.memory_space<vmem_shared>>
        tpu.wait_dma2 semaphore(%run_scoped3A_163 : memref<!tpu.dma_semaphore, #tpu.memory_space<semaphore_mem>>) src(%dma_wait3A_171 : memref<640x128xf32, #tpu.memory_space<vmem_shared>>) dst(%dma_wait3A_169 : memref<640x128xf32, #tpu.memory_space<hbm>>)
        tpu.yield
      }) : () -> ()
    } else {
    }
    return
  }
}

module attributes {stable_mosaic.version = 14 : i64} {
  func.func @_dinv_body(%arg0: memref<2x10240xf32, #tpu.memory_space<vmem>>, %arg1: memref<1x10240xf32, #tpu.memory_space<vmem>>) attributes {dimension_semantics = [], scalar_prefetch = 0 : i64, scratch_operands = 0 : i64, tpu.core_type = #tpu.core_type<tc>} {
    %get3A = arith.constant 0 : index
    %get3A_0 = arith.constant 0 : index
    %get3A_1 = vector.load %arg0[%get3A, %get3A_0] : memref<2x10240xf32, #tpu.memory_space<vmem>>, vector<1x10240xf32>
    %get3A_2 = arith.constant 1 : index
    %get3A_3 = arith.constant 0 : index
    %get3A_4 = vector.load %arg0[%get3A_2, %get3A_3] : memref<2x10240xf32, #tpu.memory_space<vmem>>, vector<1x10240xf32>
    %add3A = arith.addf %get3A_1, %get3A_4 : vector<1x10240xf32>
    %add3A_5 = arith.constant 1.000000e+00 : f32
    %add3A_6 = vector.broadcast %add3A_5 : f32 to vector<1x10240xf32>
    %add3A_7 = arith.addf %add3A, %add3A_6 : vector<1x10240xf32>
    %rsqrt3A = math.rsqrt %add3A_7 : vector<1x10240xf32>
    %swap3A = arith.constant 0 : index
    %swap3A_8 = arith.constant 0 : index
    %swap3A_9 = vector.load %arg1[%swap3A, %swap3A_8] : memref<1x10240xf32, #tpu.memory_space<vmem>>, vector<1x10240xf32>
    tpu.vector_store %arg1[%swap3A, %swap3A_8], %rsqrt3A {strides = array<i32>} : memref<1x10240xf32, #tpu.memory_space<vmem>>, vector<1x10240xf32>,
    return
  }
}

module attributes {stable_mosaic.version = 14 : i64} {
  func.func @_mm1_body(%arg0: i32, %arg1: memref<5000x256xf32, #tpu.memory_space<vmem>>, %arg2: memref<256x256xf32, #tpu.memory_space<vmem>>, %arg3: memref<5000x1xf32, #tpu.memory_space<vmem>>, %arg4: memref<5000x128xf32, #tpu.memory_space<vmem>>, %arg5: memref<5000x128xf32, #tpu.memory_space<vmem>>) attributes {dimension_semantics = [#tpu.dimension_semantics<arbitrary>], iteration_bounds = array<i64: 2>, scalar_prefetch = 0 : i64, scratch_operands = 0 : i64, tpu.core_type = #tpu.core_type<tc>, window_params = [{transform_indices = @transform_0, window_bounds = array<i64: 5000, 256>}, {pipeline_mode = #tpu.pipeline_mode<synchronous>, transform_indices = @transform_1, window_bounds = array<i64: 256, 256>}, {transform_indices = @transform_2, window_bounds = array<i64: 5000, 1>}, {transform_indices = @transform_3, window_bounds = array<i64: 5000, 128>}, {transform_indices = @transform_4, window_bounds = array<i64: 5000, 128>}]} {
    %get3A = arith.constant 0 : index
    %get3A_0 = arith.constant 0 : index
    %get3A_1 = vector.load %arg1[%get3A, %get3A_0] : memref<5000x256xf32, #tpu.memory_space<vmem>>, vector<5000x256xf32>
    %get3A_2 = arith.constant 0 : index
    %get3A_3 = arith.constant 0 : index
    %get3A_4 = vector.load %arg2[%get3A_2, %get3A_3] : memref<256x256xf32, #tpu.memory_space<vmem>>, vector<256x256xf32>
    %dot_general3A = arith.constant dense<0.000000e+00> : vector<5000x256xf32>
    %dot_general3A_5 = tpu.matmul %get3A_1, %get3A_4, %dot_general3A {dimension_numbers = #tpu.dot_dimension_numbers<[1], [0], [0], [1], [0, 0, 1, 1], [], []>, transpose_lhs_hint = false} : vector<5000x256xf32>, vector<256x256xf32>, vector<5000x256xf32> -> vector<5000x256xf32>
    %get3A_6 = arith.constant 0 : index
    %get3A_7 = arith.constant 0 : index
    %get3A_8 = vector.load %arg3[%get3A_6, %get3A_7] : memref<5000x1xf32, #tpu.memory_space<vmem>>, vector<5000x1xf32>
    %mul3A = vector.broadcast %get3A_8 : vector<5000x1xf32> to vector<5000x256xf32>
    %mul3A_9 = arith.mulf %dot_general3A_5, %mul3A : vector<5000x256xf32>
    %slice3A = vector.extract_strided_slice %mul3A_9 {offsets = [0, 0], sizes = [5000, 128], strides = [1, 1]} : vector<5000x256xf32> to vector<5000x128xf32>
    %swap3A = arith.constant 0 : index
    %swap3A_10 = arith.constant 0 : index
    %swap3A_11 = vector.load %arg4[%swap3A, %swap3A_10] : memref<5000x128xf32, #tpu.memory_space<vmem>>, vector<5000x128xf32>
    tpu.vector_store %arg4[%swap3A, %swap3A_10], %slice3A {strides = array<i32>} : memref<5000x128xf32, #tpu.memory_space<vmem>>, vector<5000x128xf32>,
    %slice3A_12 = vector.extract_strided_slice %mul3A_9 {offsets = [0, 128], sizes = [5000, 128], strides = [1, 1]} : vector<5000x256xf32> to vector<5000x128xf32>
    %swap3A_13 = arith.constant 0 : index
    %swap3A_14 = arith.constant 0 : index
    %swap3A_15 = vector.load %arg5[%swap3A_13, %swap3A_14] : memref<5000x128xf32, #tpu.memory_space<vmem>>, vector<5000x128xf32>
    tpu.vector_store %arg5[%swap3A_13, %swap3A_14], %slice3A_12 {strides = array<i32>} : memref<5000x128xf32, #tpu.memory_space<vmem>>, vector<5000x128xf32>,
    return
  }
  func.func @transform_0(%arg0: i32) -> (i32, i32) {
    %c0_i32 = arith.constant 0 : i32
    %c0_i32_0 = arith.constant 0 : i32
    return %arg0, %c0_i32 : i32, i32
  }
  func.func @transform_1(%arg0: i32) -> (i32, i32) {
    %c0_i32 = arith.constant 0 : i32
    %c0_i32_0 = arith.constant 0 : i32
    %c0_i32_1 = arith.constant 0 : i32
    return %c0_i32, %c0_i32_0 : i32, i32
  }
  func.func @transform_2(%arg0: i32) -> (i32, i32) {
    %c0_i32 = arith.constant 0 : i32
    %c0_i32_0 = arith.constant 0 : i32
    return %arg0, %c0_i32 : i32, i32
  }
  func.func @transform_3(%arg0: i32) -> (i32, i32) {
    %c0_i32 = arith.constant 0 : i32
    %c0_i32_0 = arith.constant 0 : i32
    return %arg0, %c0_i32 : i32, i32
  }
  func.func @transform_4(%arg0: i32) -> (i32, i32) {
    %c0_i32 = arith.constant 0 : i32
    %c0_i32_0 = arith.constant 0 : i32
    return %arg0, %c0_i32 : i32, i32
  }
}

module attributes {stable_mosaic.version = 14 : i64} {
  func.func @_combine_body(%arg0: i32, %arg1: memref<5000x128xf32, #tpu.memory_space<vmem>>, %arg2: memref<5000x128xf32, #tpu.memory_space<vmem>>, %arg3: memref<5000x128xf32, #tpu.memory_space<vmem>>, %arg4: memref<5000x128xf32, #tpu.memory_space<vmem>>, %arg5: memref<5000x1xf32, #tpu.memory_space<vmem>>, %arg6: memref<1x256xf32, #tpu.memory_space<vmem>>, %arg7: memref<5000x256xf32, #tpu.memory_space<vmem>>, %arg8: memref<2x256xf32, #tpu.memory_space<vmem>>) attributes {dimension_semantics = [#tpu.dimension_semantics<arbitrary>], iteration_bounds = array<i64: 2>, scalar_prefetch = 0 : i64, scratch_operands = 0 : i64, tpu.core_type = #tpu.core_type<tc>, window_params = [{transform_indices = @transform_0, window_bounds = array<i64: 5000, 128>}, {transform_indices = @transform_1, window_bounds = array<i64: 5000, 128>}, {transform_indices = @transform_2, window_bounds = array<i64: 5000, 128>}, {transform_indices = @transform_3, window_bounds = array<i64: 5000, 128>}, {transform_indices = @transform_4, window_bounds = array<i64: 5000, 1>}, {pipeline_mode = #tpu.pipeline_mode<synchronous>, transform_indices = @transform_5, window_bounds = array<i64: 1, 256>}, {transform_indices = @transform_6, window_bounds = array<i64: 5000, 256>}, {pipeline_mode = #tpu.pipeline_mode<synchronous>, transform_indices = @transform_7, window_bounds = array<i64: 2, 256>}]} {
    %get3A = arith.constant 0 : index
    %get3A_0 = arith.constant 0 : index
    %get3A_1 = vector.load %arg5[%get3A, %get3A_0] : memref<5000x1xf32, #tpu.memory_space<vmem>>, vector<5000x1xf32>
    %get3A_2 = arith.constant 0 : index
    %get3A_3 = arith.constant 0 : index
    %get3A_4 = vector.load %arg3[%get3A_2, %get3A_3] : memref<5000x128xf32, #tpu.memory_space<vmem>>, vector<5000x128xf32>
    %get3A_5 = arith.constant 0 : index
    %get3A_6 = arith.constant 0 : index
    %get3A_7 = vector.load %arg1[%get3A_5, %get3A_6] : memref<5000x128xf32, #tpu.memory_space<vmem>>, vector<5000x128xf32>
    %add3A = arith.addf %get3A_4, %get3A_7 : vector<5000x128xf32>
    %mul3A = vector.broadcast %get3A_1 : vector<5000x1xf32> to vector<5000x128xf32>
    %mul3A_8 = arith.mulf %mul3A, %add3A : vector<5000x128xf32>
    %get3A_9 = arith.constant 0 : index
    %get3A_10 = arith.constant 0 : index
    %get3A_11 = vector.load %arg6[%get3A_9, %get3A_10] : memref<1x256xf32, #tpu.memory_space<vmem>>, vector<1x128xf32>
    %add3A_12 = vector.broadcast %get3A_11 : vector<1x128xf32> to vector<5000x128xf32>
    %add3A_13 = arith.addf %mul3A_8, %add3A_12 : vector<5000x128xf32>
    %get3A_14 = arith.constant 0 : index
    %get3A_15 = arith.constant 0 : index
    %get3A_16 = vector.load %arg4[%get3A_14, %get3A_15] : memref<5000x128xf32, #tpu.memory_space<vmem>>, vector<5000x128xf32>
    %get3A_17 = arith.constant 0 : index
    %get3A_18 = arith.constant 0 : index
    %get3A_19 = vector.load %arg2[%get3A_17, %get3A_18] : memref<5000x128xf32, #tpu.memory_space<vmem>>, vector<5000x128xf32>
    %add3A_20 = arith.addf %get3A_16, %get3A_19 : vector<5000x128xf32>
    %mul3A_21 = vector.broadcast %get3A_1 : vector<5000x1xf32> to vector<5000x128xf32>
    %mul3A_22 = arith.mulf %mul3A_21, %add3A_20 : vector<5000x128xf32>
    %get3A_23 = arith.constant 0 : index
    %get3A_24 = arith.constant 128 : index
    %get3A_25 = vector.load %arg6[%get3A_23, %get3A_24] : memref<1x256xf32, #tpu.memory_space<vmem>>, vector<1x128xf32>
    %add3A_26 = vector.broadcast %get3A_25 : vector<1x128xf32> to vector<5000x128xf32>
    %add3A_27 = arith.addf %mul3A_22, %add3A_26 : vector<5000x128xf32>
    %concatenate3A = tpu.concatenate %add3A_13, %add3A_27 in 1 : vector<5000x128xf32>, vector<5000x128xf32> -> vector<5000x256xf32>
    %swap3A = arith.constant 0 : index
    %swap3A_28 = arith.constant 0 : index
    %swap3A_29 = vector.load %arg7[%swap3A, %swap3A_28] : memref<5000x256xf32, #tpu.memory_space<vmem>>, vector<5000x256xf32>
    tpu.vector_store %arg7[%swap3A, %swap3A_28], %concatenate3A {strides = array<i32>} : memref<5000x256xf32, #tpu.memory_space<vmem>>, vector<5000x256xf32>,
    %eq3A = arith.constant 0 : i32
    %eq3A_30 = arith.cmpi eq, %arg0, %eq3A : i32
    %convert_element_type3A = arith.extui %eq3A_30 : i1 to i32
    %cond3A = arith.constant 0 : i32
    %cond3A_31 = arith.cmpi ne, %convert_element_type3A, %cond3A : i32
    scf.if %cond3A_31 {
      %broadcast_in_dim3A_45 = arith.constant 0.000000e+00 : f32
      %broadcast_in_dim3A_46 = vector.broadcast %broadcast_in_dim3A_45 : f32 to vector<2x256xf32>
      %swap3A_47 = arith.constant 0 : index
      %swap3A_48 = arith.constant 0 : index
      %swap3A_49 = vector.load %arg8[%swap3A_47, %swap3A_48] : memref<2x256xf32, #tpu.memory_space<vmem>>, vector<2x256xf32>
      tpu.vector_store %arg8[%swap3A_47, %swap3A_48], %broadcast_in_dim3A_46 {strides = array<i32>} : memref<2x256xf32, #tpu.memory_space<vmem>>, vector<2x256xf32>,
    } else {
    }
    %get3A_32 = arith.constant 0 : index
    %get3A_33 = arith.constant 0 : index
    %get3A_34 = vector.load %arg8[%get3A_32, %get3A_33] : memref<2x256xf32, #tpu.memory_space<vmem>>, vector<2x256xf32>
    %reduce_sum3A = arith.constant dense<0.000000e+00> : vector<256xf32>
    %reduce_sum3A_35 = vector.multi_reduction <add>, %concatenate3A, %reduce_sum3A [0] : vector<5000x256xf32> to vector<256xf32>
    %broadcast_in_dim3A = vector.shape_cast %reduce_sum3A_35 : vector<256xf32> to vector<1x256xf32>
    %mul3A_36 = arith.mulf %concatenate3A, %concatenate3A : vector<5000x256xf32>
    %reduce_sum3A_37 = arith.constant dense<0.000000e+00> : vector<256xf32>
    %reduce_sum3A_38 = vector.multi_reduction <add>, %mul3A_36, %reduce_sum3A_37 [0] : vector<5000x256xf32> to vector<256xf32>
    %broadcast_in_dim3A_39 = vector.shape_cast %reduce_sum3A_38 : vector<256xf32> to vector<1x256xf32>
    %concatenate3A_40 = tpu.concatenate %broadcast_in_dim3A, %broadcast_in_dim3A_39 in 0 : vector<1x256xf32>, vector<1x256xf32> -> vector<2x256xf32>
    %add3A_41 = arith.addf %get3A_34, %concatenate3A_40 : vector<2x256xf32>
    %swap3A_42 = arith.constant 0 : index
    %swap3A_43 = arith.constant 0 : index
    %swap3A_44 = vector.load %arg8[%swap3A_42, %swap3A_43] : memref<2x256xf32, #tpu.memory_space<vmem>>, vector<2x256xf32>
    tpu.vector_store %arg8[%swap3A_42, %swap3A_43], %add3A_41 {strides = array<i32>} : memref<2x256xf32, #tpu.memory_space<vmem>>, vector<2x256xf32>,
    return
  }
  func.func @transform_0(%arg0: i32) -> (i32, i32) {
    %c0_i32 = arith.constant 0 : i32
    %c0_i32_0 = arith.constant 0 : i32
    return %arg0, %c0_i32 : i32, i32
  }
  func.func @transform_1(%arg0: i32) -> (i32, i32) {
    %c0_i32 = arith.constant 0 : i32
    %c0_i32_0 = arith.constant 0 : i32
    return %arg0, %c0_i32 : i32, i32
  }
  func.func @transform_2(%arg0: i32) -> (i32, i32) {
    %c0_i32 = arith.constant 0 : i32
    %c0_i32_0 = arith.constant 0 : i32
    return %arg0, %c0_i32 : i32, i32
  }
  func.func @transform_3(%arg0: i32) -> (i32, i32) {
    %c0_i32 = arith.constant 0 : i32
    %c0_i32_0 = arith.constant 0 : i32
    return %arg0, %c0_i32 : i32, i32
  }
  func.func @transform_4(%arg0: i32) -> (i32, i32) {
    %c0_i32 = arith.constant 0 : i32
    %c0_i32_0 = arith.constant 0 : i32
    return %arg0, %c0_i32 : i32, i32
  }
  func.func @transform_5(%arg0: i32) -> (i32, i32) {
    %c0_i32 = arith.constant 0 : i32
    %c0_i32_0 = arith.constant 0 : i32
    %c0_i32_1 = arith.constant 0 : i32
    return %c0_i32, %c0_i32_0 : i32, i32
  }
  func.func @transform_6(%arg0: i32) -> (i32, i32) {
    %c0_i32 = arith.constant 0 : i32
    %c0_i32_0 = arith.constant 0 : i32
    return %arg0, %c0_i32 : i32, i32
  }
  func.func @transform_7(%arg0: i32) -> (i32, i32) {
    %c0_i32 = arith.constant 0 : i32
    %c0_i32_0 = arith.constant 0 : i32
    %c0_i32_1 = arith.constant 0 : i32
    return %c0_i32, %c0_i32_0 : i32, i32
  }
}

module attributes {stable_mosaic.version = 14 : i64} {
  func.func @_mm_norm_body(%arg0: i32, %arg1: memref<5000x256xf32, #tpu.memory_space<vmem>>, %arg2: memref<2x256xf32, #tpu.memory_space<vmem>>, %arg3: memref<1x256xf32, #tpu.memory_space<vmem>>, %arg4: memref<1x256xf32, #tpu.memory_space<vmem>>, %arg5: memref<256x256xf32, #tpu.memory_space<vmem>>, %arg6: memref<5000x1xf32, #tpu.memory_space<vmem>>, %arg7: memref<5000x128xf32, #tpu.memory_space<vmem>>, %arg8: memref<5000x128xf32, #tpu.memory_space<vmem>>) attributes {dimension_semantics = [#tpu.dimension_semantics<arbitrary>], iteration_bounds = array<i64: 2>, scalar_prefetch = 0 : i64, scratch_operands = 0 : i64, tpu.core_type = #tpu.core_type<tc>, window_params = [{transform_indices = @transform_0, window_bounds = array<i64: 5000, 256>}, {pipeline_mode = #tpu.pipeline_mode<synchronous>, transform_indices = @transform_1, window_bounds = array<i64: 2, 256>}, {pipeline_mode = #tpu.pipeline_mode<synchronous>, transform_indices = @transform_2, window_bounds = array<i64: 1, 256>}, {pipeline_mode = #tpu.pipeline_mode<synchronous>, transform_indices = @transform_3, window_bounds = array<i64: 1, 256>}, {pipeline_mode = #tpu.pipeline_mode<synchronous>, transform_indices = @transform_4, window_bounds = array<i64: 256, 256>}, {transform_indices = @transform_5, window_bounds = array<i64: 5000, 1>}, {transform_indices = @transform_6, window_bounds = array<i64: 5000, 128>}, {transform_indices = @transform_7, window_bounds = array<i64: 5000, 128>}]} {
    %get3A = arith.constant 0 : index
    %get3A_0 = arith.constant 0 : index
    %get3A_1 = vector.load %arg2[%get3A, %get3A_0] : memref<2x256xf32, #tpu.memory_space<vmem>>, vector<1x256xf32>
    %mul3A = arith.constant 9.99999974E-5 : f32
    %mul3A_2 = vector.broadcast %mul3A : f32 to vector<1x256xf32>
    %mul3A_3 = arith.mulf %get3A_1, %mul3A_2 : vector<1x256xf32>
    %get3A_4 = arith.constant 1 : index
    %get3A_5 = arith.constant 0 : index
    %get3A_6 = vector.load %arg2[%get3A_4, %get3A_5] : memref<2x256xf32, #tpu.memory_space<vmem>>, vector<1x256xf32>
    %mul3A_7 = arith.constant 9.99999974E-5 : f32
    %mul3A_8 = vector.broadcast %mul3A_7 : f32 to vector<1x256xf32>
    %mul3A_9 = arith.mulf %get3A_6, %mul3A_8 : vector<1x256xf32>
    %mul3A_10 = arith.mulf %mul3A_3, %mul3A_3 : vector<1x256xf32>
    %sub3A = arith.subf %mul3A_9, %mul3A_10 : vector<1x256xf32>
    %get3A_11 = arith.constant 0 : index
    %get3A_12 = arith.constant 0 : index
    %get3A_13 = vector.load %arg3[%get3A_11, %get3A_12] : memref<1x256xf32, #tpu.memory_space<vmem>>, vector<1x256xf32>
    %add3A = arith.constant 9.99999974E-6 : f32
    %add3A_14 = vector.broadcast %add3A : f32 to vector<1x256xf32>
    %add3A_15 = arith.addf %sub3A, %add3A_14 : vector<1x256xf32>
    %rsqrt3A = math.rsqrt %add3A_15 : vector<1x256xf32>
    %mul3A_16 = arith.mulf %get3A_13, %rsqrt3A : vector<1x256xf32>
    %get3A_17 = arith.constant 0 : index
    %get3A_18 = arith.constant 0 : index
    %get3A_19 = vector.load %arg4[%get3A_17, %get3A_18] : memref<1x256xf32, #tpu.memory_space<vmem>>, vector<1x256xf32>
    %mul3A_20 = arith.mulf %mul3A_3, %mul3A_16 : vector<1x256xf32>
    %sub3A_21 = arith.subf %get3A_19, %mul3A_20 : vector<1x256xf32>
    %get3A_22 = arith.constant 0 : index
    %get3A_23 = arith.constant 0 : index
    %get3A_24 = vector.load %arg1[%get3A_22, %get3A_23] : memref<5000x256xf32, #tpu.memory_space<vmem>>, vector<5000x256xf32>
    %mul3A_25 = vector.broadcast %mul3A_16 : vector<1x256xf32> to vector<5000x256xf32>
    %mul3A_26 = arith.mulf %get3A_24, %mul3A_25 : vector<5000x256xf32>
    %add3A_27 = vector.broadcast %sub3A_21 : vector<1x256xf32> to vector<5000x256xf32>
    %add3A_28 = arith.addf %mul3A_26, %add3A_27 : vector<5000x256xf32>
    %max3A = arith.constant 0.000000e+00 : f32
    %max3A_29 = vector.broadcast %max3A : f32 to vector<5000x256xf32>
    %max3A_30 = arith.maximumf %add3A_28, %max3A_29 : vector<5000x256xf32>
    %get3A_31 = arith.constant 0 : index
    %get3A_32 = arith.constant 0 : index
    %get3A_33 = vector.load %arg5[%get3A_31, %get3A_32] : memref<256x256xf32, #tpu.memory_space<vmem>>, vector<256x256xf32>
    %dot_general3A = arith.constant dense<0.000000e+00> : vector<5000x256xf32>
    %dot_general3A_34 = tpu.matmul %max3A_30, %get3A_33, %dot_general3A {dimension_numbers = #tpu.dot_dimension_numbers<[1], [0], [0], [1], [0, 0, 1, 1], [], []>, transpose_lhs_hint = false} : vector<5000x256xf32>, vector<256x256xf32>, vector<5000x256xf32> -> vector<5000x256xf32>
    %get3A_35 = arith.constant 0 : index
    %get3A_36 = arith.constant 0 : index
    %get3A_37 = vector.load %arg6[%get3A_35, %get3A_36] : memref<5000x1xf32, #tpu.memory_space<vmem>>, vector<5000x1xf32>
    %mul3A_38 = vector.broadcast %get3A_37 : vector<5000x1xf32> to vector<5000x256xf32>
    %mul3A_39 = arith.mulf %dot_general3A_34, %mul3A_38 : vector<5000x256xf32>
    %slice3A = vector.extract_strided_slice %mul3A_39 {offsets = [0, 0], sizes = [5000, 128], strides = [1, 1]} : vector<5000x256xf32> to vector<5000x128xf32>
    %swap3A = arith.constant 0 : index
    %swap3A_40 = arith.constant 0 : index
    %swap3A_41 = vector.load %arg7[%swap3A, %swap3A_40] : memref<5000x128xf32, #tpu.memory_space<vmem>>, vector<5000x128xf32>
    tpu.vector_store %arg7[%swap3A, %swap3A_40], %slice3A {strides = array<i32>} : memref<5000x128xf32, #tpu.memory_space<vmem>>, vector<5000x128xf32>,
    %slice3A_42 = vector.extract_strided_slice %mul3A_39 {offsets = [0, 128], sizes = [5000, 128], strides = [1, 1]} : vector<5000x256xf32> to vector<5000x128xf32>
    %swap3A_43 = arith.constant 0 : index
    %swap3A_44 = arith.constant 0 : index
    %swap3A_45 = vector.load %arg8[%swap3A_43, %swap3A_44] : memref<5000x128xf32, #tpu.memory_space<vmem>>, vector<5000x128xf32>
    tpu.vector_store %arg8[%swap3A_43, %swap3A_44], %slice3A_42 {strides = array<i32>} : memref<5000x128xf32, #tpu.memory_space<vmem>>, vector<5000x128xf32>,
    return
  }
  func.func @transform_0(%arg0: i32) -> (i32, i32) {
    %c0_i32 = arith.constant 0 : i32
    %c0_i32_0 = arith.constant 0 : i32
    return %arg0, %c0_i32 : i32, i32
  }
  func.func @transform_1(%arg0: i32) -> (i32, i32) {
    %c0_i32 = arith.constant 0 : i32
    %c0_i32_0 = arith.constant 0 : i32
    %c0_i32_1 = arith.constant 0 : i32
    return %c0_i32, %c0_i32_0 : i32, i32
  }
  func.func @transform_2(%arg0: i32) -> (i32, i32) {
    %c0_i32 = arith.constant 0 : i32
    %c0_i32_0 = arith.constant 0 : i32
    %c0_i32_1 = arith.constant 0 : i32
    return %c0_i32, %c0_i32_0 : i32, i32
  }
  func.func @transform_3(%arg0: i32) -> (i32, i32) {
    %c0_i32 = arith.constant 0 : i32
    %c0_i32_0 = arith.constant 0 : i32
    %c0_i32_1 = arith.constant 0 : i32
    return %c0_i32, %c0_i32_0 : i32, i32
  }
  func.func @transform_4(%arg0: i32) -> (i32, i32) {
    %c0_i32 = arith.constant 0 : i32
    %c0_i32_0 = arith.constant 0 : i32
    %c0_i32_1 = arith.constant 0 : i32
    return %c0_i32, %c0_i32_0 : i32, i32
  }
  func.func @transform_5(%arg0: i32) -> (i32, i32) {
    %c0_i32 = arith.constant 0 : i32
    %c0_i32_0 = arith.constant 0 : i32
    return %arg0, %c0_i32 : i32, i32
  }
  func.func @transform_6(%arg0: i32) -> (i32, i32) {
    %c0_i32 = arith.constant 0 : i32
    %c0_i32_0 = arith.constant 0 : i32
    return %arg0, %c0_i32 : i32, i32
  }
  func.func @transform_7(%arg0: i32) -> (i32, i32) {
    %c0_i32 = arith.constant 0 : i32
    %c0_i32_0 = arith.constant 0 : i32
    return %arg0, %c0_i32 : i32, i32
  }
}

module attributes {stable_mosaic.version = 14 : i64} {
  func.func @_pool_body(%arg0: i32, %arg1: memref<5000x256xf32, #tpu.memory_space<vmem>>, %arg2: memref<2x256xf32, #tpu.memory_space<vmem>>, %arg3: memref<1x256xf32, #tpu.memory_space<vmem>>, %arg4: memref<1x256xf32, #tpu.memory_space<vmem>>, %arg5: memref<5000x1xi32, #tpu.memory_space<vmem>>, %arg6: memref<256x128xf32, #tpu.memory_space<vmem>>, %arg7: memref<1x128xf32, #tpu.memory_space<vmem>>, %arg8: memref<128x1xf32, #tpu.memory_space<vmem>>, %arg9: memref<1x1xf32, #tpu.memory_space<vmem>>, %arg10: memref<64x1xf32, #tpu.memory_space<vmem>>, %arg11: memref<64x256xf32, #tpu.memory_space<vmem>>, %arg12: memref<64x1xf32, #tpu.memory_space<vmem>>) attributes {dimension_semantics = [#tpu.dimension_semantics<arbitrary>], iteration_bounds = array<i64: 2>, scalar_prefetch = 0 : i64, scratch_operands = 2 : i64, tpu.core_type = #tpu.core_type<tc>, window_params = [{transform_indices = @transform_0, window_bounds = array<i64: 5000, 256>}, {pipeline_mode = #tpu.pipeline_mode<synchronous>, transform_indices = @transform_1, window_bounds = array<i64: 2, 256>}, {pipeline_mode = #tpu.pipeline_mode<synchronous>, transform_indices = @transform_2, window_bounds = array<i64: 1, 256>}, {pipeline_mode = #tpu.pipeline_mode<synchronous>, transform_indices = @transform_3, window_bounds = array<i64: 1, 256>}, {transform_indices = @transform_4, window_bounds = array<i64: 5000, 1>}, {pipeline_mode = #tpu.pipeline_mode<synchronous>, transform_indices = @transform_5, window_bounds = array<i64: 256, 128>}, {pipeline_mode = #tpu.pipeline_mode<synchronous>, transform_indices = @transform_6, window_bounds = array<i64: 1, 128>}, {pipeline_mode = #tpu.pipeline_mode<synchronous>, transform_indices = @transform_7, window_bounds = array<i64: 128, 1>}, {pipeline_mode = #tpu.pipeline_mode<synchronous>, transform_indices = @transform_8, window_bounds = array<i64: 1, 1>}, {pipeline_mode = #tpu.pipeline_mode<synchronous>, transform_indices = @transform_9, window_bounds = array<i64: 64, 1>}]} {
    %get3A = arith.constant 0 : index
    %get3A_0 = arith.constant 0 : index
    %get3A_1 = vector.load %arg2[%get3A, %get3A_0] : memref<2x256xf32, #tpu.memory_space<vmem>>, vector<1x256xf32>
    %mul3A = arith.constant 9.99999974E-5 : f32
    %mul3A_2 = vector.broadcast %mul3A : f32 to vector<1x256xf32>
    %mul3A_3 = arith.mulf %get3A_1, %mul3A_2 : vector<1x256xf32>
    %get3A_4 = arith.constant 1 : index
    %get3A_5 = arith.constant 0 : index
    %get3A_6 = vector.load %arg2[%get3A_4, %get3A_5] : memref<2x256xf32, #tpu.memory_space<vmem>>, vector<1x256xf32>
    %mul3A_7 = arith.constant 9.99999974E-5 : f32
    %mul3A_8 = vector.broadcast %mul3A_7 : f32 to vector<1x256xf32>
    %mul3A_9 = arith.mulf %get3A_6, %mul3A_8 : vector<1x256xf32>
    %mul3A_10 = arith.mulf %mul3A_3, %mul3A_3 : vector<1x256xf32>
    %sub3A = arith.subf %mul3A_9, %mul3A_10 : vector<1x256xf32>
    %get3A_11 = arith.constant 0 : index
    %get3A_12 = arith.constant 0 : index
    %get3A_13 = vector.load %arg3[%get3A_11, %get3A_12] : memref<1x256xf32, #tpu.memory_space<vmem>>, vector<1x256xf32>
    %add3A = arith.constant 9.99999974E-6 : f32
    %add3A_14 = vector.broadcast %add3A : f32 to vector<1x256xf32>
    %add3A_15 = arith.addf %sub3A, %add3A_14 : vector<1x256xf32>
    %rsqrt3A = math.rsqrt %add3A_15 : vector<1x256xf32>
    %mul3A_16 = arith.mulf %get3A_13, %rsqrt3A : vector<1x256xf32>
    %get3A_17 = arith.constant 0 : index
    %get3A_18 = arith.constant 0 : index
    %get3A_19 = vector.load %arg4[%get3A_17, %get3A_18] : memref<1x256xf32, #tpu.memory_space<vmem>>, vector<1x256xf32>
    %mul3A_20 = arith.mulf %mul3A_3, %mul3A_16 : vector<1x256xf32>
    %sub3A_21 = arith.subf %get3A_19, %mul3A_20 : vector<1x256xf32>
    %get3A_22 = arith.constant 0 : index
    %get3A_23 = arith.constant 0 : index
    %get3A_24 = vector.load %arg1[%get3A_22, %get3A_23] : memref<5000x256xf32, #tpu.memory_space<vmem>>, vector<5000x256xf32>
    %mul3A_25 = vector.broadcast %mul3A_16 : vector<1x256xf32> to vector<5000x256xf32>
    %mul3A_26 = arith.mulf %get3A_24, %mul3A_25 : vector<5000x256xf32>
    %add3A_27 = vector.broadcast %sub3A_21 : vector<1x256xf32> to vector<5000x256xf32>
    %add3A_28 = arith.addf %mul3A_26, %add3A_27 : vector<5000x256xf32>
    %max3A = arith.constant 0.000000e+00 : f32
    %max3A_29 = vector.broadcast %max3A : f32 to vector<5000x256xf32>
    %max3A_30 = arith.maximumf %add3A_28, %max3A_29 : vector<5000x256xf32>
    %get3A_31 = arith.constant 0 : index
    %get3A_32 = arith.constant 0 : index
    %get3A_33 = vector.load %arg5[%get3A_31, %get3A_32] : memref<5000x1xi32, #tpu.memory_space<vmem>>, vector<5000x1xi32>
    %iota3A = tpu.iota {dimensions = array<i32: 1>} : vector<5000x64xi32>
    %eq3A = vector.broadcast %get3A_33 : vector<5000x1xi32> to vector<5000x64xi32>
    %eq3A_34 = arith.cmpi eq, %eq3A, %iota3A : vector<5000x64xi32>
    %convert_element_type3A = arith.extui %eq3A_34 : vector<5000x64xi1> to vector<5000x64xi32>
    %convert_element_type3A_35 = arith.sitofp %convert_element_type3A : vector<5000x64xi32> to vector<5000x64xf32>
    %eq3A_36 = arith.constant 0 : i32
    %eq3A_37 = arith.cmpi eq, %arg0, %eq3A_36 : i32
    %convert_element_type3A_38 = arith.extui %eq3A_37 : i1 to i32
    %cond3A = arith.constant 0 : i32
    %cond3A_39 = arith.cmpi ne, %convert_element_type3A_38, %cond3A : i32
    scf.if %cond3A_39 {
      %broadcast_in_dim3A_93 = arith.constant 0.000000e+00 : f32
      %broadcast_in_dim3A_94 = vector.broadcast %broadcast_in_dim3A_93 : f32 to vector<64x256xf32>
      %swap3A_95 = arith.constant 0 : index
      %swap3A_96 = arith.constant 0 : index
      %swap3A_97 = vector.load %arg11[%swap3A_95, %swap3A_96] : memref<64x256xf32, #tpu.memory_space<vmem>>, vector<64x256xf32>
      tpu.vector_store %arg11[%swap3A_95, %swap3A_96], %broadcast_in_dim3A_94 {strides = array<i32>} : memref<64x256xf32, #tpu.memory_space<vmem>>, vector<64x256xf32>,
      %broadcast_in_dim3A_98 = arith.constant 0.000000e+00 : f32
      %broadcast_in_dim3A_99 = vector.broadcast %broadcast_in_dim3A_98 : f32 to vector<64x1xf32>
      %swap3A_100 = arith.constant 0 : index
      %swap3A_101 = arith.constant 0 : index
      %swap3A_102 = vector.load %arg12[%swap3A_100, %swap3A_101] : memref<64x1xf32, #tpu.memory_space<vmem>>, vector<64x1xf32>
      tpu.vector_store %arg12[%swap3A_100, %swap3A_101], %broadcast_in_dim3A_99 {strides = array<i32>} : memref<64x1xf32, #tpu.memory_space<vmem>>, vector<64x1xf32>,
    } else {
    }
    %get3A_40 = arith.constant 0 : index
    %get3A_41 = arith.constant 0 : index
    %get3A_42 = vector.load %arg11[%get3A_40, %get3A_41] : memref<64x256xf32, #tpu.memory_space<vmem>>, vector<64x256xf32>
    %dot_general3A = arith.constant dense<0.000000e+00> : vector<64x256xf32>
    %dot_general3A_43 = tpu.matmul %convert_element_type3A_35, %max3A_30, %dot_general3A {dimension_numbers = #tpu.dot_dimension_numbers<[0], [0], [1], [1], [0, 1, 1, 1], [], []>, precision = #tpu.contract_precision<fp32>, transpose_lhs_hint = false} : vector<5000x64xf32>, vector<5000x256xf32>, vector<64x256xf32> -> vector<64x256xf32>
    %add3A_44 = arith.addf %get3A_42, %dot_general3A_43 : vector<64x256xf32>
    %swap3A = arith.constant 0 : index
    %swap3A_45 = arith.constant 0 : index
    %swap3A_46 = vector.load %arg11[%swap3A, %swap3A_45] : memref<64x256xf32, #tpu.memory_space<vmem>>, vector<64x256xf32>
    tpu.vector_store %arg11[%swap3A, %swap3A_45], %add3A_44 {strides = array<i32>} : memref<64x256xf32, #tpu.memory_space<vmem>>, vector<64x256xf32>,
    %get3A_47 = arith.constant 0 : index
    %get3A_48 = arith.constant 0 : index
    %get3A_49 = vector.load %arg12[%get3A_47, %get3A_48] : memref<64x1xf32, #tpu.memory_space<vmem>>, vector<64x1xf32>
    %broadcast_in_dim3A = arith.constant 1.000000e+00 : f32
    %broadcast_in_dim3A_50 = vector.broadcast %broadcast_in_dim3A : f32 to vector<5000x1xf32>
    %dot_general3A_51 = arith.constant dense<0.000000e+00> : vector<64x1xf32>
    %dot_general3A_52 = tpu.matmul %convert_element_type3A_35, %broadcast_in_dim3A_50, %dot_general3A_51 {dimension_numbers = #tpu.dot_dimension_numbers<[0], [0], [1], [1], [0, 1, 1, 1], [], []>, precision = #tpu.contract_precision<fp32>, transpose_lhs_hint = false} : vector<5000x64xf32>, vector<5000x1xf32>, vector<64x1xf32> -> vector<64x1xf32>
    %add3A_53 = arith.addf %get3A_49, %dot_general3A_52 : vector<64x1xf32>
    %swap3A_54 = arith.constant 0 : index
    %swap3A_55 = arith.constant 0 : index
    %swap3A_56 = vector.load %arg12[%swap3A_54, %swap3A_55] : memref<64x1xf32, #tpu.memory_space<vmem>>, vector<64x1xf32>
    tpu.vector_store %arg12[%swap3A_54, %swap3A_55], %add3A_53 {strides = array<i32>} : memref<64x1xf32, #tpu.memory_space<vmem>>, vector<64x1xf32>,
    %get3A_57 = arith.constant 0 : index
    %get3A_58 = arith.constant 0 : index
    %get3A_59 = vector.load %arg11[%get3A_57, %get3A_58] : memref<64x256xf32, #tpu.memory_space<vmem>>, vector<64x256xf32>
    %get3A_60 = arith.constant 0 : index
    %get3A_61 = arith.constant 0 : index
    %get3A_62 = vector.load %arg12[%get3A_60, %get3A_61] : memref<64x1xf32, #tpu.memory_space<vmem>>, vector<64x1xf32>
    %max3A_63 = arith.constant 1.000000e+00 : f32
    %max3A_64 = vector.broadcast %max3A_63 : f32 to vector<64x1xf32>
    %max3A_65 = arith.maximumf %get3A_62, %max3A_64 : vector<64x1xf32>
    %div3A = vector.broadcast %max3A_65 : vector<64x1xf32> to vector<64x256xf32>
    %div3A_66 = arith.divf %get3A_59, %div3A : vector<64x256xf32>
    %get3A_67 = arith.constant 0 : index
    %get3A_68 = arith.constant 0 : index
    %get3A_69 = vector.load %arg6[%get3A_67, %get3A_68] : memref<256x128xf32, #tpu.memory_space<vmem>>, vector<256x128xf32>
    %dot_general3A_70 = arith.constant dense<0.000000e+00> : vector<64x128xf32>
    %dot_general3A_71 = tpu.matmul %div3A_66, %get3A_69, %dot_general3A_70 {dimension_numbers = #tpu.dot_dimension_numbers<[1], [0], [0], [1], [0, 0, 1, 1], [], []>, transpose_lhs_hint = false} : vector<64x256xf32>, vector<256x128xf32>, vector<64x128xf32> -> vector<64x128xf32>
    %get3A_72 = arith.constant 0 : index
    %get3A_73 = arith.constant 0 : index
    %get3A_74 = vector.load %arg7[%get3A_72, %get3A_73] : memref<1x128xf32, #tpu.memory_space<vmem>>, vector<1x128xf32>
    %add3A_75 = vector.broadcast %get3A_74 : vector<1x128xf32> to vector<64x128xf32>
    %add3A_76 = arith.addf %dot_general3A_71, %add3A_75 : vector<64x128xf32>
    %max3A_77 = arith.constant 0.000000e+00 : f32
    %max3A_78 = vector.broadcast %max3A_77 : f32 to vector<64x128xf32>
    %max3A_79 = arith.maximumf %add3A_76, %max3A_78 : vector<64x128xf32>
    %get3A_80 = arith.constant 0 : index
    %get3A_81 = arith.constant 0 : index
    %get3A_82 = vector.load %arg8[%get3A_80, %get3A_81] : memref<128x1xf32, #tpu.memory_space<vmem>>, vector<128x1xf32>
    %dot_general3A_83 = arith.constant dense<0.000000e+00> : vector<64x1xf32>
    %dot_general3A_84 = tpu.matmul %max3A_79, %get3A_82, %dot_general3A_83 {dimension_numbers = #tpu.dot_dimension_numbers<[1], [0], [0], [1], [0, 0, 1, 1], [], []>, transpose_lhs_hint = false} : vector<64x128xf32>, vector<128x1xf32>, vector<64x1xf32> -> vector<64x1xf32>
    %get3A_85 = arith.constant 0 : index
    %get3A_86 = arith.constant 0 : index
    %get3A_87 = vector.load %arg9[%get3A_85, %get3A_86] : memref<1x1xf32, #tpu.memory_space<vmem>>, vector<1x1xf32>
    %add3A_88 = vector.broadcast %get3A_87 : vector<1x1xf32> to vector<64x1xf32>
    %add3A_89 = arith.addf %dot_general3A_84, %add3A_88 : vector<64x1xf32>
    %swap3A_90 = arith.constant 0 : index
    %swap3A_91 = arith.constant 0 : index
    %swap3A_92 = vector.load %arg10[%swap3A_90, %swap3A_91] : memref<64x1xf32, #tpu.memory_space<vmem>>, vector<64x1xf32>
    tpu.vector_store %arg10[%swap3A_90, %swap3A_91], %add3A_89 {strides = array<i32>} : memref<64x1xf32, #tpu.memory_space<vmem>>, vector<64x1xf32>,
    return
  }
  func.func @transform_0(%arg0: i32) -> (i32, i32) {
    %c0_i32 = arith.constant 0 : i32
    %c0_i32_0 = arith.constant 0 : i32
    return %arg0, %c0_i32 : i32, i32
  }
  func.func @transform_1(%arg0: i32) -> (i32, i32) {
    %c0_i32 = arith.constant 0 : i32
    %c0_i32_0 = arith.constant 0 : i32
    %c0_i32_1 = arith.constant 0 : i32
    return %c0_i32, %c0_i32_0 : i32, i32
  }
  func.func @transform_2(%arg0: i32) -> (i32, i32) {
    %c0_i32 = arith.constant 0 : i32
    %c0_i32_0 = arith.constant 0 : i32
    %c0_i32_1 = arith.constant 0 : i32
    return %c0_i32, %c0_i32_0 : i32, i32
  }
  func.func @transform_3(%arg0: i32) -> (i32, i32) {
    %c0_i32 = arith.constant 0 : i32
    %c0_i32_0 = arith.constant 0 : i32
    %c0_i32_1 = arith.constant 0 : i32
    return %c0_i32, %c0_i32_0 : i32, i32
  }
  func.func @transform_4(%arg0: i32) -> (i32, i32) {
    %c0_i32 = arith.constant 0 : i32
    %c0_i32_0 = arith.constant 0 : i32
    return %arg0, %c0_i32 : i32, i32
  }
  func.func @transform_5(%arg0: i32) -> (i32, i32) {
    %c0_i32 = arith.constant 0 : i32
    %c0_i32_0 = arith.constant 0 : i32
    %c0_i32_1 = arith.constant 0 : i32
    return %c0_i32, %c0_i32_0 : i32, i32
  }
  func.func @transform_6(%arg0: i32) -> (i32, i32) {
    %c0_i32 = arith.constant 0 : i32
    %c0_i32_0 = arith.constant 0 : i32
    %c0_i32_1 = arith.constant 0 : i32
    return %c0_i32, %c0_i32_0 : i32, i32
  }
  func.func @transform_7(%arg0: i32) -> (i32, i32) {
    %c0_i32 = arith.constant 0 : i32
    %c0_i32_0 = arith.constant 0 : i32
    %c0_i32_1 = arith.constant 0 : i32
    return %c0_i32, %c0_i32_0 : i32, i32
  }
  func.func @transform_8(%arg0: i32) -> (i32, i32) {
    %c0_i32 = arith.constant 0 : i32
    %c0_i32_0 = arith.constant 0 : i32
    %c0_i32_1 = arith.constant 0 : i32
    return %c0_i32, %c0_i32_0 : i32, i32
  }
  func.func @transform_9(%arg0: i32) -> (i32, i32) {
    %c0_i32 = arith.constant 0 : i32
    %c0_i32_0 = arith.constant 0 : i32
    %c0_i32_1 = arith.constant 0 : i32
    return %c0_i32, %c0_i32_0 : i32, i32
  }
}

</mosaic_0001>

<sc_bundles>
// kernel: kernel.14.cloned.1.call-start
scs
__scs_entry_jumppad:
0x0: {  	(pc) =	sbr.rel $0x88, $3  }
0x1: {  	(tag) =	ssettag $0x0;
	lr =	simm.s32 $0x1  }
0x2: {  	[smem:$0x3F8E] =	sst lr;
	_ =	strace $0xD0000000  }
0x3: {  	_ = 	snop  }
0x4: {  	_ = 	snop  }
0x5: {  	_ = 	snop  }
0x6: {  	_ = 	snop  }
0x7: {  	_ = 	snop  }
__scs_overlays_trampoline_lowered:
0x8: {  	[smem:$0x3F9D] =	sst s0  }
0x9: {  	[smem:$0x3F9E] =	sst s1  }
0xa: {  	[smem:$0x3F9F] =	sst s2  }
0xb: {  	[smem:$0x3FA0] =	sst s3  }
0xc: {  	[smem:$0x3FA1] =	sst s4  }
0xd: {  	[smem:$0x3FA2] =	sst s5  }
0xe: {  	[smem:$0x3FA3] =	sst s6  }
0xf: {  	[smem:$0x3FA4] =	sst s7  }
0x10: {  	[smem:$0x3FA5] =	sst s8  }
0x11: {  	[smem:$0x3FA6] =	sst s9;
	s0 =	simm.s32 @!p0 $0x0  }
0x12: {  	s1 =	sld [smem:$0x3F8C];
	s0 =	simm.s32 @p0 $0x1  }
0x13: {  	[smem:$0x3FA7] =	sst s0;
	s0 =	simm.s32 @!p1 $0x0  }
0x14: {  	s2 =	sld [smem:$0x3F8B];
	s0 =	simm.s32 @p1 $0x1  }
0x15: {  	[smem:$0x3FA8] =	sst s0;
	s0 =	simm.s32 @!p2 $0x0  }
0x16: {  	s3 =	sld [smem:$0x3FDB];
	s0 =	simm.s32 @p2 $0x1  }
0x17: {  	s4 =	simm.s32 $0x1BF5;
	[smem:$0x3FAA] =	sst s0  }
0x18: {  	s0 =	sld [smem:$0x3F8D];
	_ =	swait.ge [sflag:s4], $0x0  }
0x19: {  	s7 =	sld [smem:$0x3F8E]  }
0x1a: {  	s8 =	sadd.s32 $0xFFFFE003, lr  }
0x1b: {  	s9 =	sadd.s32 $0xFFFFFEF7, lr;
	s5 =	simm.s32 $0xFFFFFFFF;
	p2 =	slt.u32 s8, $0xFFFFF086  }
0x1c: {  	p1 =	slt.u32 s9, $0xF7A;
	s5 =	simm.s32 @!p2 $0x0  }
0x1d: {  	s5 =	simm.s32 @p1 $0x1;
	p0 =	seq.s32 s7, s2  }
0x1e: {  	s7 =	smul.u32 @!p0 $0xF7A, s2;
	p2 =	seq.s32 @!p0 s5, $0x0  }
0x1f: {  	s9 =	smul.u32 $0xF7A, s1;
	s8 =	simm.s32 @!p0 $0x1BF5;
	p2 =	por !p2, p0  }
0x20: {  	[sflag:s8] =	ssyncset.s32 @!p0 $0xFFFFF086;
	s6 =	sadd.s32 @!p0 s3, s7;
	s7 =	simm.s32 @!p0 $0x108  }
0x21: {  	s3 =	sadd.s32 s3, s9;
	s6 =	sadd.s32 @!p0 $0x88, s6;
	s7 =	simm.s32 @p2 $0x1082  }
0x22: {  	[simem:s7], [sflag:s8] =	dma.local @!p0 [hbm:s6], $0xF7A  }
0x23: {  	s9 =	sor.u32 $0xD0000000, s2;
	s6 =	simm.s32 $0x108;
	_ =	swait.ge @!p0 [sflag:s8], $0x0  }
0x24: {  	s3 =	sadd.s32 $0x88, s3;
	s6 =	simm.s32 @!p1 $0x1082;
	[sflag:s4] =	ssyncset.s32 $0xFFFFF086  }
0x25: {  	[simem:s6], [sflag:s4] =	dma.local [hbm:s3], $0xF7A  }
0x26: {  	[smem:$0x3F8E] =	sst s1;
	(tag) =	ssettag s2;
	_ =	strace s9  }
0x27: {  	s1 =	sld [smem:$0x3F9E]  }
0x28: {  	s2 =	sld [smem:$0x3F9F]  }
0x29: {  	s4 =	sld [smem:$0x3FA1]  }
0x2a: {  	p0 =	seq.s32 s5, $0x0;
	s5 =	sld [smem:$0x3FA2]  }
0x2b: {  	s6 =	sld [smem:$0x3FA3]  }
0x2c: {  	s7 =	sld [smem:$0x3FA4]  }
0x2d: {  	s3 =	simm.s32 $0x108;
	s8 =	sld [smem:$0x3FA5]  }
0x2e: {  	s3 =	simm.s32 @!p0 $0x1082;
	s9 =	sld [smem:$0x3FA6]  }
0x2f: {  	lr =	sadd.s32 s0, s3;
	s0 =	sld [smem:$0x3F9D]  }
0x30: {  	s3 =	sld [smem:$0x3FA0]  }
0x31: {  	[smem:$0x3FA9] =	sst s10  }
0x32: {  	s10 =	sld [smem:$0x3FA7];
	_ =	sdelay $0x3  }
0x33: {  	p0 =	seq.s32 s10, $0x1;
	s10 =	sld [smem:$0x3FA9];
	_ =	sdelay $0x3  }
0x34: {  	[smem:$0x3FA9] =	sst s10  }
0x35: {  	s10 =	sld [smem:$0x3FA8];
	_ =	sdelay $0x3  }
0x36: {  	p1 =	seq.s32 s10, $0x1;
	s10 =	sld [smem:$0x3FA9];
	_ =	sdelay $0x3  }
0x37: {  	[smem:$0x3FA9] =	sst s10  }
0x38: {  	s10 =	sld [smem:$0x3FAA]  }
0x39: {  	_ = 	snop;
	(pc) =	sbr.ind lr, $3  }
0x3a: {  	_ = 	snop  }
0x3b: {  	_ = 	snop  }
0x3c: {  	p2 =	seq.s32 s10, $0x1;
	s10 =	sld [smem:$0x3FA9]  }
0x3d: {  	_ =	shalt  }
0x3e: {  	_ =	shalt  }
0x3f: {  	_ =	shalt  }
0x40: {  	_ =	shalt  }
0x41: {  	_ =	shalt  }
0x42: {  	_ =	shalt  }
0x43: {  	_ =	shalt  }
0x44: {  	_ =	shalt  }
0x45: {  	_ =	shalt  }
0x46: {  	_ =	shalt  }
0x47: {  	_ =	shalt  }
0x48: {  	_ =	shalt  }
0x49: {  	_ =	shalt  }
0x4a: {  	_ =	shalt  }
0x4b: {  	_ =	shalt  }
0x4c: {  	_ =	shalt  }
0x4d: {  	_ =	shalt  }
0x4e: {  	_ =	shalt  }
0x4f: {  	_ =	shalt  }
0x50: {  	_ =	shalt  }
0x51: {  	_ =	shalt  }
0x52: {  	_ =	shalt  }
0x53: {  	_ =	shalt  }
0x54: {  	_ =	shalt  }
0x55: {  	_ =	shalt  }
0x56: {  	_ =	shalt  }
0x57: {  	_ =	shalt  }
0x58: {  	_ =	shalt  }
0x59: {  	_ =	shalt  }
0x5a: {  	_ =	shalt  }
0x5b: {  	_ =	shalt  }
0x5c: {  	_ =	shalt  }
0x5d: {  	_ =	shalt  }
0x5e: {  	_ =	shalt  }
0x5f: {  	_ =	shalt  }
0x60: {  	_ =	shalt  }
0x61: {  	_ =	shalt  }
0x62: {  	_ =	shalt  }
0x63: {  	_ =	shalt  }
0x64: {  	_ =	shalt  }
0x65: {  	_ =	shalt  }
0x66: {  	_ =	shalt  }
0x67: {  	_ =	shalt  }
0x68: {  	_ =	shalt  }
0x69: {  	_ =	shalt  }
0x6a: {  	_ =	shalt  }
0x6b: {  	_ =	shalt  }
0x6c: {  	_ =	shalt  }
0x6d: {  	_ =	shalt  }
0x6e: {  	_ =	shalt  }
0x6f: {  	_ =	shalt  }
0x70: {  	_ =	shalt  }
0x71: {  	_ =	shalt  }
0x72: {  	_ =	shalt  }
0x73: {  	_ =	shalt  }
0x74: {  	_ =	shalt  }
0x75: {  	_ =	shalt  }
0x76: {  	_ =	shalt  }
0x77: {  	_ =	shalt  }
0x78: {  	_ =	shalt  }
0x79: {  	_ =	shalt  }
0x7a: {  	_ =	shalt  }
0x7b: {  	_ =	shalt  }
0x7c: {  	_ =	shalt  }
0x7d: {  	_ =	shalt  }
0x7e: {  	_ =	shalt  }
0x7f: {  	_ =	shalt  }
0x80: {  	_ =	shalt  }
0x81: {  	_ =	shalt  }
0x82: {  	_ =	shalt  }
0x83: {  	_ =	shalt  }
0x84: {  	_ =	shalt  }
0x85: {  	_ =	shalt  }
0x86: {  	_ =	shalt  }
0x87: {  	_ =	shalt  }
.Lfunc_end0:
.L_simem_size_0:
called_computation_lowered:
.L_overlay_start_0:
0x88: {  	s2 =	sld [smem:$0x3FD9]  }
0x89: {  	s3 =	sld [smem:$0x3FFE];
	_ =	sdelay $0x1  }
0x8a: {  	s1 =	srdreg.scid  }
0x8b: {  	s0 =	sand.u32 $0x1, s1  }
0x8c: {  	s16 =	sshll.u32 s0, $0xA;
	s2 =	sadd.s32 s3, s2  }
0x8d: {  	s2 =	sadd.s32 s2, s16  }
0x8e: {  	[smem:$0x3FB5] =	sst s2  }
0x8f: {  	_ = 	snop  }
0x90: {  	(tm) =	ssettm $0x1  }
0x91: {  	s17 =	sld [smem:$0x3FFB];
	_ =	sdelay $0x3  }
0x92: {  	_ =	strace s17  }
0x93: {  	s2 =	sld [smem:$0x3FFC];
	_ =	sdelay $0x3  }
0x94: {  	_ =	strace s2  }
0x95: {  	s2 =	sld [smem:$0x3FFD];
	_ =	sdelay $0x3  }
0x96: {  	_ =	strace s2  }
0x97: {  	_ =	strace $0x8FFFFFFF  }
0x98: {  	s18 =	sld [smem:$0x3FDB];
	_ =	sdelay $0x1  }
0x99: {  	s19 =	simm.s32 $_scs_section_size  }
0x9a: {  	s4 =	simm.s32 $_size__tile_overlayer_lowered;
	s5 =	simm.s32 $_tile_overlayer_lowered  }
0x9b: {  	s22 =	simm.s32 $0x1BFF;
	s21 =	sshll.u32 s5, $0x1;
	s2 =	sadd.s32 s19, s18  }
0x9c: {  	s6 =	simm.s32 $0x0;
	s20 =	sshll.u32 s4, $0x1;
	s4 =	sadd.s32 s21, s2  }
0x9d: {  	[timem:s6], [sflag:s22] =	dma.local [hbm:s4], s20  }
0x9e: {  	_ =	swait.ge [sflag:s22], s20  }
0x9f: {  	s3 =	ssub.s32 $0x0, s20;
	[sflag:s22] =	ssyncset.done $0x0  }
0xa0: {  	[sflag:s22] =	ssyncadd.s32 s3;
	_ =	sdelay $0x1  }
0xa1: {  	s23 =	simm.s32 $0x1B8B  }
0xa2: {  	_ =	swait.ge [sflag:s23], $0x1  }
0xa3: {  	[sflag:s23] =	ssyncset.done $0x0  }
0xa4: {  	s25 =	simm.s32 $0x1B8E;
	s24 =	sld [smem:$0x3FFE];
	[sflag:s23] =	ssyncadd.s32 $0xFFFFFFFF  }
0xa5: {  	s26 =	simm.s32 $execute0_lowered;
	[smem:$0x3FD2] =	sst s25  }
0xa6: {  	s4 =	sshll.u32 s26, $0x1;
	_ =	strace $0x80000046;
	[dreg:$0x1] =	wrdreg $0xFFFFFFFF  }
0xa7: {  	s28 =	simm.s32 $_size_execute0_lowered;
	s2 =	sadd.s32 s2, s4;
	[dreg:$0x0] =	wrdreg $0x0  }
0xa8: {  	s4 =	sshll.u32 s28, $0x1;
	[dreg:$0x2] =	wrdreg s2  }
0xa9: {  	[dreg:$0x3] =	wrdreg s4  }
0xaa: {  	[dreg:$0x4] =	wrdreg $0xC0  }
0xab: {  	_ =	task [dreg:s6], $0x5FFFF  }
0xac: {  	[dreg:$0x1] =	wrdreg $0xFFFFFFFF  }
0xad: {  	[dreg:$0x0] =	wrdreg $0x60  }
0xae: {  	[dreg:$0x2] =	wrdreg s24  }
0xaf: {  	[dreg:$0x3] =	wrdreg $0x16800  }
0xb0: {  	[dreg:$0x4] =	wrdreg $0x9  }
0xb1: {  	_ =	task.clear_ibuf [dreg:s6], $0x5FFFF;
	_ =	strace $0x90000046  }
0xb2: {  	s29 =	simm.s32 $0x9;
	_ =	strace $0x80000048  }
0xb3: {  	_ =	swait.ge [sflag:s29], $0x1  }
0xb4: {  	[sflag:s29] =	ssyncadd.s32 $0xFFFFFFFF  }
0xb5: {  	_ =	strace $0x90000048  }
0xb6: {  	_ =	sfence  }
0xb7: {  	s30 =	sld [smem:$0x0];
	_ =	sdelay $0x2  }
0xb8: {  	s31 =	sshll.u32 s1, $0xD;
	s1 =	sshrl.u32 s1, $0x2  }
0xb9: {  	s3 =	sand.u32 $0x4000, s31;
	s1 =	sadd.s32 s1, s30  }
0xba: {  	s0 =	sor.u32 s3, s0;
	s1 =	sshll.u32 s1, $0x11  }
0xbb: {  	s0 =	sor.u32 s1, s0  }
0xbc: {  	s0 =	sadd.s32 $0x8F2B, s0  }
0xbd: {  	[sflag:s0] =	ssyncadd.remote.s32 $0x1  }
0xbe: {  	_ =	sfence.sel $0xFFFF  }
0xbf: {  	[dreg:$0x0] =	wrdreg $0xFFFFFFFF;
	(pc) =	sbr.abs _section_cstart, $3  }
0xc0: {  	[dreg:$0x1] =	wrdreg $0xFFFFFFFF  }
0xc1: {  	_ =	task.clear_ibuf [dreg:s6], $0x2FFFF;
	_ =	strace $0x9FFFFFFF  }
0xc2: {  	(tm) =	ssettm $0x7FFFFFFF  }
0xc3: {  	_ =	shalt  }
tec
execute0_lowered:
.L_overlay_start_1:
0x0: {  	(tag) =	ssettag $0x1  }
0x1: {  	s4 =	rddreg [dreg:$0x0]  }
0x2: {  	s2 =	rddreg [dreg:$0x1];
	s3 =	srdreg.scid  }
0x3: {  	s0 =	rddreg [dreg:$0x2];
	s1 =	stileid.u32;
	s10 =	simm.s32 $0x7D  }
0x4: {  	s11 =	simm.s32 $0x80;
	s12 =	simm.s32 $0x100;
	s13 =	simm.s32 $0x0  }
0x5: {  	s5 =	sand.u32 $0x1, s3;
	s3 =	simm.s32 $0x0;
	s7 =	smul.u32 $0x500, s1  }
0x6: {  	s29 =	smul.u32 $0xA00, s1;
	s6 =	sshll.u32 s5, $0x4;
	[smem:$0x7FF] =	sst s3  }
0x7: {  	s8 =	sshll.u32 s5, $0x7;
	s5 =	ssub.s32 $0x2, s5;
	s6 =	sor.u32 s1, s6  }
0x8: {  	_ =	strace $0x80000047;
	s7 =	sor.u32 s8, s7;
	s6 =	smul.u32 $0x280, s6  }
0x9: {  	s30 =	sshrl.u32 s5, $0x1;
	s31 =	sshrl.u32 s29, $0x2;
	s8 =	simm.s32 $0x1  }
0xa: {  	s7 =	sshrl.u32 s7, $0x3;
	s9 =	ssub.s32 s5, s30;
	s6 =	sadd.s32 s6, s4  }
0xb: {  	s5 =	sadd.s32 s31, s2;
	s7 =	sadd.s32 s7, s4;
	s4 =	sadd.s32 $0x5C00, s6  }
0xc: {  	v0 =	vimm.f32 $0.0e+00;
	v1 =	vimm.f32 $1.000000000e+00;
	s6 =	sadd.s32 $0xAC00, s7;
	s7 =	smax.u32 s9, $0x1;
	s9 =	simm.s32 $0x1400  }
.LBB2_1:
0xd: {  	[tilespmem:s3], [sflag:$0x1] =	stream.linear.gather [hbm4b:s4+s3], $0x1400, $0x38;
	[tilespmem:$0x1900] =	vst v63  }
0xe: {  	_ =	swait.ge [sflag:s8], $0x1400  }
0xf: {  	[sflag:s8] =	ssyncset.done $0x0  }
0x10: {  	[sflag:s8] =	ssyncadd.s32 $0xFFFFEC00  }
0x11: {  	[tilespmem:$0x1400] =	vst v0  }
0x12: {  	[tilespmem:$0x1410] =	vst v0  }
0x13: {  	[tilespmem:$0x1420] =	vst v0  }
0x14: {  	[tilespmem:$0x1430] =	vst v0  }
0x15: {  	[tilespmem:$0x1440] =	vst v0  }
0x16: {  	[tilespmem:$0x1450] =	vst v0  }
0x17: {  	[tilespmem:$0x1460] =	vst v0  }
0x18: {  	[tilespmem:$0x1470] =	vst v0  }
0x19: {  	[tilespmem:$0x1480] =	vst v0  }
0x1a: {  	[tilespmem:$0x1490] =	vst v0  }
0x1b: {  	[tilespmem:$0x14A0] =	vst v0  }
0x1c: {  	[tilespmem:$0x14B0] =	vst v0  }
0x1d: {  	[tilespmem:$0x14C0] =	vst v0  }
0x1e: {  	[tilespmem:$0x14D0] =	vst v0  }
0x1f: {  	[tilespmem:$0x14E0] =	vst v0  }
0x20: {  	[tilespmem:$0x14F0] =	vst v0  }
0x21: {  	[tilespmem:$0x1500] =	vst v0  }
0x22: {  	[tilespmem:$0x1510] =	vst v0  }
0x23: {  	[tilespmem:$0x1520] =	vst v0  }
0x24: {  	[tilespmem:$0x1530] =	vst v0  }
0x25: {  	[tilespmem:$0x1540] =	vst v0  }
0x26: {  	[tilespmem:$0x1550] =	vst v0  }
0x27: {  	[tilespmem:$0x1560] =	vst v0  }
0x28: {  	[tilespmem:$0x1570] =	vst v0  }
0x29: {  	[tilespmem:$0x1580] =	vst v0  }
0x2a: {  	[tilespmem:$0x1590] =	vst v0  }
0x2b: {  	[tilespmem:$0x15A0] =	vst v0  }
0x2c: {  	[tilespmem:$0x15B0] =	vst v0  }
0x2d: {  	[tilespmem:$0x15C0] =	vst v0  }
0x2e: {  	[tilespmem:$0x15D0] =	vst v0  }
0x2f: {  	[tilespmem:$0x15E0] =	vst v0  }
0x30: {  	[tilespmem:$0x15F0] =	vst v0  }
0x31: {  	[tilespmem:$0x1600] =	vst v0  }
0x32: {  	[tilespmem:$0x1610] =	vst v0  }
0x33: {  	[tilespmem:$0x1620] =	vst v0  }
0x34: {  	[tilespmem:$0x1630] =	vst v0  }
0x35: {  	[tilespmem:$0x1640] =	vst v0  }
0x36: {  	[tilespmem:$0x1650] =	vst v0  }
0x37: {  	[tilespmem:$0x1660] =	vst v0  }
0x38: {  	[tilespmem:$0x1670] =	vst v0  }
0x39: {  	[spmem:s5] =	stream.linear.scatter [tilespmem:s9], [sflag:$0x1], $0x280, $0x38;
	[tilespmem:$0x1900] =	vst v63  }
0x3a: {  	_ =	swait.ge [sflag:s8], $0x280  }
0x3b: {  	[sflag:s8] =	ssyncset.done $0x0  }
0x3c: {  	[sflag:s8] =	ssyncadd.s32 $0xFFFFFD80  }
0x3d: {  	[bflag:$0x0] =	sbarrier.arrive $0xFFFF  }
0x3e: {  	[tilespmem:$0x1400] =	vst v1  }
0x3f: {  	[tilespmem:$0x1410] =	vst v1  }
0x40: {  	[tilespmem:$0x1420] =	vst v1  }
0x41: {  	[tilespmem:$0x1430] =	vst v1  }
0x42: {  	[tilespmem:$0x1440] =	vst v1  }
0x43: {  	[tilespmem:$0x1450] =	vst v1  }
0x44: {  	[tilespmem:$0x1460] =	vst v1  }
0x45: {  	s14 =	simm.s32 $0x0;
	[tilespmem:$0x1470] =	vst v1  }
0x46: {  	[spmem:s2] =	stream.indirect.scatter.add.f32 [tilespmem:s9], [sflag:$0x1], $0x1, s14, s10, $0xb8;
	[tilespmem:$0x1900] =	vst v63  }
0x47: {  	_ =	swait.ge [sflag:s8], $0x7D  }
0x48: {  	s14 =	simm.s32 $0x200;
	[sflag:s8] =	ssyncset.done $0x0  }
.LBB2_2:
0x49: {  	s15 =	sshra.s32 s14, $0x2;
	[sflag:s8] =	ssyncadd.s32 $0xFFFFFF83;
	p0 =	sne.s32 s14, $0x4E00  }
0x4a: {  	[spmem:s2] =	stream.indirect.scatter.add.f32 [tilespmem:s9], [sflag:$0x1], $0x1, s15, s10, $0xb8;
	[tilespmem:$0x1900] =	vst v63  }
.Ltmp0:
0x4b: {  	_ = 	snop;
	(pc) =	sbr.rel @p0 .LBB2_2-.Ltmp0, $4  }
0x4c: {  	_ = 	snop  }
0x4d: {  	s14 =	sadd.s32 $0x200, s14  }
0x4e: {  	_ =	swait.ge [sflag:s8], $0x7D  }
0x4f: {  	[sflag:s8] =	ssyncset.done $0x0  }
0x50: {  	[sflag:s8] =	ssyncadd.s32 $0xFFFFFF83  }
0x51: {  	[bflag:$0x0] =	sbarrier.arrive $0xFFFF  }
0x52: {  	[tilespmem:s9], [sflag:$0x1] =	stream.linear.gather [spmem:s5], $0x280, $0x38;
	[tilespmem:$0x1900] =	vst v63  }
0x53: {  	s13 =	sadd.s32 $0x1, s13;
	_ =	swait.ge [sflag:s8], $0x280  }
0x54: {  	p0 =	sne.s32 s13, s7;
	[sflag:s8] =	ssyncset.done $0x0  }
.Ltmp1:
0x55: {  	[sflag:s8] =	ssyncadd.s32 $0xFFFFFD80;
	(pc) =	sbr.rel @p0 .LBB2_1-.Ltmp1, $4  }
0x56: {  	[hbm4b:s6+s11] =	stream.strided.scatter [tilespmem:s9], [sflag:$0x1], $0x280, s12, s11, $0x38;
	[tilespmem:$0x1900] =	vst v63  }
0x57: {  	_ =	swait.ge [sflag:s8], $0x280  }
0x58: {  	[sflag:s8] =	ssyncset.done $0x0  }
0x59: {  	[sflag:s8] =	ssyncadd.s32 $0xFFFFFD80  }
0x5a: {  	_ =	sfence.sel $0x180000  }
0x5b: {  	[bflag:$0x0] =	sbarrier.arrive $0xFFFF  }
0x5c: {  	p0 =	sne.s32 s1, $0x0;
	_ =	strace $0x90000047  }
0x5d: {  	s0 =	sadd.s32 @!p0 $0x100000, s0;
	[bflag:$0x2] =	sbarrier.arrive $0xFFFF  }
0x5e: {  	[sflag:s0] =	ssyncadd.tile.s32 @!p0 $0x1;
	_ =	shalt  }
.Lfunc_end2:
_tile_overlayer_lowered:
.L_overlay_start_2:
0x5f: {  	(tag) =	ssettag $0x2  }
0x60: {  	s0 =	rddreg [dreg:$0x0];
	s2 =	stileid.u32  }
0x61: {  	s1 =	rddreg [dreg:$0x1];
	p0 =	sne.s32 s2, $0x0  }
0x62: {  	s3 =	rddreg [dreg:$0x2];
	[bflag:$0x3] =	sbarrier.arrive $0xFFFF;
	s2 =	simm.s32 @!p0 $0x1C01  }
0x63: {  	[timem:s3], [sflag:s2] =	dma.local @!p0 [hbm:s0], s1  }
0x64: {  	s0 =	simm.s32 @!p0 $0x1  }
0x65: {  	_ =	swait.ge @!p0 [sflag:s0], s1  }
0x66: {  	s1 =	ssub.s32 @!p0 $0x0, s1;
	[sflag:s0] =	ssyncset.done @!p0 $0x0  }
0x67: {  	[sflag:s0] =	ssyncadd.s32 @!p0 s1  }
0x68: {  	[bflag:$0x3] =	sbarrier.arrive $0xFFFF  }
0x69: {  	_ =	shalt  }

// kernel: kernel.17.cloned.1.call-start
scs
__scs_entry_jumppad:
0x0: {  	(pc) =	sbr.rel $0x88, $3  }
0x1: {  	(tag) =	ssettag $0x0;
	lr =	simm.s32 $0x1  }
0x2: {  	[smem:$0x3F8E] =	sst lr;
	_ =	strace $0xD0000000  }
0x3: {  	_ = 	snop  }
0x4: {  	_ = 	snop  }
0x5: {  	_ = 	snop  }
0x6: {  	_ = 	snop  }
0x7: {  	_ = 	snop  }
__scs_overlays_trampoline_lowered:
0x8: {  	[smem:$0x3F9D] =	sst s0  }
0x9: {  	[smem:$0x3F9E] =	sst s1  }
0xa: {  	[smem:$0x3F9F] =	sst s2  }
0xb: {  	[smem:$0x3FA0] =	sst s3  }
0xc: {  	[smem:$0x3FA1] =	sst s4  }
0xd: {  	[smem:$0x3FA2] =	sst s5  }
0xe: {  	[smem:$0x3FA3] =	sst s6  }
0xf: {  	[smem:$0x3FA4] =	sst s7  }
0x10: {  	[smem:$0x3FA5] =	sst s8  }
0x11: {  	[smem:$0x3FA6] =	sst s9;
	s0 =	simm.s32 @!p0 $0x0  }
0x12: {  	s1 =	sld [smem:$0x3F8C];
	s0 =	simm.s32 @p0 $0x1  }
0x13: {  	[smem:$0x3FA7] =	sst s0;
	s0 =	simm.s32 @!p1 $0x0  }
0x14: {  	s2 =	sld [smem:$0x3F8B];
	s0 =	simm.s32 @p1 $0x1  }
0x15: {  	[smem:$0x3FA8] =	sst s0;
	s0 =	simm.s32 @!p2 $0x0  }
0x16: {  	s3 =	sld [smem:$0x3FDB];
	s0 =	simm.s32 @p2 $0x1  }
0x17: {  	s4 =	simm.s32 $0x1BF5;
	[smem:$0x3FAA] =	sst s0  }
0x18: {  	s0 =	sld [smem:$0x3F8D];
	_ =	swait.ge [sflag:s4], $0x0  }
0x19: {  	s7 =	sld [smem:$0x3F8E]  }
0x1a: {  	s8 =	sadd.s32 $0xFFFFE003, lr  }
0x1b: {  	s9 =	sadd.s32 $0xFFFFFEF7, lr;
	s5 =	simm.s32 $0xFFFFFFFF;
	p2 =	slt.u32 s8, $0xFFFFF086  }
0x1c: {  	p1 =	slt.u32 s9, $0xF7A;
	s5 =	simm.s32 @!p2 $0x0  }
0x1d: {  	s5 =	simm.s32 @p1 $0x1;
	p0 =	seq.s32 s7, s2  }
0x1e: {  	s7 =	smul.u32 @!p0 $0xF7A, s2;
	p2 =	seq.s32 @!p0 s5, $0x0  }
0x1f: {  	s9 =	smul.u32 $0xF7A, s1;
	s8 =	simm.s32 @!p0 $0x1BF5;
	p2 =	por !p2, p0  }
0x20: {  	[sflag:s8] =	ssyncset.s32 @!p0 $0xFFFFF086;
	s6 =	sadd.s32 @!p0 s3, s7;
	s7 =	simm.s32 @!p0 $0x108  }
0x21: {  	s3 =	sadd.s32 s3, s9;
	s6 =	sadd.s32 @!p0 $0x88, s6;
	s7 =	simm.s32 @p2 $0x1082  }
0x22: {  	[simem:s7], [sflag:s8] =	dma.local @!p0 [hbm:s6], $0xF7A  }
0x23: {  	s9 =	sor.u32 $0xD0000000, s2;
	s6 =	simm.s32 $0x108;
	_ =	swait.ge @!p0 [sflag:s8], $0x0  }
0x24: {  	s3 =	sadd.s32 $0x88, s3;
	s6 =	simm.s32 @!p1 $0x1082;
	[sflag:s4] =	ssyncset.s32 $0xFFFFF086  }
0x25: {  	[simem:s6], [sflag:s4] =	dma.local [hbm:s3], $0xF7A  }
0x26: {  	[smem:$0x3F8E] =	sst s1;
	(tag) =	ssettag s2;
	_ =	strace s9  }
0x27: {  	s1 =	sld [smem:$0x3F9E]  }
0x28: {  	s2 =	sld [smem:$0x3F9F]  }
0x29: {  	s4 =	sld [smem:$0x3FA1]  }
0x2a: {  	p0 =	seq.s32 s5, $0x0;
	s5 =	sld [smem:$0x3FA2]  }
0x2b: {  	s6 =	sld [smem:$0x3FA3]  }
0x2c: {  	s7 =	sld [smem:$0x3FA4]  }
0x2d: {  	s3 =	simm.s32 $0x108;
	s8 =	sld [smem:$0x3FA5]  }
0x2e: {  	s3 =	simm.s32 @!p0 $0x1082;
	s9 =	sld [smem:$0x3FA6]  }
0x2f: {  	lr =	sadd.s32 s0, s3;
	s0 =	sld [smem:$0x3F9D]  }
0x30: {  	s3 =	sld [smem:$0x3FA0]  }
0x31: {  	[smem:$0x3FA9] =	sst s10  }
0x32: {  	s10 =	sld [smem:$0x3FA7];
	_ =	sdelay $0x3  }
0x33: {  	p0 =	seq.s32 s10, $0x1;
	s10 =	sld [smem:$0x3FA9];
	_ =	sdelay $0x3  }
0x34: {  	[smem:$0x3FA9] =	sst s10  }
0x35: {  	s10 =	sld [smem:$0x3FA8];
	_ =	sdelay $0x3  }
0x36: {  	p1 =	seq.s32 s10, $0x1;
	s10 =	sld [smem:$0x3FA9];
	_ =	sdelay $0x3  }
0x37: {  	[smem:$0x3FA9] =	sst s10  }
0x38: {  	s10 =	sld [smem:$0x3FAA]  }
0x39: {  	_ = 	snop;
	(pc) =	sbr.ind lr, $3  }
0x3a: {  	_ = 	snop  }
0x3b: {  	_ = 	snop  }
0x3c: {  	p2 =	seq.s32 s10, $0x1;
	s10 =	sld [smem:$0x3FA9]  }
0x3d: {  	_ =	shalt  }
0x3e: {  	_ =	shalt  }
0x3f: {  	_ =	shalt  }
0x40: {  	_ =	shalt  }
0x41: {  	_ =	shalt  }
0x42: {  	_ =	shalt  }
0x43: {  	_ =	shalt  }
0x44: {  	_ =	shalt  }
0x45: {  	_ =	shalt  }
0x46: {  	_ =	shalt  }
0x47: {  	_ =	shalt  }
0x48: {  	_ =	shalt  }
0x49: {  	_ =	shalt  }
0x4a: {  	_ =	shalt  }
0x4b: {  	_ =	shalt  }
0x4c: {  	_ =	shalt  }
0x4d: {  	_ =	shalt  }
0x4e: {  	_ =	shalt  }
0x4f: {  	_ =	shalt  }
0x50: {  	_ =	shalt  }
0x51: {  	_ =	shalt  }
0x52: {  	_ =	shalt  }
0x53: {  	_ =	shalt  }
0x54: {  	_ =	shalt  }
0x55: {  	_ =	shalt  }
0x56: {  	_ =	shalt  }
0x57: {  	_ =	shalt  }
0x58: {  	_ =	shalt  }
0x59: {  	_ =	shalt  }
0x5a: {  	_ =	shalt  }
0x5b: {  	_ =	shalt  }
0x5c: {  	_ =	shalt  }
0x5d: {  	_ =	shalt  }
0x5e: {  	_ =	shalt  }
0x5f: {  	_ =	shalt  }
0x60: {  	_ =	shalt  }
0x61: {  	_ =	shalt  }
0x62: {  	_ =	shalt  }
0x63: {  	_ =	shalt  }
0x64: {  	_ =	shalt  }
0x65: {  	_ =	shalt  }
0x66: {  	_ =	shalt  }
0x67: {  	_ =	shalt  }
0x68: {  	_ =	shalt  }
0x69: {  	_ =	shalt  }
0x6a: {  	_ =	shalt  }
0x6b: {  	_ =	shalt  }
0x6c: {  	_ =	shalt  }
0x6d: {  	_ =	shalt  }
0x6e: {  	_ =	shalt  }
0x6f: {  	_ =	shalt  }
0x70: {  	_ =	shalt  }
0x71: {  	_ =	shalt  }
0x72: {  	_ =	shalt  }
0x73: {  	_ =	shalt  }
0x74: {  	_ =	shalt  }
0x75: {  	_ =	shalt  }
0x76: {  	_ =	shalt  }
0x77: {  	_ =	shalt  }
0x78: {  	_ =	shalt  }
0x79: {  	_ =	shalt  }
0x7a: {  	_ =	shalt  }
0x7b: {  	_ =	shalt  }
0x7c: {  	_ =	shalt  }
0x7d: {  	_ =	shalt  }
0x7e: {  	_ =	shalt  }
0x7f: {  	_ =	shalt  }
0x80: {  	_ =	shalt  }
0x81: {  	_ =	shalt  }
0x82: {  	_ =	shalt  }
0x83: {  	_ =	shalt  }
0x84: {  	_ =	shalt  }
0x85: {  	_ =	shalt  }
0x86: {  	_ =	shalt  }
0x87: {  	_ =	shalt  }
.Lfunc_end0:
.L_simem_size_0:
called_computation.1_lowered:
.L_overlay_start_0:
0x88: {  	s2 =	sld [smem:$0x3FD9]  }
0x89: {  	s3 =	sld [smem:$0x3FFE];
	_ =	sdelay $0x1  }
0x8a: {  	s1 =	srdreg.scid  }
0x8b: {  	s0 =	sand.u32 $0x1, s1  }
0x8c: {  	s16 =	sshll.u32 s0, $0xA;
	s2 =	sadd.s32 s3, s2  }
0x8d: {  	s2 =	sadd.s32 s2, s16  }
0x8e: {  	[smem:$0x3FB5] =	sst s2  }
0x8f: {  	_ = 	snop  }
0x90: {  	(tm) =	ssettm $0x1  }
0x91: {  	s17 =	sld [smem:$0x3FFB];
	_ =	sdelay $0x3  }
0x92: {  	_ =	strace s17  }
0x93: {  	s2 =	sld [smem:$0x3FFC];
	_ =	sdelay $0x3  }
0x94: {  	_ =	strace s2  }
0x95: {  	s2 =	sld [smem:$0x3FFD];
	_ =	sdelay $0x3  }
0x96: {  	_ =	strace s2  }
0x97: {  	_ =	strace $0x8FFFFFFF  }
0x98: {  	s18 =	sld [smem:$0x3FDB];
	_ =	sdelay $0x1  }
0x99: {  	s19 =	simm.s32 $_scs_section_size  }
0x9a: {  	s4 =	simm.s32 $_size__tile_overlayer_lowered;
	s5 =	simm.s32 $_tile_overlayer_lowered  }
0x9b: {  	s22 =	simm.s32 $0x1BFF;
	s21 =	sshll.u32 s5, $0x1;
	s2 =	sadd.s32 s19, s18  }
0x9c: {  	s6 =	simm.s32 $0x0;
	s20 =	sshll.u32 s4, $0x1;
	s4 =	sadd.s32 s21, s2  }
0x9d: {  	[timem:s6], [sflag:s22] =	dma.local [hbm:s4], s20  }
0x9e: {  	_ =	swait.ge [sflag:s22], s20  }
0x9f: {  	s3 =	ssub.s32 $0x0, s20;
	[sflag:s22] =	ssyncset.done $0x0  }
0xa0: {  	[sflag:s22] =	ssyncadd.s32 s3;
	_ =	sdelay $0x1  }
0xa1: {  	s23 =	simm.s32 $0x1B8B  }
0xa2: {  	_ =	swait.ge [sflag:s23], $0x1  }
0xa3: {  	[sflag:s23] =	ssyncset.done $0x0  }
0xa4: {  	s25 =	simm.s32 $0x1B8E;
	s24 =	sld [smem:$0x3FFE];
	[sflag:s23] =	ssyncadd.s32 $0xFFFFFFFF  }
0xa5: {  	s26 =	simm.s32 $execute0_lowered;
	[smem:$0x3FD2] =	sst s25  }
0xa6: {  	s4 =	sshll.u32 s26, $0x1;
	_ =	strace $0x80000049;
	[dreg:$0x1] =	wrdreg $0xFFFFFFFF  }
0xa7: {  	s28 =	simm.s32 $_size_execute0_lowered;
	s2 =	sadd.s32 s2, s4;
	[dreg:$0x0] =	wrdreg $0x0  }
0xa8: {  	s4 =	sshll.u32 s28, $0x1;
	[dreg:$0x2] =	wrdreg s2  }
0xa9: {  	[dreg:$0x3] =	wrdreg s4  }
0xaa: {  	[dreg:$0x4] =	wrdreg $0xC0  }
0xab: {  	_ =	task [dreg:s6], $0x5FFFF  }
0xac: {  	[dreg:$0x1] =	wrdreg $0xFFFFFFFF  }
0xad: {  	[dreg:$0x0] =	wrdreg $0x60  }
0xae: {  	[dreg:$0x2] =	wrdreg s24  }
0xaf: {  	[dreg:$0x3] =	wrdreg $0xA8000  }
0xb0: {  	[dreg:$0x4] =	wrdreg $0x9  }
0xb1: {  	_ =	task.clear_ibuf [dreg:s6], $0x5FFFF;
	_ =	strace $0x90000049  }
0xb2: {  	s29 =	simm.s32 $0x9;
	_ =	strace $0x8000004B  }
0xb3: {  	_ =	swait.ge [sflag:s29], $0x1  }
0xb4: {  	[sflag:s29] =	ssyncadd.s32 $0xFFFFFFFF  }
0xb5: {  	_ =	strace $0x9000004B  }
0xb6: {  	_ =	sfence  }
0xb7: {  	s30 =	sld [smem:$0x0];
	_ =	sdelay $0x2  }
0xb8: {  	s31 =	sshll.u32 s1, $0xD;
	s1 =	sshrl.u32 s1, $0x2  }
0xb9: {  	s3 =	sand.u32 $0x4000, s31;
	s1 =	sadd.s32 s1, s30  }
0xba: {  	s0 =	sor.u32 s3, s0;
	s1 =	sshll.u32 s1, $0x11  }
0xbb: {  	s0 =	sor.u32 s1, s0  }
0xbc: {  	s0 =	sadd.s32 $0x8F2B, s0  }
0xbd: {  	[sflag:s0] =	ssyncadd.remote.s32 $0x1  }
0xbe: {  	_ =	sfence.sel $0xFFFF  }
0xbf: {  	[dreg:$0x0] =	wrdreg $0xFFFFFFFF;
	(pc) =	sbr.abs _section_cstart, $3  }
0xc0: {  	[dreg:$0x1] =	wrdreg $0xFFFFFFFF  }
0xc1: {  	_ =	task.clear_ibuf [dreg:s6], $0x2FFFF;
	_ =	strace $0x9FFFFFFF  }
0xc2: {  	(tm) =	ssettm $0x7FFFFFFF  }
0xc3: {  	_ =	shalt  }
tec
execute0_lowered:
.L_overlay_start_1:
0x0: {  	(tag) =	ssettag $0x1  }
0x1: {  	s0 =	rddreg [dreg:$0x0]  }
0x2: {  	s1 =	rddreg [dreg:$0x1];
	s2 =	simm.s32 $0x0;
	s3 =	stileid.u32  }
0x3: {  	s7 =	srdreg.scid;
	s20 =	simm.s32 $0x3;
	s21 =	simm.s32 $0x1400  }
0x4: {  	s22 =	simm.s32 $0x2;
	s23 =	simm.s32 $0x7D;
	s24 =	simm.s32 $0x80  }
0x5: {  	s25 =	simm.s32 $0x6800;
	s26 =	simm.s32 $0x1;
	s28 =	simm.s32 $0x2700  }
0x6: {  	s29 =	simm.s32 $0x2780;
	s30 =	simm.s32 $0x0;
	[smem:$0x7FF] =	sst s2  }
0x7: {  	s4 =	sadd.s32 $0x15600, s0;
	s5 =	sadd.s32 $0x3C800, s0;
	s16 =	sadd.s32 $0x10600, s0  }
0x8: {  	s8 =	smul.u32 $0x50000, s3;
	s17 =	sadd.s32 $0xB600, s0;
	s6 =	sadd.s32 $0x63A00, s0  }
0x9: {  	s18 =	sand.u32 $0x1, s7;
	s7 =	sadd.s32 $0x8BA00, s0;
	s9 =	smul.u32 $0x2800, s3  }
0xa: {  	_ =	strace $0x8000004A;
	[dreg:$0x3] =	wrdreg s6;
	s31 =	ssub.s32 $0x2, s18  }
0xb: {  	p0 =	seq.s32 s18, $0x1;
	s8 =	sshrl.u32 s8, $0x2;
	s10 =	sshrl.u32 s31, $0x1  }
.Ltmp0:
0xc: {  	s19 =	sshrl.u32 s9, $0x3;
	s8 =	sadd.s32 s8, s1;
	(pc) =	sbr.rel .LBB2_1-.Ltmp0, $4  }
0xd: {  	s0 =	ssub.s32 s31, s10;
	s14 =	sadd.s32 s16, s19;
	s15 =	sadd.s32 s17, s19  }
0xe: {  	s19 =	sadd.s32 $0x280, s19;
	s10 =	sadd.s32 $0x4000, s8;
	s11 =	sadd.s32 $0x8000, s8  }
0xf: {  	s12 =	sadd.s32 $0xC000, s8;
	s13 =	sadd.s32 $0x10000, s8;
	s16 =	sadd.s32 s16, s19  }
0x10: {  	v0 =	vimm.f32 $0.0e+00;
	s17 =	sadd.s32 s17, s19;
	s18 =	smax.u32 s0, $0x1;
	s19 =	simm.s32 $0x2800  }
.LBB2_8:
0x11: {  	[tilespmem:s25], [sflag:$0x2] =	stream.indirect.gather [hbm4b:s4+s23], $0x80, s0, s23, $0xb8;
	[tilespmem:$0x1E800] =	vst v63  }
0x12: {  	s0 =	rddreg [dreg:$0x3]  }
.LBB2_14:
0x13: {  	_ =	swait.ge [sflag:s26], $0x3E80  }
0x14: {  	[sflag:s26] =	ssyncset.done $0x0  }
0x15: {  	[sflag:s26] =	ssyncadd.s32 $0xFFFFC180  }
0x16: {  	[spmem:s1] =	stream.indirect.scatter.add.f32 [tilespmem:s19], [sflag:$0x3], $0x80, s28, s23, $0xb8;
	[tilespmem:$0x1E800] =	vst v63  }
0x17: {  	_ =	swait.ge [sflag:s20], $0x3E80  }
0x18: {  	[sflag:s20] =	ssyncset.done $0x0  }
0x19: {  	[sflag:s20] =	ssyncadd.s32 $0xFFFFC180  }
0x1a: {  	_ =	swait.ge [sflag:s22], $0x3E80  }
0x1b: {  	[sflag:s22] =	ssyncset.done $0x0  }
0x1c: {  	[sflag:s22] =	ssyncadd.s32 $0xFFFFC180  }
0x1d: {  	[spmem:s1] =	stream.indirect.scatter.add.f32 [tilespmem:s25], [sflag:$0x3], $0x80, s29, s23, $0xb8;
	[tilespmem:$0x1E800] =	vst v63  }
0x1e: {  	s0 =	sadd.s32 s0, s9;
	_ =	swait.ge [sflag:s20], $0x3E80  }
0x1f: {  	s6 =	sshll.u32 s3, $0x6;
	s30 =	sadd.s32 $0x1, s30;
	[sflag:s20] =	ssyncset.done $0x0  }
0x20: {  	s31 =	sshrl.u32 s8, $0x3;
	p1 =	sne.s32 s30, s18;
	[sflag:s20] =	ssyncadd.s32 $0xFFFFC180  }
.Ltmp1:
0x21: {  	s6 =	sor.u32 $0x1C03, s6;
	[bflag:$0x0] =	sbarrier.arrive $0xFFFF;
	(pc) =	sbr.rel @!p1 .LBB2_15-.Ltmp1, $4  }
0x22: {  	[hbm:s0], [sflag:s6] =	dma.local [spmem:s31], $0x2800  }
0x23: {  	_ =	swait.ge [sflag:s20], $0x2800  }
0x24: {  	[sflag:s20] =	ssyncset.done $0x0  }
0x25: {  	[sflag:s20] =	ssyncadd.s32 $0xFFFFD800  }
.LBB2_1:
0x26: {  	s31 =	simm.s32 $0x0;
	s0 =	simm.s32 $0x200  }
.LBB2_2:
0x27: {  	p1 =	sne.s32 s0, $0xFE00;
	[tilespmem:s31+$0x2870] =	vst v0  }
0x28: {  	[tilespmem:s31+$0x2800] =	vst v0  }
0x29: {  	[tilespmem:s31+$0x2810] =	vst v0  }
.Ltmp2:
0x2a: {  	[tilespmem:s31+$0x2820] =	vst v0;
	(pc) =	sbr.rel @p1 .LBB2_2-.Ltmp2, $4  }
0x2b: {  	[tilespmem:s31+$0x2830] =	vst v0  }
0x2c: {  	[tilespmem:s31+$0x2840] =	vst v0  }
0x2d: {  	[tilespmem:s31+$0x2850] =	vst v0  }
0x2e: {  	[tilespmem:s31+$0x2860] =	vst v0;
	s31 =	sshra.s32 s0, $0x2;
	s0 =	sadd.s32 $0x200, s0  }
0x2f: {  	[tilespmem:s31+$0x2870] =	vst v0  }
0x30: {  	[tilespmem:s31+$0x2800] =	vst v0  }
0x31: {  	[tilespmem:s31+$0x2810] =	vst v0  }
0x32: {  	[tilespmem:s31+$0x2820] =	vst v0  }
0x33: {  	[tilespmem:s31+$0x2830] =	vst v0  }
0x34: {  	[tilespmem:s31+$0x2840] =	vst v0  }
0x35: {  	[tilespmem:s31+$0x2850] =	vst v0  }
0x36: {  	[tilespmem:s31+$0x2860] =	vst v0  }
0x37: {  	[spmem:s8] =	stream.linear.scatter [tilespmem:s19], [sflag:$0x2], $0x4000, $0x38;
	[tilespmem:$0x1E800] =	vst v63  }
0x38: {  	_ = 	snop  }
0x39: {  	[spmem:s10] =	stream.linear.scatter [tilespmem:s19], [sflag:$0x2], $0x4000, $0x38;
	[tilespmem:$0x1E800] =	vst v63  }
0x3a: {  	_ = 	snop  }
0x3b: {  	[spmem:s11] =	stream.linear.scatter [tilespmem:s19], [sflag:$0x2], $0x4000, $0x38;
	[tilespmem:$0x1E800] =	vst v63  }
0x3c: {  	_ = 	snop  }
0x3d: {  	[spmem:s12] =	stream.linear.scatter [tilespmem:s19], [sflag:$0x2], $0x4000, $0x38;
	[tilespmem:$0x1E800] =	vst v63  }
0x3e: {  	_ = 	snop  }
0x3f: {  	[spmem:s13] =	stream.linear.scatter [tilespmem:s19], [sflag:$0x2], $0x4000, $0x38;
	[tilespmem:$0x1E800] =	vst v63  }
0x40: {  	_ = 	snop  }
0x41: {  	[tilespmem:s2], [sflag:$0x3] =	stream.linear.gather [hbm4b:s14+s2], $0x1400, $0x38;
	[tilespmem:$0x1E800] =	vst v63  }
0x42: {  	_ =	swait.ge [sflag:s20], $0x1400  }
0x43: {  	[sflag:s20] =	ssyncset.done $0x0  }
0x44: {  	[sflag:s20] =	ssyncadd.s32 $0xFFFFEC00  }
0x45: {  	[tilespmem:s21], [sflag:$0x3] =	stream.linear.gather [hbm4b:s15+s2], $0x1400, $0x38;
	[tilespmem:$0x1E800] =	vst v63  }
0x46: {  	_ =	swait.ge [sflag:s20], $0x1400  }
0x47: {  	[sflag:s20] =	ssyncset.done $0x0  }
0x48: {  	[sflag:s20] =	ssyncadd.s32 $0xFFFFEC00  }
0x49: {  	_ =	swait.ge [sflag:s22], $0x4000  }
0x4a: {  	[sflag:s22] =	ssyncset.done $0x0  }
0x4b: {  	[sflag:s22] =	ssyncadd.s32 $0xFFFFC000  }
0x4c: {  	_ =	swait.ge [sflag:s22], $0x4000  }
0x4d: {  	[sflag:s22] =	ssyncset.done $0x0  }
0x4e: {  	[sflag:s22] =	ssyncadd.s32 $0xFFFFC000  }
0x4f: {  	_ =	swait.ge [sflag:s22], $0x4000  }
0x50: {  	[sflag:s22] =	ssyncset.done $0x0  }
0x51: {  	[sflag:s22] =	ssyncadd.s32 $0xFFFFC000  }
0x52: {  	_ =	swait.ge [sflag:s22], $0x4000  }
0x53: {  	[sflag:s22] =	ssyncset.done $0x0  }
0x54: {  	[sflag:s22] =	ssyncadd.s32 $0xFFFFC000  }
.Ltmp3:
0x55: {  	_ =	swait.ge [sflag:s22], $0x4000;
	(pc) =	sbr.rel @!p0 .LBB2_4-.Ltmp3, $4  }
0x56: {  	[sflag:s22] =	ssyncset.done $0x0  }
0x57: {  	[sflag:s22] =	ssyncadd.s32 $0xFFFFC000  }
0x58: {  	[bflag:$0x0] =	sbarrier.arrive $0xFFFF  }
0x59: {  	s0 =	simm.s32 $0x0  }
0x5a: {  	[tilespmem:s19], [sflag:$0x1] =	stream.indirect.gather [hbm4b:s5+s23], $0x80, s0, s23, $0xb8;
	[tilespmem:$0x1E800] =	vst v63  }
0x5b: {  	_ = 	snop  }
0x5c: {  	[tilespmem:s25], [sflag:$0x2] =	stream.indirect.gather [hbm4b:s5+s23], $0x80, s24, s23, $0xb8;
	[tilespmem:$0x1E800] =	vst v63  }
0x5d: {  	_ =	swait.ge [sflag:s26], $0x3E80  }
0x5e: {  	[sflag:s26] =	ssyncset.done $0x0  }
0x5f: {  	s6 =	simm.s32 $0x1400;
	[sflag:s26] =	ssyncadd.s32 $0xFFFFC180  }
0x60: {  	[spmem:s1] =	stream.indirect.scatter.add.f32 [tilespmem:s19], [sflag:$0x3], $0x80, s6, s23, $0xb8;
	[tilespmem:$0x1E800] =	vst v63  }
0x61: {  	_ =	swait.ge [sflag:s20], $0x3E80  }
0x62: {  	[sflag:s20] =	ssyncset.done $0x0  }
0x63: {  	s6 =	simm.s32 $0x100;
	[sflag:s20] =	ssyncadd.s32 $0xFFFFC180  }
0x64: {  	[tilespmem:s19], [sflag:$0x1] =	stream.indirect.gather [hbm4b:s5+s23], $0x80, s6, s23, $0xb8;
	[tilespmem:$0x1E800] =	vst v63  }
0x65: {  	_ =	swait.ge [sflag:s22], $0x3E80  }
0x66: {  	[sflag:s22] =	ssyncset.done $0x0  }
0x67: {  	s6 =	simm.s32 $0x1480;
	[sflag:s22] =	ssyncadd.s32 $0xFFFFC180  }
0x68: {  	[spmem:s1] =	stream.indirect.scatter.add.f32 [tilespmem:s25], [sflag:$0x3], $0x80, s6, s23, $0xb8;
	[tilespmem:$0x1E800] =	vst v63  }
0x69: {  	_ =	swait.ge [sflag:s20], $0x3E80  }
0x6a: {  	[sflag:s20] =	ssyncset.done $0x0  }
0x6b: {  	s31 =	simm.s32 $0x400;
	s0 =	simm.s32 $0x180;
	[sflag:s20] =	ssyncadd.s32 $0xFFFFC180  }
.LBB2_10:
0x6c: {  	[tilespmem:s25], [sflag:$0x2] =	stream.indirect.gather [hbm4b:s5+s23], $0x80, s0, s23, $0xb8;
	[tilespmem:$0x1E800] =	vst v63  }
0x6d: {  	s0 =	smov.u32 s31  }
0x6e: {  	p1 =	sne.s32 s31, $0x4800;
	s31 =	sadd.s32 $0x400, s31;
	_ =	swait.ge [sflag:s26], $0x3E80  }
0x6f: {  	s0 =	sshra.s32 s0, $0x2;
	[sflag:s26] =	ssyncset.done $0x0  }
0x70: {  	s6 =	sadd.s32 $0x1400, s0;
	[sflag:s26] =	ssyncadd.s32 $0xFFFFC180  }
0x71: {  	[spmem:s1] =	stream.indirect.scatter.add.f32 [tilespmem:s19], [sflag:$0x3], $0x80, s6, s23, $0xb8;
	[tilespmem:$0x1E800] =	vst v63  }
0x72: {  	_ =	swait.ge [sflag:s20], $0x3E80  }
0x73: {  	[sflag:s20] =	ssyncset.done $0x0  }
0x74: {  	s6 =	sadd.s32 $0x100, s0;
	[sflag:s20] =	ssyncadd.s32 $0xFFFFC180  }
0x75: {  	[tilespmem:s19], [sflag:$0x1] =	stream.indirect.gather [hbm4b:s5+s23], $0x80, s6, s23, $0xb8;
	[tilespmem:$0x1E800] =	vst v63  }
0x76: {  	_ =	swait.ge [sflag:s22], $0x3E80  }
0x77: {  	[sflag:s22] =	ssyncset.done $0x0  }
.Ltmp4:
0x78: {  	s6 =	sadd.s32 $0x1480, s0;
	[sflag:s22] =	ssyncadd.s32 $0xFFFFC180;
	(pc) =	sbr.rel @p1 .LBB2_10-.Ltmp4, $4  }
0x79: {  	[spmem:s1] =	stream.indirect.scatter.add.f32 [tilespmem:s25], [sflag:$0x3], $0x80, s6, s23, $0xb8;
	[tilespmem:$0x1E800] =	vst v63  }
0x7a: {  	_ =	swait.ge [sflag:s20], $0x3E80  }
0x7b: {  	[sflag:s20] =	ssyncset.done $0x0  }
0x7c: {  	s0 =	sadd.s32 $0x180, s0;
	[sflag:s20] =	ssyncadd.s32 $0xFFFFC180  }
0x7d: {  	[tilespmem:s25], [sflag:$0x2] =	stream.indirect.gather [hbm4b:s5+s23], $0x80, s0, s23, $0xb8;
	[tilespmem:$0x1E800] =	vst v63  }
0x7e: {  	_ =	swait.ge [sflag:s26], $0x3E80  }
0x7f: {  	[sflag:s26] =	ssyncset.done $0x0  }
0x80: {  	[sflag:s26] =	ssyncadd.s32 $0xFFFFC180  }
0x81: {  	[spmem:s1] =	stream.indirect.scatter.add.f32 [tilespmem:s19], [sflag:$0x3], $0x80, s28, s23, $0xb8;
	[tilespmem:$0x1E800] =	vst v63  }
0x82: {  	_ =	swait.ge [sflag:s20], $0x3E80  }
0x83: {  	[sflag:s20] =	ssyncset.done $0x0  }
0x84: {  	[sflag:s20] =	ssyncadd.s32 $0xFFFFC180  }
0x85: {  	_ =	swait.ge [sflag:s22], $0x3E80  }
0x86: {  	[sflag:s22] =	ssyncset.done $0x0  }
0x87: {  	[sflag:s22] =	ssyncadd.s32 $0xFFFFC180  }
0x88: {  	[spmem:s1] =	stream.indirect.scatter.add.f32 [tilespmem:s25], [sflag:$0x3], $0x80, s29, s23, $0xb8;
	[tilespmem:$0x1E800] =	vst v63  }
0x89: {  	_ =	swait.ge [sflag:s20], $0x3E80  }
0x8a: {  	[sflag:s20] =	ssyncset.done $0x0  }
0x8b: {  	s6 =	simm.s32 $0x0;
	[sflag:s20] =	ssyncadd.s32 $0xFFFFC180  }
0x8c: {  	[tilespmem:s6], [sflag:$0x3] =	stream.linear.gather [hbm4b:s16+s6], $0x1400, $0x38;
	[tilespmem:$0x1E800] =	vst v63  }
0x8d: {  	_ =	swait.ge [sflag:s20], $0x1400  }
0x8e: {  	[sflag:s20] =	ssyncset.done $0x0  }
0x8f: {  	[sflag:s20] =	ssyncadd.s32 $0xFFFFEC00  }
0x90: {  	[tilespmem:s21], [sflag:$0x3] =	stream.linear.gather [hbm4b:s17+s6], $0x1400, $0x38;
	[tilespmem:$0x1E800] =	vst v63  }
0x91: {  	_ =	swait.ge [sflag:s20], $0x1400  }
0x92: {  	[sflag:s20] =	ssyncset.done $0x0  }
0x93: {  	[sflag:s20] =	ssyncadd.s32 $0xFFFFEC00  }
0x94: {  	[tilespmem:s19], [sflag:$0x1] =	stream.indirect.gather [hbm4b:s5+s23], $0x80, s6, s23, $0xb8;
	[tilespmem:$0x1E800] =	vst v63  }
0x95: {  	_ = 	snop  }
0x96: {  	[tilespmem:s25], [sflag:$0x2] =	stream.indirect.gather [hbm4b:s5+s23], $0x80, s24, s23, $0xb8;
	[tilespmem:$0x1E800] =	vst v63  }
0x97: {  	_ =	swait.ge [sflag:s26], $0x3E80  }
0x98: {  	[sflag:s26] =	ssyncset.done $0x0  }
0x99: {  	s6 =	simm.s32 $0x1400;
	[sflag:s26] =	ssyncadd.s32 $0xFFFFC180  }
0x9a: {  	[spmem:s1] =	stream.indirect.scatter.add.f32 [tilespmem:s19], [sflag:$0x3], $0x80, s6, s23, $0xb8;
	[tilespmem:$0x1E800] =	vst v63  }
0x9b: {  	_ =	swait.ge [sflag:s20], $0x3E80  }
0x9c: {  	[sflag:s20] =	ssyncset.done $0x0  }
0x9d: {  	s6 =	simm.s32 $0x100;
	[sflag:s20] =	ssyncadd.s32 $0xFFFFC180  }
0x9e: {  	[tilespmem:s19], [sflag:$0x1] =	stream.indirect.gather [hbm4b:s5+s23], $0x80, s6, s23, $0xb8;
	[tilespmem:$0x1E800] =	vst v63  }
0x9f: {  	_ =	swait.ge [sflag:s22], $0x3E80  }
0xa0: {  	[sflag:s22] =	ssyncset.done $0x0  }
0xa1: {  	s6 =	simm.s32 $0x1480;
	[sflag:s22] =	ssyncadd.s32 $0xFFFFC180  }
0xa2: {  	[spmem:s1] =	stream.indirect.scatter.add.f32 [tilespmem:s25], [sflag:$0x3], $0x80, s6, s23, $0xb8;
	[tilespmem:$0x1E800] =	vst v63  }
0xa3: {  	_ =	swait.ge [sflag:s20], $0x3E80  }
0xa4: {  	[sflag:s20] =	ssyncset.done $0x0  }
0xa5: {  	s31 =	simm.s32 $0x400;
	s0 =	simm.s32 $0x180;
	[sflag:s20] =	ssyncadd.s32 $0xFFFFC180  }
.LBB2_12:
0xa6: {  	[tilespmem:s25], [sflag:$0x2] =	stream.indirect.gather [hbm4b:s5+s23], $0x80, s0, s23, $0xb8;
	[tilespmem:$0x1E800] =	vst v63  }
0xa7: {  	s0 =	smov.u32 s31  }
0xa8: {  	p1 =	sne.s32 s31, $0x4800;
	s31 =	sadd.s32 $0x400, s31;
	_ =	swait.ge [sflag:s26], $0x3E80  }
0xa9: {  	s0 =	sshra.s32 s0, $0x2;
	[sflag:s26] =	ssyncset.done $0x0  }
0xaa: {  	s6 =	sadd.s32 $0x1400, s0;
	[sflag:s26] =	ssyncadd.s32 $0xFFFFC180  }
0xab: {  	[spmem:s1] =	stream.indirect.scatter.add.f32 [tilespmem:s19], [sflag:$0x3], $0x80, s6, s23, $0xb8;
	[tilespmem:$0x1E800] =	vst v63  }
0xac: {  	_ =	swait.ge [sflag:s20], $0x3E80  }
0xad: {  	[sflag:s20] =	ssyncset.done $0x0  }
0xae: {  	s6 =	sadd.s32 $0x100, s0;
	[sflag:s20] =	ssyncadd.s32 $0xFFFFC180  }
0xaf: {  	[tilespmem:s19], [sflag:$0x1] =	stream.indirect.gather [hbm4b:s5+s23], $0x80, s6, s23, $0xb8;
	[tilespmem:$0x1E800] =	vst v63  }
0xb0: {  	_ =	swait.ge [sflag:s22], $0x3E80  }
0xb1: {  	[sflag:s22] =	ssyncset.done $0x0  }
.Ltmp5:
0xb2: {  	s6 =	sadd.s32 $0x1480, s0;
	[sflag:s22] =	ssyncadd.s32 $0xFFFFC180;
	(pc) =	sbr.rel @p1 .LBB2_12-.Ltmp5, $4  }
0xb3: {  	[spmem:s1] =	stream.indirect.scatter.add.f32 [tilespmem:s25], [sflag:$0x3], $0x80, s6, s23, $0xb8;
	[tilespmem:$0x1E800] =	vst v63  }
0xb4: {  	_ =	swait.ge [sflag:s20], $0x3E80  }
0xb5: {  	[sflag:s20] =	ssyncset.done $0x0  }
0xb6: {  	s0 =	sadd.s32 $0x180, s0;
	[sflag:s20] =	ssyncadd.s32 $0xFFFFC180  }
.Ltmp6:
0xb7: {  	(pc) =	sbr.rel .LBB2_14-.Ltmp6, $3  }
0xb8: {  	_ =	sdelay $0x1  }
0xb9: {  	[tilespmem:s25], [sflag:$0x2] =	stream.indirect.gather [hbm4b:s5+s23], $0x80, s0, s23, $0xb8;
	[tilespmem:$0x1E800] =	vst v63  }
0xba: {  	s0 =	smov.u32 s7  }
.LBB2_4:
0xbb: {  	[tilespmem:s19], [sflag:$0x1] =	stream.indirect.gather [hbm4b:s4+s23], $0x80, s0, s23, $0xb8;
	[tilespmem:$0x1E800] =	vst v63  }
0xbc: {  	_ = 	snop  }
0xbd: {  	[tilespmem:s25], [sflag:$0x2] =	stream.indirect.gather [hbm4b:s4+s23], $0x80, s24, s23, $0xb8;
	[tilespmem:$0x1E800] =	vst v63  }
0xbe: {  	_ =	swait.ge [sflag:s26], $0x3E80  }
0xbf: {  	[sflag:s26] =	ssyncset.done $0x0  }
0xc0: {  	s6 =	simm.s32 $0x1400;
	[sflag:s26] =	ssyncadd.s32 $0xFFFFC180  }
0xc1: {  	[spmem:s1] =	stream.indirect.scatter.add.f32 [tilespmem:s19], [sflag:$0x3], $0x80, s6, s23, $0xb8;
	[tilespmem:$0x1E800] =	vst v63  }
0xc2: {  	_ =	swait.ge [sflag:s20], $0x3E80  }
0xc3: {  	[sflag:s20] =	ssyncset.done $0x0  }
0xc4: {  	s6 =	simm.s32 $0x100;
	[sflag:s20] =	ssyncadd.s32 $0xFFFFC180  }
0xc5: {  	[tilespmem:s19], [sflag:$0x1] =	stream.indirect.gather [hbm4b:s4+s23], $0x80, s6, s23, $0xb8;
	[tilespmem:$0x1E800] =	vst v63  }
0xc6: {  	_ =	swait.ge [sflag:s22], $0x3E80  }
0xc7: {  	[sflag:s22] =	ssyncset.done $0x0  }
0xc8: {  	s6 =	simm.s32 $0x1480;
	[sflag:s22] =	ssyncadd.s32 $0xFFFFC180  }
0xc9: {  	[spmem:s1] =	stream.indirect.scatter.add.f32 [tilespmem:s25], [sflag:$0x3], $0x80, s6, s23, $0xb8;
	[tilespmem:$0x1E800] =	vst v63  }
0xca: {  	_ =	swait.ge [sflag:s20], $0x3E80  }
0xcb: {  	[sflag:s20] =	ssyncset.done $0x0  }
0xcc: {  	s31 =	simm.s32 $0x400;
	s0 =	simm.s32 $0x180;
	[sflag:s20] =	ssyncadd.s32 $0xFFFFC180  }
.LBB2_5:
0xcd: {  	[tilespmem:s25], [sflag:$0x2] =	stream.indirect.gather [hbm4b:s4+s23], $0x80, s0, s23, $0xb8;
	[tilespmem:$0x1E800] =	vst v63  }
0xce: {  	s0 =	smov.u32 s31  }
0xcf: {  	p1 =	sne.s32 s31, $0x4800;
	s31 =	sadd.s32 $0x400, s31;
	_ =	swait.ge [sflag:s26], $0x3E80  }
0xd0: {  	s0 =	sshra.s32 s0, $0x2;
	[sflag:s26] =	ssyncset.done $0x0  }
0xd1: {  	s6 =	sadd.s32 $0x1400, s0;
	[sflag:s26] =	ssyncadd.s32 $0xFFFFC180  }
0xd2: {  	[spmem:s1] =	stream.indirect.scatter.add.f32 [tilespmem:s19], [sflag:$0x3], $0x80, s6, s23, $0xb8;
	[tilespmem:$0x1E800] =	vst v63  }
0xd3: {  	_ =	swait.ge [sflag:s20], $0x3E80  }
0xd4: {  	[sflag:s20] =	ssyncset.done $0x0  }
0xd5: {  	s6 =	sadd.s32 $0x100, s0;
	[sflag:s20] =	ssyncadd.s32 $0xFFFFC180  }
0xd6: {  	[tilespmem:s19], [sflag:$0x1] =	stream.indirect.gather [hbm4b:s4+s23], $0x80, s6, s23, $0xb8;
	[tilespmem:$0x1E800] =	vst v63  }
0xd7: {  	_ =	swait.ge [sflag:s22], $0x3E80  }
0xd8: {  	[sflag:s22] =	ssyncset.done $0x0  }
.Ltmp7:
0xd9: {  	s6 =	sadd.s32 $0x1480, s0;
	[sflag:s22] =	ssyncadd.s32 $0xFFFFC180;
	(pc) =	sbr.rel @p1 .LBB2_5-.Ltmp7, $4  }
0xda: {  	[spmem:s1] =	stream.indirect.scatter.add.f32 [tilespmem:s25], [sflag:$0x3], $0x80, s6, s23, $0xb8;
	[tilespmem:$0x1E800] =	vst v63  }
0xdb: {  	_ =	swait.ge [sflag:s20], $0x3E80  }
0xdc: {  	[sflag:s20] =	ssyncset.done $0x0  }
0xdd: {  	s0 =	sadd.s32 $0x180, s0;
	[sflag:s20] =	ssyncadd.s32 $0xFFFFC180  }
0xde: {  	[tilespmem:s25], [sflag:$0x2] =	stream.indirect.gather [hbm4b:s4+s23], $0x80, s0, s23, $0xb8;
	[tilespmem:$0x1E800] =	vst v63  }
0xdf: {  	_ =	swait.ge [sflag:s26], $0x3E80  }
0xe0: {  	[sflag:s26] =	ssyncset.done $0x0  }
0xe1: {  	[sflag:s26] =	ssyncadd.s32 $0xFFFFC180  }
0xe2: {  	[spmem:s1] =	stream.indirect.scatter.add.f32 [tilespmem:s19], [sflag:$0x3], $0x80, s28, s23, $0xb8;
	[tilespmem:$0x1E800] =	vst v63  }
0xe3: {  	_ =	swait.ge [sflag:s20], $0x3E80  }
0xe4: {  	[sflag:s20] =	ssyncset.done $0x0  }
0xe5: {  	[sflag:s20] =	ssyncadd.s32 $0xFFFFC180  }
0xe6: {  	_ =	swait.ge [sflag:s22], $0x3E80  }
0xe7: {  	[sflag:s22] =	ssyncset.done $0x0  }
0xe8: {  	[sflag:s22] =	ssyncadd.s32 $0xFFFFC180  }
0xe9: {  	[spmem:s1] =	stream.indirect.scatter.add.f32 [tilespmem:s25], [sflag:$0x3], $0x80, s29, s23, $0xb8;
	[tilespmem:$0x1E800] =	vst v63  }
0xea: {  	_ =	swait.ge [sflag:s20], $0x3E80  }
0xeb: {  	[sflag:s20] =	ssyncset.done $0x0  }
0xec: {  	s6 =	simm.s32 $0x0;
	[sflag:s20] =	ssyncadd.s32 $0xFFFFC180  }
0xed: {  	[tilespmem:s6], [sflag:$0x3] =	stream.linear.gather [hbm4b:s16+s6], $0x1400, $0x38;
	[tilespmem:$0x1E800] =	vst v63  }
0xee: {  	_ =	swait.ge [sflag:s20], $0x1400  }
0xef: {  	[sflag:s20] =	ssyncset.done $0x0  }
0xf0: {  	[sflag:s20] =	ssyncadd.s32 $0xFFFFEC00  }
0xf1: {  	[tilespmem:s21], [sflag:$0x3] =	stream.linear.gather [hbm4b:s17+s6], $0x1400, $0x38;
	[tilespmem:$0x1E800] =	vst v63  }
0xf2: {  	_ =	swait.ge [sflag:s20], $0x1400  }
0xf3: {  	[sflag:s20] =	ssyncset.done $0x0  }
0xf4: {  	[sflag:s20] =	ssyncadd.s32 $0xFFFFEC00  }
0xf5: {  	[tilespmem:s19], [sflag:$0x1] =	stream.indirect.gather [hbm4b:s4+s23], $0x80, s6, s23, $0xb8;
	[tilespmem:$0x1E800] =	vst v63  }
0xf6: {  	_ = 	snop  }
0xf7: {  	[tilespmem:s25], [sflag:$0x2] =	stream.indirect.gather [hbm4b:s4+s23], $0x80, s24, s23, $0xb8;
	[tilespmem:$0x1E800] =	vst v63  }
0xf8: {  	_ =	swait.ge [sflag:s26], $0x3E80  }
0xf9: {  	[sflag:s26] =	ssyncset.done $0x0  }
0xfa: {  	s6 =	simm.s32 $0x1400;
	[sflag:s26] =	ssyncadd.s32 $0xFFFFC180  }
0xfb: {  	[spmem:s1] =	stream.indirect.scatter.add.f32 [tilespmem:s19], [sflag:$0x3], $0x80, s6, s23, $0xb8;
	[tilespmem:$0x1E800] =	vst v63  }
0xfc: {  	_ =	swait.ge [sflag:s20], $0x3E80  }
0xfd: {  	[sflag:s20] =	ssyncset.done $0x0  }
0xfe: {  	s6 =	simm.s32 $0x100;
	[sflag:s20] =	ssyncadd.s32 $0xFFFFC180  }
0xff: {  	[tilespmem:s19], [sflag:$0x1] =	stream.indirect.gather [hbm4b:s4+s23], $0x80, s6, s23, $0xb8;
	[tilespmem:$0x1E800] =	vst v63  }
0x100: {  	_ =	swait.ge [sflag:s22], $0x3E80  }
0x101: {  	[sflag:s22] =	ssyncset.done $0x0  }
0x102: {  	s6 =	simm.s32 $0x1480;
	[sflag:s22] =	ssyncadd.s32 $0xFFFFC180  }
0x103: {  	[spmem:s1] =	stream.indirect.scatter.add.f32 [tilespmem:s25], [sflag:$0x3], $0x80, s6, s23, $0xb8;
	[tilespmem:$0x1E800] =	vst v63  }
0x104: {  	_ =	swait.ge [sflag:s20], $0x3E80  }
0x105: {  	[sflag:s20] =	ssyncset.done $0x0  }
0x106: {  	s31 =	simm.s32 $0x400;
	s0 =	simm.s32 $0x180;
	[sflag:s20] =	ssyncadd.s32 $0xFFFFC180  }
.LBB2_7:
0x107: {  	[tilespmem:s25], [sflag:$0x2] =	stream.indirect.gather [hbm4b:s4+s23], $0x80, s0, s23, $0xb8;
	[tilespmem:$0x1E800] =	vst v63  }
0x108: {  	s0 =	smov.u32 s31  }
0x109: {  	p1 =	seq.s32 s31, $0x4800;
	s31 =	sadd.s32 $0x400, s31;
	_ =	swait.ge [sflag:s26], $0x3E80  }
0x10a: {  	s0 =	sshra.s32 s0, $0x2;
	[sflag:s26] =	ssyncset.done $0x0  }
0x10b: {  	s6 =	sadd.s32 $0x1400, s0;
	[sflag:s26] =	ssyncadd.s32 $0xFFFFC180  }
0x10c: {  	[spmem:s1] =	stream.indirect.scatter.add.f32 [tilespmem:s19], [sflag:$0x3], $0x80, s6, s23, $0xb8;
	[tilespmem:$0x1E800] =	vst v63  }
0x10d: {  	_ =	swait.ge [sflag:s20], $0x3E80  }
0x10e: {  	[sflag:s20] =	ssyncset.done $0x0  }
0x10f: {  	s6 =	sadd.s32 $0x100, s0;
	[sflag:s20] =	ssyncadd.s32 $0xFFFFC180  }
0x110: {  	[tilespmem:s19], [sflag:$0x1] =	stream.indirect.gather [hbm4b:s4+s23], $0x80, s6, s23, $0xb8;
	[tilespmem:$0x1E800] =	vst v63  }
0x111: {  	_ =	swait.ge [sflag:s22], $0x3E80  }
0x112: {  	[sflag:s22] =	ssyncset.done $0x0  }
.Ltmp8:
0x113: {  	s6 =	sadd.s32 $0x1480, s0;
	[sflag:s22] =	ssyncadd.s32 $0xFFFFC180;
	(pc) =	sbr.rel @!p1 .LBB2_7-.Ltmp8, $4  }
0x114: {  	[spmem:s1] =	stream.indirect.scatter.add.f32 [tilespmem:s25], [sflag:$0x3], $0x80, s6, s23, $0xb8;
	[tilespmem:$0x1E800] =	vst v63  }
0x115: {  	_ =	swait.ge [sflag:s20], $0x3E80  }
0x116: {  	[sflag:s20] =	ssyncset.done $0x0  }
0x117: {  	s0 =	sadd.s32 $0x180, s0;
	[sflag:s20] =	ssyncadd.s32 $0xFFFFC180  }
.Ltmp9:
0x118: {  	_ = 	snop;
	(pc) =	sbr.rel .LBB2_8-.Ltmp9, $1  }
0x119: {  	_ =	sdelay $0x3  }
.LBB2_15:
0x11a: {  	_ =	sfence.sel $0x180000  }
0x11b: {  	[bflag:$0x0] =	sbarrier.arrive $0xFFFF  }
0x11c: {  	_ =	strace $0x9000004A  }
0x11d: {  	[bflag:$0x2] =	sbarrier.arrive $0xFFFF  }
0x11e: {  	p0 =	sne.s32 s3, $0x0;
	s0 =	rddreg [dreg:$0x2]  }
0x11f: {  	s0 =	sadd.s32 @!p0 $0x100000, s0  }
0x120: {  	[sflag:s0] =	ssyncadd.tile.s32 @!p0 $0x1;
	_ =	shalt  }
.Lfunc_end2:
_tile_overlayer_lowered:
.L_overlay_start_2:
0x121: {  	(tag) =	ssettag $0x2  }
0x122: {  	s0 =	rddreg [dreg:$0x0];
	s2 =	stileid.u32  }
0x123: {  	s1 =	rddreg [dreg:$0x1];
	p0 =	sne.s32 s2, $0x0  }
0x124: {  	s3 =	rddreg [dreg:$0x2];
	[bflag:$0x3] =	sbarrier.arrive $0xFFFF;
	s2 =	simm.s32 @!p0 $0x1C03  }
0x125: {  	[timem:s3], [sflag:s2] =	dma.local @!p0 [hbm:s0], s1  }
0x126: {  	s0 =	simm.s32 @!p0 $0x3  }
0x127: {  	_ =	swait.ge @!p0 [sflag:s0], s1  }
0x128: {  	s1 =	ssub.s32 @!p0 $0x0, s1;
	[sflag:s0] =	ssyncset.done @!p0 $0x0  }
0x129: {  	[sflag:s0] =	ssyncadd.s32 @!p0 s1  }
0x12a: {  	[bflag:$0x3] =	sbarrier.arrive $0xFFFF  }
0x12b: {  	_ =	shalt  }

// kernel: kernel.20.cloned.1.call-start
scs
__scs_entry_jumppad:
0x0: {  	(pc) =	sbr.rel $0x88, $3  }
0x1: {  	(tag) =	ssettag $0x0;
	lr =	simm.s32 $0x1  }
0x2: {  	[smem:$0x3F8E] =	sst lr;
	_ =	strace $0xD0000000  }
0x3: {  	_ = 	snop  }
0x4: {  	_ = 	snop  }
0x5: {  	_ = 	snop  }
0x6: {  	_ = 	snop  }
0x7: {  	_ = 	snop  }
__scs_overlays_trampoline_lowered:
0x8: {  	[smem:$0x3F9D] =	sst s0  }
0x9: {  	[smem:$0x3F9E] =	sst s1  }
0xa: {  	[smem:$0x3F9F] =	sst s2  }
0xb: {  	[smem:$0x3FA0] =	sst s3  }
0xc: {  	[smem:$0x3FA1] =	sst s4  }
0xd: {  	[smem:$0x3FA2] =	sst s5  }
0xe: {  	[smem:$0x3FA3] =	sst s6  }
0xf: {  	[smem:$0x3FA4] =	sst s7  }
0x10: {  	[smem:$0x3FA5] =	sst s8  }
0x11: {  	[smem:$0x3FA6] =	sst s9;
	s0 =	simm.s32 @!p0 $0x0  }
0x12: {  	s1 =	sld [smem:$0x3F8C];
	s0 =	simm.s32 @p0 $0x1  }
0x13: {  	[smem:$0x3FA7] =	sst s0;
	s0 =	simm.s32 @!p1 $0x0  }
0x14: {  	s2 =	sld [smem:$0x3F8B];
	s0 =	simm.s32 @p1 $0x1  }
0x15: {  	[smem:$0x3FA8] =	sst s0;
	s0 =	simm.s32 @!p2 $0x0  }
0x16: {  	s3 =	sld [smem:$0x3FDB];
	s0 =	simm.s32 @p2 $0x1  }
0x17: {  	s4 =	simm.s32 $0x1BF5;
	[smem:$0x3FAA] =	sst s0  }
0x18: {  	s0 =	sld [smem:$0x3F8D];
	_ =	swait.ge [sflag:s4], $0x0  }
0x19: {  	s7 =	sld [smem:$0x3F8E]  }
0x1a: {  	s8 =	sadd.s32 $0xFFFFE003, lr  }
0x1b: {  	s9 =	sadd.s32 $0xFFFFFEF7, lr;
	s5 =	simm.s32 $0xFFFFFFFF;
	p2 =	slt.u32 s8, $0xFFFFF086  }
0x1c: {  	p1 =	slt.u32 s9, $0xF7A;
	s5 =	simm.s32 @!p2 $0x0  }
0x1d: {  	s5 =	simm.s32 @p1 $0x1;
	p0 =	seq.s32 s7, s2  }
0x1e: {  	s7 =	smul.u32 @!p0 $0xF7A, s2;
	p2 =	seq.s32 @!p0 s5, $0x0  }
0x1f: {  	s9 =	smul.u32 $0xF7A, s1;
	s8 =	simm.s32 @!p0 $0x1BF5;
	p2 =	por !p2, p0  }
0x20: {  	[sflag:s8] =	ssyncset.s32 @!p0 $0xFFFFF086;
	s6 =	sadd.s32 @!p0 s3, s7;
	s7 =	simm.s32 @!p0 $0x108  }
0x21: {  	s3 =	sadd.s32 s3, s9;
	s6 =	sadd.s32 @!p0 $0x88, s6;
	s7 =	simm.s32 @p2 $0x1082  }
0x22: {  	[simem:s7], [sflag:s8] =	dma.local @!p0 [hbm:s6], $0xF7A  }
0x23: {  	s9 =	sor.u32 $0xD0000000, s2;
	s6 =	simm.s32 $0x108;
	_ =	swait.ge @!p0 [sflag:s8], $0x0  }
0x24: {  	s3 =	sadd.s32 $0x88, s3;
	s6 =	simm.s32 @!p1 $0x1082;
	[sflag:s4] =	ssyncset.s32 $0xFFFFF086  }
0x25: {  	[simem:s6], [sflag:s4] =	dma.local [hbm:s3], $0xF7A  }
0x26: {  	[smem:$0x3F8E] =	sst s1;
	(tag) =	ssettag s2;
	_ =	strace s9  }
0x27: {  	s1 =	sld [smem:$0x3F9E]  }
0x28: {  	s2 =	sld [smem:$0x3F9F]  }
0x29: {  	s4 =	sld [smem:$0x3FA1]  }
0x2a: {  	p0 =	seq.s32 s5, $0x0;
	s5 =	sld [smem:$0x3FA2]  }
0x2b: {  	s6 =	sld [smem:$0x3FA3]  }
0x2c: {  	s7 =	sld [smem:$0x3FA4]  }
0x2d: {  	s3 =	simm.s32 $0x108;
	s8 =	sld [smem:$0x3FA5]  }
0x2e: {  	s3 =	simm.s32 @!p0 $0x1082;
	s9 =	sld [smem:$0x3FA6]  }
0x2f: {  	lr =	sadd.s32 s0, s3;
	s0 =	sld [smem:$0x3F9D]  }
0x30: {  	s3 =	sld [smem:$0x3FA0]  }
0x31: {  	[smem:$0x3FA9] =	sst s10  }
0x32: {  	s10 =	sld [smem:$0x3FA7];
	_ =	sdelay $0x3  }
0x33: {  	p0 =	seq.s32 s10, $0x1;
	s10 =	sld [smem:$0x3FA9];
	_ =	sdelay $0x3  }
0x34: {  	[smem:$0x3FA9] =	sst s10  }
0x35: {  	s10 =	sld [smem:$0x3FA8];
	_ =	sdelay $0x3  }
0x36: {  	p1 =	seq.s32 s10, $0x1;
	s10 =	sld [smem:$0x3FA9];
	_ =	sdelay $0x3  }
0x37: {  	[smem:$0x3FA9] =	sst s10  }
0x38: {  	s10 =	sld [smem:$0x3FAA]  }
0x39: {  	_ = 	snop;
	(pc) =	sbr.ind lr, $3  }
0x3a: {  	_ = 	snop  }
0x3b: {  	_ = 	snop  }
0x3c: {  	p2 =	seq.s32 s10, $0x1;
	s10 =	sld [smem:$0x3FA9]  }
0x3d: {  	_ =	shalt  }
0x3e: {  	_ =	shalt  }
0x3f: {  	_ =	shalt  }
0x40: {  	_ =	shalt  }
0x41: {  	_ =	shalt  }
0x42: {  	_ =	shalt  }
0x43: {  	_ =	shalt  }
0x44: {  	_ =	shalt  }
0x45: {  	_ =	shalt  }
0x46: {  	_ =	shalt  }
0x47: {  	_ =	shalt  }
0x48: {  	_ =	shalt  }
0x49: {  	_ =	shalt  }
0x4a: {  	_ =	shalt  }
0x4b: {  	_ =	shalt  }
0x4c: {  	_ =	shalt  }
0x4d: {  	_ =	shalt  }
0x4e: {  	_ =	shalt  }
0x4f: {  	_ =	shalt  }
0x50: {  	_ =	shalt  }
0x51: {  	_ =	shalt  }
0x52: {  	_ =	shalt  }
0x53: {  	_ =	shalt  }
0x54: {  	_ =	shalt  }
0x55: {  	_ =	shalt  }
0x56: {  	_ =	shalt  }
0x57: {  	_ =	shalt  }
0x58: {  	_ =	shalt  }
0x59: {  	_ =	shalt  }
0x5a: {  	_ =	shalt  }
0x5b: {  	_ =	shalt  }
0x5c: {  	_ =	shalt  }
0x5d: {  	_ =	shalt  }
0x5e: {  	_ =	shalt  }
0x5f: {  	_ =	shalt  }
0x60: {  	_ =	shalt  }
0x61: {  	_ =	shalt  }
0x62: {  	_ =	shalt  }
0x63: {  	_ =	shalt  }
0x64: {  	_ =	shalt  }
0x65: {  	_ =	shalt  }
0x66: {  	_ =	shalt  }
0x67: {  	_ =	shalt  }
0x68: {  	_ =	shalt  }
0x69: {  	_ =	shalt  }
0x6a: {  	_ =	shalt  }
0x6b: {  	_ =	shalt  }
0x6c: {  	_ =	shalt  }
0x6d: {  	_ =	shalt  }
0x6e: {  	_ =	shalt  }
0x6f: {  	_ =	shalt  }
0x70: {  	_ =	shalt  }
0x71: {  	_ =	shalt  }
0x72: {  	_ =	shalt  }
0x73: {  	_ =	shalt  }
0x74: {  	_ =	shalt  }
0x75: {  	_ =	shalt  }
0x76: {  	_ =	shalt  }
0x77: {  	_ =	shalt  }
0x78: {  	_ =	shalt  }
0x79: {  	_ =	shalt  }
0x7a: {  	_ =	shalt  }
0x7b: {  	_ =	shalt  }
0x7c: {  	_ =	shalt  }
0x7d: {  	_ =	shalt  }
0x7e: {  	_ =	shalt  }
0x7f: {  	_ =	shalt  }
0x80: {  	_ =	shalt  }
0x81: {  	_ =	shalt  }
0x82: {  	_ =	shalt  }
0x83: {  	_ =	shalt  }
0x84: {  	_ =	shalt  }
0x85: {  	_ =	shalt  }
0x86: {  	_ =	shalt  }
0x87: {  	_ =	shalt  }
.Lfunc_end0:
.L_simem_size_0:
called_computation.2_lowered:
.L_overlay_start_0:
0x88: {  	s2 =	sld [smem:$0x3FD9]  }
0x89: {  	s3 =	sld [smem:$0x3FFE];
	_ =	sdelay $0x1  }
0x8a: {  	s1 =	srdreg.scid  }
0x8b: {  	s0 =	sand.u32 $0x1, s1  }
0x8c: {  	s16 =	sshll.u32 s0, $0xA;
	s2 =	sadd.s32 s3, s2  }
0x8d: {  	s2 =	sadd.s32 s2, s16  }
0x8e: {  	[smem:$0x3FB5] =	sst s2  }
0x8f: {  	_ = 	snop  }
0x90: {  	(tm) =	ssettm $0x1  }
0x91: {  	s17 =	sld [smem:$0x3FFB];
	_ =	sdelay $0x3  }
0x92: {  	_ =	strace s17  }
0x93: {  	s2 =	sld [smem:$0x3FFC];
	_ =	sdelay $0x3  }
0x94: {  	_ =	strace s2  }
0x95: {  	s2 =	sld [smem:$0x3FFD];
	_ =	sdelay $0x3  }
0x96: {  	_ =	strace s2  }
0x97: {  	_ =	strace $0x8FFFFFFF  }
0x98: {  	s18 =	sld [smem:$0x3FDB];
	_ =	sdelay $0x1  }
0x99: {  	s19 =	simm.s32 $_scs_section_size  }
0x9a: {  	s4 =	simm.s32 $_size__tile_overlayer_lowered;
	s5 =	simm.s32 $_tile_overlayer_lowered  }
0x9b: {  	s22 =	simm.s32 $0x1BFF;
	s21 =	sshll.u32 s5, $0x1;
	s2 =	sadd.s32 s19, s18  }
0x9c: {  	s6 =	simm.s32 $0x0;
	s20 =	sshll.u32 s4, $0x1;
	s4 =	sadd.s32 s21, s2  }
0x9d: {  	[timem:s6], [sflag:s22] =	dma.local [hbm:s4], s20  }
0x9e: {  	_ =	swait.ge [sflag:s22], s20  }
0x9f: {  	s3 =	ssub.s32 $0x0, s20;
	[sflag:s22] =	ssyncset.done $0x0  }
0xa0: {  	[sflag:s22] =	ssyncadd.s32 s3;
	_ =	sdelay $0x1  }
0xa1: {  	s23 =	simm.s32 $0x1B8B  }
0xa2: {  	_ =	swait.ge [sflag:s23], $0x1  }
0xa3: {  	[sflag:s23] =	ssyncset.done $0x0  }
0xa4: {  	s25 =	simm.s32 $0x1B8E;
	s24 =	sld [smem:$0x3FFE];
	[sflag:s23] =	ssyncadd.s32 $0xFFFFFFFF  }
0xa5: {  	s26 =	simm.s32 $execute0_lowered;
	[smem:$0x3FD2] =	sst s25  }
0xa6: {  	s4 =	sshll.u32 s26, $0x1;
	_ =	strace $0x8000004C;
	[dreg:$0x1] =	wrdreg $0xFFFFFFFF  }
0xa7: {  	s28 =	simm.s32 $_size_execute0_lowered;
	s2 =	sadd.s32 s2, s4;
	[dreg:$0x0] =	wrdreg $0x0  }
0xa8: {  	s4 =	sshll.u32 s28, $0x1;
	[dreg:$0x2] =	wrdreg s2  }
0xa9: {  	[dreg:$0x3] =	wrdreg s4  }
0xaa: {  	[dreg:$0x4] =	wrdreg $0xC0  }
0xab: {  	_ =	task [dreg:s6], $0x5FFFF  }
0xac: {  	[dreg:$0x1] =	wrdreg $0xFFFFFFFF  }
0xad: {  	[dreg:$0x0] =	wrdreg $0x60  }
0xae: {  	[dreg:$0x2] =	wrdreg s24  }
0xaf: {  	[dreg:$0x3] =	wrdreg $0xA8000  }
0xb0: {  	[dreg:$0x4] =	wrdreg $0x9  }
0xb1: {  	_ =	task.clear_ibuf [dreg:s6], $0x5FFFF;
	_ =	strace $0x9000004C  }
0xb2: {  	s29 =	simm.s32 $0x9;
	_ =	strace $0x8000004E  }
0xb3: {  	_ =	swait.ge [sflag:s29], $0x1  }
0xb4: {  	[sflag:s29] =	ssyncadd.s32 $0xFFFFFFFF  }
0xb5: {  	_ =	strace $0x9000004E  }
0xb6: {  	_ =	sfence  }
0xb7: {  	s30 =	sld [smem:$0x0];
	_ =	sdelay $0x2  }
0xb8: {  	s31 =	sshll.u32 s1, $0xD;
	s1 =	sshrl.u32 s1, $0x2  }
0xb9: {  	s3 =	sand.u32 $0x4000, s31;
	s1 =	sadd.s32 s1, s30  }
0xba: {  	s0 =	sor.u32 s3, s0;
	s1 =	sshll.u32 s1, $0x11  }
0xbb: {  	s0 =	sor.u32 s1, s0  }
0xbc: {  	s0 =	sadd.s32 $0x8F2B, s0  }
0xbd: {  	[sflag:s0] =	ssyncadd.remote.s32 $0x1  }
0xbe: {  	_ =	sfence.sel $0xFFFF  }
0xbf: {  	[dreg:$0x0] =	wrdreg $0xFFFFFFFF;
	(pc) =	sbr.abs _section_cstart, $3  }
0xc0: {  	[dreg:$0x1] =	wrdreg $0xFFFFFFFF  }
0xc1: {  	_ =	task.clear_ibuf [dreg:s6], $0x2FFFF;
	_ =	strace $0x9FFFFFFF  }
0xc2: {  	(tm) =	ssettm $0x7FFFFFFF  }
0xc3: {  	_ =	shalt  }
tec
execute0_lowered:
.L_overlay_start_1:
0x0: {  	(tag) =	ssettag $0x1  }
0x1: {  	s0 =	rddreg [dreg:$0x0]  }
0x2: {  	s1 =	rddreg [dreg:$0x1];
	s2 =	simm.s32 $0x0;
	s3 =	stileid.u32  }
0x3: {  	s7 =	srdreg.scid;
	s20 =	simm.s32 $0x3;
	s21 =	simm.s32 $0x1400  }
0x4: {  	s22 =	simm.s32 $0x2;
	s23 =	simm.s32 $0x7D;
	s24 =	simm.s32 $0x80  }
0x5: {  	s25 =	simm.s32 $0x6800;
	s26 =	simm.s32 $0x1;
	s28 =	simm.s32 $0x2700  }
0x6: {  	s29 =	simm.s32 $0x2780;
	s30 =	simm.s32 $0x0;
	[smem:$0x7FF] =	sst s2  }
0x7: {  	s4 =	sadd.s32 $0x15600, s0;
	s5 =	sadd.s32 $0x3C800, s0;
	s16 =	sadd.s32 $0x10600, s0  }
0x8: {  	s8 =	smul.u32 $0x50000, s3;
	s17 =	sadd.s32 $0xB600, s0;
	s6 =	sadd.s32 $0x63A00, s0  }
0x9: {  	s18 =	sand.u32 $0x1, s7;
	s7 =	sadd.s32 $0x8BA00, s0;
	s9 =	smul.u32 $0x2800, s3  }
0xa: {  	_ =	strace $0x8000004D;
	[dreg:$0x3] =	wrdreg s6;
	s31 =	ssub.s32 $0x2, s18  }
0xb: {  	p0 =	seq.s32 s18, $0x1;
	s8 =	sshrl.u32 s8, $0x2;
	s10 =	sshrl.u32 s31, $0x1  }
.Ltmp0:
0xc: {  	s19 =	sshrl.u32 s9, $0x3;
	s8 =	sadd.s32 s8, s1;
	(pc) =	sbr.rel .LBB2_1-.Ltmp0, $4  }
0xd: {  	s0 =	ssub.s32 s31, s10;
	s14 =	sadd.s32 s16, s19;
	s15 =	sadd.s32 s17, s19  }
0xe: {  	s19 =	sadd.s32 $0x280, s19;
	s10 =	sadd.s32 $0x4000, s8;
	s11 =	sadd.s32 $0x8000, s8  }
0xf: {  	s12 =	sadd.s32 $0xC000, s8;
	s13 =	sadd.s32 $0x10000, s8;
	s16 =	sadd.s32 s16, s19  }
0x10: {  	v0 =	vimm.f32 $0.0e+00;
	s17 =	sadd.s32 s17, s19;
	s18 =	smax.u32 s0, $0x1;
	s19 =	simm.s32 $0x2800  }
.LBB2_8:
0x11: {  	[tilespmem:s25], [sflag:$0x2] =	stream.indirect.gather [hbm4b:s4+s23], $0x80, s0, s23, $0xb8;
	[tilespmem:$0x1E800] =	vst v63  }
0x12: {  	s0 =	rddreg [dreg:$0x3]  }
.LBB2_14:
0x13: {  	_ =	swait.ge [sflag:s26], $0x3E80  }
0x14: {  	[sflag:s26] =	ssyncset.done $0x0  }
0x15: {  	[sflag:s26] =	ssyncadd.s32 $0xFFFFC180  }
0x16: {  	[spmem:s1] =	stream.indirect.scatter.add.f32 [tilespmem:s19], [sflag:$0x3], $0x80, s28, s23, $0xb8;
	[tilespmem:$0x1E800] =	vst v63  }
0x17: {  	_ =	swait.ge [sflag:s20], $0x3E80  }
0x18: {  	[sflag:s20] =	ssyncset.done $0x0  }
0x19: {  	[sflag:s20] =	ssyncadd.s32 $0xFFFFC180  }
0x1a: {  	_ =	swait.ge [sflag:s22], $0x3E80  }
0x1b: {  	[sflag:s22] =	ssyncset.done $0x0  }
0x1c: {  	[sflag:s22] =	ssyncadd.s32 $0xFFFFC180  }
0x1d: {  	[spmem:s1] =	stream.indirect.scatter.add.f32 [tilespmem:s25], [sflag:$0x3], $0x80, s29, s23, $0xb8;
	[tilespmem:$0x1E800] =	vst v63  }
0x1e: {  	s0 =	sadd.s32 s0, s9;
	_ =	swait.ge [sflag:s20], $0x3E80  }
0x1f: {  	s6 =	sshll.u32 s3, $0x6;
	s30 =	sadd.s32 $0x1, s30;
	[sflag:s20] =	ssyncset.done $0x0  }
0x20: {  	s31 =	sshrl.u32 s8, $0x3;
	p1 =	sne.s32 s30, s18;
	[sflag:s20] =	ssyncadd.s32 $0xFFFFC180  }
.Ltmp1:
0x21: {  	s6 =	sor.u32 $0x1C03, s6;
	[bflag:$0x0] =	sbarrier.arrive $0xFFFF;
	(pc) =	sbr.rel @!p1 .LBB2_15-.Ltmp1, $4  }
0x22: {  	[hbm:s0], [sflag:s6] =	dma.local [spmem:s31], $0x2800  }
0x23: {  	_ =	swait.ge [sflag:s20], $0x2800  }
0x24: {  	[sflag:s20] =	ssyncset.done $0x0  }
0x25: {  	[sflag:s20] =	ssyncadd.s32 $0xFFFFD800  }
.LBB2_1:
0x26: {  	s31 =	simm.s32 $0x0;
	s0 =	simm.s32 $0x200  }
.LBB2_2:
0x27: {  	p1 =	sne.s32 s0, $0xFE00;
	[tilespmem:s31+$0x2870] =	vst v0  }
0x28: {  	[tilespmem:s31+$0x2800] =	vst v0  }
0x29: {  	[tilespmem:s31+$0x2810] =	vst v0  }
.Ltmp2:
0x2a: {  	[tilespmem:s31+$0x2820] =	vst v0;
	(pc) =	sbr.rel @p1 .LBB2_2-.Ltmp2, $4  }
0x2b: {  	[tilespmem:s31+$0x2830] =	vst v0  }
0x2c: {  	[tilespmem:s31+$0x2840] =	vst v0  }
0x2d: {  	[tilespmem:s31+$0x2850] =	vst v0  }
0x2e: {  	[tilespmem:s31+$0x2860] =	vst v0;
	s31 =	sshra.s32 s0, $0x2;
	s0 =	sadd.s32 $0x200, s0  }
0x2f: {  	[tilespmem:s31+$0x2870] =	vst v0  }
0x30: {  	[tilespmem:s31+$0x2800] =	vst v0  }
0x31: {  	[tilespmem:s31+$0x2810] =	vst v0  }
0x32: {  	[tilespmem:s31+$0x2820] =	vst v0  }
0x33: {  	[tilespmem:s31+$0x2830] =	vst v0  }
0x34: {  	[tilespmem:s31+$0x2840] =	vst v0  }
0x35: {  	[tilespmem:s31+$0x2850] =	vst v0  }
0x36: {  	[tilespmem:s31+$0x2860] =	vst v0  }
0x37: {  	[spmem:s8] =	stream.linear.scatter [tilespmem:s19], [sflag:$0x2], $0x4000, $0x38;
	[tilespmem:$0x1E800] =	vst v63  }
0x38: {  	_ = 	snop  }
0x39: {  	[spmem:s10] =	stream.linear.scatter [tilespmem:s19], [sflag:$0x2], $0x4000, $0x38;
	[tilespmem:$0x1E800] =	vst v63  }
0x3a: {  	_ = 	snop  }
0x3b: {  	[spmem:s11] =	stream.linear.scatter [tilespmem:s19], [sflag:$0x2], $0x4000, $0x38;
	[tilespmem:$0x1E800] =	vst v63  }
0x3c: {  	_ = 	snop  }
0x3d: {  	[spmem:s12] =	stream.linear.scatter [tilespmem:s19], [sflag:$0x2], $0x4000, $0x38;
	[tilespmem:$0x1E800] =	vst v63  }
0x3e: {  	_ = 	snop  }
0x3f: {  	[spmem:s13] =	stream.linear.scatter [tilespmem:s19], [sflag:$0x2], $0x4000, $0x38;
	[tilespmem:$0x1E800] =	vst v63  }
0x40: {  	_ = 	snop  }
0x41: {  	[tilespmem:s2], [sflag:$0x3] =	stream.linear.gather [hbm4b:s14+s2], $0x1400, $0x38;
	[tilespmem:$0x1E800] =	vst v63  }
0x42: {  	_ =	swait.ge [sflag:s20], $0x1400  }
0x43: {  	[sflag:s20] =	ssyncset.done $0x0  }
0x44: {  	[sflag:s20] =	ssyncadd.s32 $0xFFFFEC00  }
0x45: {  	[tilespmem:s21], [sflag:$0x3] =	stream.linear.gather [hbm4b:s15+s2], $0x1400, $0x38;
	[tilespmem:$0x1E800] =	vst v63  }
0x46: {  	_ =	swait.ge [sflag:s20], $0x1400  }
0x47: {  	[sflag:s20] =	ssyncset.done $0x0  }
0x48: {  	[sflag:s20] =	ssyncadd.s32 $0xFFFFEC00  }
0x49: {  	_ =	swait.ge [sflag:s22], $0x4000  }
0x4a: {  	[sflag:s22] =	ssyncset.done $0x0  }
0x4b: {  	[sflag:s22] =	ssyncadd.s32 $0xFFFFC000  }
0x4c: {  	_ =	swait.ge [sflag:s22], $0x4000  }
0x4d: {  	[sflag:s22] =	ssyncset.done $0x0  }
0x4e: {  	[sflag:s22] =	ssyncadd.s32 $0xFFFFC000  }
0x4f: {  	_ =	swait.ge [sflag:s22], $0x4000  }
0x50: {  	[sflag:s22] =	ssyncset.done $0x0  }
0x51: {  	[sflag:s22] =	ssyncadd.s32 $0xFFFFC000  }
0x52: {  	_ =	swait.ge [sflag:s22], $0x4000  }
0x53: {  	[sflag:s22] =	ssyncset.done $0x0  }
0x54: {  	[sflag:s22] =	ssyncadd.s32 $0xFFFFC000  }
.Ltmp3:
0x55: {  	_ =	swait.ge [sflag:s22], $0x4000;
	(pc) =	sbr.rel @!p0 .LBB2_4-.Ltmp3, $4  }
0x56: {  	[sflag:s22] =	ssyncset.done $0x0  }
0x57: {  	[sflag:s22] =	ssyncadd.s32 $0xFFFFC000  }
0x58: {  	[bflag:$0x0] =	sbarrier.arrive $0xFFFF  }
0x59: {  	s0 =	simm.s32 $0x0  }
0x5a: {  	[tilespmem:s19], [sflag:$0x1] =	stream.indirect.gather [hbm4b:s5+s23], $0x80, s0, s23, $0xb8;
	[tilespmem:$0x1E800] =	vst v63  }
0x5b: {  	_ = 	snop  }
0x5c: {  	[tilespmem:s25], [sflag:$0x2] =	stream.indirect.gather [hbm4b:s5+s23], $0x80, s24, s23, $0xb8;
	[tilespmem:$0x1E800] =	vst v63  }
0x5d: {  	_ =	swait.ge [sflag:s26], $0x3E80  }
0x5e: {  	[sflag:s26] =	ssyncset.done $0x0  }
0x5f: {  	s6 =	simm.s32 $0x1400;
	[sflag:s26] =	ssyncadd.s32 $0xFFFFC180  }
0x60: {  	[spmem:s1] =	stream.indirect.scatter.add.f32 [tilespmem:s19], [sflag:$0x3], $0x80, s6, s23, $0xb8;
	[tilespmem:$0x1E800] =	vst v63  }
0x61: {  	_ =	swait.ge [sflag:s20], $0x3E80  }
0x62: {  	[sflag:s20] =	ssyncset.done $0x0  }
0x63: {  	s6 =	simm.s32 $0x100;
	[sflag:s20] =	ssyncadd.s32 $0xFFFFC180  }
0x64: {  	[tilespmem:s19], [sflag:$0x1] =	stream.indirect.gather [hbm4b:s5+s23], $0x80, s6, s23, $0xb8;
	[tilespmem:$0x1E800] =	vst v63  }
0x65: {  	_ =	swait.ge [sflag:s22], $0x3E80  }
0x66: {  	[sflag:s22] =	ssyncset.done $0x0  }
0x67: {  	s6 =	simm.s32 $0x1480;
	[sflag:s22] =	ssyncadd.s32 $0xFFFFC180  }
0x68: {  	[spmem:s1] =	stream.indirect.scatter.add.f32 [tilespmem:s25], [sflag:$0x3], $0x80, s6, s23, $0xb8;
	[tilespmem:$0x1E800] =	vst v63  }
0x69: {  	_ =	swait.ge [sflag:s20], $0x3E80  }
0x6a: {  	[sflag:s20] =	ssyncset.done $0x0  }
0x6b: {  	s31 =	simm.s32 $0x400;
	s0 =	simm.s32 $0x180;
	[sflag:s20] =	ssyncadd.s32 $0xFFFFC180  }
.LBB2_10:
0x6c: {  	[tilespmem:s25], [sflag:$0x2] =	stream.indirect.gather [hbm4b:s5+s23], $0x80, s0, s23, $0xb8;
	[tilespmem:$0x1E800] =	vst v63  }
0x6d: {  	s0 =	smov.u32 s31  }
0x6e: {  	p1 =	sne.s32 s31, $0x4800;
	s31 =	sadd.s32 $0x400, s31;
	_ =	swait.ge [sflag:s26], $0x3E80  }
0x6f: {  	s0 =	sshra.s32 s0, $0x2;
	[sflag:s26] =	ssyncset.done $0x0  }
0x70: {  	s6 =	sadd.s32 $0x1400, s0;
	[sflag:s26] =	ssyncadd.s32 $0xFFFFC180  }
0x71: {  	[spmem:s1] =	stream.indirect.scatter.add.f32 [tilespmem:s19], [sflag:$0x3], $0x80, s6, s23, $0xb8;
	[tilespmem:$0x1E800] =	vst v63  }
0x72: {  	_ =	swait.ge [sflag:s20], $0x3E80  }
0x73: {  	[sflag:s20] =	ssyncset.done $0x0  }
0x74: {  	s6 =	sadd.s32 $0x100, s0;
	[sflag:s20] =	ssyncadd.s32 $0xFFFFC180  }
0x75: {  	[tilespmem:s19], [sflag:$0x1] =	stream.indirect.gather [hbm4b:s5+s23], $0x80, s6, s23, $0xb8;
	[tilespmem:$0x1E800] =	vst v63  }
0x76: {  	_ =	swait.ge [sflag:s22], $0x3E80  }
0x77: {  	[sflag:s22] =	ssyncset.done $0x0  }
.Ltmp4:
0x78: {  	s6 =	sadd.s32 $0x1480, s0;
	[sflag:s22] =	ssyncadd.s32 $0xFFFFC180;
	(pc) =	sbr.rel @p1 .LBB2_10-.Ltmp4, $4  }
0x79: {  	[spmem:s1] =	stream.indirect.scatter.add.f32 [tilespmem:s25], [sflag:$0x3], $0x80, s6, s23, $0xb8;
	[tilespmem:$0x1E800] =	vst v63  }
0x7a: {  	_ =	swait.ge [sflag:s20], $0x3E80  }
0x7b: {  	[sflag:s20] =	ssyncset.done $0x0  }
0x7c: {  	s0 =	sadd.s32 $0x180, s0;
	[sflag:s20] =	ssyncadd.s32 $0xFFFFC180  }
0x7d: {  	[tilespmem:s25], [sflag:$0x2] =	stream.indirect.gather [hbm4b:s5+s23], $0x80, s0, s23, $0xb8;
	[tilespmem:$0x1E800] =	vst v63  }
0x7e: {  	_ =	swait.ge [sflag:s26], $0x3E80  }
0x7f: {  	[sflag:s26] =	ssyncset.done $0x0  }
0x80: {  	[sflag:s26] =	ssyncadd.s32 $0xFFFFC180  }
0x81: {  	[spmem:s1] =	stream.indirect.scatter.add.f32 [tilespmem:s19], [sflag:$0x3], $0x80, s28, s23, $0xb8;
	[tilespmem:$0x1E800] =	vst v63  }
0x82: {  	_ =	swait.ge [sflag:s20], $0x3E80  }
0x83: {  	[sflag:s20] =	ssyncset.done $0x0  }
0x84: {  	[sflag:s20] =	ssyncadd.s32 $0xFFFFC180  }
0x85: {  	_ =	swait.ge [sflag:s22], $0x3E80  }
0x86: {  	[sflag:s22] =	ssyncset.done $0x0  }
0x87: {  	[sflag:s22] =	ssyncadd.s32 $0xFFFFC180  }
0x88: {  	[spmem:s1] =	stream.indirect.scatter.add.f32 [tilespmem:s25], [sflag:$0x3], $0x80, s29, s23, $0xb8;
	[tilespmem:$0x1E800] =	vst v63  }
0x89: {  	_ =	swait.ge [sflag:s20], $0x3E80  }
0x8a: {  	[sflag:s20] =	ssyncset.done $0x0  }
0x8b: {  	s6 =	simm.s32 $0x0;
	[sflag:s20] =	ssyncadd.s32 $0xFFFFC180  }
0x8c: {  	[tilespmem:s6], [sflag:$0x3] =	stream.linear.gather [hbm4b:s16+s6], $0x1400, $0x38;
	[tilespmem:$0x1E800] =	vst v63  }
0x8d: {  	_ =	swait.ge [sflag:s20], $0x1400  }
0x8e: {  	[sflag:s20] =	ssyncset.done $0x0  }
0x8f: {  	[sflag:s20] =	ssyncadd.s32 $0xFFFFEC00  }
0x90: {  	[tilespmem:s21], [sflag:$0x3] =	stream.linear.gather [hbm4b:s17+s6], $0x1400, $0x38;
	[tilespmem:$0x1E800] =	vst v63  }
0x91: {  	_ =	swait.ge [sflag:s20], $0x1400  }
0x92: {  	[sflag:s20] =	ssyncset.done $0x0  }
0x93: {  	[sflag:s20] =	ssyncadd.s32 $0xFFFFEC00  }
0x94: {  	[tilespmem:s19], [sflag:$0x1] =	stream.indirect.gather [hbm4b:s5+s23], $0x80, s6, s23, $0xb8;
	[tilespmem:$0x1E800] =	vst v63  }
0x95: {  	_ = 	snop  }
0x96: {  	[tilespmem:s25], [sflag:$0x2] =	stream.indirect.gather [hbm4b:s5+s23], $0x80, s24, s23, $0xb8;
	[tilespmem:$0x1E800] =	vst v63  }
0x97: {  	_ =	swait.ge [sflag:s26], $0x3E80  }
0x98: {  	[sflag:s26] =	ssyncset.done $0x0  }
0x99: {  	s6 =	simm.s32 $0x1400;
	[sflag:s26] =	ssyncadd.s32 $0xFFFFC180  }
0x9a: {  	[spmem:s1] =	stream.indirect.scatter.add.f32 [tilespmem:s19], [sflag:$0x3], $0x80, s6, s23, $0xb8;
	[tilespmem:$0x1E800] =	vst v63  }
0x9b: {  	_ =	swait.ge [sflag:s20], $0x3E80  }
0x9c: {  	[sflag:s20] =	ssyncset.done $0x0  }
0x9d: {  	s6 =	simm.s32 $0x100;
	[sflag:s20] =	ssyncadd.s32 $0xFFFFC180  }
0x9e: {  	[tilespmem:s19], [sflag:$0x1] =	stream.indirect.gather [hbm4b:s5+s23], $0x80, s6, s23, $0xb8;
	[tilespmem:$0x1E800] =	vst v63  }
0x9f: {  	_ =	swait.ge [sflag:s22], $0x3E80  }
0xa0: {  	[sflag:s22] =	ssyncset.done $0x0  }
0xa1: {  	s6 =	simm.s32 $0x1480;
	[sflag:s22] =	ssyncadd.s32 $0xFFFFC180  }
0xa2: {  	[spmem:s1] =	stream.indirect.scatter.add.f32 [tilespmem:s25], [sflag:$0x3], $0x80, s6, s23, $0xb8;
	[tilespmem:$0x1E800] =	vst v63  }
0xa3: {  	_ =	swait.ge [sflag:s20], $0x3E80  }
0xa4: {  	[sflag:s20] =	ssyncset.done $0x0  }
0xa5: {  	s31 =	simm.s32 $0x400;
	s0 =	simm.s32 $0x180;
	[sflag:s20] =	ssyncadd.s32 $0xFFFFC180  }
.LBB2_12:
0xa6: {  	[tilespmem:s25], [sflag:$0x2] =	stream.indirect.gather [hbm4b:s5+s23], $0x80, s0, s23, $0xb8;
	[tilespmem:$0x1E800] =	vst v63  }
0xa7: {  	s0 =	smov.u32 s31  }
0xa8: {  	p1 =	sne.s32 s31, $0x4800;
	s31 =	sadd.s32 $0x400, s31;
	_ =	swait.ge [sflag:s26], $0x3E80  }
0xa9: {  	s0 =	sshra.s32 s0, $0x2;
	[sflag:s26] =	ssyncset.done $0x0  }
0xaa: {  	s6 =	sadd.s32 $0x1400, s0;
	[sflag:s26] =	ssyncadd.s32 $0xFFFFC180  }
0xab: {  	[spmem:s1] =	stream.indirect.scatter.add.f32 [tilespmem:s19], [sflag:$0x3], $0x80, s6, s23, $0xb8;
	[tilespmem:$0x1E800] =	vst v63  }
0xac: {  	_ =	swait.ge [sflag:s20], $0x3E80  }
0xad: {  	[sflag:s20] =	ssyncset.done $0x0  }
0xae: {  	s6 =	sadd.s32 $0x100, s0;
	[sflag:s20] =	ssyncadd.s32 $0xFFFFC180  }
0xaf: {  	[tilespmem:s19], [sflag:$0x1] =	stream.indirect.gather [hbm4b:s5+s23], $0x80, s6, s23, $0xb8;
	[tilespmem:$0x1E800] =	vst v63  }
0xb0: {  	_ =	swait.ge [sflag:s22], $0x3E80  }
0xb1: {  	[sflag:s22] =	ssyncset.done $0x0  }
.Ltmp5:
0xb2: {  	s6 =	sadd.s32 $0x1480, s0;
	[sflag:s22] =	ssyncadd.s32 $0xFFFFC180;
	(pc) =	sbr.rel @p1 .LBB2_12-.Ltmp5, $4  }
0xb3: {  	[spmem:s1] =	stream.indirect.scatter.add.f32 [tilespmem:s25], [sflag:$0x3], $0x80, s6, s23, $0xb8;
	[tilespmem:$0x1E800] =	vst v63  }
0xb4: {  	_ =	swait.ge [sflag:s20], $0x3E80  }
0xb5: {  	[sflag:s20] =	ssyncset.done $0x0  }
0xb6: {  	s0 =	sadd.s32 $0x180, s0;
	[sflag:s20] =	ssyncadd.s32 $0xFFFFC180  }
.Ltmp6:
0xb7: {  	(pc) =	sbr.rel .LBB2_14-.Ltmp6, $3  }
0xb8: {  	_ =	sdelay $0x1  }
0xb9: {  	[tilespmem:s25], [sflag:$0x2] =	stream.indirect.gather [hbm4b:s5+s23], $0x80, s0, s23, $0xb8;
	[tilespmem:$0x1E800] =	vst v63  }
0xba: {  	s0 =	smov.u32 s7  }
.LBB2_4:
0xbb: {  	[tilespmem:s19], [sflag:$0x1] =	stream.indirect.gather [hbm4b:s4+s23], $0x80, s0, s23, $0xb8;
	[tilespmem:$0x1E800] =	vst v63  }
0xbc: {  	_ = 	snop  }
0xbd: {  	[tilespmem:s25], [sflag:$0x2] =	stream.indirect.gather [hbm4b:s4+s23], $0x80, s24, s23, $0xb8;
	[tilespmem:$0x1E800] =	vst v63  }
0xbe: {  	_ =	swait.ge [sflag:s26], $0x3E80  }
0xbf: {  	[sflag:s26] =	ssyncset.done $0x0  }
0xc0: {  	s6 =	simm.s32 $0x1400;
	[sflag:s26] =	ssyncadd.s32 $0xFFFFC180  }
0xc1: {  	[spmem:s1] =	stream.indirect.scatter.add.f32 [tilespmem:s19], [sflag:$0x3], $0x80, s6, s23, $0xb8;
	[tilespmem:$0x1E800] =	vst v63  }
0xc2: {  	_ =	swait.ge [sflag:s20], $0x3E80  }
0xc3: {  	[sflag:s20] =	ssyncset.done $0x0  }
0xc4: {  	s6 =	simm.s32 $0x100;
	[sflag:s20] =	ssyncadd.s32 $0xFFFFC180  }
0xc5: {  	[tilespmem:s19], [sflag:$0x1] =	stream.indirect.gather [hbm4b:s4+s23], $0x80, s6, s23, $0xb8;
	[tilespmem:$0x1E800] =	vst v63  }
0xc6: {  	_ =	swait.ge [sflag:s22], $0x3E80  }
0xc7: {  	[sflag:s22] =	ssyncset.done $0x0  }
0xc8: {  	s6 =	simm.s32 $0x1480;
	[sflag:s22] =	ssyncadd.s32 $0xFFFFC180  }
0xc9: {  	[spmem:s1] =	stream.indirect.scatter.add.f32 [tilespmem:s25], [sflag:$0x3], $0x80, s6, s23, $0xb8;
	[tilespmem:$0x1E800] =	vst v63  }
0xca: {  	_ =	swait.ge [sflag:s20], $0x3E80  }
0xcb: {  	[sflag:s20] =	ssyncset.done $0x0  }
0xcc: {  	s31 =	simm.s32 $0x400;
	s0 =	simm.s32 $0x180;
	[sflag:s20] =	ssyncadd.s32 $0xFFFFC180  }
.LBB2_5:
0xcd: {  	[tilespmem:s25], [sflag:$0x2] =	stream.indirect.gather [hbm4b:s4+s23], $0x80, s0, s23, $0xb8;
	[tilespmem:$0x1E800] =	vst v63  }
0xce: {  	s0 =	smov.u32 s31  }
0xcf: {  	p1 =	sne.s32 s31, $0x4800;
	s31 =	sadd.s32 $0x400, s31;
	_ =	swait.ge [sflag:s26], $0x3E80  }
0xd0: {  	s0 =	sshra.s32 s0, $0x2;
	[sflag:s26] =	ssyncset.done $0x0  }
0xd1: {  	s6 =	sadd.s32 $0x1400, s0;
	[sflag:s26] =	ssyncadd.s32 $0xFFFFC180  }
0xd2: {  	[spmem:s1] =	stream.indirect.scatter.add.f32 [tilespmem:s19], [sflag:$0x3], $0x80, s6, s23, $0xb8;
	[tilespmem:$0x1E800] =	vst v63  }
0xd3: {  	_ =	swait.ge [sflag:s20], $0x3E80  }
0xd4: {  	[sflag:s20] =	ssyncset.done $0x0  }
0xd5: {  	s6 =	sadd.s32 $0x100, s0;
	[sflag:s20] =	ssyncadd.s32 $0xFFFFC180  }
0xd6: {  	[tilespmem:s19], [sflag:$0x1] =	stream.indirect.gather [hbm4b:s4+s23], $0x80, s6, s23, $0xb8;
	[tilespmem:$0x1E800] =	vst v63  }
0xd7: {  	_ =	swait.ge [sflag:s22], $0x3E80  }
0xd8: {  	[sflag:s22] =	ssyncset.done $0x0  }
.Ltmp7:
0xd9: {  	s6 =	sadd.s32 $0x1480, s0;
	[sflag:s22] =	ssyncadd.s32 $0xFFFFC180;
	(pc) =	sbr.rel @p1 .LBB2_5-.Ltmp7, $4  }
0xda: {  	[spmem:s1] =	stream.indirect.scatter.add.f32 [tilespmem:s25], [sflag:$0x3], $0x80, s6, s23, $0xb8;
	[tilespmem:$0x1E800] =	vst v63  }
0xdb: {  	_ =	swait.ge [sflag:s20], $0x3E80  }
0xdc: {  	[sflag:s20] =	ssyncset.done $0x0  }
0xdd: {  	s0 =	sadd.s32 $0x180, s0;
	[sflag:s20] =	ssyncadd.s32 $0xFFFFC180  }
0xde: {  	[tilespmem:s25], [sflag:$0x2] =	stream.indirect.gather [hbm4b:s4+s23], $0x80, s0, s23, $0xb8;
	[tilespmem:$0x1E800] =	vst v63  }
0xdf: {  	_ =	swait.ge [sflag:s26], $0x3E80  }
0xe0: {  	[sflag:s26] =	ssyncset.done $0x0  }
0xe1: {  	[sflag:s26] =	ssyncadd.s32 $0xFFFFC180  }
0xe2: {  	[spmem:s1] =	stream.indirect.scatter.add.f32 [tilespmem:s19], [sflag:$0x3], $0x80, s28, s23, $0xb8;
	[tilespmem:$0x1E800] =	vst v63  }
0xe3: {  	_ =	swait.ge [sflag:s20], $0x3E80  }
0xe4: {  	[sflag:s20] =	ssyncset.done $0x0  }
0xe5: {  	[sflag:s20] =	ssyncadd.s32 $0xFFFFC180  }
0xe6: {  	_ =	swait.ge [sflag:s22], $0x3E80  }
0xe7: {  	[sflag:s22] =	ssyncset.done $0x0  }
0xe8: {  	[sflag:s22] =	ssyncadd.s32 $0xFFFFC180  }
0xe9: {  	[spmem:s1] =	stream.indirect.scatter.add.f32 [tilespmem:s25], [sflag:$0x3], $0x80, s29, s23, $0xb8;
	[tilespmem:$0x1E800] =	vst v63  }
0xea: {  	_ =	swait.ge [sflag:s20], $0x3E80  }
0xeb: {  	[sflag:s20] =	ssyncset.done $0x0  }
0xec: {  	s6 =	simm.s32 $0x0;
	[sflag:s20] =	ssyncadd.s32 $0xFFFFC180  }
0xed: {  	[tilespmem:s6], [sflag:$0x3] =	stream.linear.gather [hbm4b:s16+s6], $0x1400, $0x38;
	[tilespmem:$0x1E800] =	vst v63  }
0xee: {  	_ =	swait.ge [sflag:s20], $0x1400  }
0xef: {  	[sflag:s20] =	ssyncset.done $0x0  }
0xf0: {  	[sflag:s20] =	ssyncadd.s32 $0xFFFFEC00  }
0xf1: {  	[tilespmem:s21], [sflag:$0x3] =	stream.linear.gather [hbm4b:s17+s6], $0x1400, $0x38;
	[tilespmem:$0x1E800] =	vst v63  }
0xf2: {  	_ =	swait.ge [sflag:s20], $0x1400  }
0xf3: {  	[sflag:s20] =	ssyncset.done $0x0  }
0xf4: {  	[sflag:s20] =	ssyncadd.s32 $0xFFFFEC00  }
0xf5: {  	[tilespmem:s19], [sflag:$0x1] =	stream.indirect.gather [hbm4b:s4+s23], $0x80, s6, s23, $0xb8;
	[tilespmem:$0x1E800] =	vst v63  }
0xf6: {  	_ = 	snop  }
0xf7: {  	[tilespmem:s25], [sflag:$0x2] =	stream.indirect.gather [hbm4b:s4+s23], $0x80, s24, s23, $0xb8;
	[tilespmem:$0x1E800] =	vst v63  }
0xf8: {  	_ =	swait.ge [sflag:s26], $0x3E80  }
0xf9: {  	[sflag:s26] =	ssyncset.done $0x0  }
0xfa: {  	s6 =	simm.s32 $0x1400;
	[sflag:s26] =	ssyncadd.s32 $0xFFFFC180  }
0xfb: {  	[spmem:s1] =	stream.indirect.scatter.add.f32 [tilespmem:s19], [sflag:$0x3], $0x80, s6, s23, $0xb8;
	[tilespmem:$0x1E800] =	vst v63  }
0xfc: {  	_ =	swait.ge [sflag:s20], $0x3E80  }
0xfd: {  	[sflag:s20] =	ssyncset.done $0x0  }
0xfe: {  	s6 =	simm.s32 $0x100;
	[sflag:s20] =	ssyncadd.s32 $0xFFFFC180  }
0xff: {  	[tilespmem:s19], [sflag:$0x1] =	stream.indirect.gather [hbm4b:s4+s23], $0x80, s6, s23, $0xb8;
	[tilespmem:$0x1E800] =	vst v63  }
0x100: {  	_ =	swait.ge [sflag:s22], $0x3E80  }
0x101: {  	[sflag:s22] =	ssyncset.done $0x0  }
0x102: {  	s6 =	simm.s32 $0x1480;
	[sflag:s22] =	ssyncadd.s32 $0xFFFFC180  }
0x103: {  	[spmem:s1] =	stream.indirect.scatter.add.f32 [tilespmem:s25], [sflag:$0x3], $0x80, s6, s23, $0xb8;
	[tilespmem:$0x1E800] =	vst v63  }
0x104: {  	_ =	swait.ge [sflag:s20], $0x3E80  }
0x105: {  	[sflag:s20] =	ssyncset.done $0x0  }
0x106: {  	s31 =	simm.s32 $0x400;
	s0 =	simm.s32 $0x180;
	[sflag:s20] =	ssyncadd.s32 $0xFFFFC180  }
.LBB2_7:
0x107: {  	[tilespmem:s25], [sflag:$0x2] =	stream.indirect.gather [hbm4b:s4+s23], $0x80, s0, s23, $0xb8;
	[tilespmem:$0x1E800] =	vst v63  }
0x108: {  	s0 =	smov.u32 s31  }
0x109: {  	p1 =	seq.s32 s31, $0x4800;
	s31 =	sadd.s32 $0x400, s31;
	_ =	swait.ge [sflag:s26], $0x3E80  }
0x10a: {  	s0 =	sshra.s32 s0, $0x2;
	[sflag:s26] =	ssyncset.done $0x0  }
0x10b: {  	s6 =	sadd.s32 $0x1400, s0;
	[sflag:s26] =	ssyncadd.s32 $0xFFFFC180  }
0x10c: {  	[spmem:s1] =	stream.indirect.scatter.add.f32 [tilespmem:s19], [sflag:$0x3], $0x80, s6, s23, $0xb8;
	[tilespmem:$0x1E800] =	vst v63  }
0x10d: {  	_ =	swait.ge [sflag:s20], $0x3E80  }
0x10e: {  	[sflag:s20] =	ssyncset.done $0x0  }
0x10f: {  	s6 =	sadd.s32 $0x100, s0;
	[sflag:s20] =	ssyncadd.s32 $0xFFFFC180  }
0x110: {  	[tilespmem:s19], [sflag:$0x1] =	stream.indirect.gather [hbm4b:s4+s23], $0x80, s6, s23, $0xb8;
	[tilespmem:$0x1E800] =	vst v63  }
0x111: {  	_ =	swait.ge [sflag:s22], $0x3E80  }
0x112: {  	[sflag:s22] =	ssyncset.done $0x0  }
.Ltmp8:
0x113: {  	s6 =	sadd.s32 $0x1480, s0;
	[sflag:s22] =	ssyncadd.s32 $0xFFFFC180;
	(pc) =	sbr.rel @!p1 .LBB2_7-.Ltmp8, $4  }
0x114: {  	[spmem:s1] =	stream.indirect.scatter.add.f32 [tilespmem:s25], [sflag:$0x3], $0x80, s6, s23, $0xb8;
	[tilespmem:$0x1E800] =	vst v63  }
0x115: {  	_ =	swait.ge [sflag:s20], $0x3E80  }
0x116: {  	[sflag:s20] =	ssyncset.done $0x0  }
0x117: {  	s0 =	sadd.s32 $0x180, s0;
	[sflag:s20] =	ssyncadd.s32 $0xFFFFC180  }
.Ltmp9:
0x118: {  	_ = 	snop;
	(pc) =	sbr.rel .LBB2_8-.Ltmp9, $1  }
0x119: {  	_ =	sdelay $0x3  }
.LBB2_15:
0x11a: {  	_ =	sfence.sel $0x180000  }
0x11b: {  	[bflag:$0x0] =	sbarrier.arrive $0xFFFF  }
0x11c: {  	_ =	strace $0x9000004D  }
0x11d: {  	[bflag:$0x2] =	sbarrier.arrive $0xFFFF  }
0x11e: {  	p0 =	sne.s32 s3, $0x0;
	s0 =	rddreg [dreg:$0x2]  }
0x11f: {  	s0 =	sadd.s32 @!p0 $0x100000, s0  }
0x120: {  	[sflag:s0] =	ssyncadd.tile.s32 @!p0 $0x1;
	_ =	shalt  }
.Lfunc_end2:
_tile_overlayer_lowered:
.L_overlay_start_2:
0x121: {  	(tag) =	ssettag $0x2  }
0x122: {  	s0 =	rddreg [dreg:$0x0];
	s2 =	stileid.u32  }
0x123: {  	s1 =	rddreg [dreg:$0x1];
	p0 =	sne.s32 s2, $0x0  }
0x124: {  	s3 =	rddreg [dreg:$0x2];
	[bflag:$0x3] =	sbarrier.arrive $0xFFFF;
	s2 =	simm.s32 @!p0 $0x1C03  }
0x125: {  	[timem:s3], [sflag:s2] =	dma.local @!p0 [hbm:s0], s1  }
0x126: {  	s0 =	simm.s32 @!p0 $0x3  }
0x127: {  	_ =	swait.ge @!p0 [sflag:s0], s1  }
0x128: {  	s1 =	ssub.s32 @!p0 $0x0, s1;
	[sflag:s0] =	ssyncset.done @!p0 $0x0  }
0x129: {  	[sflag:s0] =	ssyncadd.s32 @!p0 s1  }
0x12a: {  	[bflag:$0x3] =	sbarrier.arrive $0xFFFF  }
0x12b: {  	_ =	shalt  }

// kernel: kernel.23.cloned.1.call-start
scs
__scs_entry_jumppad:
0x0: {  	(pc) =	sbr.rel $0x88, $3  }
0x1: {  	(tag) =	ssettag $0x0;
	lr =	simm.s32 $0x1  }
0x2: {  	[smem:$0x3F8E] =	sst lr;
	_ =	strace $0xD0000000  }
0x3: {  	_ = 	snop  }
0x4: {  	_ = 	snop  }
0x5: {  	_ = 	snop  }
0x6: {  	_ = 	snop  }
0x7: {  	_ = 	snop  }
__scs_overlays_trampoline_lowered:
0x8: {  	[smem:$0x3F9D] =	sst s0  }
0x9: {  	[smem:$0x3F9E] =	sst s1  }
0xa: {  	[smem:$0x3F9F] =	sst s2  }
0xb: {  	[smem:$0x3FA0] =	sst s3  }
0xc: {  	[smem:$0x3FA1] =	sst s4  }
0xd: {  	[smem:$0x3FA2] =	sst s5  }
0xe: {  	[smem:$0x3FA3] =	sst s6  }
0xf: {  	[smem:$0x3FA4] =	sst s7  }
0x10: {  	[smem:$0x3FA5] =	sst s8  }
0x11: {  	[smem:$0x3FA6] =	sst s9;
	s0 =	simm.s32 @!p0 $0x0  }
0x12: {  	s1 =	sld [smem:$0x3F8C];
	s0 =	simm.s32 @p0 $0x1  }
0x13: {  	[smem:$0x3FA7] =	sst s0;
	s0 =	simm.s32 @!p1 $0x0  }
0x14: {  	s2 =	sld [smem:$0x3F8B];
	s0 =	simm.s32 @p1 $0x1  }
0x15: {  	[smem:$0x3FA8] =	sst s0;
	s0 =	simm.s32 @!p2 $0x0  }
0x16: {  	s3 =	sld [smem:$0x3FDB];
	s0 =	simm.s32 @p2 $0x1  }
0x17: {  	s4 =	simm.s32 $0x1BF5;
	[smem:$0x3FAA] =	sst s0  }
0x18: {  	s0 =	sld [smem:$0x3F8D];
	_ =	swait.ge [sflag:s4], $0x0  }
0x19: {  	s7 =	sld [smem:$0x3F8E]  }
0x1a: {  	s8 =	sadd.s32 $0xFFFFE003, lr  }
0x1b: {  	s9 =	sadd.s32 $0xFFFFFEF7, lr;
	s5 =	simm.s32 $0xFFFFFFFF;
	p2 =	slt.u32 s8, $0xFFFFF086  }
0x1c: {  	p1 =	slt.u32 s9, $0xF7A;
	s5 =	simm.s32 @!p2 $0x0  }
0x1d: {  	s5 =	simm.s32 @p1 $0x1;
	p0 =	seq.s32 s7, s2  }
0x1e: {  	s7 =	smul.u32 @!p0 $0xF7A, s2;
	p2 =	seq.s32 @!p0 s5, $0x0  }
0x1f: {  	s9 =	smul.u32 $0xF7A, s1;
	s8 =	simm.s32 @!p0 $0x1BF5;
	p2 =	por !p2, p0  }
0x20: {  	[sflag:s8] =	ssyncset.s32 @!p0 $0xFFFFF086;
	s6 =	sadd.s32 @!p0 s3, s7;
	s7 =	simm.s32 @!p0 $0x108  }
0x21: {  	s3 =	sadd.s32 s3, s9;
	s6 =	sadd.s32 @!p0 $0x88, s6;
	s7 =	simm.s32 @p2 $0x1082  }
0x22: {  	[simem:s7], [sflag:s8] =	dma.local @!p0 [hbm:s6], $0xF7A  }
0x23: {  	s9 =	sor.u32 $0xD0000000, s2;
	s6 =	simm.s32 $0x108;
	_ =	swait.ge @!p0 [sflag:s8], $0x0  }
0x24: {  	s3 =	sadd.s32 $0x88, s3;
	s6 =	simm.s32 @!p1 $0x1082;
	[sflag:s4] =	ssyncset.s32 $0xFFFFF086  }
0x25: {  	[simem:s6], [sflag:s4] =	dma.local [hbm:s3], $0xF7A  }
0x26: {  	[smem:$0x3F8E] =	sst s1;
	(tag) =	ssettag s2;
	_ =	strace s9  }
0x27: {  	s1 =	sld [smem:$0x3F9E]  }
0x28: {  	s2 =	sld [smem:$0x3F9F]  }
0x29: {  	s4 =	sld [smem:$0x3FA1]  }
0x2a: {  	p0 =	seq.s32 s5, $0x0;
	s5 =	sld [smem:$0x3FA2]  }
0x2b: {  	s6 =	sld [smem:$0x3FA3]  }
0x2c: {  	s7 =	sld [smem:$0x3FA4]  }
0x2d: {  	s3 =	simm.s32 $0x108;
	s8 =	sld [smem:$0x3FA5]  }
0x2e: {  	s3 =	simm.s32 @!p0 $0x1082;
	s9 =	sld [smem:$0x3FA6]  }
0x2f: {  	lr =	sadd.s32 s0, s3;
	s0 =	sld [smem:$0x3F9D]  }
0x30: {  	s3 =	sld [smem:$0x3FA0]  }
0x31: {  	[smem:$0x3FA9] =	sst s10  }
0x32: {  	s10 =	sld [smem:$0x3FA7];
	_ =	sdelay $0x3  }
0x33: {  	p0 =	seq.s32 s10, $0x1;
	s10 =	sld [smem:$0x3FA9];
	_ =	sdelay $0x3  }
0x34: {  	[smem:$0x3FA9] =	sst s10  }
0x35: {  	s10 =	sld [smem:$0x3FA8];
	_ =	sdelay $0x3  }
0x36: {  	p1 =	seq.s32 s10, $0x1;
	s10 =	sld [smem:$0x3FA9];
	_ =	sdelay $0x3  }
0x37: {  	[smem:$0x3FA9] =	sst s10  }
0x38: {  	s10 =	sld [smem:$0x3FAA]  }
0x39: {  	_ = 	snop;
	(pc) =	sbr.ind lr, $3  }
0x3a: {  	_ = 	snop  }
0x3b: {  	_ = 	snop  }
0x3c: {  	p2 =	seq.s32 s10, $0x1;
	s10 =	sld [smem:$0x3FA9]  }
0x3d: {  	_ =	shalt  }
0x3e: {  	_ =	shalt  }
0x3f: {  	_ =	shalt  }
0x40: {  	_ =	shalt  }
0x41: {  	_ =	shalt  }
0x42: {  	_ =	shalt  }
0x43: {  	_ =	shalt  }
0x44: {  	_ =	shalt  }
0x45: {  	_ =	shalt  }
0x46: {  	_ =	shalt  }
0x47: {  	_ =	shalt  }
0x48: {  	_ =	shalt  }
0x49: {  	_ =	shalt  }
0x4a: {  	_ =	shalt  }
0x4b: {  	_ =	shalt  }
0x4c: {  	_ =	shalt  }
0x4d: {  	_ =	shalt  }
0x4e: {  	_ =	shalt  }
0x4f: {  	_ =	shalt  }
0x50: {  	_ =	shalt  }
0x51: {  	_ =	shalt  }
0x52: {  	_ =	shalt  }
0x53: {  	_ =	shalt  }
0x54: {  	_ =	shalt  }
0x55: {  	_ =	shalt  }
0x56: {  	_ =	shalt  }
0x57: {  	_ =	shalt  }
0x58: {  	_ =	shalt  }
0x59: {  	_ =	shalt  }
0x5a: {  	_ =	shalt  }
0x5b: {  	_ =	shalt  }
0x5c: {  	_ =	shalt  }
0x5d: {  	_ =	shalt  }
0x5e: {  	_ =	shalt  }
0x5f: {  	_ =	shalt  }
0x60: {  	_ =	shalt  }
0x61: {  	_ =	shalt  }
0x62: {  	_ =	shalt  }
0x63: {  	_ =	shalt  }
0x64: {  	_ =	shalt  }
0x65: {  	_ =	shalt  }
0x66: {  	_ =	shalt  }
0x67: {  	_ =	shalt  }
0x68: {  	_ =	shalt  }
0x69: {  	_ =	shalt  }
0x6a: {  	_ =	shalt  }
0x6b: {  	_ =	shalt  }
0x6c: {  	_ =	shalt  }
0x6d: {  	_ =	shalt  }
0x6e: {  	_ =	shalt  }
0x6f: {  	_ =	shalt  }
0x70: {  	_ =	shalt  }
0x71: {  	_ =	shalt  }
0x72: {  	_ =	shalt  }
0x73: {  	_ =	shalt  }
0x74: {  	_ =	shalt  }
0x75: {  	_ =	shalt  }
0x76: {  	_ =	shalt  }
0x77: {  	_ =	shalt  }
0x78: {  	_ =	shalt  }
0x79: {  	_ =	shalt  }
0x7a: {  	_ =	shalt  }
0x7b: {  	_ =	shalt  }
0x7c: {  	_ =	shalt  }
0x7d: {  	_ =	shalt  }
0x7e: {  	_ =	shalt  }
0x7f: {  	_ =	shalt  }
0x80: {  	_ =	shalt  }
0x81: {  	_ =	shalt  }
0x82: {  	_ =	shalt  }
0x83: {  	_ =	shalt  }
0x84: {  	_ =	shalt  }
0x85: {  	_ =	shalt  }
0x86: {  	_ =	shalt  }
0x87: {  	_ =	shalt  }
.Lfunc_end0:
.L_simem_size_0:
called_computation.3_lowered:
.L_overlay_start_0:
0x88: {  	s2 =	sld [smem:$0x3FD9]  }
0x89: {  	s3 =	sld [smem:$0x3FFE];
	_ =	sdelay $0x1  }
0x8a: {  	s1 =	srdreg.scid  }
0x8b: {  	s0 =	sand.u32 $0x1, s1  }
0x8c: {  	s16 =	sshll.u32 s0, $0xA;
	s2 =	sadd.s32 s3, s2  }
0x8d: {  	s2 =	sadd.s32 s2, s16  }
0x8e: {  	[smem:$0x3FB5] =	sst s2  }
0x8f: {  	_ = 	snop  }
0x90: {  	(tm) =	ssettm $0x1  }
0x91: {  	s17 =	sld [smem:$0x3FFB];
	_ =	sdelay $0x3  }
0x92: {  	_ =	strace s17  }
0x93: {  	s2 =	sld [smem:$0x3FFC];
	_ =	sdelay $0x3  }
0x94: {  	_ =	strace s2  }
0x95: {  	s2 =	sld [smem:$0x3FFD];
	_ =	sdelay $0x3  }
0x96: {  	_ =	strace s2  }
0x97: {  	_ =	strace $0x8FFFFFFF  }
0x98: {  	s18 =	sld [smem:$0x3FDB];
	_ =	sdelay $0x1  }
0x99: {  	s19 =	simm.s32 $_scs_section_size  }
0x9a: {  	s4 =	simm.s32 $_size__tile_overlayer_lowered;
	s5 =	simm.s32 $_tile_overlayer_lowered  }
0x9b: {  	s22 =	simm.s32 $0x1BFF;
	s21 =	sshll.u32 s5, $0x1;
	s2 =	sadd.s32 s19, s18  }
0x9c: {  	s6 =	simm.s32 $0x0;
	s20 =	sshll.u32 s4, $0x1;
	s4 =	sadd.s32 s21, s2  }
0x9d: {  	[timem:s6], [sflag:s22] =	dma.local [hbm:s4], s20  }
0x9e: {  	_ =	swait.ge [sflag:s22], s20  }
0x9f: {  	s3 =	ssub.s32 $0x0, s20;
	[sflag:s22] =	ssyncset.done $0x0  }
0xa0: {  	[sflag:s22] =	ssyncadd.s32 s3;
	_ =	sdelay $0x1  }
0xa1: {  	s23 =	simm.s32 $0x1B8B  }
0xa2: {  	_ =	swait.ge [sflag:s23], $0x1  }
0xa3: {  	[sflag:s23] =	ssyncset.done $0x0  }
0xa4: {  	s25 =	simm.s32 $0x1B8E;
	s24 =	sld [smem:$0x3FFE];
	[sflag:s23] =	ssyncadd.s32 $0xFFFFFFFF  }
0xa5: {  	s26 =	simm.s32 $execute0_lowered;
	[smem:$0x3FD2] =	sst s25  }
0xa6: {  	s4 =	sshll.u32 s26, $0x1;
	_ =	strace $0x8000004F;
	[dreg:$0x1] =	wrdreg $0xFFFFFFFF  }
0xa7: {  	s28 =	simm.s32 $_size_execute0_lowered;
	s2 =	sadd.s32 s2, s4;
	[dreg:$0x0] =	wrdreg $0x0  }
0xa8: {  	s4 =	sshll.u32 s28, $0x1;
	[dreg:$0x2] =	wrdreg s2  }
0xa9: {  	[dreg:$0x3] =	wrdreg s4  }
0xaa: {  	[dreg:$0x4] =	wrdreg $0xC0  }
0xab: {  	_ =	task [dreg:s6], $0x5FFFF  }
0xac: {  	[dreg:$0x1] =	wrdreg $0xFFFFFFFF  }
0xad: {  	[dreg:$0x0] =	wrdreg $0x60  }
0xae: {  	[dreg:$0x2] =	wrdreg s24  }
0xaf: {  	[dreg:$0x3] =	wrdreg $0xA8000  }
0xb0: {  	[dreg:$0x4] =	wrdreg $0x9  }
0xb1: {  	_ =	task.clear_ibuf [dreg:s6], $0x5FFFF;
	_ =	strace $0x9000004F  }
0xb2: {  	s29 =	simm.s32 $0x9;
	_ =	strace $0x80000051  }
0xb3: {  	_ =	swait.ge [sflag:s29], $0x1  }
0xb4: {  	[sflag:s29] =	ssyncadd.s32 $0xFFFFFFFF  }
0xb5: {  	_ =	strace $0x90000051  }
0xb6: {  	_ =	sfence  }
0xb7: {  	s30 =	sld [smem:$0x0];
	_ =	sdelay $0x2  }
0xb8: {  	s31 =	sshll.u32 s1, $0xD;
	s1 =	sshrl.u32 s1, $0x2  }
0xb9: {  	s3 =	sand.u32 $0x4000, s31;
	s1 =	sadd.s32 s1, s30  }
0xba: {  	s0 =	sor.u32 s3, s0;
	s1 =	sshll.u32 s1, $0x11  }
0xbb: {  	s0 =	sor.u32 s1, s0  }
0xbc: {  	s0 =	sadd.s32 $0x8F2B, s0  }
0xbd: {  	[sflag:s0] =	ssyncadd.remote.s32 $0x1  }
0xbe: {  	_ =	sfence.sel $0xFFFF  }
0xbf: {  	[dreg:$0x0] =	wrdreg $0xFFFFFFFF;
	(pc) =	sbr.abs _section_cstart, $3  }
0xc0: {  	[dreg:$0x1] =	wrdreg $0xFFFFFFFF  }
0xc1: {  	_ =	task.clear_ibuf [dreg:s6], $0x2FFFF;
	_ =	strace $0x9FFFFFFF  }
0xc2: {  	(tm) =	ssettm $0x7FFFFFFF  }
0xc3: {  	_ =	shalt  }
tec
execute0_lowered:
.L_overlay_start_1:
0x0: {  	(tag) =	ssettag $0x1  }
0x1: {  	s0 =	rddreg [dreg:$0x0]  }
0x2: {  	s1 =	rddreg [dreg:$0x1];
	s2 =	simm.s32 $0x0;
	s3 =	stileid.u32  }
0x3: {  	s7 =	srdreg.scid;
	s20 =	simm.s32 $0x3;
	s21 =	simm.s32 $0x1400  }
0x4: {  	s22 =	simm.s32 $0x2;
	s23 =	simm.s32 $0x7D;
	s24 =	simm.s32 $0x80  }
0x5: {  	s25 =	simm.s32 $0x6800;
	s26 =	simm.s32 $0x1;
	s28 =	simm.s32 $0x2700  }
0x6: {  	s29 =	simm.s32 $0x2780;
	s30 =	simm.s32 $0x0;
	[smem:$0x7FF] =	sst s2  }
0x7: {  	s4 =	sadd.s32 $0x15600, s0;
	s5 =	sadd.s32 $0x3C800, s0;
	s16 =	sadd.s32 $0x10600, s0  }
0x8: {  	s8 =	smul.u32 $0x50000, s3;
	s17 =	sadd.s32 $0xB600, s0;
	s6 =	sadd.s32 $0x63A00, s0  }
0x9: {  	s18 =	sand.u32 $0x1, s7;
	s7 =	sadd.s32 $0x8BA00, s0;
	s9 =	smul.u32 $0x2800, s3  }
0xa: {  	_ =	strace $0x80000050;
	[dreg:$0x3] =	wrdreg s6;
	s31 =	ssub.s32 $0x2, s18  }
0xb: {  	p0 =	seq.s32 s18, $0x1;
	s8 =	sshrl.u32 s8, $0x2;
	s10 =	sshrl.u32 s31, $0x1  }
.Ltmp0:
0xc: {  	s19 =	sshrl.u32 s9, $0x3;
	s8 =	sadd.s32 s8, s1;
	(pc) =	sbr.rel .LBB2_1-.Ltmp0, $4  }
0xd: {  	s0 =	ssub.s32 s31, s10;
	s14 =	sadd.s32 s16, s19;
	s15 =	sadd.s32 s17, s19  }
0xe: {  	s19 =	sadd.s32 $0x280, s19;
	s10 =	sadd.s32 $0x4000, s8;
	s11 =	sadd.s32 $0x8000, s8  }
0xf: {  	s12 =	sadd.s32 $0xC000, s8;
	s13 =	sadd.s32 $0x10000, s8;
	s16 =	sadd.s32 s16, s19  }
0x10: {  	v0 =	vimm.f32 $0.0e+00;
	s17 =	sadd.s32 s17, s19;
	s18 =	smax.u32 s0, $0x1;
	s19 =	simm.s32 $0x2800  }
.LBB2_8:
0x11: {  	[tilespmem:s25], [sflag:$0x2] =	stream.indirect.gather [hbm4b:s4+s23], $0x80, s0, s23, $0xb8;
	[tilespmem:$0x1E800] =	vst v63  }
0x12: {  	s0 =	rddreg [dreg:$0x3]  }
.LBB2_14:
0x13: {  	_ =	swait.ge [sflag:s26], $0x3E80  }
0x14: {  	[sflag:s26] =	ssyncset.done $0x0  }
0x15: {  	[sflag:s26] =	ssyncadd.s32 $0xFFFFC180  }
0x16: {  	[spmem:s1] =	stream.indirect.scatter.add.f32 [tilespmem:s19], [sflag:$0x3], $0x80, s28, s23, $0xb8;
	[tilespmem:$0x1E800] =	vst v63  }
0x17: {  	_ =	swait.ge [sflag:s20], $0x3E80  }
0x18: {  	[sflag:s20] =	ssyncset.done $0x0  }
0x19: {  	[sflag:s20] =	ssyncadd.s32 $0xFFFFC180  }
0x1a: {  	_ =	swait.ge [sflag:s22], $0x3E80  }
0x1b: {  	[sflag:s22] =	ssyncset.done $0x0  }
0x1c: {  	[sflag:s22] =	ssyncadd.s32 $0xFFFFC180  }
0x1d: {  	[spmem:s1] =	stream.indirect.scatter.add.f32 [tilespmem:s25], [sflag:$0x3], $0x80, s29, s23, $0xb8;
	[tilespmem:$0x1E800] =	vst v63  }
0x1e: {  	s0 =	sadd.s32 s0, s9;
	_ =	swait.ge [sflag:s20], $0x3E80  }
0x1f: {  	s6 =	sshll.u32 s3, $0x6;
	s30 =	sadd.s32 $0x1, s30;
	[sflag:s20] =	ssyncset.done $0x0  }
0x20: {  	s31 =	sshrl.u32 s8, $0x3;
	p1 =	sne.s32 s30, s18;
	[sflag:s20] =	ssyncadd.s32 $0xFFFFC180  }
.Ltmp1:
0x21: {  	s6 =	sor.u32 $0x1C03, s6;
	[bflag:$0x0] =	sbarrier.arrive $0xFFFF;
	(pc) =	sbr.rel @!p1 .LBB2_15-.Ltmp1, $4  }
0x22: {  	[hbm:s0], [sflag:s6] =	dma.local [spmem:s31], $0x2800  }
0x23: {  	_ =	swait.ge [sflag:s20], $0x2800  }
0x24: {  	[sflag:s20] =	ssyncset.done $0x0  }
0x25: {  	[sflag:s20] =	ssyncadd.s32 $0xFFFFD800  }
.LBB2_1:
0x26: {  	s31 =	simm.s32 $0x0;
	s0 =	simm.s32 $0x200  }
.LBB2_2:
0x27: {  	p1 =	sne.s32 s0, $0xFE00;
	[tilespmem:s31+$0x2870] =	vst v0  }
0x28: {  	[tilespmem:s31+$0x2800] =	vst v0  }
0x29: {  	[tilespmem:s31+$0x2810] =	vst v0  }
.Ltmp2:
0x2a: {  	[tilespmem:s31+$0x2820] =	vst v0;
	(pc) =	sbr.rel @p1 .LBB2_2-.Ltmp2, $4  }
0x2b: {  	[tilespmem:s31+$0x2830] =	vst v0  }
0x2c: {  	[tilespmem:s31+$0x2840] =	vst v0  }
0x2d: {  	[tilespmem:s31+$0x2850] =	vst v0  }
0x2e: {  	[tilespmem:s31+$0x2860] =	vst v0;
	s31 =	sshra.s32 s0, $0x2;
	s0 =	sadd.s32 $0x200, s0  }
0x2f: {  	[tilespmem:s31+$0x2870] =	vst v0  }
0x30: {  	[tilespmem:s31+$0x2800] =	vst v0  }
0x31: {  	[tilespmem:s31+$0x2810] =	vst v0  }
0x32: {  	[tilespmem:s31+$0x2820] =	vst v0  }
0x33: {  	[tilespmem:s31+$0x2830] =	vst v0  }
0x34: {  	[tilespmem:s31+$0x2840] =	vst v0  }
0x35: {  	[tilespmem:s31+$0x2850] =	vst v0  }
0x36: {  	[tilespmem:s31+$0x2860] =	vst v0  }
0x37: {  	[spmem:s8] =	stream.linear.scatter [tilespmem:s19], [sflag:$0x2], $0x4000, $0x38;
	[tilespmem:$0x1E800] =	vst v63  }
0x38: {  	_ = 	snop  }
0x39: {  	[spmem:s10] =	stream.linear.scatter [tilespmem:s19], [sflag:$0x2], $0x4000, $0x38;
	[tilespmem:$0x1E800] =	vst v63  }
0x3a: {  	_ = 	snop  }
0x3b: {  	[spmem:s11] =	stream.linear.scatter [tilespmem:s19], [sflag:$0x2], $0x4000, $0x38;
	[tilespmem:$0x1E800] =	vst v63  }
0x3c: {  	_ = 	snop  }
0x3d: {  	[spmem:s12] =	stream.linear.scatter [tilespmem:s19], [sflag:$0x2], $0x4000, $0x38;
	[tilespmem:$0x1E800] =	vst v63  }
0x3e: {  	_ = 	snop  }
0x3f: {  	[spmem:s13] =	stream.linear.scatter [tilespmem:s19], [sflag:$0x2], $0x4000, $0x38;
	[tilespmem:$0x1E800] =	vst v63  }
0x40: {  	_ = 	snop  }
0x41: {  	[tilespmem:s2], [sflag:$0x3] =	stream.linear.gather [hbm4b:s14+s2], $0x1400, $0x38;
	[tilespmem:$0x1E800] =	vst v63  }
0x42: {  	_ =	swait.ge [sflag:s20], $0x1400  }
0x43: {  	[sflag:s20] =	ssyncset.done $0x0  }
0x44: {  	[sflag:s20] =	ssyncadd.s32 $0xFFFFEC00  }
0x45: {  	[tilespmem:s21], [sflag:$0x3] =	stream.linear.gather [hbm4b:s15+s2], $0x1400, $0x38;
	[tilespmem:$0x1E800] =	vst v63  }
0x46: {  	_ =	swait.ge [sflag:s20], $0x1400  }
0x47: {  	[sflag:s20] =	ssyncset.done $0x0  }
0x48: {  	[sflag:s20] =	ssyncadd.s32 $0xFFFFEC00  }
0x49: {  	_ =	swait.ge [sflag:s22], $0x4000  }
0x4a: {  	[sflag:s22] =	ssyncset.done $0x0  }
0x4b: {  	[sflag:s22] =	ssyncadd.s32 $0xFFFFC000  }
0x4c: {  	_ =	swait.ge [sflag:s22], $0x4000  }
0x4d: {  	[sflag:s22] =	ssyncset.done $0x0  }
0x4e: {  	[sflag:s22] =	ssyncadd.s32 $0xFFFFC000  }
0x4f: {  	_ =	swait.ge [sflag:s22], $0x4000  }
0x50: {  	[sflag:s22] =	ssyncset.done $0x0  }
0x51: {  	[sflag:s22] =	ssyncadd.s32 $0xFFFFC000  }
0x52: {  	_ =	swait.ge [sflag:s22], $0x4000  }
0x53: {  	[sflag:s22] =	ssyncset.done $0x0  }
0x54: {  	[sflag:s22] =	ssyncadd.s32 $0xFFFFC000  }
.Ltmp3:
0x55: {  	_ =	swait.ge [sflag:s22], $0x4000;
	(pc) =	sbr.rel @!p0 .LBB2_4-.Ltmp3, $4  }
0x56: {  	[sflag:s22] =	ssyncset.done $0x0  }
0x57: {  	[sflag:s22] =	ssyncadd.s32 $0xFFFFC000  }
0x58: {  	[bflag:$0x0] =	sbarrier.arrive $0xFFFF  }
0x59: {  	s0 =	simm.s32 $0x0  }
0x5a: {  	[tilespmem:s19], [sflag:$0x1] =	stream.indirect.gather [hbm4b:s5+s23], $0x80, s0, s23, $0xb8;
	[tilespmem:$0x1E800] =	vst v63  }
0x5b: {  	_ = 	snop  }
0x5c: {  	[tilespmem:s25], [sflag:$0x2] =	stream.indirect.gather [hbm4b:s5+s23], $0x80, s24, s23, $0xb8;
	[tilespmem:$0x1E800] =	vst v63  }
0x5d: {  	_ =	swait.ge [sflag:s26], $0x3E80  }
0x5e: {  	[sflag:s26] =	ssyncset.done $0x0  }
0x5f: {  	s6 =	simm.s32 $0x1400;
	[sflag:s26] =	ssyncadd.s32 $0xFFFFC180  }
0x60: {  	[spmem:s1] =	stream.indirect.scatter.add.f32 [tilespmem:s19], [sflag:$0x3], $0x80, s6, s23, $0xb8;
	[tilespmem:$0x1E800] =	vst v63  }
0x61: {  	_ =	swait.ge [sflag:s20], $0x3E80  }
0x62: {  	[sflag:s20] =	ssyncset.done $0x0  }
0x63: {  	s6 =	simm.s32 $0x100;
	[sflag:s20] =	ssyncadd.s32 $0xFFFFC180  }
0x64: {  	[tilespmem:s19], [sflag:$0x1] =	stream.indirect.gather [hbm4b:s5+s23], $0x80, s6, s23, $0xb8;
	[tilespmem:$0x1E800] =	vst v63  }
0x65: {  	_ =	swait.ge [sflag:s22], $0x3E80  }
0x66: {  	[sflag:s22] =	ssyncset.done $0x0  }
0x67: {  	s6 =	simm.s32 $0x1480;
	[sflag:s22] =	ssyncadd.s32 $0xFFFFC180  }
0x68: {  	[spmem:s1] =	stream.indirect.scatter.add.f32 [tilespmem:s25], [sflag:$0x3], $0x80, s6, s23, $0xb8;
	[tilespmem:$0x1E800] =	vst v63  }
0x69: {  	_ =	swait.ge [sflag:s20], $0x3E80  }
0x6a: {  	[sflag:s20] =	ssyncset.done $0x0  }
0x6b: {  	s31 =	simm.s32 $0x400;
	s0 =	simm.s32 $0x180;
	[sflag:s20] =	ssyncadd.s32 $0xFFFFC180  }
.LBB2_10:
0x6c: {  	[tilespmem:s25], [sflag:$0x2] =	stream.indirect.gather [hbm4b:s5+s23], $0x80, s0, s23, $0xb8;
	[tilespmem:$0x1E800] =	vst v63  }
0x6d: {  	s0 =	smov.u32 s31  }
0x6e: {  	p1 =	sne.s32 s31, $0x4800;
	s31 =	sadd.s32 $0x400, s31;
	_ =	swait.ge [sflag:s26], $0x3E80  }
0x6f: {  	s0 =	sshra.s32 s0, $0x2;
	[sflag:s26] =	ssyncset.done $0x0  }
0x70: {  	s6 =	sadd.s32 $0x1400, s0;
	[sflag:s26] =	ssyncadd.s32 $0xFFFFC180  }
0x71: {  	[spmem:s1] =	stream.indirect.scatter.add.f32 [tilespmem:s19], [sflag:$0x3], $0x80, s6, s23, $0xb8;
	[tilespmem:$0x1E800] =	vst v63  }
0x72: {  	_ =	swait.ge [sflag:s20], $0x3E80  }
0x73: {  	[sflag:s20] =	ssyncset.done $0x0  }
0x74: {  	s6 =	sadd.s32 $0x100, s0;
	[sflag:s20] =	ssyncadd.s32 $0xFFFFC180  }
0x75: {  	[tilespmem:s19], [sflag:$0x1] =	stream.indirect.gather [hbm4b:s5+s23], $0x80, s6, s23, $0xb8;
	[tilespmem:$0x1E800] =	vst v63  }
0x76: {  	_ =	swait.ge [sflag:s22], $0x3E80  }
0x77: {  	[sflag:s22] =	ssyncset.done $0x0  }
.Ltmp4:
0x78: {  	s6 =	sadd.s32 $0x1480, s0;
	[sflag:s22] =	ssyncadd.s32 $0xFFFFC180;
	(pc) =	sbr.rel @p1 .LBB2_10-.Ltmp4, $4  }
0x79: {  	[spmem:s1] =	stream.indirect.scatter.add.f32 [tilespmem:s25], [sflag:$0x3], $0x80, s6, s23, $0xb8;
	[tilespmem:$0x1E800] =	vst v63  }
0x7a: {  	_ =	swait.ge [sflag:s20], $0x3E80  }
0x7b: {  	[sflag:s20] =	ssyncset.done $0x0  }
0x7c: {  	s0 =	sadd.s32 $0x180, s0;
	[sflag:s20] =	ssyncadd.s32 $0xFFFFC180  }
0x7d: {  	[tilespmem:s25], [sflag:$0x2] =	stream.indirect.gather [hbm4b:s5+s23], $0x80, s0, s23, $0xb8;
	[tilespmem:$0x1E800] =	vst v63  }
0x7e: {  	_ =	swait.ge [sflag:s26], $0x3E80  }
0x7f: {  	[sflag:s26] =	ssyncset.done $0x0  }
0x80: {  	[sflag:s26] =	ssyncadd.s32 $0xFFFFC180  }
0x81: {  	[spmem:s1] =	stream.indirect.scatter.add.f32 [tilespmem:s19], [sflag:$0x3], $0x80, s28, s23, $0xb8;
	[tilespmem:$0x1E800] =	vst v63  }
0x82: {  	_ =	swait.ge [sflag:s20], $0x3E80  }
0x83: {  	[sflag:s20] =	ssyncset.done $0x0  }
0x84: {  	[sflag:s20] =	ssyncadd.s32 $0xFFFFC180  }
0x85: {  	_ =	swait.ge [sflag:s22], $0x3E80  }
0x86: {  	[sflag:s22] =	ssyncset.done $0x0  }
0x87: {  	[sflag:s22] =	ssyncadd.s32 $0xFFFFC180  }
0x88: {  	[spmem:s1] =	stream.indirect.scatter.add.f32 [tilespmem:s25], [sflag:$0x3], $0x80, s29, s23, $0xb8;
	[tilespmem:$0x1E800] =	vst v63  }
0x89: {  	_ =	swait.ge [sflag:s20], $0x3E80  }
0x8a: {  	[sflag:s20] =	ssyncset.done $0x0  }
0x8b: {  	s6 =	simm.s32 $0x0;
	[sflag:s20] =	ssyncadd.s32 $0xFFFFC180  }
0x8c: {  	[tilespmem:s6], [sflag:$0x3] =	stream.linear.gather [hbm4b:s16+s6], $0x1400, $0x38;
	[tilespmem:$0x1E800] =	vst v63  }
0x8d: {  	_ =	swait.ge [sflag:s20], $0x1400  }
0x8e: {  	[sflag:s20] =	ssyncset.done $0x0  }
0x8f: {  	[sflag:s20] =	ssyncadd.s32 $0xFFFFEC00  }
0x90: {  	[tilespmem:s21], [sflag:$0x3] =	stream.linear.gather [hbm4b:s17+s6], $0x1400, $0x38;
	[tilespmem:$0x1E800] =	vst v63  }
0x91: {  	_ =	swait.ge [sflag:s20], $0x1400  }
0x92: {  	[sflag:s20] =	ssyncset.done $0x0  }
0x93: {  	[sflag:s20] =	ssyncadd.s32 $0xFFFFEC00  }
0x94: {  	[tilespmem:s19], [sflag:$0x1] =	stream.indirect.gather [hbm4b:s5+s23], $0x80, s6, s23, $0xb8;
	[tilespmem:$0x1E800] =	vst v63  }
0x95: {  	_ = 	snop  }
0x96: {  	[tilespmem:s25], [sflag:$0x2] =	stream.indirect.gather [hbm4b:s5+s23], $0x80, s24, s23, $0xb8;
	[tilespmem:$0x1E800] =	vst v63  }
0x97: {  	_ =	swait.ge [sflag:s26], $0x3E80  }
0x98: {  	[sflag:s26] =	ssyncset.done $0x0  }
0x99: {  	s6 =	simm.s32 $0x1400;
	[sflag:s26] =	ssyncadd.s32 $0xFFFFC180  }
0x9a: {  	[spmem:s1] =	stream.indirect.scatter.add.f32 [tilespmem:s19], [sflag:$0x3], $0x80, s6, s23, $0xb8;
	[tilespmem:$0x1E800] =	vst v63  }
0x9b: {  	_ =	swait.ge [sflag:s20], $0x3E80  }
0x9c: {  	[sflag:s20] =	ssyncset.done $0x0  }
0x9d: {  	s6 =	simm.s32 $0x100;
	[sflag:s20] =	ssyncadd.s32 $0xFFFFC180  }
0x9e: {  	[tilespmem:s19], [sflag:$0x1] =	stream.indirect.gather [hbm4b:s5+s23], $0x80, s6, s23, $0xb8;
	[tilespmem:$0x1E800] =	vst v63  }
0x9f: {  	_ =	swait.ge [sflag:s22], $0x3E80  }
0xa0: {  	[sflag:s22] =	ssyncset.done $0x0  }
0xa1: {  	s6 =	simm.s32 $0x1480;
	[sflag:s22] =	ssyncadd.s32 $0xFFFFC180  }
0xa2: {  	[spmem:s1] =	stream.indirect.scatter.add.f32 [tilespmem:s25], [sflag:$0x3], $0x80, s6, s23, $0xb8;
	[tilespmem:$0x1E800] =	vst v63  }
0xa3: {  	_ =	swait.ge [sflag:s20], $0x3E80  }
0xa4: {  	[sflag:s20] =	ssyncset.done $0x0  }
0xa5: {  	s31 =	simm.s32 $0x400;
	s0 =	simm.s32 $0x180;
	[sflag:s20] =	ssyncadd.s32 $0xFFFFC180  }
.LBB2_12:
0xa6: {  	[tilespmem:s25], [sflag:$0x2] =	stream.indirect.gather [hbm4b:s5+s23], $0x80, s0, s23, $0xb8;
	[tilespmem:$0x1E800] =	vst v63  }
0xa7: {  	s0 =	smov.u32 s31  }
0xa8: {  	p1 =	sne.s32 s31, $0x4800;
	s31 =	sadd.s32 $0x400, s31;
	_ =	swait.ge [sflag:s26], $0x3E80  }
0xa9: {  	s0 =	sshra.s32 s0, $0x2;
	[sflag:s26] =	ssyncset.done $0x0  }
0xaa: {  	s6 =	sadd.s32 $0x1400, s0;
	[sflag:s26] =	ssyncadd.s32 $0xFFFFC180  }
0xab: {  	[spmem:s1] =	stream.indirect.scatter.add.f32 [tilespmem:s19], [sflag:$0x3], $0x80, s6, s23, $0xb8;
	[tilespmem:$0x1E800] =	vst v63  }
0xac: {  	_ =	swait.ge [sflag:s20], $0x3E80  }
0xad: {  	[sflag:s20] =	ssyncset.done $0x0  }
0xae: {  	s6 =	sadd.s32 $0x100, s0;
	[sflag:s20] =	ssyncadd.s32 $0xFFFFC180  }
0xaf: {  	[tilespmem:s19], [sflag:$0x1] =	stream.indirect.gather [hbm4b:s5+s23], $0x80, s6, s23, $0xb8;
	[tilespmem:$0x1E800] =	vst v63  }
0xb0: {  	_ =	swait.ge [sflag:s22], $0x3E80  }
0xb1: {  	[sflag:s22] =	ssyncset.done $0x0  }
.Ltmp5:
0xb2: {  	s6 =	sadd.s32 $0x1480, s0;
	[sflag:s22] =	ssyncadd.s32 $0xFFFFC180;
	(pc) =	sbr.rel @p1 .LBB2_12-.Ltmp5, $4  }
0xb3: {  	[spmem:s1] =	stream.indirect.scatter.add.f32 [tilespmem:s25], [sflag:$0x3], $0x80, s6, s23, $0xb8;
	[tilespmem:$0x1E800] =	vst v63  }
0xb4: {  	_ =	swait.ge [sflag:s20], $0x3E80  }
0xb5: {  	[sflag:s20] =	ssyncset.done $0x0  }
0xb6: {  	s0 =	sadd.s32 $0x180, s0;
	[sflag:s20] =	ssyncadd.s32 $0xFFFFC180  }
.Ltmp6:
0xb7: {  	(pc) =	sbr.rel .LBB2_14-.Ltmp6, $3  }
0xb8: {  	_ =	sdelay $0x1  }
0xb9: {  	[tilespmem:s25], [sflag:$0x2] =	stream.indirect.gather [hbm4b:s5+s23], $0x80, s0, s23, $0xb8;
	[tilespmem:$0x1E800] =	vst v63  }
0xba: {  	s0 =	smov.u32 s7  }
.LBB2_4:
0xbb: {  	[tilespmem:s19], [sflag:$0x1] =	stream.indirect.gather [hbm4b:s4+s23], $0x80, s0, s23, $0xb8;
	[tilespmem:$0x1E800] =	vst v63  }
0xbc: {  	_ = 	snop  }
0xbd: {  	[tilespmem:s25], [sflag:$0x2] =	stream.indirect.gather [hbm4b:s4+s23], $0x80, s24, s23, $0xb8;
	[tilespmem:$0x1E800] =	vst v63  }
0xbe: {  	_ =	swait.ge [sflag:s26], $0x3E80  }
0xbf: {  	[sflag:s26] =	ssyncset.done $0x0  }
0xc0: {  	s6 =	simm.s32 $0x1400;
	[sflag:s26] =	ssyncadd.s32 $0xFFFFC180  }
0xc1: {  	[spmem:s1] =	stream.indirect.scatter.add.f32 [tilespmem:s19], [sflag:$0x3], $0x80, s6, s23, $0xb8;
	[tilespmem:$0x1E800] =	vst v63  }
0xc2: {  	_ =	swait.ge [sflag:s20], $0x3E80  }
0xc3: {  	[sflag:s20] =	ssyncset.done $0x0  }
0xc4: {  	s6 =	simm.s32 $0x100;
	[sflag:s20] =	ssyncadd.s32 $0xFFFFC180  }
0xc5: {  	[tilespmem:s19], [sflag:$0x1] =	stream.indirect.gather [hbm4b:s4+s23], $0x80, s6, s23, $0xb8;
	[tilespmem:$0x1E800] =	vst v63  }
0xc6: {  	_ =	swait.ge [sflag:s22], $0x3E80  }
0xc7: {  	[sflag:s22] =	ssyncset.done $0x0  }
0xc8: {  	s6 =	simm.s32 $0x1480;
	[sflag:s22] =	ssyncadd.s32 $0xFFFFC180  }
0xc9: {  	[spmem:s1] =	stream.indirect.scatter.add.f32 [tilespmem:s25], [sflag:$0x3], $0x80, s6, s23, $0xb8;
	[tilespmem:$0x1E800] =	vst v63  }
0xca: {  	_ =	swait.ge [sflag:s20], $0x3E80  }
0xcb: {  	[sflag:s20] =	ssyncset.done $0x0  }
0xcc: {  	s31 =	simm.s32 $0x400;
	s0 =	simm.s32 $0x180;
	[sflag:s20] =	ssyncadd.s32 $0xFFFFC180  }
.LBB2_5:
0xcd: {  	[tilespmem:s25], [sflag:$0x2] =	stream.indirect.gather [hbm4b:s4+s23], $0x80, s0, s23, $0xb8;
	[tilespmem:$0x1E800] =	vst v63  }
0xce: {  	s0 =	smov.u32 s31  }
0xcf: {  	p1 =	sne.s32 s31, $0x4800;
	s31 =	sadd.s32 $0x400, s31;
	_ =	swait.ge [sflag:s26], $0x3E80  }
0xd0: {  	s0 =	sshra.s32 s0, $0x2;
	[sflag:s26] =	ssyncset.done $0x0  }
0xd1: {  	s6 =	sadd.s32 $0x1400, s0;
	[sflag:s26] =	ssyncadd.s32 $0xFFFFC180  }
0xd2: {  	[spmem:s1] =	stream.indirect.scatter.add.f32 [tilespmem:s19], [sflag:$0x3], $0x80, s6, s23, $0xb8;
	[tilespmem:$0x1E800] =	vst v63  }
0xd3: {  	_ =	swait.ge [sflag:s20], $0x3E80  }
0xd4: {  	[sflag:s20] =	ssyncset.done $0x0  }
0xd5: {  	s6 =	sadd.s32 $0x100, s0;
	[sflag:s20] =	ssyncadd.s32 $0xFFFFC180  }
0xd6: {  	[tilespmem:s19], [sflag:$0x1] =	stream.indirect.gather [hbm4b:s4+s23], $0x80, s6, s23, $0xb8;
	[tilespmem:$0x1E800] =	vst v63  }
0xd7: {  	_ =	swait.ge [sflag:s22], $0x3E80  }
0xd8: {  	[sflag:s22] =	ssyncset.done $0x0  }
.Ltmp7:
0xd9: {  	s6 =	sadd.s32 $0x1480, s0;
	[sflag:s22] =	ssyncadd.s32 $0xFFFFC180;
	(pc) =	sbr.rel @p1 .LBB2_5-.Ltmp7, $4  }
0xda: {  	[spmem:s1] =	stream.indirect.scatter.add.f32 [tilespmem:s25], [sflag:$0x3], $0x80, s6, s23, $0xb8;
	[tilespmem:$0x1E800] =	vst v63  }
0xdb: {  	_ =	swait.ge [sflag:s20], $0x3E80  }
0xdc: {  	[sflag:s20] =	ssyncset.done $0x0  }
0xdd: {  	s0 =	sadd.s32 $0x180, s0;
	[sflag:s20] =	ssyncadd.s32 $0xFFFFC180  }
0xde: {  	[tilespmem:s25], [sflag:$0x2] =	stream.indirect.gather [hbm4b:s4+s23], $0x80, s0, s23, $0xb8;
	[tilespmem:$0x1E800] =	vst v63  }
0xdf: {  	_ =	swait.ge [sflag:s26], $0x3E80  }
0xe0: {  	[sflag:s26] =	ssyncset.done $0x0  }
0xe1: {  	[sflag:s26] =	ssyncadd.s32 $0xFFFFC180  }
0xe2: {  	[spmem:s1] =	stream.indirect.scatter.add.f32 [tilespmem:s19], [sflag:$0x3], $0x80, s28, s23, $0xb8;
	[tilespmem:$0x1E800] =	vst v63  }
0xe3: {  	_ =	swait.ge [sflag:s20], $0x3E80  }
0xe4: {  	[sflag:s20] =	ssyncset.done $0x0  }
0xe5: {  	[sflag:s20] =	ssyncadd.s32 $0xFFFFC180  }
0xe6: {  	_ =	swait.ge [sflag:s22], $0x3E80  }
0xe7: {  	[sflag:s22] =	ssyncset.done $0x0  }
0xe8: {  	[sflag:s22] =	ssyncadd.s32 $0xFFFFC180  }
0xe9: {  	[spmem:s1] =	stream.indirect.scatter.add.f32 [tilespmem:s25], [sflag:$0x3], $0x80, s29, s23, $0xb8;
	[tilespmem:$0x1E800] =	vst v63  }
0xea: {  	_ =	swait.ge [sflag:s20], $0x3E80  }
0xeb: {  	[sflag:s20] =	ssyncset.done $0x0  }
0xec: {  	s6 =	simm.s32 $0x0;
	[sflag:s20] =	ssyncadd.s32 $0xFFFFC180  }
0xed: {  	[tilespmem:s6], [sflag:$0x3] =	stream.linear.gather [hbm4b:s16+s6], $0x1400, $0x38;
	[tilespmem:$0x1E800] =	vst v63  }
0xee: {  	_ =	swait.ge [sflag:s20], $0x1400  }
0xef: {  	[sflag:s20] =	ssyncset.done $0x0  }
0xf0: {  	[sflag:s20] =	ssyncadd.s32 $0xFFFFEC00  }
0xf1: {  	[tilespmem:s21], [sflag:$0x3] =	stream.linear.gather [hbm4b:s17+s6], $0x1400, $0x38;
	[tilespmem:$0x1E800] =	vst v63  }
0xf2: {  	_ =	swait.ge [sflag:s20], $0x1400  }
0xf3: {  	[sflag:s20] =	ssyncset.done $0x0  }
0xf4: {  	[sflag:s20] =	ssyncadd.s32 $0xFFFFEC00  }
0xf5: {  	[tilespmem:s19], [sflag:$0x1] =	stream.indirect.gather [hbm4b:s4+s23], $0x80, s6, s23, $0xb8;
	[tilespmem:$0x1E800] =	vst v63  }
0xf6: {  	_ = 	snop  }
0xf7: {  	[tilespmem:s25], [sflag:$0x2] =	stream.indirect.gather [hbm4b:s4+s23], $0x80, s24, s23, $0xb8;
	[tilespmem:$0x1E800] =	vst v63  }
0xf8: {  	_ =	swait.ge [sflag:s26], $0x3E80  }
0xf9: {  	[sflag:s26] =	ssyncset.done $0x0  }
0xfa: {  	s6 =	simm.s32 $0x1400;
	[sflag:s26] =	ssyncadd.s32 $0xFFFFC180  }
0xfb: {  	[spmem:s1] =	stream.indirect.scatter.add.f32 [tilespmem:s19], [sflag:$0x3], $0x80, s6, s23, $0xb8;
	[tilespmem:$0x1E800] =	vst v63  }
0xfc: {  	_ =	swait.ge [sflag:s20], $0x3E80  }
0xfd: {  	[sflag:s20] =	ssyncset.done $0x0  }
0xfe: {  	s6 =	simm.s32 $0x100;
	[sflag:s20] =	ssyncadd.s32 $0xFFFFC180  }
0xff: {  	[tilespmem:s19], [sflag:$0x1] =	stream.indirect.gather [hbm4b:s4+s23], $0x80, s6, s23, $0xb8;
	[tilespmem:$0x1E800] =	vst v63  }
0x100: {  	_ =	swait.ge [sflag:s22], $0x3E80  }
0x101: {  	[sflag:s22] =	ssyncset.done $0x0  }
0x102: {  	s6 =	simm.s32 $0x1480;
	[sflag:s22] =	ssyncadd.s32 $0xFFFFC180  }
0x103: {  	[spmem:s1] =	stream.indirect.scatter.add.f32 [tilespmem:s25], [sflag:$0x3], $0x80, s6, s23, $0xb8;
	[tilespmem:$0x1E800] =	vst v63  }
0x104: {  	_ =	swait.ge [sflag:s20], $0x3E80  }
0x105: {  	[sflag:s20] =	ssyncset.done $0x0  }
0x106: {  	s31 =	simm.s32 $0x400;
	s0 =	simm.s32 $0x180;
	[sflag:s20] =	ssyncadd.s32 $0xFFFFC180  }
.LBB2_7:
0x107: {  	[tilespmem:s25], [sflag:$0x2] =	stream.indirect.gather [hbm4b:s4+s23], $0x80, s0, s23, $0xb8;
	[tilespmem:$0x1E800] =	vst v63  }
0x108: {  	s0 =	smov.u32 s31  }
0x109: {  	p1 =	seq.s32 s31, $0x4800;
	s31 =	sadd.s32 $0x400, s31;
	_ =	swait.ge [sflag:s26], $0x3E80  }
0x10a: {  	s0 =	sshra.s32 s0, $0x2;
	[sflag:s26] =	ssyncset.done $0x0  }
0x10b: {  	s6 =	sadd.s32 $0x1400, s0;
	[sflag:s26] =	ssyncadd.s32 $0xFFFFC180  }
0x10c: {  	[spmem:s1] =	stream.indirect.scatter.add.f32 [tilespmem:s19], [sflag:$0x3], $0x80, s6, s23, $0xb8;
	[tilespmem:$0x1E800] =	vst v63  }
0x10d: {  	_ =	swait.ge [sflag:s20], $0x3E80  }
0x10e: {  	[sflag:s20] =	ssyncset.done $0x0  }
0x10f: {  	s6 =	sadd.s32 $0x100, s0;
	[sflag:s20] =	ssyncadd.s32 $0xFFFFC180  }
0x110: {  	[tilespmem:s19], [sflag:$0x1] =	stream.indirect.gather [hbm4b:s4+s23], $0x80, s6, s23, $0xb8;
	[tilespmem:$0x1E800] =	vst v63  }
0x111: {  	_ =	swait.ge [sflag:s22], $0x3E80  }
0x112: {  	[sflag:s22] =	ssyncset.done $0x0  }
.Ltmp8:
0x113: {  	s6 =	sadd.s32 $0x1480, s0;
	[sflag:s22] =	ssyncadd.s32 $0xFFFFC180;
	(pc) =	sbr.rel @!p1 .LBB2_7-.Ltmp8, $4  }
0x114: {  	[spmem:s1] =	stream.indirect.scatter.add.f32 [tilespmem:s25], [sflag:$0x3], $0x80, s6, s23, $0xb8;
	[tilespmem:$0x1E800] =	vst v63  }
0x115: {  	_ =	swait.ge [sflag:s20], $0x3E80  }
0x116: {  	[sflag:s20] =	ssyncset.done $0x0  }
0x117: {  	s0 =	sadd.s32 $0x180, s0;
	[sflag:s20] =	ssyncadd.s32 $0xFFFFC180  }
.Ltmp9:
0x118: {  	_ = 	snop;
	(pc) =	sbr.rel .LBB2_8-.Ltmp9, $1  }
0x119: {  	_ =	sdelay $0x3  }
.LBB2_15:
0x11a: {  	_ =	sfence.sel $0x180000  }
0x11b: {  	[bflag:$0x0] =	sbarrier.arrive $0xFFFF  }
0x11c: {  	_ =	strace $0x90000050  }
0x11d: {  	[bflag:$0x2] =	sbarrier.arrive $0xFFFF  }
0x11e: {  	p0 =	sne.s32 s3, $0x0;
	s0 =	rddreg [dreg:$0x2]  }
0x11f: {  	s0 =	sadd.s32 @!p0 $0x100000, s0  }
0x120: {  	[sflag:s0] =	ssyncadd.tile.s32 @!p0 $0x1;
	_ =	shalt  }
.Lfunc_end2:
_tile_overlayer_lowered:
.L_overlay_start_2:
0x121: {  	(tag) =	ssettag $0x2  }
0x122: {  	s0 =	rddreg [dreg:$0x0];
	s2 =	stileid.u32  }
0x123: {  	s1 =	rddreg [dreg:$0x1];
	p0 =	sne.s32 s2, $0x0  }
0x124: {  	s3 =	rddreg [dreg:$0x2];
	[bflag:$0x3] =	sbarrier.arrive $0xFFFF;
	s2 =	simm.s32 @!p0 $0x1C03  }
0x125: {  	[timem:s3], [sflag:s2] =	dma.local @!p0 [hbm:s0], s1  }
0x126: {  	s0 =	simm.s32 @!p0 $0x3  }
0x127: {  	_ =	swait.ge @!p0 [sflag:s0], s1  }
0x128: {  	s1 =	ssub.s32 @!p0 $0x0, s1;
	[sflag:s0] =	ssyncset.done @!p0 $0x0  }
0x129: {  	[sflag:s0] =	ssyncadd.s32 @!p0 s1  }
0x12a: {  	[bflag:$0x3] =	sbarrier.arrive $0xFFFF  }
0x12b: {  	_ =	shalt  }

</sc_bundles>
